<compile_context>
chip_gen: v7x
topology: tpu7x:2x2x1
jax: 0.10.2.dev20260603
libtpu: 0.0.44.dev20260713+nightly
codegen_flags: <defaults>
</compile_context>

<pallas_src>
import functools

import jax
import jax.numpy as jnp
from jax import lax
from jax.experimental import pallas as pl
from jax.experimental.pallas import tpu as pltpu
from jax.experimental.pallas import tpu_sc as plsc

N = 50000
E = 800000
H = 64
NC, NS = 2, 16
NP = 51200
HALF = NP // 2
ACC_ROWS = HALF + NS
CH = 128
EP = 802816
NCHUNKS = EP // CH
ROWS_PER_TILE = HALF // NS
DEG_SLICE = NP // NS
ZR = 160

_mesh = plsc.VectorSubcoreMesh(
    core_axis_name="c", subcore_axis_name="s", num_cores=NC, num_subcores=NS)

_f32 = jnp.float32


def _fill1d(ref, n, val):
    v = jnp.full((16,), val, _f32)

    @pl.loop(0, n // 16)
    def _(i):
        ref[pl.ds(i * 16, 16)] = v


@functools.partial(
    pl.kernel,
    out_type=jax.ShapeDtypeStruct((NC, NP), _f32),
    mesh=_mesh,
    compiler_params=pltpu.CompilerParams(use_tc_tiling_on_sc=False),
    scratch_types=[
        pltpu.MemorySpace.VMEM_SHARED((NP,), _f32),
        pltpu.VMEM((CH,), _f32),
        pltpu.VMEM((CH,), jnp.int32),
        pltpu.VMEM((CH,), jnp.int32),
        pltpu.VMEM((DEG_SLICE,), _f32),
        pltpu.SemaphoreType.DMA,
        pltpu.SemaphoreType.DMA,
    ],
)
def _deg_kernel(dst_hbm, degp_hbm, acc, ones_v, didx_a, didx_b, zbuf,
                sem_a, sem_b):
    c = lax.axis_index("c")
    s = lax.axis_index("s")
    wid = c * NS + s
    stride = NC * NS
    _fill1d(zbuf, DEG_SLICE, 0.0)
    pltpu.sync_copy(zbuf, acc.at[pl.ds(s * DEG_SLICE, DEG_SLICE)])
    _fill1d(ones_v, CH, 1.0)
    plsc.subcore_barrier()

    nk = NCHUNKS // stride

    def fetch(k, didx, sem):
        pltpu.async_copy(dst_hbm.at[pl.ds((wid + k * stride) * CH, CH)],
                         didx, sem)

    def wait_fetch(didx, sem):
        pltpu.make_async_copy(dst_hbm.at[pl.ds(0, CH)], didx, sem).wait()

    fetch(0, didx_a, sem_a)
    fetch(1, didx_b, sem_b)

    @pl.loop(0, nk // 2)
    def _(j):
        k0 = 2 * j
        wait_fetch(didx_a, sem_a)
        pltpu.sync_copy(ones_v, acc.at[didx_a], add=True)

        @pl.when(k0 + 2 < nk)
        def _():
            fetch(k0 + 2, didx_a, sem_a)

        wait_fetch(didx_b, sem_b)
        pltpu.sync_copy(ones_v, acc.at[didx_b], add=True)

        @pl.when(k0 + 3 < nk)
        def _():
            fetch(k0 + 3, didx_b, sem_b)

    plsc.subcore_barrier()
    sl = pl.ds(s * DEG_SLICE, DEG_SLICE)
    pltpu.sync_copy(acc.at[sl], degp_hbm.at[c, sl])


@functools.partial(
    pl.kernel,
    out_type=jax.ShapeDtypeStruct((NP, H), _f32),
    mesh=_mesh,
    compiler_params=pltpu.CompilerParams(use_tc_tiling_on_sc=False),
    scratch_types=[
        pltpu.MemorySpace.VMEM_SHARED((ACC_ROWS, H), _f32),
        pltpu.VMEM((CH,), jnp.int32),
        pltpu.VMEM((CH,), jnp.int32),
        pltpu.VMEM((CH,), jnp.int32),
        pltpu.VMEM((CH,), jnp.int32),
        pltpu.VMEM((CH,), jnp.int32),
        pltpu.VMEM((CH,), jnp.int32),
        pltpu.VMEM((CH, H), _f32),
        pltpu.VMEM((CH, H), _f32),
        pltpu.VMEM((ZR, H), _f32),
        pltpu.SemaphoreType.DMA,
        pltpu.SemaphoreType.DMA,
        pltpu.SemaphoreType.DMA,
        pltpu.SemaphoreType.DMA,
    ],
)
def _spmm_kernel(table_hbm, src_hbm, dst_hbm, out_hbm,
                 acc, sidx_a, sidx_b, didx_a, didx_b, didx2_a, didx2_b,
                 rows_a, rows_b, zrows, isem_a, isem_b, gsem_a, gsem_b):
    c = lax.axis_index("c")
    s = lax.axis_index("s")
    base = c * HALF
    trash = HALF + s

    z16 = jnp.zeros((16,), _f32)

    @pl.loop(0, ZR)
    def _(i):
        for j in range(H // 16):
            zrows[i, pl.ds(j * 16, 16)] = z16

    for t in range(ROWS_PER_TILE // ZR):
        pltpu.sync_copy(zrows, acc.at[pl.ds(s * ROWS_PER_TILE + t * ZR, ZR)])
    plsc.subcore_barrier()

    nk = NCHUNKS // NS

    def fetch_idx(k, sidx, didx, isem):
        e0 = (s + k * NS) * CH
        pltpu.async_copy(src_hbm.at[pl.ds(e0, CH)], sidx, isem)
        pltpu.async_copy(dst_hbm.at[pl.ds(e0, CH)], didx, isem)

    def wait_idx(sidx, didx, isem):
        dummy = src_hbm.at[pl.ds(0, CH)]
        pltpu.make_async_copy(dummy, sidx, isem).wait()
        pltpu.make_async_copy(dummy, didx, isem).wait()

    def gather(sidx, rows, gsem):
        pltpu.async_copy(table_hbm.at[sidx], rows, gsem)

    def wait_gather(sidx, rows, gsem):
        pltpu.make_async_copy(table_hbm.at[sidx], rows, gsem).wait()

    def localize(didx, didx2):
        for i in range(CH // 16):
            d = didx[pl.ds(i * 16, 16)]
            loc = d - base
            ok = (loc >= 0) & (loc < HALF)
            didx2[pl.ds(i * 16, 16)] = jnp.where(ok, loc, trash)

    fetch_idx(0, sidx_a, didx_a, isem_a)
    fetch_idx(1, sidx_b, didx_b, isem_b)
    wait_idx(sidx_a, didx_a, isem_a)
    gather(sidx_a, rows_a, gsem_a)

    @pl.loop(0, nk // 2)
    def _(j):
        k0 = 2 * j
        localize(didx_a, didx2_a)
        wait_idx(sidx_b, didx_b, isem_b)
        gather(sidx_b, rows_b, gsem_b)
        wait_gather(sidx_a, rows_a, gsem_a)

        @pl.when(k0 + 2 < nk)
        def _():
            fetch_idx(k0 + 2, sidx_a, didx_a, isem_a)

        pltpu.sync_copy(rows_a, acc.at[didx2_a], add=True)
        localize(didx_b, didx2_b)

        @pl.when(k0 + 2 < nk)
        def _():
            wait_idx(sidx_a, didx_a, isem_a)
            gather(sidx_a, rows_a, gsem_a)

        wait_gather(sidx_b, rows_b, gsem_b)

        @pl.when(k0 + 3 < nk)
        def _():
            fetch_idx(k0 + 3, sidx_b, didx_b, isem_b)

        pltpu.sync_copy(rows_b, acc.at[didx2_b], add=True)

    plsc.subcore_barrier()
    r0 = s * ROWS_PER_TILE
    pltpu.sync_copy(acc.at[pl.ds(r0, ROWS_PER_TILE)],
                    out_hbm.at[pl.ds(base + r0, ROWS_PER_TILE)])


_B = 2048
_GRID = (N + _B - 1) // _B


def _tc_prep(degp, x, W1):
    def body(degp_r, x_r, w_r, dinv_o, hws_o):
        d = degp_r[0, :] + degp_r[1, :] + 1.0
        di = lax.rsqrt(d)
        dinv_o[...] = di[:, None]
        hws_o[...] = (
            jnp.dot(x_r[...], w_r[...], preferred_element_type=_f32)
            * di[:, None])

    return pl.pallas_call(
        body,
        grid=(_GRID,),
        in_specs=[
            pl.BlockSpec((2, _B), lambda i: (0, i)),
            pl.BlockSpec((_B, 2), lambda i: (i, 0)),
            pl.BlockSpec((2, H), lambda i: (0, 0)),
        ],
        out_specs=[
            pl.BlockSpec((_B, 1), lambda i: (i, 0)),
            pl.BlockSpec((_B, H), lambda i: (i, 0)),
        ],
        out_shape=[
            jax.ShapeDtypeStruct((N, 1), _f32),
            jax.ShapeDtypeStruct((N, H), _f32),
        ],
    )(degp, x, W1)


def _tc_layer(p, hws, dinv, b, w):
    def body(p_r, hws_r, dinv_r, b_r, w_r, out_o):
        h = jnp.maximum(dinv_r[...] * (p_r[...] + hws_r[...]) + b_r[...], 0.0)
        out_o[...] = (
            jnp.dot(h, w_r[...], preferred_element_type=_f32) * dinv_r[...])

    return pl.pallas_call(
        body,
        grid=(_GRID,),
        in_specs=[
            pl.BlockSpec((_B, H), lambda i: (i, 0)),
            pl.BlockSpec((_B, H), lambda i: (i, 0)),
            pl.BlockSpec((_B, 1), lambda i: (i, 0)),
            pl.BlockSpec((1, H), lambda i: (0, 0)),
            pl.BlockSpec((H, H), lambda i: (0, 0)),
        ],
        out_specs=pl.BlockSpec((_B, H), lambda i: (i, 0)),
        out_shape=jax.ShapeDtypeStruct((N, H), _f32),
    )(p, hws, dinv, b, w)


def _tc_head(p, hws, dinv, b3, Wf1, bf1, Wf2, bf2):
    def body(p_r, hws_r, dinv_r, b3_r, wf1_r, bf1_r, wf2_r, bf2_r, out_o):
        h = jnp.maximum(dinv_r[...] * (p_r[...] + hws_r[...]) + b3_r[...], 0.0)
        f = jnp.maximum(
            jnp.dot(h, wf1_r[...], preferred_element_type=_f32) + bf1_r[...],
            0.0)
        out_o[...] = (
            jnp.dot(f, wf2_r[...], preferred_element_type=_f32) + bf2_r[...])

    return pl.pallas_call(
        body,
        grid=(_GRID,),
        in_specs=[
            pl.BlockSpec((_B, H), lambda i: (i, 0)),
            pl.BlockSpec((_B, H), lambda i: (i, 0)),
            pl.BlockSpec((_B, 1), lambda i: (i, 0)),
            pl.BlockSpec((1, H), lambda i: (0, 0)),
            pl.BlockSpec((H, 32), lambda i: (0, 0)),
            pl.BlockSpec((1, 32), lambda i: (0, 0)),
            pl.BlockSpec((32, 2), lambda i: (0, 0)),
            pl.BlockSpec((1, 2), lambda i: (0, 0)),
        ],
        out_specs=pl.BlockSpec((_B, 2), lambda i: (i, 0)),
        out_shape=jax.ShapeDtypeStruct((N, 2), _f32),
    )(p, hws, dinv, b3, Wf1, bf1, Wf2, bf2)


def kernel(x, edge_index, W1, b1, W2, b2, W3, b3, Wf1, bf1, Wf2, bf2):
    pad = EP - E
    src = jnp.concatenate([edge_index[0], jnp.zeros((pad,), jnp.int32)])
    dst = jnp.concatenate([edge_index[1], jnp.full((pad,), N, jnp.int32)])
    degp = _deg_kernel(dst)
    dinv, hw1s = _tc_prep(degp, x, W1)
    p1 = _spmm_kernel(hw1s, src, dst)
    hw2s = _tc_layer(p1[:N], hw1s, dinv, b1.reshape(1, H), W2)
    p2 = _spmm_kernel(hw2s, src, dst)
    hw3s = _tc_layer(p2[:N], hw2s, dinv, b2.reshape(1, H), W3)
    p3 = _spmm_kernel(hw3s, src, dst)
    return _tc_head(p3[:N], hw3s, dinv, b3.reshape(1, H),
                    Wf1, bf1.reshape(1, 32), Wf2, bf2.reshape(1, 2))

# --- scband reference (transcript-rebuilt; emitter-appended) ---
"""Pipeline reference for scband-enhanced-gnn-16106127360344 (READ-ONLY COPY).

The authoritative reference and input builder live on the scoring server;
editing this copy changes nothing except your own understanding.
"""

import jax, jax.numpy as jnp
import numpy as np

N = 50000
E = 800000
H = 64

def setup_inputs(seed: int = 0) -> dict:
    key = jax.random.key(seed)
    ks = jax.random.split(key, 12)
    x = jax.random.normal(ks[0], (N, 2), dtype=jnp.float32)
    edge_index = jax.random.randint(ks[1], (2, E), 0, N, dtype=jnp.int32)
    W1 = jax.random.normal(ks[2], (2, H), dtype=jnp.float32) * (1.0 / np.sqrt(2))
    b1 = jnp.zeros((H,), dtype=jnp.float32)
    W2 = jax.random.normal(ks[3], (H, H), dtype=jnp.float32) * (1.0 / np.sqrt(H))
    b2 = jnp.zeros((H,), dtype=jnp.float32)
    W3 = jax.random.normal(ks[4], (H, H), dtype=jnp.float32) * (1.0 / np.sqrt(H))
    b3 = jnp.zeros((H,), dtype=jnp.float32)
    Wf1 = jax.random.normal(ks[5], (H, 32), dtype=jnp.float32) * (1.0 / np.sqrt(H))
    bf1 = jnp.zeros((32,), dtype=jnp.float32)
    Wf2 = jax.random.normal(ks[6], (32, 2), dtype=jnp.float32) * (1.0 / np.sqrt(32))
    bf2 = jnp.zeros((2,), dtype=jnp.float32)
    return {"x": x, "edge_index": edge_index, "W1": W1, "b1": b1, "W2": W2, "b2": b2, "W3": W3, "b3": b3, "Wf1": Wf1, "bf1": bf1, "Wf2": Wf2, "bf2": bf2}


def reference(x, edge_index, W1, b1, W2, b2, W3, b3, Wf1, bf1, Wf2, bf2):
    n = x.shape[0]
    src = edge_index[0]
    dst = edge_index[1]
    loop = jnp.arange(n, dtype=src.dtype)
    src2 = jnp.concatenate([src, loop])
    dst2 = jnp.concatenate([dst, loop])
    deg = jnp.zeros((n,), dtype=jnp.float32).at[dst2].add(1.0)
    dinv = jnp.where(deg > 0, 1.0 / jnp.sqrt(deg), 0.0)
    coef = dinv[src2] * dinv[dst2]

    def gcn_conv(h, W, b):
        hw = h @ W
        msg = hw[src2] * coef[:, None]
        agg = jnp.zeros((n, W.shape[1]), dtype=hw.dtype).at[dst2].add(msg)
        return agg + b

    h = jax.nn.relu(gcn_conv(x, W1, b1))
    h = jax.nn.relu(gcn_conv(h, W2, b2))
    h = jax.nn.relu(gcn_conv(h, W3, b3))
    h = jax.nn.relu(h @ Wf1 + bf1)
    out = h @ Wf2 + bf2
    return out

if __name__ == "__main__":
    import jax
    _d = setup_inputs()
    print(jax.jit(kernel)(*tuple(_d.values())))

</pallas_src>

<mosaic_0001>
#map = affine_map<(d0, d1) -> (0)>
#map1 = affine_map<(d0, d1) -> (0, 0)>
module attributes {stable_mosaic.version = 14 : i64} {
  func.func @_deg_kernel(%arg0: i32, %arg1: i32, %arg2: memref<802816xi32, #tpu.memory_space<hbm>>, %arg3: memref<2x51200xf32, #tpu.memory_space<hbm>>, %arg4: memref<51200xf32, #tpu.memory_space<vmem_shared>>, %arg5: memref<128xf32, #tpu.memory_space<vmem>>, %arg6: memref<128xi32, #tpu.memory_space<vmem>>, %arg7: memref<128xi32, #tpu.memory_space<vmem>>, %arg8: memref<3200xf32, #tpu.memory_space<vmem>>, %arg9: memref<!tpu.dma_semaphore, #tpu.memory_space<semaphore_mem>>, %arg10: memref<!tpu.dma_semaphore, #tpu.memory_space<semaphore_mem>>) attributes {dimension_semantics = [#tpu.dimension_semantics<core_parallel>, #tpu.dimension_semantics<subcore_parallel>], iteration_bounds = array<i64: 2, 16>, scalar_prefetch = 0 : i64, scratch_operands = 7 : i64, tpu.core_type = #tpu.core_type<sc_vector_subcore>, window_params = [{transform_indices = #map}, {transform_indices = #map1}]} {
    %mul3A = arith.constant 16 : i32
    %mul3A_0 = arith.muli %arg0, %mul3A : i32
    %add3A = arith.addi %mul3A_0, %arg1 : i32
    %broadcast_in_dim3A = arith.constant 0.000000e+00 : f32
    %broadcast_in_dim3A_1 = vector.broadcast %broadcast_in_dim3A : f32 to vector<16xf32>
    %scan3A = arith.constant 0 : i32
    %scan3A_2 = arith.constant 200 : i32
    %scan3A_3 = arith.addi %scan3A, %scan3A_2 : i32
    %scan3A_4 = arith.constant 1 : i32
    scf.for %scan3A_34 = %scan3A to %scan3A_3 step %scan3A_4  : i32 {
      %mul3A_35 = arith.constant 1 : i32
      %mul3A_36 = arith.muli %scan3A_34, %mul3A_35 : i32
      %add3A_37 = arith.constant 0 : i32
      %add3A_38 = arith.addi %add3A_37, %mul3A_36 : i32
      %mul3A_39 = arith.constant 16 : i32
      %mul3A_40 = arith.muli %add3A_38, %mul3A_39 : i32
      %swap3A = arith.index_cast %mul3A_40 : i32 to index
      %swap3A_41 = tpu.vector_load %arg8[%swap3A] {strides = array<i32>} : memref<3200xf32, #tpu.memory_space<vmem>>, vector<16xf32>,
      %swap3A_42 = vector.shape_cast %swap3A_41 : vector<16xf32> to vector<16xf32>
      %swap3A_43 = vector.shape_cast %broadcast_in_dim3A_1 : vector<16xf32> to vector<16xf32>
      tpu.vector_store %arg8[%swap3A], %swap3A_43 {strides = array<i32>} : memref<3200xf32, #tpu.memory_space<vmem>>, vector<16xf32>,
    }
    %scan3A_5 = arith.constant 200 : i32
    %mul3A_6 = arith.constant 3200 : i32
    %mul3A_7 = arith.muli %arg1, %mul3A_6 : i32
    "tpu.region"() ({
      %run_scoped3A = tpu.sem_alloc : memref<!tpu.dma_semaphore, #tpu.memory_space<semaphore_mem>>
      %dma_start3A_34 = tpu.memref_slice %arg4[%mul3A_7] : memref<51200xf32, #tpu.memory_space<vmem_shared>> -> memref<3200xf32, #tpu.memory_space<vmem_shared>>
      %dma_start3A_35 = tpu.memref_slice %arg4[%mul3A_7] : memref<51200xf32, #tpu.memory_space<vmem_shared>> -> memref<3200xf32, #tpu.memory_space<vmem_shared>>
      tpu.enqueue_dma source(%arg8 : memref<3200xf32, #tpu.memory_space<vmem>>) target(%dma_start3A_35 : memref<3200xf32, #tpu.memory_space<vmem_shared>>) target_semaphore(%run_scoped3A : memref<!tpu.dma_semaphore, #tpu.memory_space<semaphore_mem>>)
      %dma_wait3A = tpu.memref_slice %arg4[%mul3A_7] : memref<51200xf32, #tpu.memory_space<vmem_shared>> -> memref<3200xf32, #tpu.memory_space<vmem_shared>>
      %dma_wait3A_36 = tpu.memref_slice %arg4[%mul3A_7] : memref<51200xf32, #tpu.memory_space<vmem_shared>> -> memref<3200xf32, #tpu.memory_space<vmem_shared>>
      tpu.wait_dma2 semaphore(%run_scoped3A : memref<!tpu.dma_semaphore, #tpu.memory_space<semaphore_mem>>) src(%arg8 : memref<3200xf32, #tpu.memory_space<vmem>>) dst(%dma_wait3A_36 : memref<3200xf32, #tpu.memory_space<vmem_shared>>)
      tpu.yield
    }) : () -> ()
    %broadcast_in_dim3A_8 = arith.constant 1.000000e+00 : f32
    %broadcast_in_dim3A_9 = vector.broadcast %broadcast_in_dim3A_8 : f32 to vector<16xf32>
    %scan3A_10 = arith.constant 0 : i32
    %scan3A_11 = arith.constant 8 : i32
    %scan3A_12 = arith.addi %scan3A_10, %scan3A_11 : i32
    %scan3A_13 = arith.constant 1 : i32
    scf.for %scan3A_34 = %scan3A_10 to %scan3A_12 step %scan3A_13  : i32 {
      %mul3A_35 = arith.constant 1 : i32
      %mul3A_36 = arith.muli %scan3A_34, %mul3A_35 : i32
      %add3A_37 = arith.constant 0 : i32
      %add3A_38 = arith.addi %add3A_37, %mul3A_36 : i32
      %mul3A_39 = arith.constant 16 : i32
      %mul3A_40 = arith.muli %add3A_38, %mul3A_39 : i32
      %swap3A = arith.index_cast %mul3A_40 : i32 to index
      %swap3A_41 = tpu.vector_load %arg5[%swap3A] {strides = array<i32>} : memref<128xf32, #tpu.memory_space<vmem>>, vector<16xf32>,
      %swap3A_42 = vector.shape_cast %swap3A_41 : vector<16xf32> to vector<16xf32>
      %swap3A_43 = vector.shape_cast %broadcast_in_dim3A_9 : vector<16xf32> to vector<16xf32>
      tpu.vector_store %arg5[%swap3A], %swap3A_43 {strides = array<i32>} : memref<128xf32, #tpu.memory_space<vmem>>, vector<16xf32>,
    }
    %scan3A_14 = arith.constant 8 : i32
    %barrier3A = arith.constant 0 : index
    tpu.barrier barrier_id(%barrier3A)
    %add3A_15 = arith.constant 0 : i32
    %add3A_16 = arith.addi %add3A, %add3A_15 : i32
    %mul3A_17 = arith.constant 128 : i32
    %mul3A_18 = arith.muli %add3A_16, %mul3A_17 : i32
    %dma_start3A = tpu.memref_slice %arg2[%mul3A_18] : memref<802816xi32, #tpu.memory_space<hbm>> -> memref<128xi32, #tpu.memory_space<hbm>>
    %dma_start3A_19 = tpu.memref_slice %arg2[%mul3A_18] : memref<802816xi32, #tpu.memory_space<hbm>> -> memref<128xi32, #tpu.memory_space<hbm>>
    tpu.enqueue_dma source(%dma_start3A_19 : memref<128xi32, #tpu.memory_space<hbm>>) target(%arg6 : memref<128xi32, #tpu.memory_space<vmem>>) target_semaphore(%arg9 : memref<!tpu.dma_semaphore, #tpu.memory_space<semaphore_mem>>)
    %add3A_20 = arith.constant 32 : i32
    %add3A_21 = arith.addi %add3A, %add3A_20 : i32
    %mul3A_22 = arith.constant 128 : i32
    %mul3A_23 = arith.muli %add3A_21, %mul3A_22 : i32
    %dma_start3A_24 = tpu.memref_slice %arg2[%mul3A_23] : memref<802816xi32, #tpu.memory_space<hbm>> -> memref<128xi32, #tpu.memory_space<hbm>>
    %dma_start3A_25 = tpu.memref_slice %arg2[%mul3A_23] : memref<802816xi32, #tpu.memory_space<hbm>> -> memref<128xi32, #tpu.memory_space<hbm>>
    tpu.enqueue_dma source(%dma_start3A_25 : memref<128xi32, #tpu.memory_space<hbm>>) target(%arg7 : memref<128xi32, #tpu.memory_space<vmem>>) target_semaphore(%arg10 : memref<!tpu.dma_semaphore, #tpu.memory_space<semaphore_mem>>)
    %scan3A_26 = arith.constant 0 : i32
    %scan3A_27 = arith.constant 98 : i32
    %scan3A_28 = arith.addi %scan3A_26, %scan3A_27 : i32
    %scan3A_29 = arith.constant 1 : i32
    scf.for %scan3A_34 = %scan3A_26 to %scan3A_28 step %scan3A_29  : i32 {
      %mul3A_35 = arith.constant 1 : i32
      %mul3A_36 = arith.muli %scan3A_34, %mul3A_35 : i32
      %add3A_37 = arith.constant 0 : i32
      %add3A_38 = arith.addi %add3A_37, %mul3A_36 : i32
      %mul3A_39 = arith.constant 2 : i32
      %mul3A_40 = arith.muli %mul3A_39, %add3A_38 : i32
      %dma_wait3A = arith.constant 0 : i32
      %dma_wait3A_41 = tpu.memref_slice %arg2[%dma_wait3A] : memref<802816xi32, #tpu.memory_space<hbm>> -> memref<128xi32, #tpu.memory_space<hbm>>
      %dma_wait3A_42 = arith.constant 0 : i32
      %dma_wait3A_43 = tpu.memref_slice %arg2[%dma_wait3A_42] : memref<802816xi32, #tpu.memory_space<hbm>> -> memref<128xi32, #tpu.memory_space<hbm>>
      tpu.wait_dma2 semaphore(%arg9 : memref<!tpu.dma_semaphore, #tpu.memory_space<semaphore_mem>>) src(%dma_wait3A_43 : memref<128xi32, #tpu.memory_space<hbm>>) dst(%arg6 : memref<128xi32, #tpu.memory_space<vmem>>)
      "tpu.region"() ({
        %run_scoped3A = tpu.sem_alloc : memref<!tpu.dma_semaphore, #tpu.memory_space<semaphore_mem>>
        %dma_start3A_59 = arith.constant 0 : i32
        %dma_start3A_60 = tpu.memref_slice %arg4[%dma_start3A_59] : memref<51200xf32, #tpu.memory_space<vmem_shared>> -> memref<51200xf32, #tpu.memory_space<vmem_shared>>
        tpu.enqueue_indirect_dma source(%arg5 : memref<128xf32, #tpu.memory_space<vmem>>) target(%dma_start3A_60 : memref<51200xf32, #tpu.memory_space<vmem_shared>>) offsets(%arg6 : memref<128xi32, #tpu.memory_space<vmem>>) semaphore(%run_scoped3A : memref<!tpu.dma_semaphore, #tpu.memory_space<semaphore_mem>>) {add = true}
        %dma_wait3A_61 = arith.constant 0 : i32
        %dma_wait3A_62 = tpu.memref_slice %arg4[%dma_wait3A_61] : memref<51200xf32, #tpu.memory_space<vmem_shared>> -> memref<51200xf32, #tpu.memory_space<vmem_shared>>
        tpu.wait_indirect_dma semaphore(%run_scoped3A : memref<!tpu.dma_semaphore, #tpu.memory_space<semaphore_mem>>) src(%arg5 : memref<128xf32, #tpu.memory_space<vmem>>) dst(%dma_wait3A_62 : memref<51200xf32, #tpu.memory_space<vmem_shared>>)
        tpu.yield
      }) : () -> ()
      %add3A_44 = arith.constant 2 : i32
      %add3A_45 = arith.addi %mul3A_40, %add3A_44 : i32
      %lt3A = arith.constant 196 : i32
      %lt3A_46 = arith.cmpi slt, %add3A_45, %lt3A : i32
      %convert_element_type3A = arith.extui %lt3A_46 : i1 to i32
      %cond3A = arith.constant 0 : i32
      %cond3A_47 = arith.cmpi ne, %convert_element_type3A, %cond3A : i32
      scf.if %cond3A_47 {
        %add3A_59 = arith.constant 2 : i32
        %add3A_60 = arith.addi %mul3A_40, %add3A_59 : i32
        %mul3A_61 = arith.constant 32 : i32
        %mul3A_62 = arith.muli %add3A_60, %mul3A_61 : i32
        %add3A_63 = arith.addi %add3A, %mul3A_62 : i32
        %mul3A_64 = arith.constant 128 : i32
        %mul3A_65 = arith.muli %add3A_63, %mul3A_64 : i32
        %dma_start3A_66 = tpu.memref_slice %arg2[%mul3A_65] : memref<802816xi32, #tpu.memory_space<hbm>> -> memref<128xi32, #tpu.memory_space<hbm>>
        %dma_start3A_67 = tpu.memref_slice %arg2[%mul3A_65] : memref<802816xi32, #tpu.memory_space<hbm>> -> memref<128xi32, #tpu.memory_space<hbm>>
        tpu.enqueue_dma source(%dma_start3A_67 : memref<128xi32, #tpu.memory_space<hbm>>) target(%arg6 : memref<128xi32, #tpu.memory_space<vmem>>) target_semaphore(%arg9 : memref<!tpu.dma_semaphore, #tpu.memory_space<semaphore_mem>>)
      } else {
      }
      %dma_wait3A_48 = arith.constant 0 : i32
      %dma_wait3A_49 = tpu.memref_slice %arg2[%dma_wait3A_48] : memref<802816xi32, #tpu.memory_space<hbm>> -> memref<128xi32, #tpu.memory_space<hbm>>
      %dma_wait3A_50 = arith.constant 0 : i32
      %dma_wait3A_51 = tpu.memref_slice %arg2[%dma_wait3A_50] : memref<802816xi32, #tpu.memory_space<hbm>> -> memref<128xi32, #tpu.memory_space<hbm>>
      tpu.wait_dma2 semaphore(%arg10 : memref<!tpu.dma_semaphore, #tpu.memory_space<semaphore_mem>>) src(%dma_wait3A_51 : memref<128xi32, #tpu.memory_space<hbm>>) dst(%arg7 : memref<128xi32, #tpu.memory_space<vmem>>)
      "tpu.region"() ({
        %run_scoped3A = tpu.sem_alloc : memref<!tpu.dma_semaphore, #tpu.memory_space<semaphore_mem>>
        %dma_start3A_59 = arith.constant 0 : i32
        %dma_start3A_60 = tpu.memref_slice %arg4[%dma_start3A_59] : memref<51200xf32, #tpu.memory_space<vmem_shared>> -> memref<51200xf32, #tpu.memory_space<vmem_shared>>
        tpu.enqueue_indirect_dma source(%arg5 : memref<128xf32, #tpu.memory_space<vmem>>) target(%dma_start3A_60 : memref<51200xf32, #tpu.memory_space<vmem_shared>>) offsets(%arg7 : memref<128xi32, #tpu.memory_space<vmem>>) semaphore(%run_scoped3A : memref<!tpu.dma_semaphore, #tpu.memory_space<semaphore_mem>>) {add = true}
        %dma_wait3A_61 = arith.constant 0 : i32
        %dma_wait3A_62 = tpu.memref_slice %arg4[%dma_wait3A_61] : memref<51200xf32, #tpu.memory_space<vmem_shared>> -> memref<51200xf32, #tpu.memory_space<vmem_shared>>
        tpu.wait_indirect_dma semaphore(%run_scoped3A : memref<!tpu.dma_semaphore, #tpu.memory_space<semaphore_mem>>) src(%arg5 : memref<128xf32, #tpu.memory_space<vmem>>) dst(%dma_wait3A_62 : memref<51200xf32, #tpu.memory_space<vmem_shared>>)
        tpu.yield
      }) : () -> ()
      %add3A_52 = arith.constant 3 : i32
      %add3A_53 = arith.addi %mul3A_40, %add3A_52 : i32
      %lt3A_54 = arith.constant 196 : i32
      %lt3A_55 = arith.cmpi slt, %add3A_53, %lt3A_54 : i32
      %convert_element_type3A_56 = arith.extui %lt3A_55 : i1 to i32
      %cond3A_57 = arith.constant 0 : i32
      %cond3A_58 = arith.cmpi ne, %convert_element_type3A_56, %cond3A_57 : i32
      scf.if %cond3A_58 {
        %add3A_59 = arith.constant 3 : i32
        %add3A_60 = arith.addi %mul3A_40, %add3A_59 : i32
        %mul3A_61 = arith.constant 32 : i32
        %mul3A_62 = arith.muli %add3A_60, %mul3A_61 : i32
        %add3A_63 = arith.addi %add3A, %mul3A_62 : i32
        %mul3A_64 = arith.constant 128 : i32
        %mul3A_65 = arith.muli %add3A_63, %mul3A_64 : i32
        %dma_start3A_66 = tpu.memref_slice %arg2[%mul3A_65] : memref<802816xi32, #tpu.memory_space<hbm>> -> memref<128xi32, #tpu.memory_space<hbm>>
        %dma_start3A_67 = tpu.memref_slice %arg2[%mul3A_65] : memref<802816xi32, #tpu.memory_space<hbm>> -> memref<128xi32, #tpu.memory_space<hbm>>
        tpu.enqueue_dma source(%dma_start3A_67 : memref<128xi32, #tpu.memory_space<hbm>>) target(%arg7 : memref<128xi32, #tpu.memory_space<vmem>>) target_semaphore(%arg10 : memref<!tpu.dma_semaphore, #tpu.memory_space<semaphore_mem>>)
      } else {
      }
    }
    %scan3A_30 = arith.constant 98 : i32
    %barrier3A_31 = arith.constant 0 : index
    tpu.barrier barrier_id(%barrier3A_31)
    %mul3A_32 = arith.constant 3200 : i32
    %mul3A_33 = arith.muli %arg1, %mul3A_32 : i32
    "tpu.region"() ({
      %run_scoped3A = tpu.sem_alloc : memref<!tpu.dma_semaphore, #tpu.memory_space<semaphore_mem>>
      %dma_start3A_34 = tpu.memref_slice %arg3[%arg0, %mul3A_33] : memref<2x51200xf32, #tpu.memory_space<hbm>> -> memref<1x3200xf32, #tpu.memory_space<hbm>>
      %dma_start3A_35 = tpu.memref_squeeze %dma_start3A_34 : memref<1x3200xf32, #tpu.memory_space<hbm>> -> memref<3200xf32, #tpu.memory_space<hbm>>
      %dma_start3A_36 = tpu.memref_slice %arg4[%mul3A_33] : memref<51200xf32, #tpu.memory_space<vmem_shared>> -> memref<3200xf32, #tpu.memory_space<vmem_shared>>
      tpu.enqueue_dma source(%dma_start3A_36 : memref<3200xf32, #tpu.memory_space<vmem_shared>>) target(%dma_start3A_35 : memref<3200xf32, #tpu.memory_space<hbm>>) target_semaphore(%run_scoped3A : memref<!tpu.dma_semaphore, #tpu.memory_space<semaphore_mem>>)
      %dma_wait3A = tpu.memref_slice %arg3[%arg0, %mul3A_33] : memref<2x51200xf32, #tpu.memory_space<hbm>> -> memref<1x3200xf32, #tpu.memory_space<hbm>>
      %dma_wait3A_37 = tpu.memref_squeeze %dma_wait3A : memref<1x3200xf32, #tpu.memory_space<hbm>> -> memref<3200xf32, #tpu.memory_space<hbm>>
      %dma_wait3A_38 = tpu.memref_slice %arg4[%mul3A_33] : memref<51200xf32, #tpu.memory_space<vmem_shared>> -> memref<3200xf32, #tpu.memory_space<vmem_shared>>
      tpu.wait_dma2 semaphore(%run_scoped3A : memref<!tpu.dma_semaphore, #tpu.memory_space<semaphore_mem>>) src(%dma_wait3A_38 : memref<3200xf32, #tpu.memory_space<vmem_shared>>) dst(%dma_wait3A_37 : memref<3200xf32, #tpu.memory_space<hbm>>)
      tpu.yield
    }) : () -> ()
    return
  }
}

#map = affine_map<(d0, d1) -> (0, 0)>
#map1 = affine_map<(d0, d1) -> (0)>
module attributes {stable_mosaic.version = 14 : i64} {
  func.func @_spmm_kernel(%arg0: i32, %arg1: i32, %arg2: memref<50000x64xf32, #tpu.memory_space<hbm>>, %arg3: memref<802816xi32, #tpu.memory_space<hbm>>, %arg4: memref<802816xi32, #tpu.memory_space<hbm>>, %arg5: memref<51200x64xf32, #tpu.memory_space<hbm>>, %arg6: memref<25616x64xf32, #tpu.memory_space<vmem_shared>>, %arg7: memref<128xi32, #tpu.memory_space<vmem>>, %arg8: memref<128xi32, #tpu.memory_space<vmem>>, %arg9: memref<128xi32, #tpu.memory_space<vmem>>, %arg10: memref<128xi32, #tpu.memory_space<vmem>>, %arg11: memref<128xi32, #tpu.memory_space<vmem>>, %arg12: memref<128xi32, #tpu.memory_space<vmem>>, %arg13: memref<128x64xf32, #tpu.memory_space<vmem>>, %arg14: memref<128x64xf32, #tpu.memory_space<vmem>>, %arg15: memref<160x64xf32, #tpu.memory_space<vmem>>, %arg16: memref<!tpu.dma_semaphore, #tpu.memory_space<semaphore_mem>>, %arg17: memref<!tpu.dma_semaphore, #tpu.memory_space<semaphore_mem>>, %arg18: memref<!tpu.dma_semaphore, #tpu.memory_space<semaphore_mem>>, %arg19: memref<!tpu.dma_semaphore, #tpu.memory_space<semaphore_mem>>) attributes {dimension_semantics = [#tpu.dimension_semantics<core_parallel>, #tpu.dimension_semantics<subcore_parallel>], iteration_bounds = array<i64: 2, 16>, scalar_prefetch = 0 : i64, scratch_operands = 14 : i64, tpu.core_type = #tpu.core_type<sc_vector_subcore>, window_params = [{transform_indices = #map}, {transform_indices = #map1}, {transform_indices = #map1}, {transform_indices = #map}]} {
    %mul3A = arith.constant 25600 : i32
    %mul3A_0 = arith.muli %arg0, %mul3A : i32
    %add3A = arith.constant 25600 : i32
    %add3A_1 = arith.addi %add3A, %arg1 : i32
    %broadcast_in_dim3A = arith.constant 0.000000e+00 : f32
    %broadcast_in_dim3A_2 = vector.broadcast %broadcast_in_dim3A : f32 to vector<16xf32>
    %scan3A = arith.constant 0 : i32
    %scan3A_3 = arith.constant 160 : i32
    %scan3A_4 = arith.addi %scan3A, %scan3A_3 : i32
    %scan3A_5 = arith.constant 1 : i32
    scf.for %scan3A_81 = %scan3A to %scan3A_4 step %scan3A_5  : i32 {
      %mul3A_82 = arith.constant 1 : i32
      %mul3A_83 = arith.muli %scan3A_81, %mul3A_82 : i32
      %add3A_84 = arith.constant 0 : i32
      %add3A_85 = arith.addi %add3A_84, %mul3A_83 : i32
      %swap3A = arith.index_cast %add3A_85 : i32 to index
      %swap3A_86 = arith.constant 0 : index
      %swap3A_87 = tpu.vector_load %arg15[%swap3A, %swap3A_86] {strides = array<i32>} : memref<160x64xf32, #tpu.memory_space<vmem>>, vector<1x16xf32>,
      %swap3A_88 = vector.shape_cast %swap3A_87 : vector<1x16xf32> to vector<16xf32>
      %swap3A_89 = vector.shape_cast %broadcast_in_dim3A_2 : vector<16xf32> to vector<1x16xf32>
      tpu.vector_store %arg15[%swap3A, %swap3A_86], %swap3A_89 {strides = array<i32>} : memref<160x64xf32, #tpu.memory_space<vmem>>, vector<1x16xf32>,
      %swap3A_90 = arith.index_cast %add3A_85 : i32 to index
      %swap3A_91 = arith.constant 16 : index
      %swap3A_92 = tpu.vector_load %arg15[%swap3A_90, %swap3A_91] {strides = array<i32>} : memref<160x64xf32, #tpu.memory_space<vmem>>, vector<1x16xf32>,
      %swap3A_93 = vector.shape_cast %swap3A_92 : vector<1x16xf32> to vector<16xf32>
      %swap3A_94 = vector.shape_cast %broadcast_in_dim3A_2 : vector<16xf32> to vector<1x16xf32>
      tpu.vector_store %arg15[%swap3A_90, %swap3A_91], %swap3A_94 {strides = array<i32>} : memref<160x64xf32, #tpu.memory_space<vmem>>, vector<1x16xf32>,
      %swap3A_95 = arith.index_cast %add3A_85 : i32 to index
      %swap3A_96 = arith.constant 32 : index
      %swap3A_97 = tpu.vector_load %arg15[%swap3A_95, %swap3A_96] {strides = array<i32>} : memref<160x64xf32, #tpu.memory_space<vmem>>, vector<1x16xf32>,
      %swap3A_98 = vector.shape_cast %swap3A_97 : vector<1x16xf32> to vector<16xf32>
      %swap3A_99 = vector.shape_cast %broadcast_in_dim3A_2 : vector<16xf32> to vector<1x16xf32>
      tpu.vector_store %arg15[%swap3A_95, %swap3A_96], %swap3A_99 {strides = array<i32>} : memref<160x64xf32, #tpu.memory_space<vmem>>, vector<1x16xf32>,
      %swap3A_100 = arith.index_cast %add3A_85 : i32 to index
      %swap3A_101 = arith.constant 48 : index
      %swap3A_102 = tpu.vector_load %arg15[%swap3A_100, %swap3A_101] {strides = array<i32>} : memref<160x64xf32, #tpu.memory_space<vmem>>, vector<1x16xf32>,
      %swap3A_103 = vector.shape_cast %swap3A_102 : vector<1x16xf32> to vector<16xf32>
      %swap3A_104 = vector.shape_cast %broadcast_in_dim3A_2 : vector<16xf32> to vector<1x16xf32>
      tpu.vector_store %arg15[%swap3A_100, %swap3A_101], %swap3A_104 {strides = array<i32>} : memref<160x64xf32, #tpu.memory_space<vmem>>, vector<1x16xf32>,
    }
    %scan3A_6 = arith.constant 160 : i32
    %mul3A_7 = arith.constant 1600 : i32
    %mul3A_8 = arith.muli %arg1, %mul3A_7 : i32
    %add3A_9 = arith.constant 0 : i32
    %add3A_10 = arith.addi %mul3A_8, %add3A_9 : i32
    "tpu.region"() ({
      %run_scoped3A = tpu.sem_alloc : memref<!tpu.dma_semaphore, #tpu.memory_space<semaphore_mem>>
      %dma_start3A_81 = arith.constant 0 : i32
      %dma_start3A_82 = tpu.memref_slice %arg6[%add3A_10, %dma_start3A_81] : memref<25616x64xf32, #tpu.memory_space<vmem_shared>> -> memref<160x64xf32, #tpu.memory_space<vmem_shared>>
      %dma_start3A_83 = arith.constant 0 : i32
      %dma_start3A_84 = tpu.memref_slice %arg6[%add3A_10, %dma_start3A_83] : memref<25616x64xf32, #tpu.memory_space<vmem_shared>> -> memref<160x64xf32, #tpu.memory_space<vmem_shared>>
      tpu.enqueue_dma source(%arg15 : memref<160x64xf32, #tpu.memory_space<vmem>>) target(%dma_start3A_84 : memref<160x64xf32, #tpu.memory_space<vmem_shared>>) target_semaphore(%run_scoped3A : memref<!tpu.dma_semaphore, #tpu.memory_space<semaphore_mem>>)
      %dma_wait3A_85 = arith.constant 0 : i32
      %dma_wait3A_86 = tpu.memref_slice %arg6[%add3A_10, %dma_wait3A_85] : memref<25616x64xf32, #tpu.memory_space<vmem_shared>> -> memref<160x64xf32, #tpu.memory_space<vmem_shared>>
      %dma_wait3A_87 = arith.constant 0 : i32
      %dma_wait3A_88 = tpu.memref_slice %arg6[%add3A_10, %dma_wait3A_87] : memref<25616x64xf32, #tpu.memory_space<vmem_shared>> -> memref<160x64xf32, #tpu.memory_space<vmem_shared>>
      tpu.wait_dma2 semaphore(%run_scoped3A : memref<!tpu.dma_semaphore, #tpu.memory_space<semaphore_mem>>) src(%arg15 : memref<160x64xf32, #tpu.memory_space<vmem>>) dst(%dma_wait3A_88 : memref<160x64xf32, #tpu.memory_space<vmem_shared>>)
      tpu.yield
    }) : () -> ()
    %mul3A_11 = arith.constant 1600 : i32
    %mul3A_12 = arith.muli %arg1, %mul3A_11 : i32
    %add3A_13 = arith.constant 160 : i32
    %add3A_14 = arith.addi %mul3A_12, %add3A_13 : i32
    "tpu.region"() ({
      %run_scoped3A = tpu.sem_alloc : memref<!tpu.dma_semaphore, #tpu.memory_space<semaphore_mem>>
      %dma_start3A_81 = arith.constant 0 : i32
      %dma_start3A_82 = tpu.memref_slice %arg6[%add3A_14, %dma_start3A_81] : memref<25616x64xf32, #tpu.memory_space<vmem_shared>> -> memref<160x64xf32, #tpu.memory_space<vmem_shared>>
      %dma_start3A_83 = arith.constant 0 : i32
      %dma_start3A_84 = tpu.memref_slice %arg6[%add3A_14, %dma_start3A_83] : memref<25616x64xf32, #tpu.memory_space<vmem_shared>> -> memref<160x64xf32, #tpu.memory_space<vmem_shared>>
      tpu.enqueue_dma source(%arg15 : memref<160x64xf32, #tpu.memory_space<vmem>>) target(%dma_start3A_84 : memref<160x64xf32, #tpu.memory_space<vmem_shared>>) target_semaphore(%run_scoped3A : memref<!tpu.dma_semaphore, #tpu.memory_space<semaphore_mem>>)
      %dma_wait3A_85 = arith.constant 0 : i32
      %dma_wait3A_86 = tpu.memref_slice %arg6[%add3A_14, %dma_wait3A_85] : memref<25616x64xf32, #tpu.memory_space<vmem_shared>> -> memref<160x64xf32, #tpu.memory_space<vmem_shared>>
      %dma_wait3A_87 = arith.constant 0 : i32
      %dma_wait3A_88 = tpu.memref_slice %arg6[%add3A_14, %dma_wait3A_87] : memref<25616x64xf32, #tpu.memory_space<vmem_shared>> -> memref<160x64xf32, #tpu.memory_space<vmem_shared>>
      tpu.wait_dma2 semaphore(%run_scoped3A : memref<!tpu.dma_semaphore, #tpu.memory_space<semaphore_mem>>) src(%arg15 : memref<160x64xf32, #tpu.memory_space<vmem>>) dst(%dma_wait3A_88 : memref<160x64xf32, #tpu.memory_space<vmem_shared>>)
      tpu.yield
    }) : () -> ()
    %mul3A_15 = arith.constant 1600 : i32
    %mul3A_16 = arith.muli %arg1, %mul3A_15 : i32
    %add3A_17 = arith.constant 320 : i32
    %add3A_18 = arith.addi %mul3A_16, %add3A_17 : i32
    "tpu.region"() ({
      %run_scoped3A = tpu.sem_alloc : memref<!tpu.dma_semaphore, #tpu.memory_space<semaphore_mem>>
      %dma_start3A_81 = arith.constant 0 : i32
      %dma_start3A_82 = tpu.memref_slice %arg6[%add3A_18, %dma_start3A_81] : memref<25616x64xf32, #tpu.memory_space<vmem_shared>> -> memref<160x64xf32, #tpu.memory_space<vmem_shared>>
      %dma_start3A_83 = arith.constant 0 : i32
      %dma_start3A_84 = tpu.memref_slice %arg6[%add3A_18, %dma_start3A_83] : memref<25616x64xf32, #tpu.memory_space<vmem_shared>> -> memref<160x64xf32, #tpu.memory_space<vmem_shared>>
      tpu.enqueue_dma source(%arg15 : memref<160x64xf32, #tpu.memory_space<vmem>>) target(%dma_start3A_84 : memref<160x64xf32, #tpu.memory_space<vmem_shared>>) target_semaphore(%run_scoped3A : memref<!tpu.dma_semaphore, #tpu.memory_space<semaphore_mem>>)
      %dma_wait3A_85 = arith.constant 0 : i32
      %dma_wait3A_86 = tpu.memref_slice %arg6[%add3A_18, %dma_wait3A_85] : memref<25616x64xf32, #tpu.memory_space<vmem_shared>> -> memref<160x64xf32, #tpu.memory_space<vmem_shared>>
      %dma_wait3A_87 = arith.constant 0 : i32
      %dma_wait3A_88 = tpu.memref_slice %arg6[%add3A_18, %dma_wait3A_87] : memref<25616x64xf32, #tpu.memory_space<vmem_shared>> -> memref<160x64xf32, #tpu.memory_space<vmem_shared>>
      tpu.wait_dma2 semaphore(%run_scoped3A : memref<!tpu.dma_semaphore, #tpu.memory_space<semaphore_mem>>) src(%arg15 : memref<160x64xf32, #tpu.memory_space<vmem>>) dst(%dma_wait3A_88 : memref<160x64xf32, #tpu.memory_space<vmem_shared>>)
      tpu.yield
    }) : () -> ()
    %mul3A_19 = arith.constant 1600 : i32
    %mul3A_20 = arith.muli %arg1, %mul3A_19 : i32
    %add3A_21 = arith.constant 480 : i32
    %add3A_22 = arith.addi %mul3A_20, %add3A_21 : i32
    "tpu.region"() ({
      %run_scoped3A = tpu.sem_alloc : memref<!tpu.dma_semaphore, #tpu.memory_space<semaphore_mem>>
      %dma_start3A_81 = arith.constant 0 : i32
      %dma_start3A_82 = tpu.memref_slice %arg6[%add3A_22, %dma_start3A_81] : memref<25616x64xf32, #tpu.memory_space<vmem_shared>> -> memref<160x64xf32, #tpu.memory_space<vmem_shared>>
      %dma_start3A_83 = arith.constant 0 : i32
      %dma_start3A_84 = tpu.memref_slice %arg6[%add3A_22, %dma_start3A_83] : memref<25616x64xf32, #tpu.memory_space<vmem_shared>> -> memref<160x64xf32, #tpu.memory_space<vmem_shared>>
      tpu.enqueue_dma source(%arg15 : memref<160x64xf32, #tpu.memory_space<vmem>>) target(%dma_start3A_84 : memref<160x64xf32, #tpu.memory_space<vmem_shared>>) target_semaphore(%run_scoped3A : memref<!tpu.dma_semaphore, #tpu.memory_space<semaphore_mem>>)
      %dma_wait3A_85 = arith.constant 0 : i32
      %dma_wait3A_86 = tpu.memref_slice %arg6[%add3A_22, %dma_wait3A_85] : memref<25616x64xf32, #tpu.memory_space<vmem_shared>> -> memref<160x64xf32, #tpu.memory_space<vmem_shared>>
      %dma_wait3A_87 = arith.constant 0 : i32
      %dma_wait3A_88 = tpu.memref_slice %arg6[%add3A_22, %dma_wait3A_87] : memref<25616x64xf32, #tpu.memory_space<vmem_shared>> -> memref<160x64xf32, #tpu.memory_space<vmem_shared>>
      tpu.wait_dma2 semaphore(%run_scoped3A : memref<!tpu.dma_semaphore, #tpu.memory_space<semaphore_mem>>) src(%arg15 : memref<160x64xf32, #tpu.memory_space<vmem>>) dst(%dma_wait3A_88 : memref<160x64xf32, #tpu.memory_space<vmem_shared>>)
      tpu.yield
    }) : () -> ()
    %mul3A_23 = arith.constant 1600 : i32
    %mul3A_24 = arith.muli %arg1, %mul3A_23 : i32
    %add3A_25 = arith.constant 640 : i32
    %add3A_26 = arith.addi %mul3A_24, %add3A_25 : i32
    "tpu.region"() ({
      %run_scoped3A = tpu.sem_alloc : memref<!tpu.dma_semaphore, #tpu.memory_space<semaphore_mem>>
      %dma_start3A_81 = arith.constant 0 : i32
      %dma_start3A_82 = tpu.memref_slice %arg6[%add3A_26, %dma_start3A_81] : memref<25616x64xf32, #tpu.memory_space<vmem_shared>> -> memref<160x64xf32, #tpu.memory_space<vmem_shared>>
      %dma_start3A_83 = arith.constant 0 : i32
      %dma_start3A_84 = tpu.memref_slice %arg6[%add3A_26, %dma_start3A_83] : memref<25616x64xf32, #tpu.memory_space<vmem_shared>> -> memref<160x64xf32, #tpu.memory_space<vmem_shared>>
      tpu.enqueue_dma source(%arg15 : memref<160x64xf32, #tpu.memory_space<vmem>>) target(%dma_start3A_84 : memref<160x64xf32, #tpu.memory_space<vmem_shared>>) target_semaphore(%run_scoped3A : memref<!tpu.dma_semaphore, #tpu.memory_space<semaphore_mem>>)
      %dma_wait3A_85 = arith.constant 0 : i32
      %dma_wait3A_86 = tpu.memref_slice %arg6[%add3A_26, %dma_wait3A_85] : memref<25616x64xf32, #tpu.memory_space<vmem_shared>> -> memref<160x64xf32, #tpu.memory_space<vmem_shared>>
      %dma_wait3A_87 = arith.constant 0 : i32
      %dma_wait3A_88 = tpu.memref_slice %arg6[%add3A_26, %dma_wait3A_87] : memref<25616x64xf32, #tpu.memory_space<vmem_shared>> -> memref<160x64xf32, #tpu.memory_space<vmem_shared>>
      tpu.wait_dma2 semaphore(%run_scoped3A : memref<!tpu.dma_semaphore, #tpu.memory_space<semaphore_mem>>) src(%arg15 : memref<160x64xf32, #tpu.memory_space<vmem>>) dst(%dma_wait3A_88 : memref<160x64xf32, #tpu.memory_space<vmem_shared>>)
      tpu.yield
    }) : () -> ()
    %mul3A_27 = arith.constant 1600 : i32
    %mul3A_28 = arith.muli %arg1, %mul3A_27 : i32
    %add3A_29 = arith.constant 800 : i32
    %add3A_30 = arith.addi %mul3A_28, %add3A_29 : i32
    "tpu.region"() ({
      %run_scoped3A = tpu.sem_alloc : memref<!tpu.dma_semaphore, #tpu.memory_space<semaphore_mem>>
      %dma_start3A_81 = arith.constant 0 : i32
      %dma_start3A_82 = tpu.memref_slice %arg6[%add3A_30, %dma_start3A_81] : memref<25616x64xf32, #tpu.memory_space<vmem_shared>> -> memref<160x64xf32, #tpu.memory_space<vmem_shared>>
      %dma_start3A_83 = arith.constant 0 : i32
      %dma_start3A_84 = tpu.memref_slice %arg6[%add3A_30, %dma_start3A_83] : memref<25616x64xf32, #tpu.memory_space<vmem_shared>> -> memref<160x64xf32, #tpu.memory_space<vmem_shared>>
      tpu.enqueue_dma source(%arg15 : memref<160x64xf32, #tpu.memory_space<vmem>>) target(%dma_start3A_84 : memref<160x64xf32, #tpu.memory_space<vmem_shared>>) target_semaphore(%run_scoped3A : memref<!tpu.dma_semaphore, #tpu.memory_space<semaphore_mem>>)
      %dma_wait3A_85 = arith.constant 0 : i32
      %dma_wait3A_86 = tpu.memref_slice %arg6[%add3A_30, %dma_wait3A_85] : memref<25616x64xf32, #tpu.memory_space<vmem_shared>> -> memref<160x64xf32, #tpu.memory_space<vmem_shared>>
      %dma_wait3A_87 = arith.constant 0 : i32
      %dma_wait3A_88 = tpu.memref_slice %arg6[%add3A_30, %dma_wait3A_87] : memref<25616x64xf32, #tpu.memory_space<vmem_shared>> -> memref<160x64xf32, #tpu.memory_space<vmem_shared>>
      tpu.wait_dma2 semaphore(%run_scoped3A : memref<!tpu.dma_semaphore, #tpu.memory_space<semaphore_mem>>) src(%arg15 : memref<160x64xf32, #tpu.memory_space<vmem>>) dst(%dma_wait3A_88 : memref<160x64xf32, #tpu.memory_space<vmem_shared>>)
      tpu.yield
    }) : () -> ()
    %mul3A_31 = arith.constant 1600 : i32
    %mul3A_32 = arith.muli %arg1, %mul3A_31 : i32
    %add3A_33 = arith.constant 960 : i32
    %add3A_34 = arith.addi %mul3A_32, %add3A_33 : i32
    "tpu.region"() ({
      %run_scoped3A = tpu.sem_alloc : memref<!tpu.dma_semaphore, #tpu.memory_space<semaphore_mem>>
      %dma_start3A_81 = arith.constant 0 : i32
      %dma_start3A_82 = tpu.memref_slice %arg6[%add3A_34, %dma_start3A_81] : memref<25616x64xf32, #tpu.memory_space<vmem_shared>> -> memref<160x64xf32, #tpu.memory_space<vmem_shared>>
      %dma_start3A_83 = arith.constant 0 : i32
      %dma_start3A_84 = tpu.memref_slice %arg6[%add3A_34, %dma_start3A_83] : memref<25616x64xf32, #tpu.memory_space<vmem_shared>> -> memref<160x64xf32, #tpu.memory_space<vmem_shared>>
      tpu.enqueue_dma source(%arg15 : memref<160x64xf32, #tpu.memory_space<vmem>>) target(%dma_start3A_84 : memref<160x64xf32, #tpu.memory_space<vmem_shared>>) target_semaphore(%run_scoped3A : memref<!tpu.dma_semaphore, #tpu.memory_space<semaphore_mem>>)
      %dma_wait3A_85 = arith.constant 0 : i32
      %dma_wait3A_86 = tpu.memref_slice %arg6[%add3A_34, %dma_wait3A_85] : memref<25616x64xf32, #tpu.memory_space<vmem_shared>> -> memref<160x64xf32, #tpu.memory_space<vmem_shared>>
      %dma_wait3A_87 = arith.constant 0 : i32
      %dma_wait3A_88 = tpu.memref_slice %arg6[%add3A_34, %dma_wait3A_87] : memref<25616x64xf32, #tpu.memory_space<vmem_shared>> -> memref<160x64xf32, #tpu.memory_space<vmem_shared>>
      tpu.wait_dma2 semaphore(%run_scoped3A : memref<!tpu.dma_semaphore, #tpu.memory_space<semaphore_mem>>) src(%arg15 : memref<160x64xf32, #tpu.memory_space<vmem>>) dst(%dma_wait3A_88 : memref<160x64xf32, #tpu.memory_space<vmem_shared>>)
      tpu.yield
    }) : () -> ()
    %mul3A_35 = arith.constant 1600 : i32
    %mul3A_36 = arith.muli %arg1, %mul3A_35 : i32
    %add3A_37 = arith.constant 1120 : i32
    %add3A_38 = arith.addi %mul3A_36, %add3A_37 : i32
    "tpu.region"() ({
      %run_scoped3A = tpu.sem_alloc : memref<!tpu.dma_semaphore, #tpu.memory_space<semaphore_mem>>
      %dma_start3A_81 = arith.constant 0 : i32
      %dma_start3A_82 = tpu.memref_slice %arg6[%add3A_38, %dma_start3A_81] : memref<25616x64xf32, #tpu.memory_space<vmem_shared>> -> memref<160x64xf32, #tpu.memory_space<vmem_shared>>
      %dma_start3A_83 = arith.constant 0 : i32
      %dma_start3A_84 = tpu.memref_slice %arg6[%add3A_38, %dma_start3A_83] : memref<25616x64xf32, #tpu.memory_space<vmem_shared>> -> memref<160x64xf32, #tpu.memory_space<vmem_shared>>
      tpu.enqueue_dma source(%arg15 : memref<160x64xf32, #tpu.memory_space<vmem>>) target(%dma_start3A_84 : memref<160x64xf32, #tpu.memory_space<vmem_shared>>) target_semaphore(%run_scoped3A : memref<!tpu.dma_semaphore, #tpu.memory_space<semaphore_mem>>)
      %dma_wait3A_85 = arith.constant 0 : i32
      %dma_wait3A_86 = tpu.memref_slice %arg6[%add3A_38, %dma_wait3A_85] : memref<25616x64xf32, #tpu.memory_space<vmem_shared>> -> memref<160x64xf32, #tpu.memory_space<vmem_shared>>
      %dma_wait3A_87 = arith.constant 0 : i32
      %dma_wait3A_88 = tpu.memref_slice %arg6[%add3A_38, %dma_wait3A_87] : memref<25616x64xf32, #tpu.memory_space<vmem_shared>> -> memref<160x64xf32, #tpu.memory_space<vmem_shared>>
      tpu.wait_dma2 semaphore(%run_scoped3A : memref<!tpu.dma_semaphore, #tpu.memory_space<semaphore_mem>>) src(%arg15 : memref<160x64xf32, #tpu.memory_space<vmem>>) dst(%dma_wait3A_88 : memref<160x64xf32, #tpu.memory_space<vmem_shared>>)
      tpu.yield
    }) : () -> ()
    %mul3A_39 = arith.constant 1600 : i32
    %mul3A_40 = arith.muli %arg1, %mul3A_39 : i32
    %add3A_41 = arith.constant 1280 : i32
    %add3A_42 = arith.addi %mul3A_40, %add3A_41 : i32
    "tpu.region"() ({
      %run_scoped3A = tpu.sem_alloc : memref<!tpu.dma_semaphore, #tpu.memory_space<semaphore_mem>>
      %dma_start3A_81 = arith.constant 0 : i32
      %dma_start3A_82 = tpu.memref_slice %arg6[%add3A_42, %dma_start3A_81] : memref<25616x64xf32, #tpu.memory_space<vmem_shared>> -> memref<160x64xf32, #tpu.memory_space<vmem_shared>>
      %dma_start3A_83 = arith.constant 0 : i32
      %dma_start3A_84 = tpu.memref_slice %arg6[%add3A_42, %dma_start3A_83] : memref<25616x64xf32, #tpu.memory_space<vmem_shared>> -> memref<160x64xf32, #tpu.memory_space<vmem_shared>>
      tpu.enqueue_dma source(%arg15 : memref<160x64xf32, #tpu.memory_space<vmem>>) target(%dma_start3A_84 : memref<160x64xf32, #tpu.memory_space<vmem_shared>>) target_semaphore(%run_scoped3A : memref<!tpu.dma_semaphore, #tpu.memory_space<semaphore_mem>>)
      %dma_wait3A_85 = arith.constant 0 : i32
      %dma_wait3A_86 = tpu.memref_slice %arg6[%add3A_42, %dma_wait3A_85] : memref<25616x64xf32, #tpu.memory_space<vmem_shared>> -> memref<160x64xf32, #tpu.memory_space<vmem_shared>>
      %dma_wait3A_87 = arith.constant 0 : i32
      %dma_wait3A_88 = tpu.memref_slice %arg6[%add3A_42, %dma_wait3A_87] : memref<25616x64xf32, #tpu.memory_space<vmem_shared>> -> memref<160x64xf32, #tpu.memory_space<vmem_shared>>
      tpu.wait_dma2 semaphore(%run_scoped3A : memref<!tpu.dma_semaphore, #tpu.memory_space<semaphore_mem>>) src(%arg15 : memref<160x64xf32, #tpu.memory_space<vmem>>) dst(%dma_wait3A_88 : memref<160x64xf32, #tpu.memory_space<vmem_shared>>)
      tpu.yield
    }) : () -> ()
    %mul3A_43 = arith.constant 1600 : i32
    %mul3A_44 = arith.muli %arg1, %mul3A_43 : i32
    %add3A_45 = arith.constant 1440 : i32
    %add3A_46 = arith.addi %mul3A_44, %add3A_45 : i32
    "tpu.region"() ({
      %run_scoped3A = tpu.sem_alloc : memref<!tpu.dma_semaphore, #tpu.memory_space<semaphore_mem>>
      %dma_start3A_81 = arith.constant 0 : i32
      %dma_start3A_82 = tpu.memref_slice %arg6[%add3A_46, %dma_start3A_81] : memref<25616x64xf32, #tpu.memory_space<vmem_shared>> -> memref<160x64xf32, #tpu.memory_space<vmem_shared>>
      %dma_start3A_83 = arith.constant 0 : i32
      %dma_start3A_84 = tpu.memref_slice %arg6[%add3A_46, %dma_start3A_83] : memref<25616x64xf32, #tpu.memory_space<vmem_shared>> -> memref<160x64xf32, #tpu.memory_space<vmem_shared>>
      tpu.enqueue_dma source(%arg15 : memref<160x64xf32, #tpu.memory_space<vmem>>) target(%dma_start3A_84 : memref<160x64xf32, #tpu.memory_space<vmem_shared>>) target_semaphore(%run_scoped3A : memref<!tpu.dma_semaphore, #tpu.memory_space<semaphore_mem>>)
      %dma_wait3A_85 = arith.constant 0 : i32
      %dma_wait3A_86 = tpu.memref_slice %arg6[%add3A_46, %dma_wait3A_85] : memref<25616x64xf32, #tpu.memory_space<vmem_shared>> -> memref<160x64xf32, #tpu.memory_space<vmem_shared>>
      %dma_wait3A_87 = arith.constant 0 : i32
      %dma_wait3A_88 = tpu.memref_slice %arg6[%add3A_46, %dma_wait3A_87] : memref<25616x64xf32, #tpu.memory_space<vmem_shared>> -> memref<160x64xf32, #tpu.memory_space<vmem_shared>>
      tpu.wait_dma2 semaphore(%run_scoped3A : memref<!tpu.dma_semaphore, #tpu.memory_space<semaphore_mem>>) src(%arg15 : memref<160x64xf32, #tpu.memory_space<vmem>>) dst(%dma_wait3A_88 : memref<160x64xf32, #tpu.memory_space<vmem_shared>>)
      tpu.yield
    }) : () -> ()
    %barrier3A = arith.constant 0 : index
    tpu.barrier barrier_id(%barrier3A)
    %add3A_47 = arith.constant 0 : i32
    %add3A_48 = arith.addi %arg1, %add3A_47 : i32
    %mul3A_49 = arith.constant 128 : i32
    %mul3A_50 = arith.muli %add3A_48, %mul3A_49 : i32
    %dma_start3A = tpu.memref_slice %arg3[%mul3A_50] : memref<802816xi32, #tpu.memory_space<hbm>> -> memref<128xi32, #tpu.memory_space<hbm>>
    %dma_start3A_51 = tpu.memref_slice %arg3[%mul3A_50] : memref<802816xi32, #tpu.memory_space<hbm>> -> memref<128xi32, #tpu.memory_space<hbm>>
    tpu.enqueue_dma source(%dma_start3A_51 : memref<128xi32, #tpu.memory_space<hbm>>) target(%arg7 : memref<128xi32, #tpu.memory_space<vmem>>) target_semaphore(%arg16 : memref<!tpu.dma_semaphore, #tpu.memory_space<semaphore_mem>>)
    %dma_start3A_52 = tpu.memref_slice %arg4[%mul3A_50] : memref<802816xi32, #tpu.memory_space<hbm>> -> memref<128xi32, #tpu.memory_space<hbm>>
    %dma_start3A_53 = tpu.memref_slice %arg4[%mul3A_50] : memref<802816xi32, #tpu.memory_space<hbm>> -> memref<128xi32, #tpu.memory_space<hbm>>
    tpu.enqueue_dma source(%dma_start3A_53 : memref<128xi32, #tpu.memory_space<hbm>>) target(%arg9 : memref<128xi32, #tpu.memory_space<vmem>>) target_semaphore(%arg16 : memref<!tpu.dma_semaphore, #tpu.memory_space<semaphore_mem>>)
    %add3A_54 = arith.constant 16 : i32
    %add3A_55 = arith.addi %arg1, %add3A_54 : i32
    %mul3A_56 = arith.constant 128 : i32
    %mul3A_57 = arith.muli %add3A_55, %mul3A_56 : i32
    %dma_start3A_58 = tpu.memref_slice %arg3[%mul3A_57] : memref<802816xi32, #tpu.memory_space<hbm>> -> memref<128xi32, #tpu.memory_space<hbm>>
    %dma_start3A_59 = tpu.memref_slice %arg3[%mul3A_57] : memref<802816xi32, #tpu.memory_space<hbm>> -> memref<128xi32, #tpu.memory_space<hbm>>
    tpu.enqueue_dma source(%dma_start3A_59 : memref<128xi32, #tpu.memory_space<hbm>>) target(%arg8 : memref<128xi32, #tpu.memory_space<vmem>>) target_semaphore(%arg17 : memref<!tpu.dma_semaphore, #tpu.memory_space<semaphore_mem>>)
    %dma_start3A_60 = tpu.memref_slice %arg4[%mul3A_57] : memref<802816xi32, #tpu.memory_space<hbm>> -> memref<128xi32, #tpu.memory_space<hbm>>
    %dma_start3A_61 = tpu.memref_slice %arg4[%mul3A_57] : memref<802816xi32, #tpu.memory_space<hbm>> -> memref<128xi32, #tpu.memory_space<hbm>>
    tpu.enqueue_dma source(%dma_start3A_61 : memref<128xi32, #tpu.memory_space<hbm>>) target(%arg10 : memref<128xi32, #tpu.memory_space<vmem>>) target_semaphore(%arg17 : memref<!tpu.dma_semaphore, #tpu.memory_space<semaphore_mem>>)
    %dma_wait3A = arith.constant 0 : i32
    %dma_wait3A_62 = tpu.memref_slice %arg3[%dma_wait3A] : memref<802816xi32, #tpu.memory_space<hbm>> -> memref<128xi32, #tpu.memory_space<hbm>>
    %dma_wait3A_63 = arith.constant 0 : i32
    %dma_wait3A_64 = tpu.memref_slice %arg3[%dma_wait3A_63] : memref<802816xi32, #tpu.memory_space<hbm>> -> memref<128xi32, #tpu.memory_space<hbm>>
    tpu.wait_dma2 semaphore(%arg16 : memref<!tpu.dma_semaphore, #tpu.memory_space<semaphore_mem>>) src(%dma_wait3A_64 : memref<128xi32, #tpu.memory_space<hbm>>) dst(%arg7 : memref<128xi32, #tpu.memory_space<vmem>>)
    %dma_wait3A_65 = arith.constant 0 : i32
    %dma_wait3A_66 = tpu.memref_slice %arg3[%dma_wait3A_65] : memref<802816xi32, #tpu.memory_space<hbm>> -> memref<128xi32, #tpu.memory_space<hbm>>
    %dma_wait3A_67 = arith.constant 0 : i32
    %dma_wait3A_68 = tpu.memref_slice %arg3[%dma_wait3A_67] : memref<802816xi32, #tpu.memory_space<hbm>> -> memref<128xi32, #tpu.memory_space<hbm>>
    tpu.wait_dma2 semaphore(%arg16 : memref<!tpu.dma_semaphore, #tpu.memory_space<semaphore_mem>>) src(%dma_wait3A_68 : memref<128xi32, #tpu.memory_space<hbm>>) dst(%arg9 : memref<128xi32, #tpu.memory_space<vmem>>)
    %dma_start3A_69 = arith.constant 0 : i32
    %dma_start3A_70 = arith.constant 0 : i32
    %dma_start3A_71 = tpu.memref_slice %arg2[%dma_start3A_69, %dma_start3A_70] : memref<50000x64xf32, #tpu.memory_space<hbm>> -> memref<50000x64xf32, #tpu.memory_space<hbm>>
    tpu.enqueue_indirect_dma source(%dma_start3A_71 : memref<50000x64xf32, #tpu.memory_space<hbm>>) target(%arg13 : memref<128x64xf32, #tpu.memory_space<vmem>>) offsets(%arg7 : memref<128xi32, #tpu.memory_space<vmem>>) semaphore(%arg18 : memref<!tpu.dma_semaphore, #tpu.memory_space<semaphore_mem>>)
    %scan3A_72 = arith.constant 0 : i32
    %scan3A_73 = arith.constant 196 : i32
    %scan3A_74 = arith.addi %scan3A_72, %scan3A_73 : i32
    %scan3A_75 = arith.constant 1 : i32
    scf.for %scan3A_81 = %scan3A_72 to %scan3A_74 step %scan3A_75  : i32 {
      %mul3A_82 = arith.constant 1 : i32
      %mul3A_83 = arith.muli %scan3A_81, %mul3A_82 : i32
      %add3A_84 = arith.constant 0 : i32
      %add3A_85 = arith.addi %add3A_84, %mul3A_83 : i32
      %mul3A_86 = arith.constant 2 : i32
      %mul3A_87 = arith.muli %mul3A_86, %add3A_85 : i32
      %get3A = arith.constant 0 : index
      %get3A_88 = tpu.vector_load %arg9[%get3A] {strides = array<i32>} : memref<128xi32, #tpu.memory_space<vmem>>, vector<16xi32>,
      %get3A_89 = vector.shape_cast %get3A_88 : vector<16xi32> to vector<16xi32>
      %sub3A = vector.broadcast %mul3A_0 : i32 to vector<16xi32>
      %sub3A_90 = arith.subi %get3A_89, %sub3A : vector<16xi32>
      %ge3A = arith.constant 0 : i32
      %ge3A_91 = vector.broadcast %ge3A : i32 to vector<16xi32>
      %ge3A_92 = arith.cmpi sge, %sub3A_90, %ge3A_91 : vector<16xi32>
      %lt3A = arith.constant 25600 : i32
      %lt3A_93 = vector.broadcast %lt3A : i32 to vector<16xi32>
      %lt3A_94 = arith.cmpi slt, %sub3A_90, %lt3A_93 : vector<16xi32>
      %and3A = arith.andi %ge3A_92, %lt3A_94 : vector<16xi1>
      %broadcast_in_dim3A_95 = vector.broadcast %add3A_1 : i32 to vector<16xi32>
      %select_n3A = arith.select %and3A, %sub3A_90, %broadcast_in_dim3A_95 : vector<16xi1>, vector<16xi32>
      %swap3A = arith.constant 0 : index
      %swap3A_96 = tpu.vector_load %arg11[%swap3A] {strides = array<i32>} : memref<128xi32, #tpu.memory_space<vmem>>, vector<16xi32>,
      %swap3A_97 = vector.shape_cast %swap3A_96 : vector<16xi32> to vector<16xi32>
      %swap3A_98 = vector.shape_cast %select_n3A : vector<16xi32> to vector<16xi32>
      tpu.vector_store %arg11[%swap3A], %swap3A_98 {strides = array<i32>} : memref<128xi32, #tpu.memory_space<vmem>>, vector<16xi32>,
      %get3A_99 = arith.constant 16 : index
      %get3A_100 = tpu.vector_load %arg9[%get3A_99] {strides = array<i32>} : memref<128xi32, #tpu.memory_space<vmem>>, vector<16xi32>,
      %get3A_101 = vector.shape_cast %get3A_100 : vector<16xi32> to vector<16xi32>
      %sub3A_102 = vector.broadcast %mul3A_0 : i32 to vector<16xi32>
      %sub3A_103 = arith.subi %get3A_101, %sub3A_102 : vector<16xi32>
      %ge3A_104 = arith.constant 0 : i32
      %ge3A_105 = vector.broadcast %ge3A_104 : i32 to vector<16xi32>
      %ge3A_106 = arith.cmpi sge, %sub3A_103, %ge3A_105 : vector<16xi32>
      %lt3A_107 = arith.constant 25600 : i32
      %lt3A_108 = vector.broadcast %lt3A_107 : i32 to vector<16xi32>
      %lt3A_109 = arith.cmpi slt, %sub3A_103, %lt3A_108 : vector<16xi32>
      %and3A_110 = arith.andi %ge3A_106, %lt3A_109 : vector<16xi1>
      %broadcast_in_dim3A_111 = vector.broadcast %add3A_1 : i32 to vector<16xi32>
      %select_n3A_112 = arith.select %and3A_110, %sub3A_103, %broadcast_in_dim3A_111 : vector<16xi1>, vector<16xi32>
      %swap3A_113 = arith.constant 16 : index
      %swap3A_114 = tpu.vector_load %arg11[%swap3A_113] {strides = array<i32>} : memref<128xi32, #tpu.memory_space<vmem>>, vector<16xi32>,
      %swap3A_115 = vector.shape_cast %swap3A_114 : vector<16xi32> to vector<16xi32>
      %swap3A_116 = vector.shape_cast %select_n3A_112 : vector<16xi32> to vector<16xi32>
      tpu.vector_store %arg11[%swap3A_113], %swap3A_116 {strides = array<i32>} : memref<128xi32, #tpu.memory_space<vmem>>, vector<16xi32>,
      %get3A_117 = arith.constant 32 : index
      %get3A_118 = tpu.vector_load %arg9[%get3A_117] {strides = array<i32>} : memref<128xi32, #tpu.memory_space<vmem>>, vector<16xi32>,
      %get3A_119 = vector.shape_cast %get3A_118 : vector<16xi32> to vector<16xi32>
      %sub3A_120 = vector.broadcast %mul3A_0 : i32 to vector<16xi32>
      %sub3A_121 = arith.subi %get3A_119, %sub3A_120 : vector<16xi32>
      %ge3A_122 = arith.constant 0 : i32
      %ge3A_123 = vector.broadcast %ge3A_122 : i32 to vector<16xi32>
      %ge3A_124 = arith.cmpi sge, %sub3A_121, %ge3A_123 : vector<16xi32>
      %lt3A_125 = arith.constant 25600 : i32
      %lt3A_126 = vector.broadcast %lt3A_125 : i32 to vector<16xi32>
      %lt3A_127 = arith.cmpi slt, %sub3A_121, %lt3A_126 : vector<16xi32>
      %and3A_128 = arith.andi %ge3A_124, %lt3A_127 : vector<16xi1>
      %broadcast_in_dim3A_129 = vector.broadcast %add3A_1 : i32 to vector<16xi32>
      %select_n3A_130 = arith.select %and3A_128, %sub3A_121, %broadcast_in_dim3A_129 : vector<16xi1>, vector<16xi32>
      %swap3A_131 = arith.constant 32 : index
      %swap3A_132 = tpu.vector_load %arg11[%swap3A_131] {strides = array<i32>} : memref<128xi32, #tpu.memory_space<vmem>>, vector<16xi32>,
      %swap3A_133 = vector.shape_cast %swap3A_132 : vector<16xi32> to vector<16xi32>
      %swap3A_134 = vector.shape_cast %select_n3A_130 : vector<16xi32> to vector<16xi32>
      tpu.vector_store %arg11[%swap3A_131], %swap3A_134 {strides = array<i32>} : memref<128xi32, #tpu.memory_space<vmem>>, vector<16xi32>,
      %get3A_135 = arith.constant 48 : index
      %get3A_136 = tpu.vector_load %arg9[%get3A_135] {strides = array<i32>} : memref<128xi32, #tpu.memory_space<vmem>>, vector<16xi32>,
      %get3A_137 = vector.shape_cast %get3A_136 : vector<16xi32> to vector<16xi32>
      %sub3A_138 = vector.broadcast %mul3A_0 : i32 to vector<16xi32>
      %sub3A_139 = arith.subi %get3A_137, %sub3A_138 : vector<16xi32>
      %ge3A_140 = arith.constant 0 : i32
      %ge3A_141 = vector.broadcast %ge3A_140 : i32 to vector<16xi32>
      %ge3A_142 = arith.cmpi sge, %sub3A_139, %ge3A_141 : vector<16xi32>
      %lt3A_143 = arith.constant 25600 : i32
      %lt3A_144 = vector.broadcast %lt3A_143 : i32 to vector<16xi32>
      %lt3A_145 = arith.cmpi slt, %sub3A_139, %lt3A_144 : vector<16xi32>
      %and3A_146 = arith.andi %ge3A_142, %lt3A_145 : vector<16xi1>
      %broadcast_in_dim3A_147 = vector.broadcast %add3A_1 : i32 to vector<16xi32>
      %select_n3A_148 = arith.select %and3A_146, %sub3A_139, %broadcast_in_dim3A_147 : vector<16xi1>, vector<16xi32>
      %swap3A_149 = arith.constant 48 : index
      %swap3A_150 = tpu.vector_load %arg11[%swap3A_149] {strides = array<i32>} : memref<128xi32, #tpu.memory_space<vmem>>, vector<16xi32>,
      %swap3A_151 = vector.shape_cast %swap3A_150 : vector<16xi32> to vector<16xi32>
      %swap3A_152 = vector.shape_cast %select_n3A_148 : vector<16xi32> to vector<16xi32>
      tpu.vector_store %arg11[%swap3A_149], %swap3A_152 {strides = array<i32>} : memref<128xi32, #tpu.memory_space<vmem>>, vector<16xi32>,
      %get3A_153 = arith.constant 64 : index
      %get3A_154 = tpu.vector_load %arg9[%get3A_153] {strides = array<i32>} : memref<128xi32, #tpu.memory_space<vmem>>, vector<16xi32>,
      %get3A_155 = vector.shape_cast %get3A_154 : vector<16xi32> to vector<16xi32>
      %sub3A_156 = vector.broadcast %mul3A_0 : i32 to vector<16xi32>
      %sub3A_157 = arith.subi %get3A_155, %sub3A_156 : vector<16xi32>
      %ge3A_158 = arith.constant 0 : i32
      %ge3A_159 = vector.broadcast %ge3A_158 : i32 to vector<16xi32>
      %ge3A_160 = arith.cmpi sge, %sub3A_157, %ge3A_159 : vector<16xi32>
      %lt3A_161 = arith.constant 25600 : i32
      %lt3A_162 = vector.broadcast %lt3A_161 : i32 to vector<16xi32>
      %lt3A_163 = arith.cmpi slt, %sub3A_157, %lt3A_162 : vector<16xi32>
      %and3A_164 = arith.andi %ge3A_160, %lt3A_163 : vector<16xi1>
      %broadcast_in_dim3A_165 = vector.broadcast %add3A_1 : i32 to vector<16xi32>
      %select_n3A_166 = arith.select %and3A_164, %sub3A_157, %broadcast_in_dim3A_165 : vector<16xi1>, vector<16xi32>
      %swap3A_167 = arith.constant 64 : index
      %swap3A_168 = tpu.vector_load %arg11[%swap3A_167] {strides = array<i32>} : memref<128xi32, #tpu.memory_space<vmem>>, vector<16xi32>,
      %swap3A_169 = vector.shape_cast %swap3A_168 : vector<16xi32> to vector<16xi32>
      %swap3A_170 = vector.shape_cast %select_n3A_166 : vector<16xi32> to vector<16xi32>
      tpu.vector_store %arg11[%swap3A_167], %swap3A_170 {strides = array<i32>} : memref<128xi32, #tpu.memory_space<vmem>>, vector<16xi32>,
      %get3A_171 = arith.constant 80 : index
      %get3A_172 = tpu.vector_load %arg9[%get3A_171] {strides = array<i32>} : memref<128xi32, #tpu.memory_space<vmem>>, vector<16xi32>,
      %get3A_173 = vector.shape_cast %get3A_172 : vector<16xi32> to vector<16xi32>
      %sub3A_174 = vector.broadcast %mul3A_0 : i32 to vector<16xi32>
      %sub3A_175 = arith.subi %get3A_173, %sub3A_174 : vector<16xi32>
      %ge3A_176 = arith.constant 0 : i32
      %ge3A_177 = vector.broadcast %ge3A_176 : i32 to vector<16xi32>
      %ge3A_178 = arith.cmpi sge, %sub3A_175, %ge3A_177 : vector<16xi32>
      %lt3A_179 = arith.constant 25600 : i32
      %lt3A_180 = vector.broadcast %lt3A_179 : i32 to vector<16xi32>
      %lt3A_181 = arith.cmpi slt, %sub3A_175, %lt3A_180 : vector<16xi32>
      %and3A_182 = arith.andi %ge3A_178, %lt3A_181 : vector<16xi1>
      %broadcast_in_dim3A_183 = vector.broadcast %add3A_1 : i32 to vector<16xi32>
      %select_n3A_184 = arith.select %and3A_182, %sub3A_175, %broadcast_in_dim3A_183 : vector<16xi1>, vector<16xi32>
      %swap3A_185 = arith.constant 80 : index
      %swap3A_186 = tpu.vector_load %arg11[%swap3A_185] {strides = array<i32>} : memref<128xi32, #tpu.memory_space<vmem>>, vector<16xi32>,
      %swap3A_187 = vector.shape_cast %swap3A_186 : vector<16xi32> to vector<16xi32>
      %swap3A_188 = vector.shape_cast %select_n3A_184 : vector<16xi32> to vector<16xi32>
      tpu.vector_store %arg11[%swap3A_185], %swap3A_188 {strides = array<i32>} : memref<128xi32, #tpu.memory_space<vmem>>, vector<16xi32>,
      %get3A_189 = arith.constant 96 : index
      %get3A_190 = tpu.vector_load %arg9[%get3A_189] {strides = array<i32>} : memref<128xi32, #tpu.memory_space<vmem>>, vector<16xi32>,
      %get3A_191 = vector.shape_cast %get3A_190 : vector<16xi32> to vector<16xi32>
      %sub3A_192 = vector.broadcast %mul3A_0 : i32 to vector<16xi32>
      %sub3A_193 = arith.subi %get3A_191, %sub3A_192 : vector<16xi32>
      %ge3A_194 = arith.constant 0 : i32
      %ge3A_195 = vector.broadcast %ge3A_194 : i32 to vector<16xi32>
      %ge3A_196 = arith.cmpi sge, %sub3A_193, %ge3A_195 : vector<16xi32>
      %lt3A_197 = arith.constant 25600 : i32
      %lt3A_198 = vector.broadcast %lt3A_197 : i32 to vector<16xi32>
      %lt3A_199 = arith.cmpi slt, %sub3A_193, %lt3A_198 : vector<16xi32>
      %and3A_200 = arith.andi %ge3A_196, %lt3A_199 : vector<16xi1>
      %broadcast_in_dim3A_201 = vector.broadcast %add3A_1 : i32 to vector<16xi32>
      %select_n3A_202 = arith.select %and3A_200, %sub3A_193, %broadcast_in_dim3A_201 : vector<16xi1>, vector<16xi32>
      %swap3A_203 = arith.constant 96 : index
      %swap3A_204 = tpu.vector_load %arg11[%swap3A_203] {strides = array<i32>} : memref<128xi32, #tpu.memory_space<vmem>>, vector<16xi32>,
      %swap3A_205 = vector.shape_cast %swap3A_204 : vector<16xi32> to vector<16xi32>
      %swap3A_206 = vector.shape_cast %select_n3A_202 : vector<16xi32> to vector<16xi32>
      tpu.vector_store %arg11[%swap3A_203], %swap3A_206 {strides = array<i32>} : memref<128xi32, #tpu.memory_space<vmem>>, vector<16xi32>,
      %get3A_207 = arith.constant 112 : index
      %get3A_208 = tpu.vector_load %arg9[%get3A_207] {strides = array<i32>} : memref<128xi32, #tpu.memory_space<vmem>>, vector<16xi32>,
      %get3A_209 = vector.shape_cast %get3A_208 : vector<16xi32> to vector<16xi32>
      %sub3A_210 = vector.broadcast %mul3A_0 : i32 to vector<16xi32>
      %sub3A_211 = arith.subi %get3A_209, %sub3A_210 : vector<16xi32>
      %ge3A_212 = arith.constant 0 : i32
      %ge3A_213 = vector.broadcast %ge3A_212 : i32 to vector<16xi32>
      %ge3A_214 = arith.cmpi sge, %sub3A_211, %ge3A_213 : vector<16xi32>
      %lt3A_215 = arith.constant 25600 : i32
      %lt3A_216 = vector.broadcast %lt3A_215 : i32 to vector<16xi32>
      %lt3A_217 = arith.cmpi slt, %sub3A_211, %lt3A_216 : vector<16xi32>
      %and3A_218 = arith.andi %ge3A_214, %lt3A_217 : vector<16xi1>
      %broadcast_in_dim3A_219 = vector.broadcast %add3A_1 : i32 to vector<16xi32>
      %select_n3A_220 = arith.select %and3A_218, %sub3A_211, %broadcast_in_dim3A_219 : vector<16xi1>, vector<16xi32>
      %swap3A_221 = arith.constant 112 : index
      %swap3A_222 = tpu.vector_load %arg11[%swap3A_221] {strides = array<i32>} : memref<128xi32, #tpu.memory_space<vmem>>, vector<16xi32>,
      %swap3A_223 = vector.shape_cast %swap3A_222 : vector<16xi32> to vector<16xi32>
      %swap3A_224 = vector.shape_cast %select_n3A_220 : vector<16xi32> to vector<16xi32>
      tpu.vector_store %arg11[%swap3A_221], %swap3A_224 {strides = array<i32>} : memref<128xi32, #tpu.memory_space<vmem>>, vector<16xi32>,
      %dma_wait3A_225 = arith.constant 0 : i32
      %dma_wait3A_226 = tpu.memref_slice %arg3[%dma_wait3A_225] : memref<802816xi32, #tpu.memory_space<hbm>> -> memref<128xi32, #tpu.memory_space<hbm>>
      %dma_wait3A_227 = arith.constant 0 : i32
      %dma_wait3A_228 = tpu.memref_slice %arg3[%dma_wait3A_227] : memref<802816xi32, #tpu.memory_space<hbm>> -> memref<128xi32, #tpu.memory_space<hbm>>
      tpu.wait_dma2 semaphore(%arg17 : memref<!tpu.dma_semaphore, #tpu.memory_space<semaphore_mem>>) src(%dma_wait3A_228 : memref<128xi32, #tpu.memory_space<hbm>>) dst(%arg8 : memref<128xi32, #tpu.memory_space<vmem>>)
      %dma_wait3A_229 = arith.constant 0 : i32
      %dma_wait3A_230 = tpu.memref_slice %arg3[%dma_wait3A_229] : memref<802816xi32, #tpu.memory_space<hbm>> -> memref<128xi32, #tpu.memory_space<hbm>>
      %dma_wait3A_231 = arith.constant 0 : i32
      %dma_wait3A_232 = tpu.memref_slice %arg3[%dma_wait3A_231] : memref<802816xi32, #tpu.memory_space<hbm>> -> memref<128xi32, #tpu.memory_space<hbm>>
      tpu.wait_dma2 semaphore(%arg17 : memref<!tpu.dma_semaphore, #tpu.memory_space<semaphore_mem>>) src(%dma_wait3A_232 : memref<128xi32, #tpu.memory_space<hbm>>) dst(%arg10 : memref<128xi32, #tpu.memory_space<vmem>>)
      %dma_start3A_233 = arith.constant 0 : i32
      %dma_start3A_234 = arith.constant 0 : i32
      %dma_start3A_235 = tpu.memref_slice %arg2[%dma_start3A_233, %dma_start3A_234] : memref<50000x64xf32, #tpu.memory_space<hbm>> -> memref<50000x64xf32, #tpu.memory_space<hbm>>
      tpu.enqueue_indirect_dma source(%dma_start3A_235 : memref<50000x64xf32, #tpu.memory_space<hbm>>) target(%arg14 : memref<128x64xf32, #tpu.memory_space<vmem>>) offsets(%arg8 : memref<128xi32, #tpu.memory_space<vmem>>) semaphore(%arg19 : memref<!tpu.dma_semaphore, #tpu.memory_space<semaphore_mem>>)
      %dma_wait3A_236 = arith.constant 0 : i32
      %dma_wait3A_237 = arith.constant 0 : i32
      %dma_wait3A_238 = tpu.memref_slice %arg2[%dma_wait3A_236, %dma_wait3A_237] : memref<50000x64xf32, #tpu.memory_space<hbm>> -> memref<50000x64xf32, #tpu.memory_space<hbm>>
      tpu.wait_indirect_dma semaphore(%arg18 : memref<!tpu.dma_semaphore, #tpu.memory_space<semaphore_mem>>) src(%dma_wait3A_238 : memref<50000x64xf32, #tpu.memory_space<hbm>>) dst(%arg13 : memref<128x64xf32, #tpu.memory_space<vmem>>)
      %add3A_239 = arith.constant 2 : i32
      %add3A_240 = arith.addi %mul3A_87, %add3A_239 : i32
      %lt3A_241 = arith.constant 392 : i32
      %lt3A_242 = arith.cmpi slt, %add3A_240, %lt3A_241 : i32
      %convert_element_type3A = arith.extui %lt3A_242 : i1 to i32
      %cond3A = arith.constant 0 : i32
      %cond3A_243 = arith.cmpi ne, %convert_element_type3A, %cond3A : i32
      scf.if %cond3A_243 {
        %add3A_405 = arith.constant 2 : i32
        %add3A_406 = arith.addi %mul3A_87, %add3A_405 : i32
        %mul3A_407 = arith.constant 16 : i32
        %mul3A_408 = arith.muli %add3A_406, %mul3A_407 : i32
        %add3A_409 = arith.addi %arg1, %mul3A_408 : i32
        %mul3A_410 = arith.constant 128 : i32
        %mul3A_411 = arith.muli %add3A_409, %mul3A_410 : i32
        %dma_start3A_412 = tpu.memref_slice %arg3[%mul3A_411] : memref<802816xi32, #tpu.memory_space<hbm>> -> memref<128xi32, #tpu.memory_space<hbm>>
        %dma_start3A_413 = tpu.memref_slice %arg3[%mul3A_411] : memref<802816xi32, #tpu.memory_space<hbm>> -> memref<128xi32, #tpu.memory_space<hbm>>
        tpu.enqueue_dma source(%dma_start3A_413 : memref<128xi32, #tpu.memory_space<hbm>>) target(%arg7 : memref<128xi32, #tpu.memory_space<vmem>>) target_semaphore(%arg16 : memref<!tpu.dma_semaphore, #tpu.memory_space<semaphore_mem>>)
        %dma_start3A_414 = tpu.memref_slice %arg4[%mul3A_411] : memref<802816xi32, #tpu.memory_space<hbm>> -> memref<128xi32, #tpu.memory_space<hbm>>
        %dma_start3A_415 = tpu.memref_slice %arg4[%mul3A_411] : memref<802816xi32, #tpu.memory_space<hbm>> -> memref<128xi32, #tpu.memory_space<hbm>>
        tpu.enqueue_dma source(%dma_start3A_415 : memref<128xi32, #tpu.memory_space<hbm>>) target(%arg9 : memref<128xi32, #tpu.memory_space<vmem>>) target_semaphore(%arg16 : memref<!tpu.dma_semaphore, #tpu.memory_space<semaphore_mem>>)
      } else {
      }
      "tpu.region"() ({
        %run_scoped3A = tpu.sem_alloc : memref<!tpu.dma_semaphore, #tpu.memory_space<semaphore_mem>>
        %dma_start3A_405 = arith.constant 0 : i32
        %dma_start3A_406 = arith.constant 0 : i32
        %dma_start3A_407 = tpu.memref_slice %arg6[%dma_start3A_405, %dma_start3A_406] : memref<25616x64xf32, #tpu.memory_space<vmem_shared>> -> memref<25616x64xf32, #tpu.memory_space<vmem_shared>>
        tpu.enqueue_indirect_dma source(%arg13 : memref<128x64xf32, #tpu.memory_space<vmem>>) target(%dma_start3A_407 : memref<25616x64xf32, #tpu.memory_space<vmem_shared>>) offsets(%arg11 : memref<128xi32, #tpu.memory_space<vmem>>) semaphore(%run_scoped3A : memref<!tpu.dma_semaphore, #tpu.memory_space<semaphore_mem>>) {add = true}
        %dma_wait3A_408 = arith.constant 0 : i32
        %dma_wait3A_409 = arith.constant 0 : i32
        %dma_wait3A_410 = tpu.memref_slice %arg6[%dma_wait3A_408, %dma_wait3A_409] : memref<25616x64xf32, #tpu.memory_space<vmem_shared>> -> memref<25616x64xf32, #tpu.memory_space<vmem_shared>>
        tpu.wait_indirect_dma semaphore(%run_scoped3A : memref<!tpu.dma_semaphore, #tpu.memory_space<semaphore_mem>>) src(%arg13 : memref<128x64xf32, #tpu.memory_space<vmem>>) dst(%dma_wait3A_410 : memref<25616x64xf32, #tpu.memory_space<vmem_shared>>)
        tpu.yield
      }) : () -> ()
      %get3A_244 = arith.constant 0 : index
      %get3A_245 = tpu.vector_load %arg10[%get3A_244] {strides = array<i32>} : memref<128xi32, #tpu.memory_space<vmem>>, vector<16xi32>,
      %get3A_246 = vector.shape_cast %get3A_245 : vector<16xi32> to vector<16xi32>
      %sub3A_247 = vector.broadcast %mul3A_0 : i32 to vector<16xi32>
      %sub3A_248 = arith.subi %get3A_246, %sub3A_247 : vector<16xi32>
      %ge3A_249 = arith.constant 0 : i32
      %ge3A_250 = vector.broadcast %ge3A_249 : i32 to vector<16xi32>
      %ge3A_251 = arith.cmpi sge, %sub3A_248, %ge3A_250 : vector<16xi32>
      %lt3A_252 = arith.constant 25600 : i32
      %lt3A_253 = vector.broadcast %lt3A_252 : i32 to vector<16xi32>
      %lt3A_254 = arith.cmpi slt, %sub3A_248, %lt3A_253 : vector<16xi32>
      %and3A_255 = arith.andi %ge3A_251, %lt3A_254 : vector<16xi1>
      %broadcast_in_dim3A_256 = vector.broadcast %add3A_1 : i32 to vector<16xi32>
      %select_n3A_257 = arith.select %and3A_255, %sub3A_248, %broadcast_in_dim3A_256 : vector<16xi1>, vector<16xi32>
      %swap3A_258 = arith.constant 0 : index
      %swap3A_259 = tpu.vector_load %arg12[%swap3A_258] {strides = array<i32>} : memref<128xi32, #tpu.memory_space<vmem>>, vector<16xi32>,
      %swap3A_260 = vector.shape_cast %swap3A_259 : vector<16xi32> to vector<16xi32>
      %swap3A_261 = vector.shape_cast %select_n3A_257 : vector<16xi32> to vector<16xi32>
      tpu.vector_store %arg12[%swap3A_258], %swap3A_261 {strides = array<i32>} : memref<128xi32, #tpu.memory_space<vmem>>, vector<16xi32>,
      %get3A_262 = arith.constant 16 : index
      %get3A_263 = tpu.vector_load %arg10[%get3A_262] {strides = array<i32>} : memref<128xi32, #tpu.memory_space<vmem>>, vector<16xi32>,
      %get3A_264 = vector.shape_cast %get3A_263 : vector<16xi32> to vector<16xi32>
      %sub3A_265 = vector.broadcast %mul3A_0 : i32 to vector<16xi32>
      %sub3A_266 = arith.subi %get3A_264, %sub3A_265 : vector<16xi32>
      %ge3A_267 = arith.constant 0 : i32
      %ge3A_268 = vector.broadcast %ge3A_267 : i32 to vector<16xi32>
      %ge3A_269 = arith.cmpi sge, %sub3A_266, %ge3A_268 : vector<16xi32>
      %lt3A_270 = arith.constant 25600 : i32
      %lt3A_271 = vector.broadcast %lt3A_270 : i32 to vector<16xi32>
      %lt3A_272 = arith.cmpi slt, %sub3A_266, %lt3A_271 : vector<16xi32>
      %and3A_273 = arith.andi %ge3A_269, %lt3A_272 : vector<16xi1>
      %broadcast_in_dim3A_274 = vector.broadcast %add3A_1 : i32 to vector<16xi32>
      %select_n3A_275 = arith.select %and3A_273, %sub3A_266, %broadcast_in_dim3A_274 : vector<16xi1>, vector<16xi32>
      %swap3A_276 = arith.constant 16 : index
      %swap3A_277 = tpu.vector_load %arg12[%swap3A_276] {strides = array<i32>} : memref<128xi32, #tpu.memory_space<vmem>>, vector<16xi32>,
      %swap3A_278 = vector.shape_cast %swap3A_277 : vector<16xi32> to vector<16xi32>
      %swap3A_279 = vector.shape_cast %select_n3A_275 : vector<16xi32> to vector<16xi32>
      tpu.vector_store %arg12[%swap3A_276], %swap3A_279 {strides = array<i32>} : memref<128xi32, #tpu.memory_space<vmem>>, vector<16xi32>,
      %get3A_280 = arith.constant 32 : index
      %get3A_281 = tpu.vector_load %arg10[%get3A_280] {strides = array<i32>} : memref<128xi32, #tpu.memory_space<vmem>>, vector<16xi32>,
      %get3A_282 = vector.shape_cast %get3A_281 : vector<16xi32> to vector<16xi32>
      %sub3A_283 = vector.broadcast %mul3A_0 : i32 to vector<16xi32>
      %sub3A_284 = arith.subi %get3A_282, %sub3A_283 : vector<16xi32>
      %ge3A_285 = arith.constant 0 : i32
      %ge3A_286 = vector.broadcast %ge3A_285 : i32 to vector<16xi32>
      %ge3A_287 = arith.cmpi sge, %sub3A_284, %ge3A_286 : vector<16xi32>
      %lt3A_288 = arith.constant 25600 : i32
      %lt3A_289 = vector.broadcast %lt3A_288 : i32 to vector<16xi32>
      %lt3A_290 = arith.cmpi slt, %sub3A_284, %lt3A_289 : vector<16xi32>
      %and3A_291 = arith.andi %ge3A_287, %lt3A_290 : vector<16xi1>
      %broadcast_in_dim3A_292 = vector.broadcast %add3A_1 : i32 to vector<16xi32>
      %select_n3A_293 = arith.select %and3A_291, %sub3A_284, %broadcast_in_dim3A_292 : vector<16xi1>, vector<16xi32>
      %swap3A_294 = arith.constant 32 : index
      %swap3A_295 = tpu.vector_load %arg12[%swap3A_294] {strides = array<i32>} : memref<128xi32, #tpu.memory_space<vmem>>, vector<16xi32>,
      %swap3A_296 = vector.shape_cast %swap3A_295 : vector<16xi32> to vector<16xi32>
      %swap3A_297 = vector.shape_cast %select_n3A_293 : vector<16xi32> to vector<16xi32>
      tpu.vector_store %arg12[%swap3A_294], %swap3A_297 {strides = array<i32>} : memref<128xi32, #tpu.memory_space<vmem>>, vector<16xi32>,
      %get3A_298 = arith.constant 48 : index
      %get3A_299 = tpu.vector_load %arg10[%get3A_298] {strides = array<i32>} : memref<128xi32, #tpu.memory_space<vmem>>, vector<16xi32>,
      %get3A_300 = vector.shape_cast %get3A_299 : vector<16xi32> to vector<16xi32>
      %sub3A_301 = vector.broadcast %mul3A_0 : i32 to vector<16xi32>
      %sub3A_302 = arith.subi %get3A_300, %sub3A_301 : vector<16xi32>
      %ge3A_303 = arith.constant 0 : i32
      %ge3A_304 = vector.broadcast %ge3A_303 : i32 to vector<16xi32>
      %ge3A_305 = arith.cmpi sge, %sub3A_302, %ge3A_304 : vector<16xi32>
      %lt3A_306 = arith.constant 25600 : i32
      %lt3A_307 = vector.broadcast %lt3A_306 : i32 to vector<16xi32>
      %lt3A_308 = arith.cmpi slt, %sub3A_302, %lt3A_307 : vector<16xi32>
      %and3A_309 = arith.andi %ge3A_305, %lt3A_308 : vector<16xi1>
      %broadcast_in_dim3A_310 = vector.broadcast %add3A_1 : i32 to vector<16xi32>
      %select_n3A_311 = arith.select %and3A_309, %sub3A_302, %broadcast_in_dim3A_310 : vector<16xi1>, vector<16xi32>
      %swap3A_312 = arith.constant 48 : index
      %swap3A_313 = tpu.vector_load %arg12[%swap3A_312] {strides = array<i32>} : memref<128xi32, #tpu.memory_space<vmem>>, vector<16xi32>,
      %swap3A_314 = vector.shape_cast %swap3A_313 : vector<16xi32> to vector<16xi32>
      %swap3A_315 = vector.shape_cast %select_n3A_311 : vector<16xi32> to vector<16xi32>
      tpu.vector_store %arg12[%swap3A_312], %swap3A_315 {strides = array<i32>} : memref<128xi32, #tpu.memory_space<vmem>>, vector<16xi32>,
      %get3A_316 = arith.constant 64 : index
      %get3A_317 = tpu.vector_load %arg10[%get3A_316] {strides = array<i32>} : memref<128xi32, #tpu.memory_space<vmem>>, vector<16xi32>,
      %get3A_318 = vector.shape_cast %get3A_317 : vector<16xi32> to vector<16xi32>
      %sub3A_319 = vector.broadcast %mul3A_0 : i32 to vector<16xi32>
      %sub3A_320 = arith.subi %get3A_318, %sub3A_319 : vector<16xi32>
      %ge3A_321 = arith.constant 0 : i32
      %ge3A_322 = vector.broadcast %ge3A_321 : i32 to vector<16xi32>
      %ge3A_323 = arith.cmpi sge, %sub3A_320, %ge3A_322 : vector<16xi32>
      %lt3A_324 = arith.constant 25600 : i32
      %lt3A_325 = vector.broadcast %lt3A_324 : i32 to vector<16xi32>
      %lt3A_326 = arith.cmpi slt, %sub3A_320, %lt3A_325 : vector<16xi32>
      %and3A_327 = arith.andi %ge3A_323, %lt3A_326 : vector<16xi1>
      %broadcast_in_dim3A_328 = vector.broadcast %add3A_1 : i32 to vector<16xi32>
      %select_n3A_329 = arith.select %and3A_327, %sub3A_320, %broadcast_in_dim3A_328 : vector<16xi1>, vector<16xi32>
      %swap3A_330 = arith.constant 64 : index
      %swap3A_331 = tpu.vector_load %arg12[%swap3A_330] {strides = array<i32>} : memref<128xi32, #tpu.memory_space<vmem>>, vector<16xi32>,
      %swap3A_332 = vector.shape_cast %swap3A_331 : vector<16xi32> to vector<16xi32>
      %swap3A_333 = vector.shape_cast %select_n3A_329 : vector<16xi32> to vector<16xi32>
      tpu.vector_store %arg12[%swap3A_330], %swap3A_333 {strides = array<i32>} : memref<128xi32, #tpu.memory_space<vmem>>, vector<16xi32>,
      %get3A_334 = arith.constant 80 : index
      %get3A_335 = tpu.vector_load %arg10[%get3A_334] {strides = array<i32>} : memref<128xi32, #tpu.memory_space<vmem>>, vector<16xi32>,
      %get3A_336 = vector.shape_cast %get3A_335 : vector<16xi32> to vector<16xi32>
      %sub3A_337 = vector.broadcast %mul3A_0 : i32 to vector<16xi32>
      %sub3A_338 = arith.subi %get3A_336, %sub3A_337 : vector<16xi32>
      %ge3A_339 = arith.constant 0 : i32
      %ge3A_340 = vector.broadcast %ge3A_339 : i32 to vector<16xi32>
      %ge3A_341 = arith.cmpi sge, %sub3A_338, %ge3A_340 : vector<16xi32>
      %lt3A_342 = arith.constant 25600 : i32
      %lt3A_343 = vector.broadcast %lt3A_342 : i32 to vector<16xi32>
      %lt3A_344 = arith.cmpi slt, %sub3A_338, %lt3A_343 : vector<16xi32>
      %and3A_345 = arith.andi %ge3A_341, %lt3A_344 : vector<16xi1>
      %broadcast_in_dim3A_346 = vector.broadcast %add3A_1 : i32 to vector<16xi32>
      %select_n3A_347 = arith.select %and3A_345, %sub3A_338, %broadcast_in_dim3A_346 : vector<16xi1>, vector<16xi32>
      %swap3A_348 = arith.constant 80 : index
      %swap3A_349 = tpu.vector_load %arg12[%swap3A_348] {strides = array<i32>} : memref<128xi32, #tpu.memory_space<vmem>>, vector<16xi32>,
      %swap3A_350 = vector.shape_cast %swap3A_349 : vector<16xi32> to vector<16xi32>
      %swap3A_351 = vector.shape_cast %select_n3A_347 : vector<16xi32> to vector<16xi32>
      tpu.vector_store %arg12[%swap3A_348], %swap3A_351 {strides = array<i32>} : memref<128xi32, #tpu.memory_space<vmem>>, vector<16xi32>,
      %get3A_352 = arith.constant 96 : index
      %get3A_353 = tpu.vector_load %arg10[%get3A_352] {strides = array<i32>} : memref<128xi32, #tpu.memory_space<vmem>>, vector<16xi32>,
      %get3A_354 = vector.shape_cast %get3A_353 : vector<16xi32> to vector<16xi32>
      %sub3A_355 = vector.broadcast %mul3A_0 : i32 to vector<16xi32>
      %sub3A_356 = arith.subi %get3A_354, %sub3A_355 : vector<16xi32>
      %ge3A_357 = arith.constant 0 : i32
      %ge3A_358 = vector.broadcast %ge3A_357 : i32 to vector<16xi32>
      %ge3A_359 = arith.cmpi sge, %sub3A_356, %ge3A_358 : vector<16xi32>
      %lt3A_360 = arith.constant 25600 : i32
      %lt3A_361 = vector.broadcast %lt3A_360 : i32 to vector<16xi32>
      %lt3A_362 = arith.cmpi slt, %sub3A_356, %lt3A_361 : vector<16xi32>
      %and3A_363 = arith.andi %ge3A_359, %lt3A_362 : vector<16xi1>
      %broadcast_in_dim3A_364 = vector.broadcast %add3A_1 : i32 to vector<16xi32>
      %select_n3A_365 = arith.select %and3A_363, %sub3A_356, %broadcast_in_dim3A_364 : vector<16xi1>, vector<16xi32>
      %swap3A_366 = arith.constant 96 : index
      %swap3A_367 = tpu.vector_load %arg12[%swap3A_366] {strides = array<i32>} : memref<128xi32, #tpu.memory_space<vmem>>, vector<16xi32>,
      %swap3A_368 = vector.shape_cast %swap3A_367 : vector<16xi32> to vector<16xi32>
      %swap3A_369 = vector.shape_cast %select_n3A_365 : vector<16xi32> to vector<16xi32>
      tpu.vector_store %arg12[%swap3A_366], %swap3A_369 {strides = array<i32>} : memref<128xi32, #tpu.memory_space<vmem>>, vector<16xi32>,
      %get3A_370 = arith.constant 112 : index
      %get3A_371 = tpu.vector_load %arg10[%get3A_370] {strides = array<i32>} : memref<128xi32, #tpu.memory_space<vmem>>, vector<16xi32>,
      %get3A_372 = vector.shape_cast %get3A_371 : vector<16xi32> to vector<16xi32>
      %sub3A_373 = vector.broadcast %mul3A_0 : i32 to vector<16xi32>
      %sub3A_374 = arith.subi %get3A_372, %sub3A_373 : vector<16xi32>
      %ge3A_375 = arith.constant 0 : i32
      %ge3A_376 = vector.broadcast %ge3A_375 : i32 to vector<16xi32>
      %ge3A_377 = arith.cmpi sge, %sub3A_374, %ge3A_376 : vector<16xi32>
      %lt3A_378 = arith.constant 25600 : i32
      %lt3A_379 = vector.broadcast %lt3A_378 : i32 to vector<16xi32>
      %lt3A_380 = arith.cmpi slt, %sub3A_374, %lt3A_379 : vector<16xi32>
      %and3A_381 = arith.andi %ge3A_377, %lt3A_380 : vector<16xi1>
      %broadcast_in_dim3A_382 = vector.broadcast %add3A_1 : i32 to vector<16xi32>
      %select_n3A_383 = arith.select %and3A_381, %sub3A_374, %broadcast_in_dim3A_382 : vector<16xi1>, vector<16xi32>
      %swap3A_384 = arith.constant 112 : index
      %swap3A_385 = tpu.vector_load %arg12[%swap3A_384] {strides = array<i32>} : memref<128xi32, #tpu.memory_space<vmem>>, vector<16xi32>,
      %swap3A_386 = vector.shape_cast %swap3A_385 : vector<16xi32> to vector<16xi32>
      %swap3A_387 = vector.shape_cast %select_n3A_383 : vector<16xi32> to vector<16xi32>
      tpu.vector_store %arg12[%swap3A_384], %swap3A_387 {strides = array<i32>} : memref<128xi32, #tpu.memory_space<vmem>>, vector<16xi32>,
      %add3A_388 = arith.constant 2 : i32
      %add3A_389 = arith.addi %mul3A_87, %add3A_388 : i32
      %lt3A_390 = arith.constant 392 : i32
      %lt3A_391 = arith.cmpi slt, %add3A_389, %lt3A_390 : i32
      %convert_element_type3A_392 = arith.extui %lt3A_391 : i1 to i32
      %cond3A_393 = arith.constant 0 : i32
      %cond3A_394 = arith.cmpi ne, %convert_element_type3A_392, %cond3A_393 : i32
      scf.if %cond3A_394 {
        %dma_wait3A_405 = arith.constant 0 : i32
        %dma_wait3A_406 = tpu.memref_slice %arg3[%dma_wait3A_405] : memref<802816xi32, #tpu.memory_space<hbm>> -> memref<128xi32, #tpu.memory_space<hbm>>
        %dma_wait3A_407 = arith.constant 0 : i32
        %dma_wait3A_408 = tpu.memref_slice %arg3[%dma_wait3A_407] : memref<802816xi32, #tpu.memory_space<hbm>> -> memref<128xi32, #tpu.memory_space<hbm>>
        tpu.wait_dma2 semaphore(%arg16 : memref<!tpu.dma_semaphore, #tpu.memory_space<semaphore_mem>>) src(%dma_wait3A_408 : memref<128xi32, #tpu.memory_space<hbm>>) dst(%arg7 : memref<128xi32, #tpu.memory_space<vmem>>)
        %dma_wait3A_409 = arith.constant 0 : i32
        %dma_wait3A_410 = tpu.memref_slice %arg3[%dma_wait3A_409] : memref<802816xi32, #tpu.memory_space<hbm>> -> memref<128xi32, #tpu.memory_space<hbm>>
        %dma_wait3A_411 = arith.constant 0 : i32
        %dma_wait3A_412 = tpu.memref_slice %arg3[%dma_wait3A_411] : memref<802816xi32, #tpu.memory_space<hbm>> -> memref<128xi32, #tpu.memory_space<hbm>>
        tpu.wait_dma2 semaphore(%arg16 : memref<!tpu.dma_semaphore, #tpu.memory_space<semaphore_mem>>) src(%dma_wait3A_412 : memref<128xi32, #tpu.memory_space<hbm>>) dst(%arg9 : memref<128xi32, #tpu.memory_space<vmem>>)
        %dma_start3A_413 = arith.constant 0 : i32
        %dma_start3A_414 = arith.constant 0 : i32
        %dma_start3A_415 = tpu.memref_slice %arg2[%dma_start3A_413, %dma_start3A_414] : memref<50000x64xf32, #tpu.memory_space<hbm>> -> memref<50000x64xf32, #tpu.memory_space<hbm>>
        tpu.enqueue_indirect_dma source(%dma_start3A_415 : memref<50000x64xf32, #tpu.memory_space<hbm>>) target(%arg13 : memref<128x64xf32, #tpu.memory_space<vmem>>) offsets(%arg7 : memref<128xi32, #tpu.memory_space<vmem>>) semaphore(%arg18 : memref<!tpu.dma_semaphore, #tpu.memory_space<semaphore_mem>>)
      } else {
      }
      %dma_wait3A_395 = arith.constant 0 : i32
      %dma_wait3A_396 = arith.constant 0 : i32
      %dma_wait3A_397 = tpu.memref_slice %arg2[%dma_wait3A_395, %dma_wait3A_396] : memref<50000x64xf32, #tpu.memory_space<hbm>> -> memref<50000x64xf32, #tpu.memory_space<hbm>>
      tpu.wait_indirect_dma semaphore(%arg19 : memref<!tpu.dma_semaphore, #tpu.memory_space<semaphore_mem>>) src(%dma_wait3A_397 : memref<50000x64xf32, #tpu.memory_space<hbm>>) dst(%arg14 : memref<128x64xf32, #tpu.memory_space<vmem>>)
      %add3A_398 = arith.constant 3 : i32
      %add3A_399 = arith.addi %mul3A_87, %add3A_398 : i32
      %lt3A_400 = arith.constant 392 : i32
      %lt3A_401 = arith.cmpi slt, %add3A_399, %lt3A_400 : i32
      %convert_element_type3A_402 = arith.extui %lt3A_401 : i1 to i32
      %cond3A_403 = arith.constant 0 : i32
      %cond3A_404 = arith.cmpi ne, %convert_element_type3A_402, %cond3A_403 : i32
      scf.if %cond3A_404 {
        %add3A_405 = arith.constant 3 : i32
        %add3A_406 = arith.addi %mul3A_87, %add3A_405 : i32
        %mul3A_407 = arith.constant 16 : i32
        %mul3A_408 = arith.muli %add3A_406, %mul3A_407 : i32
        %add3A_409 = arith.addi %arg1, %mul3A_408 : i32
        %mul3A_410 = arith.constant 128 : i32
        %mul3A_411 = arith.muli %add3A_409, %mul3A_410 : i32
        %dma_start3A_412 = tpu.memref_slice %arg3[%mul3A_411] : memref<802816xi32, #tpu.memory_space<hbm>> -> memref<128xi32, #tpu.memory_space<hbm>>
        %dma_start3A_413 = tpu.memref_slice %arg3[%mul3A_411] : memref<802816xi32, #tpu.memory_space<hbm>> -> memref<128xi32, #tpu.memory_space<hbm>>
        tpu.enqueue_dma source(%dma_start3A_413 : memref<128xi32, #tpu.memory_space<hbm>>) target(%arg8 : memref<128xi32, #tpu.memory_space<vmem>>) target_semaphore(%arg17 : memref<!tpu.dma_semaphore, #tpu.memory_space<semaphore_mem>>)
        %dma_start3A_414 = tpu.memref_slice %arg4[%mul3A_411] : memref<802816xi32, #tpu.memory_space<hbm>> -> memref<128xi32, #tpu.memory_space<hbm>>
        %dma_start3A_415 = tpu.memref_slice %arg4[%mul3A_411] : memref<802816xi32, #tpu.memory_space<hbm>> -> memref<128xi32, #tpu.memory_space<hbm>>
        tpu.enqueue_dma source(%dma_start3A_415 : memref<128xi32, #tpu.memory_space<hbm>>) target(%arg10 : memref<128xi32, #tpu.memory_space<vmem>>) target_semaphore(%arg17 : memref<!tpu.dma_semaphore, #tpu.memory_space<semaphore_mem>>)
      } else {
      }
      "tpu.region"() ({
        %run_scoped3A = tpu.sem_alloc : memref<!tpu.dma_semaphore, #tpu.memory_space<semaphore_mem>>
        %dma_start3A_405 = arith.constant 0 : i32
        %dma_start3A_406 = arith.constant 0 : i32
        %dma_start3A_407 = tpu.memref_slice %arg6[%dma_start3A_405, %dma_start3A_406] : memref<25616x64xf32, #tpu.memory_space<vmem_shared>> -> memref<25616x64xf32, #tpu.memory_space<vmem_shared>>
        tpu.enqueue_indirect_dma source(%arg14 : memref<128x64xf32, #tpu.memory_space<vmem>>) target(%dma_start3A_407 : memref<25616x64xf32, #tpu.memory_space<vmem_shared>>) offsets(%arg12 : memref<128xi32, #tpu.memory_space<vmem>>) semaphore(%run_scoped3A : memref<!tpu.dma_semaphore, #tpu.memory_space<semaphore_mem>>) {add = true}
        %dma_wait3A_408 = arith.constant 0 : i32
        %dma_wait3A_409 = arith.constant 0 : i32
        %dma_wait3A_410 = tpu.memref_slice %arg6[%dma_wait3A_408, %dma_wait3A_409] : memref<25616x64xf32, #tpu.memory_space<vmem_shared>> -> memref<25616x64xf32, #tpu.memory_space<vmem_shared>>
        tpu.wait_indirect_dma semaphore(%run_scoped3A : memref<!tpu.dma_semaphore, #tpu.memory_space<semaphore_mem>>) src(%arg14 : memref<128x64xf32, #tpu.memory_space<vmem>>) dst(%dma_wait3A_410 : memref<25616x64xf32, #tpu.memory_space<vmem_shared>>)
        tpu.yield
      }) : () -> ()
    }
    %scan3A_76 = arith.constant 196 : i32
    %barrier3A_77 = arith.constant 0 : index
    tpu.barrier barrier_id(%barrier3A_77)
    %mul3A_78 = arith.constant 1600 : i32
    %mul3A_79 = arith.muli %arg1, %mul3A_78 : i32
    %add3A_80 = arith.addi %mul3A_0, %mul3A_79 : i32
    "tpu.region"() ({
      %run_scoped3A = tpu.sem_alloc : memref<!tpu.dma_semaphore, #tpu.memory_space<semaphore_mem>>
      %dma_start3A_81 = arith.constant 0 : i32
      %dma_start3A_82 = tpu.memref_slice %arg5[%add3A_80, %dma_start3A_81] : memref<51200x64xf32, #tpu.memory_space<hbm>> -> memref<1600x64xf32, #tpu.memory_space<hbm>>
      %dma_start3A_83 = arith.constant 0 : i32
      %dma_start3A_84 = tpu.memref_slice %arg6[%mul3A_79, %dma_start3A_83] : memref<25616x64xf32, #tpu.memory_space<vmem_shared>> -> memref<1600x64xf32, #tpu.memory_space<vmem_shared>>
      tpu.enqueue_dma source(%dma_start3A_84 : memref<1600x64xf32, #tpu.memory_space<vmem_shared>>) target(%dma_start3A_82 : memref<1600x64xf32, #tpu.memory_space<hbm>>) target_semaphore(%run_scoped3A : memref<!tpu.dma_semaphore, #tpu.memory_space<semaphore_mem>>)
      %dma_wait3A_85 = arith.constant 0 : i32
      %dma_wait3A_86 = tpu.memref_slice %arg5[%add3A_80, %dma_wait3A_85] : memref<51200x64xf32, #tpu.memory_space<hbm>> -> memref<1600x64xf32, #tpu.memory_space<hbm>>
      %dma_wait3A_87 = arith.constant 0 : i32
      %dma_wait3A_88 = tpu.memref_slice %arg6[%mul3A_79, %dma_wait3A_87] : memref<25616x64xf32, #tpu.memory_space<vmem_shared>> -> memref<1600x64xf32, #tpu.memory_space<vmem_shared>>
      tpu.wait_dma2 semaphore(%run_scoped3A : memref<!tpu.dma_semaphore, #tpu.memory_space<semaphore_mem>>) src(%dma_wait3A_88 : memref<1600x64xf32, #tpu.memory_space<vmem_shared>>) dst(%dma_wait3A_86 : memref<1600x64xf32, #tpu.memory_space<hbm>>)
      tpu.yield
    }) : () -> ()
    return
  }
}

#map = affine_map<(d0, d1) -> (0, 0)>
#map1 = affine_map<(d0, d1) -> (0)>
module attributes {stable_mosaic.version = 14 : i64} {
  func.func @_spmm_kernel(%arg0: i32, %arg1: i32, %arg2: memref<50000x64xf32, #tpu.memory_space<hbm>>, %arg3: memref<802816xi32, #tpu.memory_space<hbm>>, %arg4: memref<802816xi32, #tpu.memory_space<hbm>>, %arg5: memref<51200x64xf32, #tpu.memory_space<hbm>>, %arg6: memref<25616x64xf32, #tpu.memory_space<vmem_shared>>, %arg7: memref<128xi32, #tpu.memory_space<vmem>>, %arg8: memref<128xi32, #tpu.memory_space<vmem>>, %arg9: memref<128xi32, #tpu.memory_space<vmem>>, %arg10: memref<128xi32, #tpu.memory_space<vmem>>, %arg11: memref<128xi32, #tpu.memory_space<vmem>>, %arg12: memref<128xi32, #tpu.memory_space<vmem>>, %arg13: memref<128x64xf32, #tpu.memory_space<vmem>>, %arg14: memref<128x64xf32, #tpu.memory_space<vmem>>, %arg15: memref<160x64xf32, #tpu.memory_space<vmem>>, %arg16: memref<!tpu.dma_semaphore, #tpu.memory_space<semaphore_mem>>, %arg17: memref<!tpu.dma_semaphore, #tpu.memory_space<semaphore_mem>>, %arg18: memref<!tpu.dma_semaphore, #tpu.memory_space<semaphore_mem>>, %arg19: memref<!tpu.dma_semaphore, #tpu.memory_space<semaphore_mem>>) attributes {dimension_semantics = [#tpu.dimension_semantics<core_parallel>, #tpu.dimension_semantics<subcore_parallel>], iteration_bounds = array<i64: 2, 16>, scalar_prefetch = 0 : i64, scratch_operands = 14 : i64, tpu.core_type = #tpu.core_type<sc_vector_subcore>, window_params = [{transform_indices = #map}, {transform_indices = #map1}, {transform_indices = #map1}, {transform_indices = #map}]} {
    %mul3A = arith.constant 25600 : i32
    %mul3A_0 = arith.muli %arg0, %mul3A : i32
    %add3A = arith.constant 25600 : i32
    %add3A_1 = arith.addi %add3A, %arg1 : i32
    %broadcast_in_dim3A = arith.constant 0.000000e+00 : f32
    %broadcast_in_dim3A_2 = vector.broadcast %broadcast_in_dim3A : f32 to vector<16xf32>
    %scan3A = arith.constant 0 : i32
    %scan3A_3 = arith.constant 160 : i32
    %scan3A_4 = arith.addi %scan3A, %scan3A_3 : i32
    %scan3A_5 = arith.constant 1 : i32
    scf.for %scan3A_81 = %scan3A to %scan3A_4 step %scan3A_5  : i32 {
      %mul3A_82 = arith.constant 1 : i32
      %mul3A_83 = arith.muli %scan3A_81, %mul3A_82 : i32
      %add3A_84 = arith.constant 0 : i32
      %add3A_85 = arith.addi %add3A_84, %mul3A_83 : i32
      %swap3A = arith.index_cast %add3A_85 : i32 to index
      %swap3A_86 = arith.constant 0 : index
      %swap3A_87 = tpu.vector_load %arg15[%swap3A, %swap3A_86] {strides = array<i32>} : memref<160x64xf32, #tpu.memory_space<vmem>>, vector<1x16xf32>,
      %swap3A_88 = vector.shape_cast %swap3A_87 : vector<1x16xf32> to vector<16xf32>
      %swap3A_89 = vector.shape_cast %broadcast_in_dim3A_2 : vector<16xf32> to vector<1x16xf32>
      tpu.vector_store %arg15[%swap3A, %swap3A_86], %swap3A_89 {strides = array<i32>} : memref<160x64xf32, #tpu.memory_space<vmem>>, vector<1x16xf32>,
      %swap3A_90 = arith.index_cast %add3A_85 : i32 to index
      %swap3A_91 = arith.constant 16 : index
      %swap3A_92 = tpu.vector_load %arg15[%swap3A_90, %swap3A_91] {strides = array<i32>} : memref<160x64xf32, #tpu.memory_space<vmem>>, vector<1x16xf32>,
      %swap3A_93 = vector.shape_cast %swap3A_92 : vector<1x16xf32> to vector<16xf32>
      %swap3A_94 = vector.shape_cast %broadcast_in_dim3A_2 : vector<16xf32> to vector<1x16xf32>
      tpu.vector_store %arg15[%swap3A_90, %swap3A_91], %swap3A_94 {strides = array<i32>} : memref<160x64xf32, #tpu.memory_space<vmem>>, vector<1x16xf32>,
      %swap3A_95 = arith.index_cast %add3A_85 : i32 to index
      %swap3A_96 = arith.constant 32 : index
      %swap3A_97 = tpu.vector_load %arg15[%swap3A_95, %swap3A_96] {strides = array<i32>} : memref<160x64xf32, #tpu.memory_space<vmem>>, vector<1x16xf32>,
      %swap3A_98 = vector.shape_cast %swap3A_97 : vector<1x16xf32> to vector<16xf32>
      %swap3A_99 = vector.shape_cast %broadcast_in_dim3A_2 : vector<16xf32> to vector<1x16xf32>
      tpu.vector_store %arg15[%swap3A_95, %swap3A_96], %swap3A_99 {strides = array<i32>} : memref<160x64xf32, #tpu.memory_space<vmem>>, vector<1x16xf32>,
      %swap3A_100 = arith.index_cast %add3A_85 : i32 to index
      %swap3A_101 = arith.constant 48 : index
      %swap3A_102 = tpu.vector_load %arg15[%swap3A_100, %swap3A_101] {strides = array<i32>} : memref<160x64xf32, #tpu.memory_space<vmem>>, vector<1x16xf32>,
      %swap3A_103 = vector.shape_cast %swap3A_102 : vector<1x16xf32> to vector<16xf32>
      %swap3A_104 = vector.shape_cast %broadcast_in_dim3A_2 : vector<16xf32> to vector<1x16xf32>
      tpu.vector_store %arg15[%swap3A_100, %swap3A_101], %swap3A_104 {strides = array<i32>} : memref<160x64xf32, #tpu.memory_space<vmem>>, vector<1x16xf32>,
    }
    %scan3A_6 = arith.constant 160 : i32
    %mul3A_7 = arith.constant 1600 : i32
    %mul3A_8 = arith.muli %arg1, %mul3A_7 : i32
    %add3A_9 = arith.constant 0 : i32
    %add3A_10 = arith.addi %mul3A_8, %add3A_9 : i32
    "tpu.region"() ({
      %run_scoped3A = tpu.sem_alloc : memref<!tpu.dma_semaphore, #tpu.memory_space<semaphore_mem>>
      %dma_start3A_81 = arith.constant 0 : i32
      %dma_start3A_82 = tpu.memref_slice %arg6[%add3A_10, %dma_start3A_81] : memref<25616x64xf32, #tpu.memory_space<vmem_shared>> -> memref<160x64xf32, #tpu.memory_space<vmem_shared>>
      %dma_start3A_83 = arith.constant 0 : i32
      %dma_start3A_84 = tpu.memref_slice %arg6[%add3A_10, %dma_start3A_83] : memref<25616x64xf32, #tpu.memory_space<vmem_shared>> -> memref<160x64xf32, #tpu.memory_space<vmem_shared>>
      tpu.enqueue_dma source(%arg15 : memref<160x64xf32, #tpu.memory_space<vmem>>) target(%dma_start3A_84 : memref<160x64xf32, #tpu.memory_space<vmem_shared>>) target_semaphore(%run_scoped3A : memref<!tpu.dma_semaphore, #tpu.memory_space<semaphore_mem>>)
      %dma_wait3A_85 = arith.constant 0 : i32
      %dma_wait3A_86 = tpu.memref_slice %arg6[%add3A_10, %dma_wait3A_85] : memref<25616x64xf32, #tpu.memory_space<vmem_shared>> -> memref<160x64xf32, #tpu.memory_space<vmem_shared>>
      %dma_wait3A_87 = arith.constant 0 : i32
      %dma_wait3A_88 = tpu.memref_slice %arg6[%add3A_10, %dma_wait3A_87] : memref<25616x64xf32, #tpu.memory_space<vmem_shared>> -> memref<160x64xf32, #tpu.memory_space<vmem_shared>>
      tpu.wait_dma2 semaphore(%run_scoped3A : memref<!tpu.dma_semaphore, #tpu.memory_space<semaphore_mem>>) src(%arg15 : memref<160x64xf32, #tpu.memory_space<vmem>>) dst(%dma_wait3A_88 : memref<160x64xf32, #tpu.memory_space<vmem_shared>>)
      tpu.yield
    }) : () -> ()
    %mul3A_11 = arith.constant 1600 : i32
    %mul3A_12 = arith.muli %arg1, %mul3A_11 : i32
    %add3A_13 = arith.constant 160 : i32
    %add3A_14 = arith.addi %mul3A_12, %add3A_13 : i32
    "tpu.region"() ({
      %run_scoped3A = tpu.sem_alloc : memref<!tpu.dma_semaphore, #tpu.memory_space<semaphore_mem>>
      %dma_start3A_81 = arith.constant 0 : i32
      %dma_start3A_82 = tpu.memref_slice %arg6[%add3A_14, %dma_start3A_81] : memref<25616x64xf32, #tpu.memory_space<vmem_shared>> -> memref<160x64xf32, #tpu.memory_space<vmem_shared>>
      %dma_start3A_83 = arith.constant 0 : i32
      %dma_start3A_84 = tpu.memref_slice %arg6[%add3A_14, %dma_start3A_83] : memref<25616x64xf32, #tpu.memory_space<vmem_shared>> -> memref<160x64xf32, #tpu.memory_space<vmem_shared>>
      tpu.enqueue_dma source(%arg15 : memref<160x64xf32, #tpu.memory_space<vmem>>) target(%dma_start3A_84 : memref<160x64xf32, #tpu.memory_space<vmem_shared>>) target_semaphore(%run_scoped3A : memref<!tpu.dma_semaphore, #tpu.memory_space<semaphore_mem>>)
      %dma_wait3A_85 = arith.constant 0 : i32
      %dma_wait3A_86 = tpu.memref_slice %arg6[%add3A_14, %dma_wait3A_85] : memref<25616x64xf32, #tpu.memory_space<vmem_shared>> -> memref<160x64xf32, #tpu.memory_space<vmem_shared>>
      %dma_wait3A_87 = arith.constant 0 : i32
      %dma_wait3A_88 = tpu.memref_slice %arg6[%add3A_14, %dma_wait3A_87] : memref<25616x64xf32, #tpu.memory_space<vmem_shared>> -> memref<160x64xf32, #tpu.memory_space<vmem_shared>>
      tpu.wait_dma2 semaphore(%run_scoped3A : memref<!tpu.dma_semaphore, #tpu.memory_space<semaphore_mem>>) src(%arg15 : memref<160x64xf32, #tpu.memory_space<vmem>>) dst(%dma_wait3A_88 : memref<160x64xf32, #tpu.memory_space<vmem_shared>>)
      tpu.yield
    }) : () -> ()
    %mul3A_15 = arith.constant 1600 : i32
    %mul3A_16 = arith.muli %arg1, %mul3A_15 : i32
    %add3A_17 = arith.constant 320 : i32
    %add3A_18 = arith.addi %mul3A_16, %add3A_17 : i32
    "tpu.region"() ({
      %run_scoped3A = tpu.sem_alloc : memref<!tpu.dma_semaphore, #tpu.memory_space<semaphore_mem>>
      %dma_start3A_81 = arith.constant 0 : i32
      %dma_start3A_82 = tpu.memref_slice %arg6[%add3A_18, %dma_start3A_81] : memref<25616x64xf32, #tpu.memory_space<vmem_shared>> -> memref<160x64xf32, #tpu.memory_space<vmem_shared>>
      %dma_start3A_83 = arith.constant 0 : i32
      %dma_start3A_84 = tpu.memref_slice %arg6[%add3A_18, %dma_start3A_83] : memref<25616x64xf32, #tpu.memory_space<vmem_shared>> -> memref<160x64xf32, #tpu.memory_space<vmem_shared>>
      tpu.enqueue_dma source(%arg15 : memref<160x64xf32, #tpu.memory_space<vmem>>) target(%dma_start3A_84 : memref<160x64xf32, #tpu.memory_space<vmem_shared>>) target_semaphore(%run_scoped3A : memref<!tpu.dma_semaphore, #tpu.memory_space<semaphore_mem>>)
      %dma_wait3A_85 = arith.constant 0 : i32
      %dma_wait3A_86 = tpu.memref_slice %arg6[%add3A_18, %dma_wait3A_85] : memref<25616x64xf32, #tpu.memory_space<vmem_shared>> -> memref<160x64xf32, #tpu.memory_space<vmem_shared>>
      %dma_wait3A_87 = arith.constant 0 : i32
      %dma_wait3A_88 = tpu.memref_slice %arg6[%add3A_18, %dma_wait3A_87] : memref<25616x64xf32, #tpu.memory_space<vmem_shared>> -> memref<160x64xf32, #tpu.memory_space<vmem_shared>>
      tpu.wait_dma2 semaphore(%run_scoped3A : memref<!tpu.dma_semaphore, #tpu.memory_space<semaphore_mem>>) src(%arg15 : memref<160x64xf32, #tpu.memory_space<vmem>>) dst(%dma_wait3A_88 : memref<160x64xf32, #tpu.memory_space<vmem_shared>>)
      tpu.yield
    }) : () -> ()
    %mul3A_19 = arith.constant 1600 : i32
    %mul3A_20 = arith.muli %arg1, %mul3A_19 : i32
    %add3A_21 = arith.constant 480 : i32
    %add3A_22 = arith.addi %mul3A_20, %add3A_21 : i32
    "tpu.region"() ({
      %run_scoped3A = tpu.sem_alloc : memref<!tpu.dma_semaphore, #tpu.memory_space<semaphore_mem>>
      %dma_start3A_81 = arith.constant 0 : i32
      %dma_start3A_82 = tpu.memref_slice %arg6[%add3A_22, %dma_start3A_81] : memref<25616x64xf32, #tpu.memory_space<vmem_shared>> -> memref<160x64xf32, #tpu.memory_space<vmem_shared>>
      %dma_start3A_83 = arith.constant 0 : i32
      %dma_start3A_84 = tpu.memref_slice %arg6[%add3A_22, %dma_start3A_83] : memref<25616x64xf32, #tpu.memory_space<vmem_shared>> -> memref<160x64xf32, #tpu.memory_space<vmem_shared>>
      tpu.enqueue_dma source(%arg15 : memref<160x64xf32, #tpu.memory_space<vmem>>) target(%dma_start3A_84 : memref<160x64xf32, #tpu.memory_space<vmem_shared>>) target_semaphore(%run_scoped3A : memref<!tpu.dma_semaphore, #tpu.memory_space<semaphore_mem>>)
      %dma_wait3A_85 = arith.constant 0 : i32
      %dma_wait3A_86 = tpu.memref_slice %arg6[%add3A_22, %dma_wait3A_85] : memref<25616x64xf32, #tpu.memory_space<vmem_shared>> -> memref<160x64xf32, #tpu.memory_space<vmem_shared>>
      %dma_wait3A_87 = arith.constant 0 : i32
      %dma_wait3A_88 = tpu.memref_slice %arg6[%add3A_22, %dma_wait3A_87] : memref<25616x64xf32, #tpu.memory_space<vmem_shared>> -> memref<160x64xf32, #tpu.memory_space<vmem_shared>>
      tpu.wait_dma2 semaphore(%run_scoped3A : memref<!tpu.dma_semaphore, #tpu.memory_space<semaphore_mem>>) src(%arg15 : memref<160x64xf32, #tpu.memory_space<vmem>>) dst(%dma_wait3A_88 : memref<160x64xf32, #tpu.memory_space<vmem_shared>>)
      tpu.yield
    }) : () -> ()
    %mul3A_23 = arith.constant 1600 : i32
    %mul3A_24 = arith.muli %arg1, %mul3A_23 : i32
    %add3A_25 = arith.constant 640 : i32
    %add3A_26 = arith.addi %mul3A_24, %add3A_25 : i32
    "tpu.region"() ({
      %run_scoped3A = tpu.sem_alloc : memref<!tpu.dma_semaphore, #tpu.memory_space<semaphore_mem>>
      %dma_start3A_81 = arith.constant 0 : i32
      %dma_start3A_82 = tpu.memref_slice %arg6[%add3A_26, %dma_start3A_81] : memref<25616x64xf32, #tpu.memory_space<vmem_shared>> -> memref<160x64xf32, #tpu.memory_space<vmem_shared>>
      %dma_start3A_83 = arith.constant 0 : i32
      %dma_start3A_84 = tpu.memref_slice %arg6[%add3A_26, %dma_start3A_83] : memref<25616x64xf32, #tpu.memory_space<vmem_shared>> -> memref<160x64xf32, #tpu.memory_space<vmem_shared>>
      tpu.enqueue_dma source(%arg15 : memref<160x64xf32, #tpu.memory_space<vmem>>) target(%dma_start3A_84 : memref<160x64xf32, #tpu.memory_space<vmem_shared>>) target_semaphore(%run_scoped3A : memref<!tpu.dma_semaphore, #tpu.memory_space<semaphore_mem>>)
      %dma_wait3A_85 = arith.constant 0 : i32
      %dma_wait3A_86 = tpu.memref_slice %arg6[%add3A_26, %dma_wait3A_85] : memref<25616x64xf32, #tpu.memory_space<vmem_shared>> -> memref<160x64xf32, #tpu.memory_space<vmem_shared>>
      %dma_wait3A_87 = arith.constant 0 : i32
      %dma_wait3A_88 = tpu.memref_slice %arg6[%add3A_26, %dma_wait3A_87] : memref<25616x64xf32, #tpu.memory_space<vmem_shared>> -> memref<160x64xf32, #tpu.memory_space<vmem_shared>>
      tpu.wait_dma2 semaphore(%run_scoped3A : memref<!tpu.dma_semaphore, #tpu.memory_space<semaphore_mem>>) src(%arg15 : memref<160x64xf32, #tpu.memory_space<vmem>>) dst(%dma_wait3A_88 : memref<160x64xf32, #tpu.memory_space<vmem_shared>>)
      tpu.yield
    }) : () -> ()
    %mul3A_27 = arith.constant 1600 : i32
    %mul3A_28 = arith.muli %arg1, %mul3A_27 : i32
    %add3A_29 = arith.constant 800 : i32
    %add3A_30 = arith.addi %mul3A_28, %add3A_29 : i32
    "tpu.region"() ({
      %run_scoped3A = tpu.sem_alloc : memref<!tpu.dma_semaphore, #tpu.memory_space<semaphore_mem>>
      %dma_start3A_81 = arith.constant 0 : i32
      %dma_start3A_82 = tpu.memref_slice %arg6[%add3A_30, %dma_start3A_81] : memref<25616x64xf32, #tpu.memory_space<vmem_shared>> -> memref<160x64xf32, #tpu.memory_space<vmem_shared>>
      %dma_start3A_83 = arith.constant 0 : i32
      %dma_start3A_84 = tpu.memref_slice %arg6[%add3A_30, %dma_start3A_83] : memref<25616x64xf32, #tpu.memory_space<vmem_shared>> -> memref<160x64xf32, #tpu.memory_space<vmem_shared>>
      tpu.enqueue_dma source(%arg15 : memref<160x64xf32, #tpu.memory_space<vmem>>) target(%dma_start3A_84 : memref<160x64xf32, #tpu.memory_space<vmem_shared>>) target_semaphore(%run_scoped3A : memref<!tpu.dma_semaphore, #tpu.memory_space<semaphore_mem>>)
      %dma_wait3A_85 = arith.constant 0 : i32
      %dma_wait3A_86 = tpu.memref_slice %arg6[%add3A_30, %dma_wait3A_85] : memref<25616x64xf32, #tpu.memory_space<vmem_shared>> -> memref<160x64xf32, #tpu.memory_space<vmem_shared>>
      %dma_wait3A_87 = arith.constant 0 : i32
      %dma_wait3A_88 = tpu.memref_slice %arg6[%add3A_30, %dma_wait3A_87] : memref<25616x64xf32, #tpu.memory_space<vmem_shared>> -> memref<160x64xf32, #tpu.memory_space<vmem_shared>>
      tpu.wait_dma2 semaphore(%run_scoped3A : memref<!tpu.dma_semaphore, #tpu.memory_space<semaphore_mem>>) src(%arg15 : memref<160x64xf32, #tpu.memory_space<vmem>>) dst(%dma_wait3A_88 : memref<160x64xf32, #tpu.memory_space<vmem_shared>>)
      tpu.yield
    }) : () -> ()
    %mul3A_31 = arith.constant 1600 : i32
    %mul3A_32 = arith.muli %arg1, %mul3A_31 : i32
    %add3A_33 = arith.constant 960 : i32
    %add3A_34 = arith.addi %mul3A_32, %add3A_33 : i32
    "tpu.region"() ({
      %run_scoped3A = tpu.sem_alloc : memref<!tpu.dma_semaphore, #tpu.memory_space<semaphore_mem>>
      %dma_start3A_81 = arith.constant 0 : i32
      %dma_start3A_82 = tpu.memref_slice %arg6[%add3A_34, %dma_start3A_81] : memref<25616x64xf32, #tpu.memory_space<vmem_shared>> -> memref<160x64xf32, #tpu.memory_space<vmem_shared>>
      %dma_start3A_83 = arith.constant 0 : i32
      %dma_start3A_84 = tpu.memref_slice %arg6[%add3A_34, %dma_start3A_83] : memref<25616x64xf32, #tpu.memory_space<vmem_shared>> -> memref<160x64xf32, #tpu.memory_space<vmem_shared>>
      tpu.enqueue_dma source(%arg15 : memref<160x64xf32, #tpu.memory_space<vmem>>) target(%dma_start3A_84 : memref<160x64xf32, #tpu.memory_space<vmem_shared>>) target_semaphore(%run_scoped3A : memref<!tpu.dma_semaphore, #tpu.memory_space<semaphore_mem>>)
      %dma_wait3A_85 = arith.constant 0 : i32
      %dma_wait3A_86 = tpu.memref_slice %arg6[%add3A_34, %dma_wait3A_85] : memref<25616x64xf32, #tpu.memory_space<vmem_shared>> -> memref<160x64xf32, #tpu.memory_space<vmem_shared>>
      %dma_wait3A_87 = arith.constant 0 : i32
      %dma_wait3A_88 = tpu.memref_slice %arg6[%add3A_34, %dma_wait3A_87] : memref<25616x64xf32, #tpu.memory_space<vmem_shared>> -> memref<160x64xf32, #tpu.memory_space<vmem_shared>>
      tpu.wait_dma2 semaphore(%run_scoped3A : memref<!tpu.dma_semaphore, #tpu.memory_space<semaphore_mem>>) src(%arg15 : memref<160x64xf32, #tpu.memory_space<vmem>>) dst(%dma_wait3A_88 : memref<160x64xf32, #tpu.memory_space<vmem_shared>>)
      tpu.yield
    }) : () -> ()
    %mul3A_35 = arith.constant 1600 : i32
    %mul3A_36 = arith.muli %arg1, %mul3A_35 : i32
    %add3A_37 = arith.constant 1120 : i32
    %add3A_38 = arith.addi %mul3A_36, %add3A_37 : i32
    "tpu.region"() ({
      %run_scoped3A = tpu.sem_alloc : memref<!tpu.dma_semaphore, #tpu.memory_space<semaphore_mem>>
      %dma_start3A_81 = arith.constant 0 : i32
      %dma_start3A_82 = tpu.memref_slice %arg6[%add3A_38, %dma_start3A_81] : memref<25616x64xf32, #tpu.memory_space<vmem_shared>> -> memref<160x64xf32, #tpu.memory_space<vmem_shared>>
      %dma_start3A_83 = arith.constant 0 : i32
      %dma_start3A_84 = tpu.memref_slice %arg6[%add3A_38, %dma_start3A_83] : memref<25616x64xf32, #tpu.memory_space<vmem_shared>> -> memref<160x64xf32, #tpu.memory_space<vmem_shared>>
      tpu.enqueue_dma source(%arg15 : memref<160x64xf32, #tpu.memory_space<vmem>>) target(%dma_start3A_84 : memref<160x64xf32, #tpu.memory_space<vmem_shared>>) target_semaphore(%run_scoped3A : memref<!tpu.dma_semaphore, #tpu.memory_space<semaphore_mem>>)
      %dma_wait3A_85 = arith.constant 0 : i32
      %dma_wait3A_86 = tpu.memref_slice %arg6[%add3A_38, %dma_wait3A_85] : memref<25616x64xf32, #tpu.memory_space<vmem_shared>> -> memref<160x64xf32, #tpu.memory_space<vmem_shared>>
      %dma_wait3A_87 = arith.constant 0 : i32
      %dma_wait3A_88 = tpu.memref_slice %arg6[%add3A_38, %dma_wait3A_87] : memref<25616x64xf32, #tpu.memory_space<vmem_shared>> -> memref<160x64xf32, #tpu.memory_space<vmem_shared>>
      tpu.wait_dma2 semaphore(%run_scoped3A : memref<!tpu.dma_semaphore, #tpu.memory_space<semaphore_mem>>) src(%arg15 : memref<160x64xf32, #tpu.memory_space<vmem>>) dst(%dma_wait3A_88 : memref<160x64xf32, #tpu.memory_space<vmem_shared>>)
      tpu.yield
    }) : () -> ()
    %mul3A_39 = arith.constant 1600 : i32
    %mul3A_40 = arith.muli %arg1, %mul3A_39 : i32
    %add3A_41 = arith.constant 1280 : i32
    %add3A_42 = arith.addi %mul3A_40, %add3A_41 : i32
    "tpu.region"() ({
      %run_scoped3A = tpu.sem_alloc : memref<!tpu.dma_semaphore, #tpu.memory_space<semaphore_mem>>
      %dma_start3A_81 = arith.constant 0 : i32
      %dma_start3A_82 = tpu.memref_slice %arg6[%add3A_42, %dma_start3A_81] : memref<25616x64xf32, #tpu.memory_space<vmem_shared>> -> memref<160x64xf32, #tpu.memory_space<vmem_shared>>
      %dma_start3A_83 = arith.constant 0 : i32
      %dma_start3A_84 = tpu.memref_slice %arg6[%add3A_42, %dma_start3A_83] : memref<25616x64xf32, #tpu.memory_space<vmem_shared>> -> memref<160x64xf32, #tpu.memory_space<vmem_shared>>
      tpu.enqueue_dma source(%arg15 : memref<160x64xf32, #tpu.memory_space<vmem>>) target(%dma_start3A_84 : memref<160x64xf32, #tpu.memory_space<vmem_shared>>) target_semaphore(%run_scoped3A : memref<!tpu.dma_semaphore, #tpu.memory_space<semaphore_mem>>)
      %dma_wait3A_85 = arith.constant 0 : i32
      %dma_wait3A_86 = tpu.memref_slice %arg6[%add3A_42, %dma_wait3A_85] : memref<25616x64xf32, #tpu.memory_space<vmem_shared>> -> memref<160x64xf32, #tpu.memory_space<vmem_shared>>
      %dma_wait3A_87 = arith.constant 0 : i32
      %dma_wait3A_88 = tpu.memref_slice %arg6[%add3A_42, %dma_wait3A_87] : memref<25616x64xf32, #tpu.memory_space<vmem_shared>> -> memref<160x64xf32, #tpu.memory_space<vmem_shared>>
      tpu.wait_dma2 semaphore(%run_scoped3A : memref<!tpu.dma_semaphore, #tpu.memory_space<semaphore_mem>>) src(%arg15 : memref<160x64xf32, #tpu.memory_space<vmem>>) dst(%dma_wait3A_88 : memref<160x64xf32, #tpu.memory_space<vmem_shared>>)
      tpu.yield
    }) : () -> ()
    %mul3A_43 = arith.constant 1600 : i32
    %mul3A_44 = arith.muli %arg1, %mul3A_43 : i32
    %add3A_45 = arith.constant 1440 : i32
    %add3A_46 = arith.addi %mul3A_44, %add3A_45 : i32
    "tpu.region"() ({
      %run_scoped3A = tpu.sem_alloc : memref<!tpu.dma_semaphore, #tpu.memory_space<semaphore_mem>>
      %dma_start3A_81 = arith.constant 0 : i32
      %dma_start3A_82 = tpu.memref_slice %arg6[%add3A_46, %dma_start3A_81] : memref<25616x64xf32, #tpu.memory_space<vmem_shared>> -> memref<160x64xf32, #tpu.memory_space<vmem_shared>>
      %dma_start3A_83 = arith.constant 0 : i32
      %dma_start3A_84 = tpu.memref_slice %arg6[%add3A_46, %dma_start3A_83] : memref<25616x64xf32, #tpu.memory_space<vmem_shared>> -> memref<160x64xf32, #tpu.memory_space<vmem_shared>>
      tpu.enqueue_dma source(%arg15 : memref<160x64xf32, #tpu.memory_space<vmem>>) target(%dma_start3A_84 : memref<160x64xf32, #tpu.memory_space<vmem_shared>>) target_semaphore(%run_scoped3A : memref<!tpu.dma_semaphore, #tpu.memory_space<semaphore_mem>>)
      %dma_wait3A_85 = arith.constant 0 : i32
      %dma_wait3A_86 = tpu.memref_slice %arg6[%add3A_46, %dma_wait3A_85] : memref<25616x64xf32, #tpu.memory_space<vmem_shared>> -> memref<160x64xf32, #tpu.memory_space<vmem_shared>>
      %dma_wait3A_87 = arith.constant 0 : i32
      %dma_wait3A_88 = tpu.memref_slice %arg6[%add3A_46, %dma_wait3A_87] : memref<25616x64xf32, #tpu.memory_space<vmem_shared>> -> memref<160x64xf32, #tpu.memory_space<vmem_shared>>
      tpu.wait_dma2 semaphore(%run_scoped3A : memref<!tpu.dma_semaphore, #tpu.memory_space<semaphore_mem>>) src(%arg15 : memref<160x64xf32, #tpu.memory_space<vmem>>) dst(%dma_wait3A_88 : memref<160x64xf32, #tpu.memory_space<vmem_shared>>)
      tpu.yield
    }) : () -> ()
    %barrier3A = arith.constant 0 : index
    tpu.barrier barrier_id(%barrier3A)
    %add3A_47 = arith.constant 0 : i32
    %add3A_48 = arith.addi %arg1, %add3A_47 : i32
    %mul3A_49 = arith.constant 128 : i32
    %mul3A_50 = arith.muli %add3A_48, %mul3A_49 : i32
    %dma_start3A = tpu.memref_slice %arg3[%mul3A_50] : memref<802816xi32, #tpu.memory_space<hbm>> -> memref<128xi32, #tpu.memory_space<hbm>>
    %dma_start3A_51 = tpu.memref_slice %arg3[%mul3A_50] : memref<802816xi32, #tpu.memory_space<hbm>> -> memref<128xi32, #tpu.memory_space<hbm>>
    tpu.enqueue_dma source(%dma_start3A_51 : memref<128xi32, #tpu.memory_space<hbm>>) target(%arg7 : memref<128xi32, #tpu.memory_space<vmem>>) target_semaphore(%arg16 : memref<!tpu.dma_semaphore, #tpu.memory_space<semaphore_mem>>)
    %dma_start3A_52 = tpu.memref_slice %arg4[%mul3A_50] : memref<802816xi32, #tpu.memory_space<hbm>> -> memref<128xi32, #tpu.memory_space<hbm>>
    %dma_start3A_53 = tpu.memref_slice %arg4[%mul3A_50] : memref<802816xi32, #tpu.memory_space<hbm>> -> memref<128xi32, #tpu.memory_space<hbm>>
    tpu.enqueue_dma source(%dma_start3A_53 : memref<128xi32, #tpu.memory_space<hbm>>) target(%arg9 : memref<128xi32, #tpu.memory_space<vmem>>) target_semaphore(%arg16 : memref<!tpu.dma_semaphore, #tpu.memory_space<semaphore_mem>>)
    %add3A_54 = arith.constant 16 : i32
    %add3A_55 = arith.addi %arg1, %add3A_54 : i32
    %mul3A_56 = arith.constant 128 : i32
    %mul3A_57 = arith.muli %add3A_55, %mul3A_56 : i32
    %dma_start3A_58 = tpu.memref_slice %arg3[%mul3A_57] : memref<802816xi32, #tpu.memory_space<hbm>> -> memref<128xi32, #tpu.memory_space<hbm>>
    %dma_start3A_59 = tpu.memref_slice %arg3[%mul3A_57] : memref<802816xi32, #tpu.memory_space<hbm>> -> memref<128xi32, #tpu.memory_space<hbm>>
    tpu.enqueue_dma source(%dma_start3A_59 : memref<128xi32, #tpu.memory_space<hbm>>) target(%arg8 : memref<128xi32, #tpu.memory_space<vmem>>) target_semaphore(%arg17 : memref<!tpu.dma_semaphore, #tpu.memory_space<semaphore_mem>>)
    %dma_start3A_60 = tpu.memref_slice %arg4[%mul3A_57] : memref<802816xi32, #tpu.memory_space<hbm>> -> memref<128xi32, #tpu.memory_space<hbm>>
    %dma_start3A_61 = tpu.memref_slice %arg4[%mul3A_57] : memref<802816xi32, #tpu.memory_space<hbm>> -> memref<128xi32, #tpu.memory_space<hbm>>
    tpu.enqueue_dma source(%dma_start3A_61 : memref<128xi32, #tpu.memory_space<hbm>>) target(%arg10 : memref<128xi32, #tpu.memory_space<vmem>>) target_semaphore(%arg17 : memref<!tpu.dma_semaphore, #tpu.memory_space<semaphore_mem>>)
    %dma_wait3A = arith.constant 0 : i32
    %dma_wait3A_62 = tpu.memref_slice %arg3[%dma_wait3A] : memref<802816xi32, #tpu.memory_space<hbm>> -> memref<128xi32, #tpu.memory_space<hbm>>
    %dma_wait3A_63 = arith.constant 0 : i32
    %dma_wait3A_64 = tpu.memref_slice %arg3[%dma_wait3A_63] : memref<802816xi32, #tpu.memory_space<hbm>> -> memref<128xi32, #tpu.memory_space<hbm>>
    tpu.wait_dma2 semaphore(%arg16 : memref<!tpu.dma_semaphore, #tpu.memory_space<semaphore_mem>>) src(%dma_wait3A_64 : memref<128xi32, #tpu.memory_space<hbm>>) dst(%arg7 : memref<128xi32, #tpu.memory_space<vmem>>)
    %dma_wait3A_65 = arith.constant 0 : i32
    %dma_wait3A_66 = tpu.memref_slice %arg3[%dma_wait3A_65] : memref<802816xi32, #tpu.memory_space<hbm>> -> memref<128xi32, #tpu.memory_space<hbm>>
    %dma_wait3A_67 = arith.constant 0 : i32
    %dma_wait3A_68 = tpu.memref_slice %arg3[%dma_wait3A_67] : memref<802816xi32, #tpu.memory_space<hbm>> -> memref<128xi32, #tpu.memory_space<hbm>>
    tpu.wait_dma2 semaphore(%arg16 : memref<!tpu.dma_semaphore, #tpu.memory_space<semaphore_mem>>) src(%dma_wait3A_68 : memref<128xi32, #tpu.memory_space<hbm>>) dst(%arg9 : memref<128xi32, #tpu.memory_space<vmem>>)
    %dma_start3A_69 = arith.constant 0 : i32
    %dma_start3A_70 = arith.constant 0 : i32
    %dma_start3A_71 = tpu.memref_slice %arg2[%dma_start3A_69, %dma_start3A_70] : memref<50000x64xf32, #tpu.memory_space<hbm>> -> memref<50000x64xf32, #tpu.memory_space<hbm>>
    tpu.enqueue_indirect_dma source(%dma_start3A_71 : memref<50000x64xf32, #tpu.memory_space<hbm>>) target(%arg13 : memref<128x64xf32, #tpu.memory_space<vmem>>) offsets(%arg7 : memref<128xi32, #tpu.memory_space<vmem>>) semaphore(%arg18 : memref<!tpu.dma_semaphore, #tpu.memory_space<semaphore_mem>>)
    %scan3A_72 = arith.constant 0 : i32
    %scan3A_73 = arith.constant 196 : i32
    %scan3A_74 = arith.addi %scan3A_72, %scan3A_73 : i32
    %scan3A_75 = arith.constant 1 : i32
    scf.for %scan3A_81 = %scan3A_72 to %scan3A_74 step %scan3A_75  : i32 {
      %mul3A_82 = arith.constant 1 : i32
      %mul3A_83 = arith.muli %scan3A_81, %mul3A_82 : i32
      %add3A_84 = arith.constant 0 : i32
      %add3A_85 = arith.addi %add3A_84, %mul3A_83 : i32
      %mul3A_86 = arith.constant 2 : i32
      %mul3A_87 = arith.muli %mul3A_86, %add3A_85 : i32
      %get3A = arith.constant 0 : index
      %get3A_88 = tpu.vector_load %arg9[%get3A] {strides = array<i32>} : memref<128xi32, #tpu.memory_space<vmem>>, vector<16xi32>,
      %get3A_89 = vector.shape_cast %get3A_88 : vector<16xi32> to vector<16xi32>
      %sub3A = vector.broadcast %mul3A_0 : i32 to vector<16xi32>
      %sub3A_90 = arith.subi %get3A_89, %sub3A : vector<16xi32>
      %ge3A = arith.constant 0 : i32
      %ge3A_91 = vector.broadcast %ge3A : i32 to vector<16xi32>
      %ge3A_92 = arith.cmpi sge, %sub3A_90, %ge3A_91 : vector<16xi32>
      %lt3A = arith.constant 25600 : i32
      %lt3A_93 = vector.broadcast %lt3A : i32 to vector<16xi32>
      %lt3A_94 = arith.cmpi slt, %sub3A_90, %lt3A_93 : vector<16xi32>
      %and3A = arith.andi %ge3A_92, %lt3A_94 : vector<16xi1>
      %broadcast_in_dim3A_95 = vector.broadcast %add3A_1 : i32 to vector<16xi32>
      %select_n3A = arith.select %and3A, %sub3A_90, %broadcast_in_dim3A_95 : vector<16xi1>, vector<16xi32>
      %swap3A = arith.constant 0 : index
      %swap3A_96 = tpu.vector_load %arg11[%swap3A] {strides = array<i32>} : memref<128xi32, #tpu.memory_space<vmem>>, vector<16xi32>,
      %swap3A_97 = vector.shape_cast %swap3A_96 : vector<16xi32> to vector<16xi32>
      %swap3A_98 = vector.shape_cast %select_n3A : vector<16xi32> to vector<16xi32>
      tpu.vector_store %arg11[%swap3A], %swap3A_98 {strides = array<i32>} : memref<128xi32, #tpu.memory_space<vmem>>, vector<16xi32>,
      %get3A_99 = arith.constant 16 : index
      %get3A_100 = tpu.vector_load %arg9[%get3A_99] {strides = array<i32>} : memref<128xi32, #tpu.memory_space<vmem>>, vector<16xi32>,
      %get3A_101 = vector.shape_cast %get3A_100 : vector<16xi32> to vector<16xi32>
      %sub3A_102 = vector.broadcast %mul3A_0 : i32 to vector<16xi32>
      %sub3A_103 = arith.subi %get3A_101, %sub3A_102 : vector<16xi32>
      %ge3A_104 = arith.constant 0 : i32
      %ge3A_105 = vector.broadcast %ge3A_104 : i32 to vector<16xi32>
      %ge3A_106 = arith.cmpi sge, %sub3A_103, %ge3A_105 : vector<16xi32>
      %lt3A_107 = arith.constant 25600 : i32
      %lt3A_108 = vector.broadcast %lt3A_107 : i32 to vector<16xi32>
      %lt3A_109 = arith.cmpi slt, %sub3A_103, %lt3A_108 : vector<16xi32>
      %and3A_110 = arith.andi %ge3A_106, %lt3A_109 : vector<16xi1>
      %broadcast_in_dim3A_111 = vector.broadcast %add3A_1 : i32 to vector<16xi32>
      %select_n3A_112 = arith.select %and3A_110, %sub3A_103, %broadcast_in_dim3A_111 : vector<16xi1>, vector<16xi32>
      %swap3A_113 = arith.constant 16 : index
      %swap3A_114 = tpu.vector_load %arg11[%swap3A_113] {strides = array<i32>} : memref<128xi32, #tpu.memory_space<vmem>>, vector<16xi32>,
      %swap3A_115 = vector.shape_cast %swap3A_114 : vector<16xi32> to vector<16xi32>
      %swap3A_116 = vector.shape_cast %select_n3A_112 : vector<16xi32> to vector<16xi32>
      tpu.vector_store %arg11[%swap3A_113], %swap3A_116 {strides = array<i32>} : memref<128xi32, #tpu.memory_space<vmem>>, vector<16xi32>,
      %get3A_117 = arith.constant 32 : index
      %get3A_118 = tpu.vector_load %arg9[%get3A_117] {strides = array<i32>} : memref<128xi32, #tpu.memory_space<vmem>>, vector<16xi32>,
      %get3A_119 = vector.shape_cast %get3A_118 : vector<16xi32> to vector<16xi32>
      %sub3A_120 = vector.broadcast %mul3A_0 : i32 to vector<16xi32>
      %sub3A_121 = arith.subi %get3A_119, %sub3A_120 : vector<16xi32>
      %ge3A_122 = arith.constant 0 : i32
      %ge3A_123 = vector.broadcast %ge3A_122 : i32 to vector<16xi32>
      %ge3A_124 = arith.cmpi sge, %sub3A_121, %ge3A_123 : vector<16xi32>
      %lt3A_125 = arith.constant 25600 : i32
      %lt3A_126 = vector.broadcast %lt3A_125 : i32 to vector<16xi32>
      %lt3A_127 = arith.cmpi slt, %sub3A_121, %lt3A_126 : vector<16xi32>
      %and3A_128 = arith.andi %ge3A_124, %lt3A_127 : vector<16xi1>
      %broadcast_in_dim3A_129 = vector.broadcast %add3A_1 : i32 to vector<16xi32>
      %select_n3A_130 = arith.select %and3A_128, %sub3A_121, %broadcast_in_dim3A_129 : vector<16xi1>, vector<16xi32>
      %swap3A_131 = arith.constant 32 : index
      %swap3A_132 = tpu.vector_load %arg11[%swap3A_131] {strides = array<i32>} : memref<128xi32, #tpu.memory_space<vmem>>, vector<16xi32>,
      %swap3A_133 = vector.shape_cast %swap3A_132 : vector<16xi32> to vector<16xi32>
      %swap3A_134 = vector.shape_cast %select_n3A_130 : vector<16xi32> to vector<16xi32>
      tpu.vector_store %arg11[%swap3A_131], %swap3A_134 {strides = array<i32>} : memref<128xi32, #tpu.memory_space<vmem>>, vector<16xi32>,
      %get3A_135 = arith.constant 48 : index
      %get3A_136 = tpu.vector_load %arg9[%get3A_135] {strides = array<i32>} : memref<128xi32, #tpu.memory_space<vmem>>, vector<16xi32>,
      %get3A_137 = vector.shape_cast %get3A_136 : vector<16xi32> to vector<16xi32>
      %sub3A_138 = vector.broadcast %mul3A_0 : i32 to vector<16xi32>
      %sub3A_139 = arith.subi %get3A_137, %sub3A_138 : vector<16xi32>
      %ge3A_140 = arith.constant 0 : i32
      %ge3A_141 = vector.broadcast %ge3A_140 : i32 to vector<16xi32>
      %ge3A_142 = arith.cmpi sge, %sub3A_139, %ge3A_141 : vector<16xi32>
      %lt3A_143 = arith.constant 25600 : i32
      %lt3A_144 = vector.broadcast %lt3A_143 : i32 to vector<16xi32>
      %lt3A_145 = arith.cmpi slt, %sub3A_139, %lt3A_144 : vector<16xi32>
      %and3A_146 = arith.andi %ge3A_142, %lt3A_145 : vector<16xi1>
      %broadcast_in_dim3A_147 = vector.broadcast %add3A_1 : i32 to vector<16xi32>
      %select_n3A_148 = arith.select %and3A_146, %sub3A_139, %broadcast_in_dim3A_147 : vector<16xi1>, vector<16xi32>
      %swap3A_149 = arith.constant 48 : index
      %swap3A_150 = tpu.vector_load %arg11[%swap3A_149] {strides = array<i32>} : memref<128xi32, #tpu.memory_space<vmem>>, vector<16xi32>,
      %swap3A_151 = vector.shape_cast %swap3A_150 : vector<16xi32> to vector<16xi32>
      %swap3A_152 = vector.shape_cast %select_n3A_148 : vector<16xi32> to vector<16xi32>
      tpu.vector_store %arg11[%swap3A_149], %swap3A_152 {strides = array<i32>} : memref<128xi32, #tpu.memory_space<vmem>>, vector<16xi32>,
      %get3A_153 = arith.constant 64 : index
      %get3A_154 = tpu.vector_load %arg9[%get3A_153] {strides = array<i32>} : memref<128xi32, #tpu.memory_space<vmem>>, vector<16xi32>,
      %get3A_155 = vector.shape_cast %get3A_154 : vector<16xi32> to vector<16xi32>
      %sub3A_156 = vector.broadcast %mul3A_0 : i32 to vector<16xi32>
      %sub3A_157 = arith.subi %get3A_155, %sub3A_156 : vector<16xi32>
      %ge3A_158 = arith.constant 0 : i32
      %ge3A_159 = vector.broadcast %ge3A_158 : i32 to vector<16xi32>
      %ge3A_160 = arith.cmpi sge, %sub3A_157, %ge3A_159 : vector<16xi32>
      %lt3A_161 = arith.constant 25600 : i32
      %lt3A_162 = vector.broadcast %lt3A_161 : i32 to vector<16xi32>
      %lt3A_163 = arith.cmpi slt, %sub3A_157, %lt3A_162 : vector<16xi32>
      %and3A_164 = arith.andi %ge3A_160, %lt3A_163 : vector<16xi1>
      %broadcast_in_dim3A_165 = vector.broadcast %add3A_1 : i32 to vector<16xi32>
      %select_n3A_166 = arith.select %and3A_164, %sub3A_157, %broadcast_in_dim3A_165 : vector<16xi1>, vector<16xi32>
      %swap3A_167 = arith.constant 64 : index
      %swap3A_168 = tpu.vector_load %arg11[%swap3A_167] {strides = array<i32>} : memref<128xi32, #tpu.memory_space<vmem>>, vector<16xi32>,
      %swap3A_169 = vector.shape_cast %swap3A_168 : vector<16xi32> to vector<16xi32>
      %swap3A_170 = vector.shape_cast %select_n3A_166 : vector<16xi32> to vector<16xi32>
      tpu.vector_store %arg11[%swap3A_167], %swap3A_170 {strides = array<i32>} : memref<128xi32, #tpu.memory_space<vmem>>, vector<16xi32>,
      %get3A_171 = arith.constant 80 : index
      %get3A_172 = tpu.vector_load %arg9[%get3A_171] {strides = array<i32>} : memref<128xi32, #tpu.memory_space<vmem>>, vector<16xi32>,
      %get3A_173 = vector.shape_cast %get3A_172 : vector<16xi32> to vector<16xi32>
      %sub3A_174 = vector.broadcast %mul3A_0 : i32 to vector<16xi32>
      %sub3A_175 = arith.subi %get3A_173, %sub3A_174 : vector<16xi32>
      %ge3A_176 = arith.constant 0 : i32
      %ge3A_177 = vector.broadcast %ge3A_176 : i32 to vector<16xi32>
      %ge3A_178 = arith.cmpi sge, %sub3A_175, %ge3A_177 : vector<16xi32>
      %lt3A_179 = arith.constant 25600 : i32
      %lt3A_180 = vector.broadcast %lt3A_179 : i32 to vector<16xi32>
      %lt3A_181 = arith.cmpi slt, %sub3A_175, %lt3A_180 : vector<16xi32>
      %and3A_182 = arith.andi %ge3A_178, %lt3A_181 : vector<16xi1>
      %broadcast_in_dim3A_183 = vector.broadcast %add3A_1 : i32 to vector<16xi32>
      %select_n3A_184 = arith.select %and3A_182, %sub3A_175, %broadcast_in_dim3A_183 : vector<16xi1>, vector<16xi32>
      %swap3A_185 = arith.constant 80 : index
      %swap3A_186 = tpu.vector_load %arg11[%swap3A_185] {strides = array<i32>} : memref<128xi32, #tpu.memory_space<vmem>>, vector<16xi32>,
      %swap3A_187 = vector.shape_cast %swap3A_186 : vector<16xi32> to vector<16xi32>
      %swap3A_188 = vector.shape_cast %select_n3A_184 : vector<16xi32> to vector<16xi32>
      tpu.vector_store %arg11[%swap3A_185], %swap3A_188 {strides = array<i32>} : memref<128xi32, #tpu.memory_space<vmem>>, vector<16xi32>,
      %get3A_189 = arith.constant 96 : index
      %get3A_190 = tpu.vector_load %arg9[%get3A_189] {strides = array<i32>} : memref<128xi32, #tpu.memory_space<vmem>>, vector<16xi32>,
      %get3A_191 = vector.shape_cast %get3A_190 : vector<16xi32> to vector<16xi32>
      %sub3A_192 = vector.broadcast %mul3A_0 : i32 to vector<16xi32>
      %sub3A_193 = arith.subi %get3A_191, %sub3A_192 : vector<16xi32>
      %ge3A_194 = arith.constant 0 : i32
      %ge3A_195 = vector.broadcast %ge3A_194 : i32 to vector<16xi32>
      %ge3A_196 = arith.cmpi sge, %sub3A_193, %ge3A_195 : vector<16xi32>
      %lt3A_197 = arith.constant 25600 : i32
      %lt3A_198 = vector.broadcast %lt3A_197 : i32 to vector<16xi32>
      %lt3A_199 = arith.cmpi slt, %sub3A_193, %lt3A_198 : vector<16xi32>
      %and3A_200 = arith.andi %ge3A_196, %lt3A_199 : vector<16xi1>
      %broadcast_in_dim3A_201 = vector.broadcast %add3A_1 : i32 to vector<16xi32>
      %select_n3A_202 = arith.select %and3A_200, %sub3A_193, %broadcast_in_dim3A_201 : vector<16xi1>, vector<16xi32>
      %swap3A_203 = arith.constant 96 : index
      %swap3A_204 = tpu.vector_load %arg11[%swap3A_203] {strides = array<i32>} : memref<128xi32, #tpu.memory_space<vmem>>, vector<16xi32>,
      %swap3A_205 = vector.shape_cast %swap3A_204 : vector<16xi32> to vector<16xi32>
      %swap3A_206 = vector.shape_cast %select_n3A_202 : vector<16xi32> to vector<16xi32>
      tpu.vector_store %arg11[%swap3A_203], %swap3A_206 {strides = array<i32>} : memref<128xi32, #tpu.memory_space<vmem>>, vector<16xi32>,
      %get3A_207 = arith.constant 112 : index
      %get3A_208 = tpu.vector_load %arg9[%get3A_207] {strides = array<i32>} : memref<128xi32, #tpu.memory_space<vmem>>, vector<16xi32>,
      %get3A_209 = vector.shape_cast %get3A_208 : vector<16xi32> to vector<16xi32>
      %sub3A_210 = vector.broadcast %mul3A_0 : i32 to vector<16xi32>
      %sub3A_211 = arith.subi %get3A_209, %sub3A_210 : vector<16xi32>
      %ge3A_212 = arith.constant 0 : i32
      %ge3A_213 = vector.broadcast %ge3A_212 : i32 to vector<16xi32>
      %ge3A_214 = arith.cmpi sge, %sub3A_211, %ge3A_213 : vector<16xi32>
      %lt3A_215 = arith.constant 25600 : i32
      %lt3A_216 = vector.broadcast %lt3A_215 : i32 to vector<16xi32>
      %lt3A_217 = arith.cmpi slt, %sub3A_211, %lt3A_216 : vector<16xi32>
      %and3A_218 = arith.andi %ge3A_214, %lt3A_217 : vector<16xi1>
      %broadcast_in_dim3A_219 = vector.broadcast %add3A_1 : i32 to vector<16xi32>
      %select_n3A_220 = arith.select %and3A_218, %sub3A_211, %broadcast_in_dim3A_219 : vector<16xi1>, vector<16xi32>
      %swap3A_221 = arith.constant 112 : index
      %swap3A_222 = tpu.vector_load %arg11[%swap3A_221] {strides = array<i32>} : memref<128xi32, #tpu.memory_space<vmem>>, vector<16xi32>,
      %swap3A_223 = vector.shape_cast %swap3A_222 : vector<16xi32> to vector<16xi32>
      %swap3A_224 = vector.shape_cast %select_n3A_220 : vector<16xi32> to vector<16xi32>
      tpu.vector_store %arg11[%swap3A_221], %swap3A_224 {strides = array<i32>} : memref<128xi32, #tpu.memory_space<vmem>>, vector<16xi32>,
      %dma_wait3A_225 = arith.constant 0 : i32
      %dma_wait3A_226 = tpu.memref_slice %arg3[%dma_wait3A_225] : memref<802816xi32, #tpu.memory_space<hbm>> -> memref<128xi32, #tpu.memory_space<hbm>>
      %dma_wait3A_227 = arith.constant 0 : i32
      %dma_wait3A_228 = tpu.memref_slice %arg3[%dma_wait3A_227] : memref<802816xi32, #tpu.memory_space<hbm>> -> memref<128xi32, #tpu.memory_space<hbm>>
      tpu.wait_dma2 semaphore(%arg17 : memref<!tpu.dma_semaphore, #tpu.memory_space<semaphore_mem>>) src(%dma_wait3A_228 : memref<128xi32, #tpu.memory_space<hbm>>) dst(%arg8 : memref<128xi32, #tpu.memory_space<vmem>>)
      %dma_wait3A_229 = arith.constant 0 : i32
      %dma_wait3A_230 = tpu.memref_slice %arg3[%dma_wait3A_229] : memref<802816xi32, #tpu.memory_space<hbm>> -> memref<128xi32, #tpu.memory_space<hbm>>
      %dma_wait3A_231 = arith.constant 0 : i32
      %dma_wait3A_232 = tpu.memref_slice %arg3[%dma_wait3A_231] : memref<802816xi32, #tpu.memory_space<hbm>> -> memref<128xi32, #tpu.memory_space<hbm>>
      tpu.wait_dma2 semaphore(%arg17 : memref<!tpu.dma_semaphore, #tpu.memory_space<semaphore_mem>>) src(%dma_wait3A_232 : memref<128xi32, #tpu.memory_space<hbm>>) dst(%arg10 : memref<128xi32, #tpu.memory_space<vmem>>)
      %dma_start3A_233 = arith.constant 0 : i32
      %dma_start3A_234 = arith.constant 0 : i32
      %dma_start3A_235 = tpu.memref_slice %arg2[%dma_start3A_233, %dma_start3A_234] : memref<50000x64xf32, #tpu.memory_space<hbm>> -> memref<50000x64xf32, #tpu.memory_space<hbm>>
      tpu.enqueue_indirect_dma source(%dma_start3A_235 : memref<50000x64xf32, #tpu.memory_space<hbm>>) target(%arg14 : memref<128x64xf32, #tpu.memory_space<vmem>>) offsets(%arg8 : memref<128xi32, #tpu.memory_space<vmem>>) semaphore(%arg19 : memref<!tpu.dma_semaphore, #tpu.memory_space<semaphore_mem>>)
      %dma_wait3A_236 = arith.constant 0 : i32
      %dma_wait3A_237 = arith.constant 0 : i32
      %dma_wait3A_238 = tpu.memref_slice %arg2[%dma_wait3A_236, %dma_wait3A_237] : memref<50000x64xf32, #tpu.memory_space<hbm>> -> memref<50000x64xf32, #tpu.memory_space<hbm>>
      tpu.wait_indirect_dma semaphore(%arg18 : memref<!tpu.dma_semaphore, #tpu.memory_space<semaphore_mem>>) src(%dma_wait3A_238 : memref<50000x64xf32, #tpu.memory_space<hbm>>) dst(%arg13 : memref<128x64xf32, #tpu.memory_space<vmem>>)
      %add3A_239 = arith.constant 2 : i32
      %add3A_240 = arith.addi %mul3A_87, %add3A_239 : i32
      %lt3A_241 = arith.constant 392 : i32
      %lt3A_242 = arith.cmpi slt, %add3A_240, %lt3A_241 : i32
      %convert_element_type3A = arith.extui %lt3A_242 : i1 to i32
      %cond3A = arith.constant 0 : i32
      %cond3A_243 = arith.cmpi ne, %convert_element_type3A, %cond3A : i32
      scf.if %cond3A_243 {
        %add3A_405 = arith.constant 2 : i32
        %add3A_406 = arith.addi %mul3A_87, %add3A_405 : i32
        %mul3A_407 = arith.constant 16 : i32
        %mul3A_408 = arith.muli %add3A_406, %mul3A_407 : i32
        %add3A_409 = arith.addi %arg1, %mul3A_408 : i32
        %mul3A_410 = arith.constant 128 : i32
        %mul3A_411 = arith.muli %add3A_409, %mul3A_410 : i32
        %dma_start3A_412 = tpu.memref_slice %arg3[%mul3A_411] : memref<802816xi32, #tpu.memory_space<hbm>> -> memref<128xi32, #tpu.memory_space<hbm>>
        %dma_start3A_413 = tpu.memref_slice %arg3[%mul3A_411] : memref<802816xi32, #tpu.memory_space<hbm>> -> memref<128xi32, #tpu.memory_space<hbm>>
        tpu.enqueue_dma source(%dma_start3A_413 : memref<128xi32, #tpu.memory_space<hbm>>) target(%arg7 : memref<128xi32, #tpu.memory_space<vmem>>) target_semaphore(%arg16 : memref<!tpu.dma_semaphore, #tpu.memory_space<semaphore_mem>>)
        %dma_start3A_414 = tpu.memref_slice %arg4[%mul3A_411] : memref<802816xi32, #tpu.memory_space<hbm>> -> memref<128xi32, #tpu.memory_space<hbm>>
        %dma_start3A_415 = tpu.memref_slice %arg4[%mul3A_411] : memref<802816xi32, #tpu.memory_space<hbm>> -> memref<128xi32, #tpu.memory_space<hbm>>
        tpu.enqueue_dma source(%dma_start3A_415 : memref<128xi32, #tpu.memory_space<hbm>>) target(%arg9 : memref<128xi32, #tpu.memory_space<vmem>>) target_semaphore(%arg16 : memref<!tpu.dma_semaphore, #tpu.memory_space<semaphore_mem>>)
      } else {
      }
      "tpu.region"() ({
        %run_scoped3A = tpu.sem_alloc : memref<!tpu.dma_semaphore, #tpu.memory_space<semaphore_mem>>
        %dma_start3A_405 = arith.constant 0 : i32
        %dma_start3A_406 = arith.constant 0 : i32
        %dma_start3A_407 = tpu.memref_slice %arg6[%dma_start3A_405, %dma_start3A_406] : memref<25616x64xf32, #tpu.memory_space<vmem_shared>> -> memref<25616x64xf32, #tpu.memory_space<vmem_shared>>
        tpu.enqueue_indirect_dma source(%arg13 : memref<128x64xf32, #tpu.memory_space<vmem>>) target(%dma_start3A_407 : memref<25616x64xf32, #tpu.memory_space<vmem_shared>>) offsets(%arg11 : memref<128xi32, #tpu.memory_space<vmem>>) semaphore(%run_scoped3A : memref<!tpu.dma_semaphore, #tpu.memory_space<semaphore_mem>>) {add = true}
        %dma_wait3A_408 = arith.constant 0 : i32
        %dma_wait3A_409 = arith.constant 0 : i32
        %dma_wait3A_410 = tpu.memref_slice %arg6[%dma_wait3A_408, %dma_wait3A_409] : memref<25616x64xf32, #tpu.memory_space<vmem_shared>> -> memref<25616x64xf32, #tpu.memory_space<vmem_shared>>
        tpu.wait_indirect_dma semaphore(%run_scoped3A : memref<!tpu.dma_semaphore, #tpu.memory_space<semaphore_mem>>) src(%arg13 : memref<128x64xf32, #tpu.memory_space<vmem>>) dst(%dma_wait3A_410 : memref<25616x64xf32, #tpu.memory_space<vmem_shared>>)
        tpu.yield
      }) : () -> ()
      %get3A_244 = arith.constant 0 : index
      %get3A_245 = tpu.vector_load %arg10[%get3A_244] {strides = array<i32>} : memref<128xi32, #tpu.memory_space<vmem>>, vector<16xi32>,
      %get3A_246 = vector.shape_cast %get3A_245 : vector<16xi32> to vector<16xi32>
      %sub3A_247 = vector.broadcast %mul3A_0 : i32 to vector<16xi32>
      %sub3A_248 = arith.subi %get3A_246, %sub3A_247 : vector<16xi32>
      %ge3A_249 = arith.constant 0 : i32
      %ge3A_250 = vector.broadcast %ge3A_249 : i32 to vector<16xi32>
      %ge3A_251 = arith.cmpi sge, %sub3A_248, %ge3A_250 : vector<16xi32>
      %lt3A_252 = arith.constant 25600 : i32
      %lt3A_253 = vector.broadcast %lt3A_252 : i32 to vector<16xi32>
      %lt3A_254 = arith.cmpi slt, %sub3A_248, %lt3A_253 : vector<16xi32>
      %and3A_255 = arith.andi %ge3A_251, %lt3A_254 : vector<16xi1>
      %broadcast_in_dim3A_256 = vector.broadcast %add3A_1 : i32 to vector<16xi32>
      %select_n3A_257 = arith.select %and3A_255, %sub3A_248, %broadcast_in_dim3A_256 : vector<16xi1>, vector<16xi32>
      %swap3A_258 = arith.constant 0 : index
      %swap3A_259 = tpu.vector_load %arg12[%swap3A_258] {strides = array<i32>} : memref<128xi32, #tpu.memory_space<vmem>>, vector<16xi32>,
      %swap3A_260 = vector.shape_cast %swap3A_259 : vector<16xi32> to vector<16xi32>
      %swap3A_261 = vector.shape_cast %select_n3A_257 : vector<16xi32> to vector<16xi32>
      tpu.vector_store %arg12[%swap3A_258], %swap3A_261 {strides = array<i32>} : memref<128xi32, #tpu.memory_space<vmem>>, vector<16xi32>,
      %get3A_262 = arith.constant 16 : index
      %get3A_263 = tpu.vector_load %arg10[%get3A_262] {strides = array<i32>} : memref<128xi32, #tpu.memory_space<vmem>>, vector<16xi32>,
      %get3A_264 = vector.shape_cast %get3A_263 : vector<16xi32> to vector<16xi32>
      %sub3A_265 = vector.broadcast %mul3A_0 : i32 to vector<16xi32>
      %sub3A_266 = arith.subi %get3A_264, %sub3A_265 : vector<16xi32>
      %ge3A_267 = arith.constant 0 : i32
      %ge3A_268 = vector.broadcast %ge3A_267 : i32 to vector<16xi32>
      %ge3A_269 = arith.cmpi sge, %sub3A_266, %ge3A_268 : vector<16xi32>
      %lt3A_270 = arith.constant 25600 : i32
      %lt3A_271 = vector.broadcast %lt3A_270 : i32 to vector<16xi32>
      %lt3A_272 = arith.cmpi slt, %sub3A_266, %lt3A_271 : vector<16xi32>
      %and3A_273 = arith.andi %ge3A_269, %lt3A_272 : vector<16xi1>
      %broadcast_in_dim3A_274 = vector.broadcast %add3A_1 : i32 to vector<16xi32>
      %select_n3A_275 = arith.select %and3A_273, %sub3A_266, %broadcast_in_dim3A_274 : vector<16xi1>, vector<16xi32>
      %swap3A_276 = arith.constant 16 : index
      %swap3A_277 = tpu.vector_load %arg12[%swap3A_276] {strides = array<i32>} : memref<128xi32, #tpu.memory_space<vmem>>, vector<16xi32>,
      %swap3A_278 = vector.shape_cast %swap3A_277 : vector<16xi32> to vector<16xi32>
      %swap3A_279 = vector.shape_cast %select_n3A_275 : vector<16xi32> to vector<16xi32>
      tpu.vector_store %arg12[%swap3A_276], %swap3A_279 {strides = array<i32>} : memref<128xi32, #tpu.memory_space<vmem>>, vector<16xi32>,
      %get3A_280 = arith.constant 32 : index
      %get3A_281 = tpu.vector_load %arg10[%get3A_280] {strides = array<i32>} : memref<128xi32, #tpu.memory_space<vmem>>, vector<16xi32>,
      %get3A_282 = vector.shape_cast %get3A_281 : vector<16xi32> to vector<16xi32>
      %sub3A_283 = vector.broadcast %mul3A_0 : i32 to vector<16xi32>
      %sub3A_284 = arith.subi %get3A_282, %sub3A_283 : vector<16xi32>
      %ge3A_285 = arith.constant 0 : i32
      %ge3A_286 = vector.broadcast %ge3A_285 : i32 to vector<16xi32>
      %ge3A_287 = arith.cmpi sge, %sub3A_284, %ge3A_286 : vector<16xi32>
      %lt3A_288 = arith.constant 25600 : i32
      %lt3A_289 = vector.broadcast %lt3A_288 : i32 to vector<16xi32>
      %lt3A_290 = arith.cmpi slt, %sub3A_284, %lt3A_289 : vector<16xi32>
      %and3A_291 = arith.andi %ge3A_287, %lt3A_290 : vector<16xi1>
      %broadcast_in_dim3A_292 = vector.broadcast %add3A_1 : i32 to vector<16xi32>
      %select_n3A_293 = arith.select %and3A_291, %sub3A_284, %broadcast_in_dim3A_292 : vector<16xi1>, vector<16xi32>
      %swap3A_294 = arith.constant 32 : index
      %swap3A_295 = tpu.vector_load %arg12[%swap3A_294] {strides = array<i32>} : memref<128xi32, #tpu.memory_space<vmem>>, vector<16xi32>,
      %swap3A_296 = vector.shape_cast %swap3A_295 : vector<16xi32> to vector<16xi32>
      %swap3A_297 = vector.shape_cast %select_n3A_293 : vector<16xi32> to vector<16xi32>
      tpu.vector_store %arg12[%swap3A_294], %swap3A_297 {strides = array<i32>} : memref<128xi32, #tpu.memory_space<vmem>>, vector<16xi32>,
      %get3A_298 = arith.constant 48 : index
      %get3A_299 = tpu.vector_load %arg10[%get3A_298] {strides = array<i32>} : memref<128xi32, #tpu.memory_space<vmem>>, vector<16xi32>,
      %get3A_300 = vector.shape_cast %get3A_299 : vector<16xi32> to vector<16xi32>
      %sub3A_301 = vector.broadcast %mul3A_0 : i32 to vector<16xi32>
      %sub3A_302 = arith.subi %get3A_300, %sub3A_301 : vector<16xi32>
      %ge3A_303 = arith.constant 0 : i32
      %ge3A_304 = vector.broadcast %ge3A_303 : i32 to vector<16xi32>
      %ge3A_305 = arith.cmpi sge, %sub3A_302, %ge3A_304 : vector<16xi32>
      %lt3A_306 = arith.constant 25600 : i32
      %lt3A_307 = vector.broadcast %lt3A_306 : i32 to vector<16xi32>
      %lt3A_308 = arith.cmpi slt, %sub3A_302, %lt3A_307 : vector<16xi32>
      %and3A_309 = arith.andi %ge3A_305, %lt3A_308 : vector<16xi1>
      %broadcast_in_dim3A_310 = vector.broadcast %add3A_1 : i32 to vector<16xi32>
      %select_n3A_311 = arith.select %and3A_309, %sub3A_302, %broadcast_in_dim3A_310 : vector<16xi1>, vector<16xi32>
      %swap3A_312 = arith.constant 48 : index
      %swap3A_313 = tpu.vector_load %arg12[%swap3A_312] {strides = array<i32>} : memref<128xi32, #tpu.memory_space<vmem>>, vector<16xi32>,
      %swap3A_314 = vector.shape_cast %swap3A_313 : vector<16xi32> to vector<16xi32>
      %swap3A_315 = vector.shape_cast %select_n3A_311 : vector<16xi32> to vector<16xi32>
      tpu.vector_store %arg12[%swap3A_312], %swap3A_315 {strides = array<i32>} : memref<128xi32, #tpu.memory_space<vmem>>, vector<16xi32>,
      %get3A_316 = arith.constant 64 : index
      %get3A_317 = tpu.vector_load %arg10[%get3A_316] {strides = array<i32>} : memref<128xi32, #tpu.memory_space<vmem>>, vector<16xi32>,
      %get3A_318 = vector.shape_cast %get3A_317 : vector<16xi32> to vector<16xi32>
      %sub3A_319 = vector.broadcast %mul3A_0 : i32 to vector<16xi32>
      %sub3A_320 = arith.subi %get3A_318, %sub3A_319 : vector<16xi32>
      %ge3A_321 = arith.constant 0 : i32
      %ge3A_322 = vector.broadcast %ge3A_321 : i32 to vector<16xi32>
      %ge3A_323 = arith.cmpi sge, %sub3A_320, %ge3A_322 : vector<16xi32>
      %lt3A_324 = arith.constant 25600 : i32
      %lt3A_325 = vector.broadcast %lt3A_324 : i32 to vector<16xi32>
      %lt3A_326 = arith.cmpi slt, %sub3A_320, %lt3A_325 : vector<16xi32>
      %and3A_327 = arith.andi %ge3A_323, %lt3A_326 : vector<16xi1>
      %broadcast_in_dim3A_328 = vector.broadcast %add3A_1 : i32 to vector<16xi32>
      %select_n3A_329 = arith.select %and3A_327, %sub3A_320, %broadcast_in_dim3A_328 : vector<16xi1>, vector<16xi32>
      %swap3A_330 = arith.constant 64 : index
      %swap3A_331 = tpu.vector_load %arg12[%swap3A_330] {strides = array<i32>} : memref<128xi32, #tpu.memory_space<vmem>>, vector<16xi32>,
      %swap3A_332 = vector.shape_cast %swap3A_331 : vector<16xi32> to vector<16xi32>
      %swap3A_333 = vector.shape_cast %select_n3A_329 : vector<16xi32> to vector<16xi32>
      tpu.vector_store %arg12[%swap3A_330], %swap3A_333 {strides = array<i32>} : memref<128xi32, #tpu.memory_space<vmem>>, vector<16xi32>,
      %get3A_334 = arith.constant 80 : index
      %get3A_335 = tpu.vector_load %arg10[%get3A_334] {strides = array<i32>} : memref<128xi32, #tpu.memory_space<vmem>>, vector<16xi32>,
      %get3A_336 = vector.shape_cast %get3A_335 : vector<16xi32> to vector<16xi32>
      %sub3A_337 = vector.broadcast %mul3A_0 : i32 to vector<16xi32>
      %sub3A_338 = arith.subi %get3A_336, %sub3A_337 : vector<16xi32>
      %ge3A_339 = arith.constant 0 : i32
      %ge3A_340 = vector.broadcast %ge3A_339 : i32 to vector<16xi32>
      %ge3A_341 = arith.cmpi sge, %sub3A_338, %ge3A_340 : vector<16xi32>
      %lt3A_342 = arith.constant 25600 : i32
      %lt3A_343 = vector.broadcast %lt3A_342 : i32 to vector<16xi32>
      %lt3A_344 = arith.cmpi slt, %sub3A_338, %lt3A_343 : vector<16xi32>
      %and3A_345 = arith.andi %ge3A_341, %lt3A_344 : vector<16xi1>
      %broadcast_in_dim3A_346 = vector.broadcast %add3A_1 : i32 to vector<16xi32>
      %select_n3A_347 = arith.select %and3A_345, %sub3A_338, %broadcast_in_dim3A_346 : vector<16xi1>, vector<16xi32>
      %swap3A_348 = arith.constant 80 : index
      %swap3A_349 = tpu.vector_load %arg12[%swap3A_348] {strides = array<i32>} : memref<128xi32, #tpu.memory_space<vmem>>, vector<16xi32>,
      %swap3A_350 = vector.shape_cast %swap3A_349 : vector<16xi32> to vector<16xi32>
      %swap3A_351 = vector.shape_cast %select_n3A_347 : vector<16xi32> to vector<16xi32>
      tpu.vector_store %arg12[%swap3A_348], %swap3A_351 {strides = array<i32>} : memref<128xi32, #tpu.memory_space<vmem>>, vector<16xi32>,
      %get3A_352 = arith.constant 96 : index
      %get3A_353 = tpu.vector_load %arg10[%get3A_352] {strides = array<i32>} : memref<128xi32, #tpu.memory_space<vmem>>, vector<16xi32>,
      %get3A_354 = vector.shape_cast %get3A_353 : vector<16xi32> to vector<16xi32>
      %sub3A_355 = vector.broadcast %mul3A_0 : i32 to vector<16xi32>
      %sub3A_356 = arith.subi %get3A_354, %sub3A_355 : vector<16xi32>
      %ge3A_357 = arith.constant 0 : i32
      %ge3A_358 = vector.broadcast %ge3A_357 : i32 to vector<16xi32>
      %ge3A_359 = arith.cmpi sge, %sub3A_356, %ge3A_358 : vector<16xi32>
      %lt3A_360 = arith.constant 25600 : i32
      %lt3A_361 = vector.broadcast %lt3A_360 : i32 to vector<16xi32>
      %lt3A_362 = arith.cmpi slt, %sub3A_356, %lt3A_361 : vector<16xi32>
      %and3A_363 = arith.andi %ge3A_359, %lt3A_362 : vector<16xi1>
      %broadcast_in_dim3A_364 = vector.broadcast %add3A_1 : i32 to vector<16xi32>
      %select_n3A_365 = arith.select %and3A_363, %sub3A_356, %broadcast_in_dim3A_364 : vector<16xi1>, vector<16xi32>
      %swap3A_366 = arith.constant 96 : index
      %swap3A_367 = tpu.vector_load %arg12[%swap3A_366] {strides = array<i32>} : memref<128xi32, #tpu.memory_space<vmem>>, vector<16xi32>,
      %swap3A_368 = vector.shape_cast %swap3A_367 : vector<16xi32> to vector<16xi32>
      %swap3A_369 = vector.shape_cast %select_n3A_365 : vector<16xi32> to vector<16xi32>
      tpu.vector_store %arg12[%swap3A_366], %swap3A_369 {strides = array<i32>} : memref<128xi32, #tpu.memory_space<vmem>>, vector<16xi32>,
      %get3A_370 = arith.constant 112 : index
      %get3A_371 = tpu.vector_load %arg10[%get3A_370] {strides = array<i32>} : memref<128xi32, #tpu.memory_space<vmem>>, vector<16xi32>,
      %get3A_372 = vector.shape_cast %get3A_371 : vector<16xi32> to vector<16xi32>
      %sub3A_373 = vector.broadcast %mul3A_0 : i32 to vector<16xi32>
      %sub3A_374 = arith.subi %get3A_372, %sub3A_373 : vector<16xi32>
      %ge3A_375 = arith.constant 0 : i32
      %ge3A_376 = vector.broadcast %ge3A_375 : i32 to vector<16xi32>
      %ge3A_377 = arith.cmpi sge, %sub3A_374, %ge3A_376 : vector<16xi32>
      %lt3A_378 = arith.constant 25600 : i32
      %lt3A_379 = vector.broadcast %lt3A_378 : i32 to vector<16xi32>
      %lt3A_380 = arith.cmpi slt, %sub3A_374, %lt3A_379 : vector<16xi32>
      %and3A_381 = arith.andi %ge3A_377, %lt3A_380 : vector<16xi1>
      %broadcast_in_dim3A_382 = vector.broadcast %add3A_1 : i32 to vector<16xi32>
      %select_n3A_383 = arith.select %and3A_381, %sub3A_374, %broadcast_in_dim3A_382 : vector<16xi1>, vector<16xi32>
      %swap3A_384 = arith.constant 112 : index
      %swap3A_385 = tpu.vector_load %arg12[%swap3A_384] {strides = array<i32>} : memref<128xi32, #tpu.memory_space<vmem>>, vector<16xi32>,
      %swap3A_386 = vector.shape_cast %swap3A_385 : vector<16xi32> to vector<16xi32>
      %swap3A_387 = vector.shape_cast %select_n3A_383 : vector<16xi32> to vector<16xi32>
      tpu.vector_store %arg12[%swap3A_384], %swap3A_387 {strides = array<i32>} : memref<128xi32, #tpu.memory_space<vmem>>, vector<16xi32>,
      %add3A_388 = arith.constant 2 : i32
      %add3A_389 = arith.addi %mul3A_87, %add3A_388 : i32
      %lt3A_390 = arith.constant 392 : i32
      %lt3A_391 = arith.cmpi slt, %add3A_389, %lt3A_390 : i32
      %convert_element_type3A_392 = arith.extui %lt3A_391 : i1 to i32
      %cond3A_393 = arith.constant 0 : i32
      %cond3A_394 = arith.cmpi ne, %convert_element_type3A_392, %cond3A_393 : i32
      scf.if %cond3A_394 {
        %dma_wait3A_405 = arith.constant 0 : i32
        %dma_wait3A_406 = tpu.memref_slice %arg3[%dma_wait3A_405] : memref<802816xi32, #tpu.memory_space<hbm>> -> memref<128xi32, #tpu.memory_space<hbm>>
        %dma_wait3A_407 = arith.constant 0 : i32
        %dma_wait3A_408 = tpu.memref_slice %arg3[%dma_wait3A_407] : memref<802816xi32, #tpu.memory_space<hbm>> -> memref<128xi32, #tpu.memory_space<hbm>>
        tpu.wait_dma2 semaphore(%arg16 : memref<!tpu.dma_semaphore, #tpu.memory_space<semaphore_mem>>) src(%dma_wait3A_408 : memref<128xi32, #tpu.memory_space<hbm>>) dst(%arg7 : memref<128xi32, #tpu.memory_space<vmem>>)
        %dma_wait3A_409 = arith.constant 0 : i32
        %dma_wait3A_410 = tpu.memref_slice %arg3[%dma_wait3A_409] : memref<802816xi32, #tpu.memory_space<hbm>> -> memref<128xi32, #tpu.memory_space<hbm>>
        %dma_wait3A_411 = arith.constant 0 : i32
        %dma_wait3A_412 = tpu.memref_slice %arg3[%dma_wait3A_411] : memref<802816xi32, #tpu.memory_space<hbm>> -> memref<128xi32, #tpu.memory_space<hbm>>
        tpu.wait_dma2 semaphore(%arg16 : memref<!tpu.dma_semaphore, #tpu.memory_space<semaphore_mem>>) src(%dma_wait3A_412 : memref<128xi32, #tpu.memory_space<hbm>>) dst(%arg9 : memref<128xi32, #tpu.memory_space<vmem>>)
        %dma_start3A_413 = arith.constant 0 : i32
        %dma_start3A_414 = arith.constant 0 : i32
        %dma_start3A_415 = tpu.memref_slice %arg2[%dma_start3A_413, %dma_start3A_414] : memref<50000x64xf32, #tpu.memory_space<hbm>> -> memref<50000x64xf32, #tpu.memory_space<hbm>>
        tpu.enqueue_indirect_dma source(%dma_start3A_415 : memref<50000x64xf32, #tpu.memory_space<hbm>>) target(%arg13 : memref<128x64xf32, #tpu.memory_space<vmem>>) offsets(%arg7 : memref<128xi32, #tpu.memory_space<vmem>>) semaphore(%arg18 : memref<!tpu.dma_semaphore, #tpu.memory_space<semaphore_mem>>)
      } else {
      }
      %dma_wait3A_395 = arith.constant 0 : i32
      %dma_wait3A_396 = arith.constant 0 : i32
      %dma_wait3A_397 = tpu.memref_slice %arg2[%dma_wait3A_395, %dma_wait3A_396] : memref<50000x64xf32, #tpu.memory_space<hbm>> -> memref<50000x64xf32, #tpu.memory_space<hbm>>
      tpu.wait_indirect_dma semaphore(%arg19 : memref<!tpu.dma_semaphore, #tpu.memory_space<semaphore_mem>>) src(%dma_wait3A_397 : memref<50000x64xf32, #tpu.memory_space<hbm>>) dst(%arg14 : memref<128x64xf32, #tpu.memory_space<vmem>>)
      %add3A_398 = arith.constant 3 : i32
      %add3A_399 = arith.addi %mul3A_87, %add3A_398 : i32
      %lt3A_400 = arith.constant 392 : i32
      %lt3A_401 = arith.cmpi slt, %add3A_399, %lt3A_400 : i32
      %convert_element_type3A_402 = arith.extui %lt3A_401 : i1 to i32
      %cond3A_403 = arith.constant 0 : i32
      %cond3A_404 = arith.cmpi ne, %convert_element_type3A_402, %cond3A_403 : i32
      scf.if %cond3A_404 {
        %add3A_405 = arith.constant 3 : i32
        %add3A_406 = arith.addi %mul3A_87, %add3A_405 : i32
        %mul3A_407 = arith.constant 16 : i32
        %mul3A_408 = arith.muli %add3A_406, %mul3A_407 : i32
        %add3A_409 = arith.addi %arg1, %mul3A_408 : i32
        %mul3A_410 = arith.constant 128 : i32
        %mul3A_411 = arith.muli %add3A_409, %mul3A_410 : i32
        %dma_start3A_412 = tpu.memref_slice %arg3[%mul3A_411] : memref<802816xi32, #tpu.memory_space<hbm>> -> memref<128xi32, #tpu.memory_space<hbm>>
        %dma_start3A_413 = tpu.memref_slice %arg3[%mul3A_411] : memref<802816xi32, #tpu.memory_space<hbm>> -> memref<128xi32, #tpu.memory_space<hbm>>
        tpu.enqueue_dma source(%dma_start3A_413 : memref<128xi32, #tpu.memory_space<hbm>>) target(%arg8 : memref<128xi32, #tpu.memory_space<vmem>>) target_semaphore(%arg17 : memref<!tpu.dma_semaphore, #tpu.memory_space<semaphore_mem>>)
        %dma_start3A_414 = tpu.memref_slice %arg4[%mul3A_411] : memref<802816xi32, #tpu.memory_space<hbm>> -> memref<128xi32, #tpu.memory_space<hbm>>
        %dma_start3A_415 = tpu.memref_slice %arg4[%mul3A_411] : memref<802816xi32, #tpu.memory_space<hbm>> -> memref<128xi32, #tpu.memory_space<hbm>>
        tpu.enqueue_dma source(%dma_start3A_415 : memref<128xi32, #tpu.memory_space<hbm>>) target(%arg10 : memref<128xi32, #tpu.memory_space<vmem>>) target_semaphore(%arg17 : memref<!tpu.dma_semaphore, #tpu.memory_space<semaphore_mem>>)
      } else {
      }
      "tpu.region"() ({
        %run_scoped3A = tpu.sem_alloc : memref<!tpu.dma_semaphore, #tpu.memory_space<semaphore_mem>>
        %dma_start3A_405 = arith.constant 0 : i32
        %dma_start3A_406 = arith.constant 0 : i32
        %dma_start3A_407 = tpu.memref_slice %arg6[%dma_start3A_405, %dma_start3A_406] : memref<25616x64xf32, #tpu.memory_space<vmem_shared>> -> memref<25616x64xf32, #tpu.memory_space<vmem_shared>>
        tpu.enqueue_indirect_dma source(%arg14 : memref<128x64xf32, #tpu.memory_space<vmem>>) target(%dma_start3A_407 : memref<25616x64xf32, #tpu.memory_space<vmem_shared>>) offsets(%arg12 : memref<128xi32, #tpu.memory_space<vmem>>) semaphore(%run_scoped3A : memref<!tpu.dma_semaphore, #tpu.memory_space<semaphore_mem>>) {add = true}
        %dma_wait3A_408 = arith.constant 0 : i32
        %dma_wait3A_409 = arith.constant 0 : i32
        %dma_wait3A_410 = tpu.memref_slice %arg6[%dma_wait3A_408, %dma_wait3A_409] : memref<25616x64xf32, #tpu.memory_space<vmem_shared>> -> memref<25616x64xf32, #tpu.memory_space<vmem_shared>>
        tpu.wait_indirect_dma semaphore(%run_scoped3A : memref<!tpu.dma_semaphore, #tpu.memory_space<semaphore_mem>>) src(%arg14 : memref<128x64xf32, #tpu.memory_space<vmem>>) dst(%dma_wait3A_410 : memref<25616x64xf32, #tpu.memory_space<vmem_shared>>)
        tpu.yield
      }) : () -> ()
    }
    %scan3A_76 = arith.constant 196 : i32
    %barrier3A_77 = arith.constant 0 : index
    tpu.barrier barrier_id(%barrier3A_77)
    %mul3A_78 = arith.constant 1600 : i32
    %mul3A_79 = arith.muli %arg1, %mul3A_78 : i32
    %add3A_80 = arith.addi %mul3A_0, %mul3A_79 : i32
    "tpu.region"() ({
      %run_scoped3A = tpu.sem_alloc : memref<!tpu.dma_semaphore, #tpu.memory_space<semaphore_mem>>
      %dma_start3A_81 = arith.constant 0 : i32
      %dma_start3A_82 = tpu.memref_slice %arg5[%add3A_80, %dma_start3A_81] : memref<51200x64xf32, #tpu.memory_space<hbm>> -> memref<1600x64xf32, #tpu.memory_space<hbm>>
      %dma_start3A_83 = arith.constant 0 : i32
      %dma_start3A_84 = tpu.memref_slice %arg6[%mul3A_79, %dma_start3A_83] : memref<25616x64xf32, #tpu.memory_space<vmem_shared>> -> memref<1600x64xf32, #tpu.memory_space<vmem_shared>>
      tpu.enqueue_dma source(%dma_start3A_84 : memref<1600x64xf32, #tpu.memory_space<vmem_shared>>) target(%dma_start3A_82 : memref<1600x64xf32, #tpu.memory_space<hbm>>) target_semaphore(%run_scoped3A : memref<!tpu.dma_semaphore, #tpu.memory_space<semaphore_mem>>)
      %dma_wait3A_85 = arith.constant 0 : i32
      %dma_wait3A_86 = tpu.memref_slice %arg5[%add3A_80, %dma_wait3A_85] : memref<51200x64xf32, #tpu.memory_space<hbm>> -> memref<1600x64xf32, #tpu.memory_space<hbm>>
      %dma_wait3A_87 = arith.constant 0 : i32
      %dma_wait3A_88 = tpu.memref_slice %arg6[%mul3A_79, %dma_wait3A_87] : memref<25616x64xf32, #tpu.memory_space<vmem_shared>> -> memref<1600x64xf32, #tpu.memory_space<vmem_shared>>
      tpu.wait_dma2 semaphore(%run_scoped3A : memref<!tpu.dma_semaphore, #tpu.memory_space<semaphore_mem>>) src(%dma_wait3A_88 : memref<1600x64xf32, #tpu.memory_space<vmem_shared>>) dst(%dma_wait3A_86 : memref<1600x64xf32, #tpu.memory_space<hbm>>)
      tpu.yield
    }) : () -> ()
    return
  }
}

#map = affine_map<(d0, d1) -> (0, 0)>
#map1 = affine_map<(d0, d1) -> (0)>
module attributes {stable_mosaic.version = 14 : i64} {
  func.func @_spmm_kernel(%arg0: i32, %arg1: i32, %arg2: memref<50000x64xf32, #tpu.memory_space<hbm>>, %arg3: memref<802816xi32, #tpu.memory_space<hbm>>, %arg4: memref<802816xi32, #tpu.memory_space<hbm>>, %arg5: memref<51200x64xf32, #tpu.memory_space<hbm>>, %arg6: memref<25616x64xf32, #tpu.memory_space<vmem_shared>>, %arg7: memref<128xi32, #tpu.memory_space<vmem>>, %arg8: memref<128xi32, #tpu.memory_space<vmem>>, %arg9: memref<128xi32, #tpu.memory_space<vmem>>, %arg10: memref<128xi32, #tpu.memory_space<vmem>>, %arg11: memref<128xi32, #tpu.memory_space<vmem>>, %arg12: memref<128xi32, #tpu.memory_space<vmem>>, %arg13: memref<128x64xf32, #tpu.memory_space<vmem>>, %arg14: memref<128x64xf32, #tpu.memory_space<vmem>>, %arg15: memref<160x64xf32, #tpu.memory_space<vmem>>, %arg16: memref<!tpu.dma_semaphore, #tpu.memory_space<semaphore_mem>>, %arg17: memref<!tpu.dma_semaphore, #tpu.memory_space<semaphore_mem>>, %arg18: memref<!tpu.dma_semaphore, #tpu.memory_space<semaphore_mem>>, %arg19: memref<!tpu.dma_semaphore, #tpu.memory_space<semaphore_mem>>) attributes {dimension_semantics = [#tpu.dimension_semantics<core_parallel>, #tpu.dimension_semantics<subcore_parallel>], iteration_bounds = array<i64: 2, 16>, scalar_prefetch = 0 : i64, scratch_operands = 14 : i64, tpu.core_type = #tpu.core_type<sc_vector_subcore>, window_params = [{transform_indices = #map}, {transform_indices = #map1}, {transform_indices = #map1}, {transform_indices = #map}]} {
    %mul3A = arith.constant 25600 : i32
    %mul3A_0 = arith.muli %arg0, %mul3A : i32
    %add3A = arith.constant 25600 : i32
    %add3A_1 = arith.addi %add3A, %arg1 : i32
    %broadcast_in_dim3A = arith.constant 0.000000e+00 : f32
    %broadcast_in_dim3A_2 = vector.broadcast %broadcast_in_dim3A : f32 to vector<16xf32>
    %scan3A = arith.constant 0 : i32
    %scan3A_3 = arith.constant 160 : i32
    %scan3A_4 = arith.addi %scan3A, %scan3A_3 : i32
    %scan3A_5 = arith.constant 1 : i32
    scf.for %scan3A_81 = %scan3A to %scan3A_4 step %scan3A_5  : i32 {
      %mul3A_82 = arith.constant 1 : i32
      %mul3A_83 = arith.muli %scan3A_81, %mul3A_82 : i32
      %add3A_84 = arith.constant 0 : i32
      %add3A_85 = arith.addi %add3A_84, %mul3A_83 : i32
      %swap3A = arith.index_cast %add3A_85 : i32 to index
      %swap3A_86 = arith.constant 0 : index
      %swap3A_87 = tpu.vector_load %arg15[%swap3A, %swap3A_86] {strides = array<i32>} : memref<160x64xf32, #tpu.memory_space<vmem>>, vector<1x16xf32>,
      %swap3A_88 = vector.shape_cast %swap3A_87 : vector<1x16xf32> to vector<16xf32>
      %swap3A_89 = vector.shape_cast %broadcast_in_dim3A_2 : vector<16xf32> to vector<1x16xf32>
      tpu.vector_store %arg15[%swap3A, %swap3A_86], %swap3A_89 {strides = array<i32>} : memref<160x64xf32, #tpu.memory_space<vmem>>, vector<1x16xf32>,
      %swap3A_90 = arith.index_cast %add3A_85 : i32 to index
      %swap3A_91 = arith.constant 16 : index
      %swap3A_92 = tpu.vector_load %arg15[%swap3A_90, %swap3A_91] {strides = array<i32>} : memref<160x64xf32, #tpu.memory_space<vmem>>, vector<1x16xf32>,
      %swap3A_93 = vector.shape_cast %swap3A_92 : vector<1x16xf32> to vector<16xf32>
      %swap3A_94 = vector.shape_cast %broadcast_in_dim3A_2 : vector<16xf32> to vector<1x16xf32>
      tpu.vector_store %arg15[%swap3A_90, %swap3A_91], %swap3A_94 {strides = array<i32>} : memref<160x64xf32, #tpu.memory_space<vmem>>, vector<1x16xf32>,
      %swap3A_95 = arith.index_cast %add3A_85 : i32 to index
      %swap3A_96 = arith.constant 32 : index
      %swap3A_97 = tpu.vector_load %arg15[%swap3A_95, %swap3A_96] {strides = array<i32>} : memref<160x64xf32, #tpu.memory_space<vmem>>, vector<1x16xf32>,
      %swap3A_98 = vector.shape_cast %swap3A_97 : vector<1x16xf32> to vector<16xf32>
      %swap3A_99 = vector.shape_cast %broadcast_in_dim3A_2 : vector<16xf32> to vector<1x16xf32>
      tpu.vector_store %arg15[%swap3A_95, %swap3A_96], %swap3A_99 {strides = array<i32>} : memref<160x64xf32, #tpu.memory_space<vmem>>, vector<1x16xf32>,
      %swap3A_100 = arith.index_cast %add3A_85 : i32 to index
      %swap3A_101 = arith.constant 48 : index
      %swap3A_102 = tpu.vector_load %arg15[%swap3A_100, %swap3A_101] {strides = array<i32>} : memref<160x64xf32, #tpu.memory_space<vmem>>, vector<1x16xf32>,
      %swap3A_103 = vector.shape_cast %swap3A_102 : vector<1x16xf32> to vector<16xf32>
      %swap3A_104 = vector.shape_cast %broadcast_in_dim3A_2 : vector<16xf32> to vector<1x16xf32>
      tpu.vector_store %arg15[%swap3A_100, %swap3A_101], %swap3A_104 {strides = array<i32>} : memref<160x64xf32, #tpu.memory_space<vmem>>, vector<1x16xf32>,
    }
    %scan3A_6 = arith.constant 160 : i32
    %mul3A_7 = arith.constant 1600 : i32
    %mul3A_8 = arith.muli %arg1, %mul3A_7 : i32
    %add3A_9 = arith.constant 0 : i32
    %add3A_10 = arith.addi %mul3A_8, %add3A_9 : i32
    "tpu.region"() ({
      %run_scoped3A = tpu.sem_alloc : memref<!tpu.dma_semaphore, #tpu.memory_space<semaphore_mem>>
      %dma_start3A_81 = arith.constant 0 : i32
      %dma_start3A_82 = tpu.memref_slice %arg6[%add3A_10, %dma_start3A_81] : memref<25616x64xf32, #tpu.memory_space<vmem_shared>> -> memref<160x64xf32, #tpu.memory_space<vmem_shared>>
      %dma_start3A_83 = arith.constant 0 : i32
      %dma_start3A_84 = tpu.memref_slice %arg6[%add3A_10, %dma_start3A_83] : memref<25616x64xf32, #tpu.memory_space<vmem_shared>> -> memref<160x64xf32, #tpu.memory_space<vmem_shared>>
      tpu.enqueue_dma source(%arg15 : memref<160x64xf32, #tpu.memory_space<vmem>>) target(%dma_start3A_84 : memref<160x64xf32, #tpu.memory_space<vmem_shared>>) target_semaphore(%run_scoped3A : memref<!tpu.dma_semaphore, #tpu.memory_space<semaphore_mem>>)
      %dma_wait3A_85 = arith.constant 0 : i32
      %dma_wait3A_86 = tpu.memref_slice %arg6[%add3A_10, %dma_wait3A_85] : memref<25616x64xf32, #tpu.memory_space<vmem_shared>> -> memref<160x64xf32, #tpu.memory_space<vmem_shared>>
      %dma_wait3A_87 = arith.constant 0 : i32
      %dma_wait3A_88 = tpu.memref_slice %arg6[%add3A_10, %dma_wait3A_87] : memref<25616x64xf32, #tpu.memory_space<vmem_shared>> -> memref<160x64xf32, #tpu.memory_space<vmem_shared>>
      tpu.wait_dma2 semaphore(%run_scoped3A : memref<!tpu.dma_semaphore, #tpu.memory_space<semaphore_mem>>) src(%arg15 : memref<160x64xf32, #tpu.memory_space<vmem>>) dst(%dma_wait3A_88 : memref<160x64xf32, #tpu.memory_space<vmem_shared>>)
      tpu.yield
    }) : () -> ()
    %mul3A_11 = arith.constant 1600 : i32
    %mul3A_12 = arith.muli %arg1, %mul3A_11 : i32
    %add3A_13 = arith.constant 160 : i32
    %add3A_14 = arith.addi %mul3A_12, %add3A_13 : i32
    "tpu.region"() ({
      %run_scoped3A = tpu.sem_alloc : memref<!tpu.dma_semaphore, #tpu.memory_space<semaphore_mem>>
      %dma_start3A_81 = arith.constant 0 : i32
      %dma_start3A_82 = tpu.memref_slice %arg6[%add3A_14, %dma_start3A_81] : memref<25616x64xf32, #tpu.memory_space<vmem_shared>> -> memref<160x64xf32, #tpu.memory_space<vmem_shared>>
      %dma_start3A_83 = arith.constant 0 : i32
      %dma_start3A_84 = tpu.memref_slice %arg6[%add3A_14, %dma_start3A_83] : memref<25616x64xf32, #tpu.memory_space<vmem_shared>> -> memref<160x64xf32, #tpu.memory_space<vmem_shared>>
      tpu.enqueue_dma source(%arg15 : memref<160x64xf32, #tpu.memory_space<vmem>>) target(%dma_start3A_84 : memref<160x64xf32, #tpu.memory_space<vmem_shared>>) target_semaphore(%run_scoped3A : memref<!tpu.dma_semaphore, #tpu.memory_space<semaphore_mem>>)
      %dma_wait3A_85 = arith.constant 0 : i32
      %dma_wait3A_86 = tpu.memref_slice %arg6[%add3A_14, %dma_wait3A_85] : memref<25616x64xf32, #tpu.memory_space<vmem_shared>> -> memref<160x64xf32, #tpu.memory_space<vmem_shared>>
      %dma_wait3A_87 = arith.constant 0 : i32
      %dma_wait3A_88 = tpu.memref_slice %arg6[%add3A_14, %dma_wait3A_87] : memref<25616x64xf32, #tpu.memory_space<vmem_shared>> -> memref<160x64xf32, #tpu.memory_space<vmem_shared>>
      tpu.wait_dma2 semaphore(%run_scoped3A : memref<!tpu.dma_semaphore, #tpu.memory_space<semaphore_mem>>) src(%arg15 : memref<160x64xf32, #tpu.memory_space<vmem>>) dst(%dma_wait3A_88 : memref<160x64xf32, #tpu.memory_space<vmem_shared>>)
      tpu.yield
    }) : () -> ()
    %mul3A_15 = arith.constant 1600 : i32
    %mul3A_16 = arith.muli %arg1, %mul3A_15 : i32
    %add3A_17 = arith.constant 320 : i32
    %add3A_18 = arith.addi %mul3A_16, %add3A_17 : i32
    "tpu.region"() ({
      %run_scoped3A = tpu.sem_alloc : memref<!tpu.dma_semaphore, #tpu.memory_space<semaphore_mem>>
      %dma_start3A_81 = arith.constant 0 : i32
      %dma_start3A_82 = tpu.memref_slice %arg6[%add3A_18, %dma_start3A_81] : memref<25616x64xf32, #tpu.memory_space<vmem_shared>> -> memref<160x64xf32, #tpu.memory_space<vmem_shared>>
      %dma_start3A_83 = arith.constant 0 : i32
      %dma_start3A_84 = tpu.memref_slice %arg6[%add3A_18, %dma_start3A_83] : memref<25616x64xf32, #tpu.memory_space<vmem_shared>> -> memref<160x64xf32, #tpu.memory_space<vmem_shared>>
      tpu.enqueue_dma source(%arg15 : memref<160x64xf32, #tpu.memory_space<vmem>>) target(%dma_start3A_84 : memref<160x64xf32, #tpu.memory_space<vmem_shared>>) target_semaphore(%run_scoped3A : memref<!tpu.dma_semaphore, #tpu.memory_space<semaphore_mem>>)
      %dma_wait3A_85 = arith.constant 0 : i32
      %dma_wait3A_86 = tpu.memref_slice %arg6[%add3A_18, %dma_wait3A_85] : memref<25616x64xf32, #tpu.memory_space<vmem_shared>> -> memref<160x64xf32, #tpu.memory_space<vmem_shared>>
      %dma_wait3A_87 = arith.constant 0 : i32
      %dma_wait3A_88 = tpu.memref_slice %arg6[%add3A_18, %dma_wait3A_87] : memref<25616x64xf32, #tpu.memory_space<vmem_shared>> -> memref<160x64xf32, #tpu.memory_space<vmem_shared>>
      tpu.wait_dma2 semaphore(%run_scoped3A : memref<!tpu.dma_semaphore, #tpu.memory_space<semaphore_mem>>) src(%arg15 : memref<160x64xf32, #tpu.memory_space<vmem>>) dst(%dma_wait3A_88 : memref<160x64xf32, #tpu.memory_space<vmem_shared>>)
      tpu.yield
    }) : () -> ()
    %mul3A_19 = arith.constant 1600 : i32
    %mul3A_20 = arith.muli %arg1, %mul3A_19 : i32
    %add3A_21 = arith.constant 480 : i32
    %add3A_22 = arith.addi %mul3A_20, %add3A_21 : i32
    "tpu.region"() ({
      %run_scoped3A = tpu.sem_alloc : memref<!tpu.dma_semaphore, #tpu.memory_space<semaphore_mem>>
      %dma_start3A_81 = arith.constant 0 : i32
      %dma_start3A_82 = tpu.memref_slice %arg6[%add3A_22, %dma_start3A_81] : memref<25616x64xf32, #tpu.memory_space<vmem_shared>> -> memref<160x64xf32, #tpu.memory_space<vmem_shared>>
      %dma_start3A_83 = arith.constant 0 : i32
      %dma_start3A_84 = tpu.memref_slice %arg6[%add3A_22, %dma_start3A_83] : memref<25616x64xf32, #tpu.memory_space<vmem_shared>> -> memref<160x64xf32, #tpu.memory_space<vmem_shared>>
      tpu.enqueue_dma source(%arg15 : memref<160x64xf32, #tpu.memory_space<vmem>>) target(%dma_start3A_84 : memref<160x64xf32, #tpu.memory_space<vmem_shared>>) target_semaphore(%run_scoped3A : memref<!tpu.dma_semaphore, #tpu.memory_space<semaphore_mem>>)
      %dma_wait3A_85 = arith.constant 0 : i32
      %dma_wait3A_86 = tpu.memref_slice %arg6[%add3A_22, %dma_wait3A_85] : memref<25616x64xf32, #tpu.memory_space<vmem_shared>> -> memref<160x64xf32, #tpu.memory_space<vmem_shared>>
      %dma_wait3A_87 = arith.constant 0 : i32
      %dma_wait3A_88 = tpu.memref_slice %arg6[%add3A_22, %dma_wait3A_87] : memref<25616x64xf32, #tpu.memory_space<vmem_shared>> -> memref<160x64xf32, #tpu.memory_space<vmem_shared>>
      tpu.wait_dma2 semaphore(%run_scoped3A : memref<!tpu.dma_semaphore, #tpu.memory_space<semaphore_mem>>) src(%arg15 : memref<160x64xf32, #tpu.memory_space<vmem>>) dst(%dma_wait3A_88 : memref<160x64xf32, #tpu.memory_space<vmem_shared>>)
      tpu.yield
    }) : () -> ()
    %mul3A_23 = arith.constant 1600 : i32
    %mul3A_24 = arith.muli %arg1, %mul3A_23 : i32
    %add3A_25 = arith.constant 640 : i32
    %add3A_26 = arith.addi %mul3A_24, %add3A_25 : i32
    "tpu.region"() ({
      %run_scoped3A = tpu.sem_alloc : memref<!tpu.dma_semaphore, #tpu.memory_space<semaphore_mem>>
      %dma_start3A_81 = arith.constant 0 : i32
      %dma_start3A_82 = tpu.memref_slice %arg6[%add3A_26, %dma_start3A_81] : memref<25616x64xf32, #tpu.memory_space<vmem_shared>> -> memref<160x64xf32, #tpu.memory_space<vmem_shared>>
      %dma_start3A_83 = arith.constant 0 : i32
      %dma_start3A_84 = tpu.memref_slice %arg6[%add3A_26, %dma_start3A_83] : memref<25616x64xf32, #tpu.memory_space<vmem_shared>> -> memref<160x64xf32, #tpu.memory_space<vmem_shared>>
      tpu.enqueue_dma source(%arg15 : memref<160x64xf32, #tpu.memory_space<vmem>>) target(%dma_start3A_84 : memref<160x64xf32, #tpu.memory_space<vmem_shared>>) target_semaphore(%run_scoped3A : memref<!tpu.dma_semaphore, #tpu.memory_space<semaphore_mem>>)
      %dma_wait3A_85 = arith.constant 0 : i32
      %dma_wait3A_86 = tpu.memref_slice %arg6[%add3A_26, %dma_wait3A_85] : memref<25616x64xf32, #tpu.memory_space<vmem_shared>> -> memref<160x64xf32, #tpu.memory_space<vmem_shared>>
      %dma_wait3A_87 = arith.constant 0 : i32
      %dma_wait3A_88 = tpu.memref_slice %arg6[%add3A_26, %dma_wait3A_87] : memref<25616x64xf32, #tpu.memory_space<vmem_shared>> -> memref<160x64xf32, #tpu.memory_space<vmem_shared>>
      tpu.wait_dma2 semaphore(%run_scoped3A : memref<!tpu.dma_semaphore, #tpu.memory_space<semaphore_mem>>) src(%arg15 : memref<160x64xf32, #tpu.memory_space<vmem>>) dst(%dma_wait3A_88 : memref<160x64xf32, #tpu.memory_space<vmem_shared>>)
      tpu.yield
    }) : () -> ()
    %mul3A_27 = arith.constant 1600 : i32
    %mul3A_28 = arith.muli %arg1, %mul3A_27 : i32
    %add3A_29 = arith.constant 800 : i32
    %add3A_30 = arith.addi %mul3A_28, %add3A_29 : i32
    "tpu.region"() ({
      %run_scoped3A = tpu.sem_alloc : memref<!tpu.dma_semaphore, #tpu.memory_space<semaphore_mem>>
      %dma_start3A_81 = arith.constant 0 : i32
      %dma_start3A_82 = tpu.memref_slice %arg6[%add3A_30, %dma_start3A_81] : memref<25616x64xf32, #tpu.memory_space<vmem_shared>> -> memref<160x64xf32, #tpu.memory_space<vmem_shared>>
      %dma_start3A_83 = arith.constant 0 : i32
      %dma_start3A_84 = tpu.memref_slice %arg6[%add3A_30, %dma_start3A_83] : memref<25616x64xf32, #tpu.memory_space<vmem_shared>> -> memref<160x64xf32, #tpu.memory_space<vmem_shared>>
      tpu.enqueue_dma source(%arg15 : memref<160x64xf32, #tpu.memory_space<vmem>>) target(%dma_start3A_84 : memref<160x64xf32, #tpu.memory_space<vmem_shared>>) target_semaphore(%run_scoped3A : memref<!tpu.dma_semaphore, #tpu.memory_space<semaphore_mem>>)
      %dma_wait3A_85 = arith.constant 0 : i32
      %dma_wait3A_86 = tpu.memref_slice %arg6[%add3A_30, %dma_wait3A_85] : memref<25616x64xf32, #tpu.memory_space<vmem_shared>> -> memref<160x64xf32, #tpu.memory_space<vmem_shared>>
      %dma_wait3A_87 = arith.constant 0 : i32
      %dma_wait3A_88 = tpu.memref_slice %arg6[%add3A_30, %dma_wait3A_87] : memref<25616x64xf32, #tpu.memory_space<vmem_shared>> -> memref<160x64xf32, #tpu.memory_space<vmem_shared>>
      tpu.wait_dma2 semaphore(%run_scoped3A : memref<!tpu.dma_semaphore, #tpu.memory_space<semaphore_mem>>) src(%arg15 : memref<160x64xf32, #tpu.memory_space<vmem>>) dst(%dma_wait3A_88 : memref<160x64xf32, #tpu.memory_space<vmem_shared>>)
      tpu.yield
    }) : () -> ()
    %mul3A_31 = arith.constant 1600 : i32
    %mul3A_32 = arith.muli %arg1, %mul3A_31 : i32
    %add3A_33 = arith.constant 960 : i32
    %add3A_34 = arith.addi %mul3A_32, %add3A_33 : i32
    "tpu.region"() ({
      %run_scoped3A = tpu.sem_alloc : memref<!tpu.dma_semaphore, #tpu.memory_space<semaphore_mem>>
      %dma_start3A_81 = arith.constant 0 : i32
      %dma_start3A_82 = tpu.memref_slice %arg6[%add3A_34, %dma_start3A_81] : memref<25616x64xf32, #tpu.memory_space<vmem_shared>> -> memref<160x64xf32, #tpu.memory_space<vmem_shared>>
      %dma_start3A_83 = arith.constant 0 : i32
      %dma_start3A_84 = tpu.memref_slice %arg6[%add3A_34, %dma_start3A_83] : memref<25616x64xf32, #tpu.memory_space<vmem_shared>> -> memref<160x64xf32, #tpu.memory_space<vmem_shared>>
      tpu.enqueue_dma source(%arg15 : memref<160x64xf32, #tpu.memory_space<vmem>>) target(%dma_start3A_84 : memref<160x64xf32, #tpu.memory_space<vmem_shared>>) target_semaphore(%run_scoped3A : memref<!tpu.dma_semaphore, #tpu.memory_space<semaphore_mem>>)
      %dma_wait3A_85 = arith.constant 0 : i32
      %dma_wait3A_86 = tpu.memref_slice %arg6[%add3A_34, %dma_wait3A_85] : memref<25616x64xf32, #tpu.memory_space<vmem_shared>> -> memref<160x64xf32, #tpu.memory_space<vmem_shared>>
      %dma_wait3A_87 = arith.constant 0 : i32
      %dma_wait3A_88 = tpu.memref_slice %arg6[%add3A_34, %dma_wait3A_87] : memref<25616x64xf32, #tpu.memory_space<vmem_shared>> -> memref<160x64xf32, #tpu.memory_space<vmem_shared>>
      tpu.wait_dma2 semaphore(%run_scoped3A : memref<!tpu.dma_semaphore, #tpu.memory_space<semaphore_mem>>) src(%arg15 : memref<160x64xf32, #tpu.memory_space<vmem>>) dst(%dma_wait3A_88 : memref<160x64xf32, #tpu.memory_space<vmem_shared>>)
      tpu.yield
    }) : () -> ()
    %mul3A_35 = arith.constant 1600 : i32
    %mul3A_36 = arith.muli %arg1, %mul3A_35 : i32
    %add3A_37 = arith.constant 1120 : i32
    %add3A_38 = arith.addi %mul3A_36, %add3A_37 : i32
    "tpu.region"() ({
      %run_scoped3A = tpu.sem_alloc : memref<!tpu.dma_semaphore, #tpu.memory_space<semaphore_mem>>
      %dma_start3A_81 = arith.constant 0 : i32
      %dma_start3A_82 = tpu.memref_slice %arg6[%add3A_38, %dma_start3A_81] : memref<25616x64xf32, #tpu.memory_space<vmem_shared>> -> memref<160x64xf32, #tpu.memory_space<vmem_shared>>
      %dma_start3A_83 = arith.constant 0 : i32
      %dma_start3A_84 = tpu.memref_slice %arg6[%add3A_38, %dma_start3A_83] : memref<25616x64xf32, #tpu.memory_space<vmem_shared>> -> memref<160x64xf32, #tpu.memory_space<vmem_shared>>
      tpu.enqueue_dma source(%arg15 : memref<160x64xf32, #tpu.memory_space<vmem>>) target(%dma_start3A_84 : memref<160x64xf32, #tpu.memory_space<vmem_shared>>) target_semaphore(%run_scoped3A : memref<!tpu.dma_semaphore, #tpu.memory_space<semaphore_mem>>)
      %dma_wait3A_85 = arith.constant 0 : i32
      %dma_wait3A_86 = tpu.memref_slice %arg6[%add3A_38, %dma_wait3A_85] : memref<25616x64xf32, #tpu.memory_space<vmem_shared>> -> memref<160x64xf32, #tpu.memory_space<vmem_shared>>
      %dma_wait3A_87 = arith.constant 0 : i32
      %dma_wait3A_88 = tpu.memref_slice %arg6[%add3A_38, %dma_wait3A_87] : memref<25616x64xf32, #tpu.memory_space<vmem_shared>> -> memref<160x64xf32, #tpu.memory_space<vmem_shared>>
      tpu.wait_dma2 semaphore(%run_scoped3A : memref<!tpu.dma_semaphore, #tpu.memory_space<semaphore_mem>>) src(%arg15 : memref<160x64xf32, #tpu.memory_space<vmem>>) dst(%dma_wait3A_88 : memref<160x64xf32, #tpu.memory_space<vmem_shared>>)
      tpu.yield
    }) : () -> ()
    %mul3A_39 = arith.constant 1600 : i32
    %mul3A_40 = arith.muli %arg1, %mul3A_39 : i32
    %add3A_41 = arith.constant 1280 : i32
    %add3A_42 = arith.addi %mul3A_40, %add3A_41 : i32
    "tpu.region"() ({
      %run_scoped3A = tpu.sem_alloc : memref<!tpu.dma_semaphore, #tpu.memory_space<semaphore_mem>>
      %dma_start3A_81 = arith.constant 0 : i32
      %dma_start3A_82 = tpu.memref_slice %arg6[%add3A_42, %dma_start3A_81] : memref<25616x64xf32, #tpu.memory_space<vmem_shared>> -> memref<160x64xf32, #tpu.memory_space<vmem_shared>>
      %dma_start3A_83 = arith.constant 0 : i32
      %dma_start3A_84 = tpu.memref_slice %arg6[%add3A_42, %dma_start3A_83] : memref<25616x64xf32, #tpu.memory_space<vmem_shared>> -> memref<160x64xf32, #tpu.memory_space<vmem_shared>>
      tpu.enqueue_dma source(%arg15 : memref<160x64xf32, #tpu.memory_space<vmem>>) target(%dma_start3A_84 : memref<160x64xf32, #tpu.memory_space<vmem_shared>>) target_semaphore(%run_scoped3A : memref<!tpu.dma_semaphore, #tpu.memory_space<semaphore_mem>>)
      %dma_wait3A_85 = arith.constant 0 : i32
      %dma_wait3A_86 = tpu.memref_slice %arg6[%add3A_42, %dma_wait3A_85] : memref<25616x64xf32, #tpu.memory_space<vmem_shared>> -> memref<160x64xf32, #tpu.memory_space<vmem_shared>>
      %dma_wait3A_87 = arith.constant 0 : i32
      %dma_wait3A_88 = tpu.memref_slice %arg6[%add3A_42, %dma_wait3A_87] : memref<25616x64xf32, #tpu.memory_space<vmem_shared>> -> memref<160x64xf32, #tpu.memory_space<vmem_shared>>
      tpu.wait_dma2 semaphore(%run_scoped3A : memref<!tpu.dma_semaphore, #tpu.memory_space<semaphore_mem>>) src(%arg15 : memref<160x64xf32, #tpu.memory_space<vmem>>) dst(%dma_wait3A_88 : memref<160x64xf32, #tpu.memory_space<vmem_shared>>)
      tpu.yield
    }) : () -> ()
    %mul3A_43 = arith.constant 1600 : i32
    %mul3A_44 = arith.muli %arg1, %mul3A_43 : i32
    %add3A_45 = arith.constant 1440 : i32
    %add3A_46 = arith.addi %mul3A_44, %add3A_45 : i32
    "tpu.region"() ({
      %run_scoped3A = tpu.sem_alloc : memref<!tpu.dma_semaphore, #tpu.memory_space<semaphore_mem>>
      %dma_start3A_81 = arith.constant 0 : i32
      %dma_start3A_82 = tpu.memref_slice %arg6[%add3A_46, %dma_start3A_81] : memref<25616x64xf32, #tpu.memory_space<vmem_shared>> -> memref<160x64xf32, #tpu.memory_space<vmem_shared>>
      %dma_start3A_83 = arith.constant 0 : i32
      %dma_start3A_84 = tpu.memref_slice %arg6[%add3A_46, %dma_start3A_83] : memref<25616x64xf32, #tpu.memory_space<vmem_shared>> -> memref<160x64xf32, #tpu.memory_space<vmem_shared>>
      tpu.enqueue_dma source(%arg15 : memref<160x64xf32, #tpu.memory_space<vmem>>) target(%dma_start3A_84 : memref<160x64xf32, #tpu.memory_space<vmem_shared>>) target_semaphore(%run_scoped3A : memref<!tpu.dma_semaphore, #tpu.memory_space<semaphore_mem>>)
      %dma_wait3A_85 = arith.constant 0 : i32
      %dma_wait3A_86 = tpu.memref_slice %arg6[%add3A_46, %dma_wait3A_85] : memref<25616x64xf32, #tpu.memory_space<vmem_shared>> -> memref<160x64xf32, #tpu.memory_space<vmem_shared>>
      %dma_wait3A_87 = arith.constant 0 : i32
      %dma_wait3A_88 = tpu.memref_slice %arg6[%add3A_46, %dma_wait3A_87] : memref<25616x64xf32, #tpu.memory_space<vmem_shared>> -> memref<160x64xf32, #tpu.memory_space<vmem_shared>>
      tpu.wait_dma2 semaphore(%run_scoped3A : memref<!tpu.dma_semaphore, #tpu.memory_space<semaphore_mem>>) src(%arg15 : memref<160x64xf32, #tpu.memory_space<vmem>>) dst(%dma_wait3A_88 : memref<160x64xf32, #tpu.memory_space<vmem_shared>>)
      tpu.yield
    }) : () -> ()
    %barrier3A = arith.constant 0 : index
    tpu.barrier barrier_id(%barrier3A)
    %add3A_47 = arith.constant 0 : i32
    %add3A_48 = arith.addi %arg1, %add3A_47 : i32
    %mul3A_49 = arith.constant 128 : i32
    %mul3A_50 = arith.muli %add3A_48, %mul3A_49 : i32
    %dma_start3A = tpu.memref_slice %arg3[%mul3A_50] : memref<802816xi32, #tpu.memory_space<hbm>> -> memref<128xi32, #tpu.memory_space<hbm>>
    %dma_start3A_51 = tpu.memref_slice %arg3[%mul3A_50] : memref<802816xi32, #tpu.memory_space<hbm>> -> memref<128xi32, #tpu.memory_space<hbm>>
    tpu.enqueue_dma source(%dma_start3A_51 : memref<128xi32, #tpu.memory_space<hbm>>) target(%arg7 : memref<128xi32, #tpu.memory_space<vmem>>) target_semaphore(%arg16 : memref<!tpu.dma_semaphore, #tpu.memory_space<semaphore_mem>>)
    %dma_start3A_52 = tpu.memref_slice %arg4[%mul3A_50] : memref<802816xi32, #tpu.memory_space<hbm>> -> memref<128xi32, #tpu.memory_space<hbm>>
    %dma_start3A_53 = tpu.memref_slice %arg4[%mul3A_50] : memref<802816xi32, #tpu.memory_space<hbm>> -> memref<128xi32, #tpu.memory_space<hbm>>
    tpu.enqueue_dma source(%dma_start3A_53 : memref<128xi32, #tpu.memory_space<hbm>>) target(%arg9 : memref<128xi32, #tpu.memory_space<vmem>>) target_semaphore(%arg16 : memref<!tpu.dma_semaphore, #tpu.memory_space<semaphore_mem>>)
    %add3A_54 = arith.constant 16 : i32
    %add3A_55 = arith.addi %arg1, %add3A_54 : i32
    %mul3A_56 = arith.constant 128 : i32
    %mul3A_57 = arith.muli %add3A_55, %mul3A_56 : i32
    %dma_start3A_58 = tpu.memref_slice %arg3[%mul3A_57] : memref<802816xi32, #tpu.memory_space<hbm>> -> memref<128xi32, #tpu.memory_space<hbm>>
    %dma_start3A_59 = tpu.memref_slice %arg3[%mul3A_57] : memref<802816xi32, #tpu.memory_space<hbm>> -> memref<128xi32, #tpu.memory_space<hbm>>
    tpu.enqueue_dma source(%dma_start3A_59 : memref<128xi32, #tpu.memory_space<hbm>>) target(%arg8 : memref<128xi32, #tpu.memory_space<vmem>>) target_semaphore(%arg17 : memref<!tpu.dma_semaphore, #tpu.memory_space<semaphore_mem>>)
    %dma_start3A_60 = tpu.memref_slice %arg4[%mul3A_57] : memref<802816xi32, #tpu.memory_space<hbm>> -> memref<128xi32, #tpu.memory_space<hbm>>
    %dma_start3A_61 = tpu.memref_slice %arg4[%mul3A_57] : memref<802816xi32, #tpu.memory_space<hbm>> -> memref<128xi32, #tpu.memory_space<hbm>>
    tpu.enqueue_dma source(%dma_start3A_61 : memref<128xi32, #tpu.memory_space<hbm>>) target(%arg10 : memref<128xi32, #tpu.memory_space<vmem>>) target_semaphore(%arg17 : memref<!tpu.dma_semaphore, #tpu.memory_space<semaphore_mem>>)
    %dma_wait3A = arith.constant 0 : i32
    %dma_wait3A_62 = tpu.memref_slice %arg3[%dma_wait3A] : memref<802816xi32, #tpu.memory_space<hbm>> -> memref<128xi32, #tpu.memory_space<hbm>>
    %dma_wait3A_63 = arith.constant 0 : i32
    %dma_wait3A_64 = tpu.memref_slice %arg3[%dma_wait3A_63] : memref<802816xi32, #tpu.memory_space<hbm>> -> memref<128xi32, #tpu.memory_space<hbm>>
    tpu.wait_dma2 semaphore(%arg16 : memref<!tpu.dma_semaphore, #tpu.memory_space<semaphore_mem>>) src(%dma_wait3A_64 : memref<128xi32, #tpu.memory_space<hbm>>) dst(%arg7 : memref<128xi32, #tpu.memory_space<vmem>>)
    %dma_wait3A_65 = arith.constant 0 : i32
    %dma_wait3A_66 = tpu.memref_slice %arg3[%dma_wait3A_65] : memref<802816xi32, #tpu.memory_space<hbm>> -> memref<128xi32, #tpu.memory_space<hbm>>
    %dma_wait3A_67 = arith.constant 0 : i32
    %dma_wait3A_68 = tpu.memref_slice %arg3[%dma_wait3A_67] : memref<802816xi32, #tpu.memory_space<hbm>> -> memref<128xi32, #tpu.memory_space<hbm>>
    tpu.wait_dma2 semaphore(%arg16 : memref<!tpu.dma_semaphore, #tpu.memory_space<semaphore_mem>>) src(%dma_wait3A_68 : memref<128xi32, #tpu.memory_space<hbm>>) dst(%arg9 : memref<128xi32, #tpu.memory_space<vmem>>)
    %dma_start3A_69 = arith.constant 0 : i32
    %dma_start3A_70 = arith.constant 0 : i32
    %dma_start3A_71 = tpu.memref_slice %arg2[%dma_start3A_69, %dma_start3A_70] : memref<50000x64xf32, #tpu.memory_space<hbm>> -> memref<50000x64xf32, #tpu.memory_space<hbm>>
    tpu.enqueue_indirect_dma source(%dma_start3A_71 : memref<50000x64xf32, #tpu.memory_space<hbm>>) target(%arg13 : memref<128x64xf32, #tpu.memory_space<vmem>>) offsets(%arg7 : memref<128xi32, #tpu.memory_space<vmem>>) semaphore(%arg18 : memref<!tpu.dma_semaphore, #tpu.memory_space<semaphore_mem>>)
    %scan3A_72 = arith.constant 0 : i32
    %scan3A_73 = arith.constant 196 : i32
    %scan3A_74 = arith.addi %scan3A_72, %scan3A_73 : i32
    %scan3A_75 = arith.constant 1 : i32
    scf.for %scan3A_81 = %scan3A_72 to %scan3A_74 step %scan3A_75  : i32 {
      %mul3A_82 = arith.constant 1 : i32
      %mul3A_83 = arith.muli %scan3A_81, %mul3A_82 : i32
      %add3A_84 = arith.constant 0 : i32
      %add3A_85 = arith.addi %add3A_84, %mul3A_83 : i32
      %mul3A_86 = arith.constant 2 : i32
      %mul3A_87 = arith.muli %mul3A_86, %add3A_85 : i32
      %get3A = arith.constant 0 : index
      %get3A_88 = tpu.vector_load %arg9[%get3A] {strides = array<i32>} : memref<128xi32, #tpu.memory_space<vmem>>, vector<16xi32>,
      %get3A_89 = vector.shape_cast %get3A_88 : vector<16xi32> to vector<16xi32>
      %sub3A = vector.broadcast %mul3A_0 : i32 to vector<16xi32>
      %sub3A_90 = arith.subi %get3A_89, %sub3A : vector<16xi32>
      %ge3A = arith.constant 0 : i32
      %ge3A_91 = vector.broadcast %ge3A : i32 to vector<16xi32>
      %ge3A_92 = arith.cmpi sge, %sub3A_90, %ge3A_91 : vector<16xi32>
      %lt3A = arith.constant 25600 : i32
      %lt3A_93 = vector.broadcast %lt3A : i32 to vector<16xi32>
      %lt3A_94 = arith.cmpi slt, %sub3A_90, %lt3A_93 : vector<16xi32>
      %and3A = arith.andi %ge3A_92, %lt3A_94 : vector<16xi1>
      %broadcast_in_dim3A_95 = vector.broadcast %add3A_1 : i32 to vector<16xi32>
      %select_n3A = arith.select %and3A, %sub3A_90, %broadcast_in_dim3A_95 : vector<16xi1>, vector<16xi32>
      %swap3A = arith.constant 0 : index
      %swap3A_96 = tpu.vector_load %arg11[%swap3A] {strides = array<i32>} : memref<128xi32, #tpu.memory_space<vmem>>, vector<16xi32>,
      %swap3A_97 = vector.shape_cast %swap3A_96 : vector<16xi32> to vector<16xi32>
      %swap3A_98 = vector.shape_cast %select_n3A : vector<16xi32> to vector<16xi32>
      tpu.vector_store %arg11[%swap3A], %swap3A_98 {strides = array<i32>} : memref<128xi32, #tpu.memory_space<vmem>>, vector<16xi32>,
      %get3A_99 = arith.constant 16 : index
      %get3A_100 = tpu.vector_load %arg9[%get3A_99] {strides = array<i32>} : memref<128xi32, #tpu.memory_space<vmem>>, vector<16xi32>,
      %get3A_101 = vector.shape_cast %get3A_100 : vector<16xi32> to vector<16xi32>
      %sub3A_102 = vector.broadcast %mul3A_0 : i32 to vector<16xi32>
      %sub3A_103 = arith.subi %get3A_101, %sub3A_102 : vector<16xi32>
      %ge3A_104 = arith.constant 0 : i32
      %ge3A_105 = vector.broadcast %ge3A_104 : i32 to vector<16xi32>
      %ge3A_106 = arith.cmpi sge, %sub3A_103, %ge3A_105 : vector<16xi32>
      %lt3A_107 = arith.constant 25600 : i32
      %lt3A_108 = vector.broadcast %lt3A_107 : i32 to vector<16xi32>
      %lt3A_109 = arith.cmpi slt, %sub3A_103, %lt3A_108 : vector<16xi32>
      %and3A_110 = arith.andi %ge3A_106, %lt3A_109 : vector<16xi1>
      %broadcast_in_dim3A_111 = vector.broadcast %add3A_1 : i32 to vector<16xi32>
      %select_n3A_112 = arith.select %and3A_110, %sub3A_103, %broadcast_in_dim3A_111 : vector<16xi1>, vector<16xi32>
      %swap3A_113 = arith.constant 16 : index
      %swap3A_114 = tpu.vector_load %arg11[%swap3A_113] {strides = array<i32>} : memref<128xi32, #tpu.memory_space<vmem>>, vector<16xi32>,
      %swap3A_115 = vector.shape_cast %swap3A_114 : vector<16xi32> to vector<16xi32>
      %swap3A_116 = vector.shape_cast %select_n3A_112 : vector<16xi32> to vector<16xi32>
      tpu.vector_store %arg11[%swap3A_113], %swap3A_116 {strides = array<i32>} : memref<128xi32, #tpu.memory_space<vmem>>, vector<16xi32>,
      %get3A_117 = arith.constant 32 : index
      %get3A_118 = tpu.vector_load %arg9[%get3A_117] {strides = array<i32>} : memref<128xi32, #tpu.memory_space<vmem>>, vector<16xi32>,
      %get3A_119 = vector.shape_cast %get3A_118 : vector<16xi32> to vector<16xi32>
      %sub3A_120 = vector.broadcast %mul3A_0 : i32 to vector<16xi32>
      %sub3A_121 = arith.subi %get3A_119, %sub3A_120 : vector<16xi32>
      %ge3A_122 = arith.constant 0 : i32
      %ge3A_123 = vector.broadcast %ge3A_122 : i32 to vector<16xi32>
      %ge3A_124 = arith.cmpi sge, %sub3A_121, %ge3A_123 : vector<16xi32>
      %lt3A_125 = arith.constant 25600 : i32
      %lt3A_126 = vector.broadcast %lt3A_125 : i32 to vector<16xi32>
      %lt3A_127 = arith.cmpi slt, %sub3A_121, %lt3A_126 : vector<16xi32>
      %and3A_128 = arith.andi %ge3A_124, %lt3A_127 : vector<16xi1>
      %broadcast_in_dim3A_129 = vector.broadcast %add3A_1 : i32 to vector<16xi32>
      %select_n3A_130 = arith.select %and3A_128, %sub3A_121, %broadcast_in_dim3A_129 : vector<16xi1>, vector<16xi32>
      %swap3A_131 = arith.constant 32 : index
      %swap3A_132 = tpu.vector_load %arg11[%swap3A_131] {strides = array<i32>} : memref<128xi32, #tpu.memory_space<vmem>>, vector<16xi32>,
      %swap3A_133 = vector.shape_cast %swap3A_132 : vector<16xi32> to vector<16xi32>
      %swap3A_134 = vector.shape_cast %select_n3A_130 : vector<16xi32> to vector<16xi32>
      tpu.vector_store %arg11[%swap3A_131], %swap3A_134 {strides = array<i32>} : memref<128xi32, #tpu.memory_space<vmem>>, vector<16xi32>,
      %get3A_135 = arith.constant 48 : index
      %get3A_136 = tpu.vector_load %arg9[%get3A_135] {strides = array<i32>} : memref<128xi32, #tpu.memory_space<vmem>>, vector<16xi32>,
      %get3A_137 = vector.shape_cast %get3A_136 : vector<16xi32> to vector<16xi32>
      %sub3A_138 = vector.broadcast %mul3A_0 : i32 to vector<16xi32>
      %sub3A_139 = arith.subi %get3A_137, %sub3A_138 : vector<16xi32>
      %ge3A_140 = arith.constant 0 : i32
      %ge3A_141 = vector.broadcast %ge3A_140 : i32 to vector<16xi32>
      %ge3A_142 = arith.cmpi sge, %sub3A_139, %ge3A_141 : vector<16xi32>
      %lt3A_143 = arith.constant 25600 : i32
      %lt3A_144 = vector.broadcast %lt3A_143 : i32 to vector<16xi32>
      %lt3A_145 = arith.cmpi slt, %sub3A_139, %lt3A_144 : vector<16xi32>
      %and3A_146 = arith.andi %ge3A_142, %lt3A_145 : vector<16xi1>
      %broadcast_in_dim3A_147 = vector.broadcast %add3A_1 : i32 to vector<16xi32>
      %select_n3A_148 = arith.select %and3A_146, %sub3A_139, %broadcast_in_dim3A_147 : vector<16xi1>, vector<16xi32>
      %swap3A_149 = arith.constant 48 : index
      %swap3A_150 = tpu.vector_load %arg11[%swap3A_149] {strides = array<i32>} : memref<128xi32, #tpu.memory_space<vmem>>, vector<16xi32>,
      %swap3A_151 = vector.shape_cast %swap3A_150 : vector<16xi32> to vector<16xi32>
      %swap3A_152 = vector.shape_cast %select_n3A_148 : vector<16xi32> to vector<16xi32>
      tpu.vector_store %arg11[%swap3A_149], %swap3A_152 {strides = array<i32>} : memref<128xi32, #tpu.memory_space<vmem>>, vector<16xi32>,
      %get3A_153 = arith.constant 64 : index
      %get3A_154 = tpu.vector_load %arg9[%get3A_153] {strides = array<i32>} : memref<128xi32, #tpu.memory_space<vmem>>, vector<16xi32>,
      %get3A_155 = vector.shape_cast %get3A_154 : vector<16xi32> to vector<16xi32>
      %sub3A_156 = vector.broadcast %mul3A_0 : i32 to vector<16xi32>
      %sub3A_157 = arith.subi %get3A_155, %sub3A_156 : vector<16xi32>
      %ge3A_158 = arith.constant 0 : i32
      %ge3A_159 = vector.broadcast %ge3A_158 : i32 to vector<16xi32>
      %ge3A_160 = arith.cmpi sge, %sub3A_157, %ge3A_159 : vector<16xi32>
      %lt3A_161 = arith.constant 25600 : i32
      %lt3A_162 = vector.broadcast %lt3A_161 : i32 to vector<16xi32>
      %lt3A_163 = arith.cmpi slt, %sub3A_157, %lt3A_162 : vector<16xi32>
      %and3A_164 = arith.andi %ge3A_160, %lt3A_163 : vector<16xi1>
      %broadcast_in_dim3A_165 = vector.broadcast %add3A_1 : i32 to vector<16xi32>
      %select_n3A_166 = arith.select %and3A_164, %sub3A_157, %broadcast_in_dim3A_165 : vector<16xi1>, vector<16xi32>
      %swap3A_167 = arith.constant 64 : index
      %swap3A_168 = tpu.vector_load %arg11[%swap3A_167] {strides = array<i32>} : memref<128xi32, #tpu.memory_space<vmem>>, vector<16xi32>,
      %swap3A_169 = vector.shape_cast %swap3A_168 : vector<16xi32> to vector<16xi32>
      %swap3A_170 = vector.shape_cast %select_n3A_166 : vector<16xi32> to vector<16xi32>
      tpu.vector_store %arg11[%swap3A_167], %swap3A_170 {strides = array<i32>} : memref<128xi32, #tpu.memory_space<vmem>>, vector<16xi32>,
      %get3A_171 = arith.constant 80 : index
      %get3A_172 = tpu.vector_load %arg9[%get3A_171] {strides = array<i32>} : memref<128xi32, #tpu.memory_space<vmem>>, vector<16xi32>,
      %get3A_173 = vector.shape_cast %get3A_172 : vector<16xi32> to vector<16xi32>
      %sub3A_174 = vector.broadcast %mul3A_0 : i32 to vector<16xi32>
      %sub3A_175 = arith.subi %get3A_173, %sub3A_174 : vector<16xi32>
      %ge3A_176 = arith.constant 0 : i32
      %ge3A_177 = vector.broadcast %ge3A_176 : i32 to vector<16xi32>
      %ge3A_178 = arith.cmpi sge, %sub3A_175, %ge3A_177 : vector<16xi32>
      %lt3A_179 = arith.constant 25600 : i32
      %lt3A_180 = vector.broadcast %lt3A_179 : i32 to vector<16xi32>
      %lt3A_181 = arith.cmpi slt, %sub3A_175, %lt3A_180 : vector<16xi32>
      %and3A_182 = arith.andi %ge3A_178, %lt3A_181 : vector<16xi1>
      %broadcast_in_dim3A_183 = vector.broadcast %add3A_1 : i32 to vector<16xi32>
      %select_n3A_184 = arith.select %and3A_182, %sub3A_175, %broadcast_in_dim3A_183 : vector<16xi1>, vector<16xi32>
      %swap3A_185 = arith.constant 80 : index
      %swap3A_186 = tpu.vector_load %arg11[%swap3A_185] {strides = array<i32>} : memref<128xi32, #tpu.memory_space<vmem>>, vector<16xi32>,
      %swap3A_187 = vector.shape_cast %swap3A_186 : vector<16xi32> to vector<16xi32>
      %swap3A_188 = vector.shape_cast %select_n3A_184 : vector<16xi32> to vector<16xi32>
      tpu.vector_store %arg11[%swap3A_185], %swap3A_188 {strides = array<i32>} : memref<128xi32, #tpu.memory_space<vmem>>, vector<16xi32>,
      %get3A_189 = arith.constant 96 : index
      %get3A_190 = tpu.vector_load %arg9[%get3A_189] {strides = array<i32>} : memref<128xi32, #tpu.memory_space<vmem>>, vector<16xi32>,
      %get3A_191 = vector.shape_cast %get3A_190 : vector<16xi32> to vector<16xi32>
      %sub3A_192 = vector.broadcast %mul3A_0 : i32 to vector<16xi32>
      %sub3A_193 = arith.subi %get3A_191, %sub3A_192 : vector<16xi32>
      %ge3A_194 = arith.constant 0 : i32
      %ge3A_195 = vector.broadcast %ge3A_194 : i32 to vector<16xi32>
      %ge3A_196 = arith.cmpi sge, %sub3A_193, %ge3A_195 : vector<16xi32>
      %lt3A_197 = arith.constant 25600 : i32
      %lt3A_198 = vector.broadcast %lt3A_197 : i32 to vector<16xi32>
      %lt3A_199 = arith.cmpi slt, %sub3A_193, %lt3A_198 : vector<16xi32>
      %and3A_200 = arith.andi %ge3A_196, %lt3A_199 : vector<16xi1>
      %broadcast_in_dim3A_201 = vector.broadcast %add3A_1 : i32 to vector<16xi32>
      %select_n3A_202 = arith.select %and3A_200, %sub3A_193, %broadcast_in_dim3A_201 : vector<16xi1>, vector<16xi32>
      %swap3A_203 = arith.constant 96 : index
      %swap3A_204 = tpu.vector_load %arg11[%swap3A_203] {strides = array<i32>} : memref<128xi32, #tpu.memory_space<vmem>>, vector<16xi32>,
      %swap3A_205 = vector.shape_cast %swap3A_204 : vector<16xi32> to vector<16xi32>
      %swap3A_206 = vector.shape_cast %select_n3A_202 : vector<16xi32> to vector<16xi32>
      tpu.vector_store %arg11[%swap3A_203], %swap3A_206 {strides = array<i32>} : memref<128xi32, #tpu.memory_space<vmem>>, vector<16xi32>,
      %get3A_207 = arith.constant 112 : index
      %get3A_208 = tpu.vector_load %arg9[%get3A_207] {strides = array<i32>} : memref<128xi32, #tpu.memory_space<vmem>>, vector<16xi32>,
      %get3A_209 = vector.shape_cast %get3A_208 : vector<16xi32> to vector<16xi32>
      %sub3A_210 = vector.broadcast %mul3A_0 : i32 to vector<16xi32>
      %sub3A_211 = arith.subi %get3A_209, %sub3A_210 : vector<16xi32>
      %ge3A_212 = arith.constant 0 : i32
      %ge3A_213 = vector.broadcast %ge3A_212 : i32 to vector<16xi32>
      %ge3A_214 = arith.cmpi sge, %sub3A_211, %ge3A_213 : vector<16xi32>
      %lt3A_215 = arith.constant 25600 : i32
      %lt3A_216 = vector.broadcast %lt3A_215 : i32 to vector<16xi32>
      %lt3A_217 = arith.cmpi slt, %sub3A_211, %lt3A_216 : vector<16xi32>
      %and3A_218 = arith.andi %ge3A_214, %lt3A_217 : vector<16xi1>
      %broadcast_in_dim3A_219 = vector.broadcast %add3A_1 : i32 to vector<16xi32>
      %select_n3A_220 = arith.select %and3A_218, %sub3A_211, %broadcast_in_dim3A_219 : vector<16xi1>, vector<16xi32>
      %swap3A_221 = arith.constant 112 : index
      %swap3A_222 = tpu.vector_load %arg11[%swap3A_221] {strides = array<i32>} : memref<128xi32, #tpu.memory_space<vmem>>, vector<16xi32>,
      %swap3A_223 = vector.shape_cast %swap3A_222 : vector<16xi32> to vector<16xi32>
      %swap3A_224 = vector.shape_cast %select_n3A_220 : vector<16xi32> to vector<16xi32>
      tpu.vector_store %arg11[%swap3A_221], %swap3A_224 {strides = array<i32>} : memref<128xi32, #tpu.memory_space<vmem>>, vector<16xi32>,
      %dma_wait3A_225 = arith.constant 0 : i32
      %dma_wait3A_226 = tpu.memref_slice %arg3[%dma_wait3A_225] : memref<802816xi32, #tpu.memory_space<hbm>> -> memref<128xi32, #tpu.memory_space<hbm>>
      %dma_wait3A_227 = arith.constant 0 : i32
      %dma_wait3A_228 = tpu.memref_slice %arg3[%dma_wait3A_227] : memref<802816xi32, #tpu.memory_space<hbm>> -> memref<128xi32, #tpu.memory_space<hbm>>
      tpu.wait_dma2 semaphore(%arg17 : memref<!tpu.dma_semaphore, #tpu.memory_space<semaphore_mem>>) src(%dma_wait3A_228 : memref<128xi32, #tpu.memory_space<hbm>>) dst(%arg8 : memref<128xi32, #tpu.memory_space<vmem>>)
      %dma_wait3A_229 = arith.constant 0 : i32
      %dma_wait3A_230 = tpu.memref_slice %arg3[%dma_wait3A_229] : memref<802816xi32, #tpu.memory_space<hbm>> -> memref<128xi32, #tpu.memory_space<hbm>>
      %dma_wait3A_231 = arith.constant 0 : i32
      %dma_wait3A_232 = tpu.memref_slice %arg3[%dma_wait3A_231] : memref<802816xi32, #tpu.memory_space<hbm>> -> memref<128xi32, #tpu.memory_space<hbm>>
      tpu.wait_dma2 semaphore(%arg17 : memref<!tpu.dma_semaphore, #tpu.memory_space<semaphore_mem>>) src(%dma_wait3A_232 : memref<128xi32, #tpu.memory_space<hbm>>) dst(%arg10 : memref<128xi32, #tpu.memory_space<vmem>>)
      %dma_start3A_233 = arith.constant 0 : i32
      %dma_start3A_234 = arith.constant 0 : i32
      %dma_start3A_235 = tpu.memref_slice %arg2[%dma_start3A_233, %dma_start3A_234] : memref<50000x64xf32, #tpu.memory_space<hbm>> -> memref<50000x64xf32, #tpu.memory_space<hbm>>
      tpu.enqueue_indirect_dma source(%dma_start3A_235 : memref<50000x64xf32, #tpu.memory_space<hbm>>) target(%arg14 : memref<128x64xf32, #tpu.memory_space<vmem>>) offsets(%arg8 : memref<128xi32, #tpu.memory_space<vmem>>) semaphore(%arg19 : memref<!tpu.dma_semaphore, #tpu.memory_space<semaphore_mem>>)
      %dma_wait3A_236 = arith.constant 0 : i32
      %dma_wait3A_237 = arith.constant 0 : i32
      %dma_wait3A_238 = tpu.memref_slice %arg2[%dma_wait3A_236, %dma_wait3A_237] : memref<50000x64xf32, #tpu.memory_space<hbm>> -> memref<50000x64xf32, #tpu.memory_space<hbm>>
      tpu.wait_indirect_dma semaphore(%arg18 : memref<!tpu.dma_semaphore, #tpu.memory_space<semaphore_mem>>) src(%dma_wait3A_238 : memref<50000x64xf32, #tpu.memory_space<hbm>>) dst(%arg13 : memref<128x64xf32, #tpu.memory_space<vmem>>)
      %add3A_239 = arith.constant 2 : i32
      %add3A_240 = arith.addi %mul3A_87, %add3A_239 : i32
      %lt3A_241 = arith.constant 392 : i32
      %lt3A_242 = arith.cmpi slt, %add3A_240, %lt3A_241 : i32
      %convert_element_type3A = arith.extui %lt3A_242 : i1 to i32
      %cond3A = arith.constant 0 : i32
      %cond3A_243 = arith.cmpi ne, %convert_element_type3A, %cond3A : i32
      scf.if %cond3A_243 {
        %add3A_405 = arith.constant 2 : i32
        %add3A_406 = arith.addi %mul3A_87, %add3A_405 : i32
        %mul3A_407 = arith.constant 16 : i32
        %mul3A_408 = arith.muli %add3A_406, %mul3A_407 : i32
        %add3A_409 = arith.addi %arg1, %mul3A_408 : i32
        %mul3A_410 = arith.constant 128 : i32
        %mul3A_411 = arith.muli %add3A_409, %mul3A_410 : i32
        %dma_start3A_412 = tpu.memref_slice %arg3[%mul3A_411] : memref<802816xi32, #tpu.memory_space<hbm>> -> memref<128xi32, #tpu.memory_space<hbm>>
        %dma_start3A_413 = tpu.memref_slice %arg3[%mul3A_411] : memref<802816xi32, #tpu.memory_space<hbm>> -> memref<128xi32, #tpu.memory_space<hbm>>
        tpu.enqueue_dma source(%dma_start3A_413 : memref<128xi32, #tpu.memory_space<hbm>>) target(%arg7 : memref<128xi32, #tpu.memory_space<vmem>>) target_semaphore(%arg16 : memref<!tpu.dma_semaphore, #tpu.memory_space<semaphore_mem>>)
        %dma_start3A_414 = tpu.memref_slice %arg4[%mul3A_411] : memref<802816xi32, #tpu.memory_space<hbm>> -> memref<128xi32, #tpu.memory_space<hbm>>
        %dma_start3A_415 = tpu.memref_slice %arg4[%mul3A_411] : memref<802816xi32, #tpu.memory_space<hbm>> -> memref<128xi32, #tpu.memory_space<hbm>>
        tpu.enqueue_dma source(%dma_start3A_415 : memref<128xi32, #tpu.memory_space<hbm>>) target(%arg9 : memref<128xi32, #tpu.memory_space<vmem>>) target_semaphore(%arg16 : memref<!tpu.dma_semaphore, #tpu.memory_space<semaphore_mem>>)
      } else {
      }
      "tpu.region"() ({
        %run_scoped3A = tpu.sem_alloc : memref<!tpu.dma_semaphore, #tpu.memory_space<semaphore_mem>>
        %dma_start3A_405 = arith.constant 0 : i32
        %dma_start3A_406 = arith.constant 0 : i32
        %dma_start3A_407 = tpu.memref_slice %arg6[%dma_start3A_405, %dma_start3A_406] : memref<25616x64xf32, #tpu.memory_space<vmem_shared>> -> memref<25616x64xf32, #tpu.memory_space<vmem_shared>>
        tpu.enqueue_indirect_dma source(%arg13 : memref<128x64xf32, #tpu.memory_space<vmem>>) target(%dma_start3A_407 : memref<25616x64xf32, #tpu.memory_space<vmem_shared>>) offsets(%arg11 : memref<128xi32, #tpu.memory_space<vmem>>) semaphore(%run_scoped3A : memref<!tpu.dma_semaphore, #tpu.memory_space<semaphore_mem>>) {add = true}
        %dma_wait3A_408 = arith.constant 0 : i32
        %dma_wait3A_409 = arith.constant 0 : i32
        %dma_wait3A_410 = tpu.memref_slice %arg6[%dma_wait3A_408, %dma_wait3A_409] : memref<25616x64xf32, #tpu.memory_space<vmem_shared>> -> memref<25616x64xf32, #tpu.memory_space<vmem_shared>>
        tpu.wait_indirect_dma semaphore(%run_scoped3A : memref<!tpu.dma_semaphore, #tpu.memory_space<semaphore_mem>>) src(%arg13 : memref<128x64xf32, #tpu.memory_space<vmem>>) dst(%dma_wait3A_410 : memref<25616x64xf32, #tpu.memory_space<vmem_shared>>)
        tpu.yield
      }) : () -> ()
      %get3A_244 = arith.constant 0 : index
      %get3A_245 = tpu.vector_load %arg10[%get3A_244] {strides = array<i32>} : memref<128xi32, #tpu.memory_space<vmem>>, vector<16xi32>,
      %get3A_246 = vector.shape_cast %get3A_245 : vector<16xi32> to vector<16xi32>
      %sub3A_247 = vector.broadcast %mul3A_0 : i32 to vector<16xi32>
      %sub3A_248 = arith.subi %get3A_246, %sub3A_247 : vector<16xi32>
      %ge3A_249 = arith.constant 0 : i32
      %ge3A_250 = vector.broadcast %ge3A_249 : i32 to vector<16xi32>
      %ge3A_251 = arith.cmpi sge, %sub3A_248, %ge3A_250 : vector<16xi32>
      %lt3A_252 = arith.constant 25600 : i32
      %lt3A_253 = vector.broadcast %lt3A_252 : i32 to vector<16xi32>
      %lt3A_254 = arith.cmpi slt, %sub3A_248, %lt3A_253 : vector<16xi32>
      %and3A_255 = arith.andi %ge3A_251, %lt3A_254 : vector<16xi1>
      %broadcast_in_dim3A_256 = vector.broadcast %add3A_1 : i32 to vector<16xi32>
      %select_n3A_257 = arith.select %and3A_255, %sub3A_248, %broadcast_in_dim3A_256 : vector<16xi1>, vector<16xi32>
      %swap3A_258 = arith.constant 0 : index
      %swap3A_259 = tpu.vector_load %arg12[%swap3A_258] {strides = array<i32>} : memref<128xi32, #tpu.memory_space<vmem>>, vector<16xi32>,
      %swap3A_260 = vector.shape_cast %swap3A_259 : vector<16xi32> to vector<16xi32>
      %swap3A_261 = vector.shape_cast %select_n3A_257 : vector<16xi32> to vector<16xi32>
      tpu.vector_store %arg12[%swap3A_258], %swap3A_261 {strides = array<i32>} : memref<128xi32, #tpu.memory_space<vmem>>, vector<16xi32>,
      %get3A_262 = arith.constant 16 : index
      %get3A_263 = tpu.vector_load %arg10[%get3A_262] {strides = array<i32>} : memref<128xi32, #tpu.memory_space<vmem>>, vector<16xi32>,
      %get3A_264 = vector.shape_cast %get3A_263 : vector<16xi32> to vector<16xi32>
      %sub3A_265 = vector.broadcast %mul3A_0 : i32 to vector<16xi32>
      %sub3A_266 = arith.subi %get3A_264, %sub3A_265 : vector<16xi32>
      %ge3A_267 = arith.constant 0 : i32
      %ge3A_268 = vector.broadcast %ge3A_267 : i32 to vector<16xi32>
      %ge3A_269 = arith.cmpi sge, %sub3A_266, %ge3A_268 : vector<16xi32>
      %lt3A_270 = arith.constant 25600 : i32
      %lt3A_271 = vector.broadcast %lt3A_270 : i32 to vector<16xi32>
      %lt3A_272 = arith.cmpi slt, %sub3A_266, %lt3A_271 : vector<16xi32>
      %and3A_273 = arith.andi %ge3A_269, %lt3A_272 : vector<16xi1>
      %broadcast_in_dim3A_274 = vector.broadcast %add3A_1 : i32 to vector<16xi32>
      %select_n3A_275 = arith.select %and3A_273, %sub3A_266, %broadcast_in_dim3A_274 : vector<16xi1>, vector<16xi32>
      %swap3A_276 = arith.constant 16 : index
      %swap3A_277 = tpu.vector_load %arg12[%swap3A_276] {strides = array<i32>} : memref<128xi32, #tpu.memory_space<vmem>>, vector<16xi32>,
      %swap3A_278 = vector.shape_cast %swap3A_277 : vector<16xi32> to vector<16xi32>
      %swap3A_279 = vector.shape_cast %select_n3A_275 : vector<16xi32> to vector<16xi32>
      tpu.vector_store %arg12[%swap3A_276], %swap3A_279 {strides = array<i32>} : memref<128xi32, #tpu.memory_space<vmem>>, vector<16xi32>,
      %get3A_280 = arith.constant 32 : index
      %get3A_281 = tpu.vector_load %arg10[%get3A_280] {strides = array<i32>} : memref<128xi32, #tpu.memory_space<vmem>>, vector<16xi32>,
      %get3A_282 = vector.shape_cast %get3A_281 : vector<16xi32> to vector<16xi32>
      %sub3A_283 = vector.broadcast %mul3A_0 : i32 to vector<16xi32>
      %sub3A_284 = arith.subi %get3A_282, %sub3A_283 : vector<16xi32>
      %ge3A_285 = arith.constant 0 : i32
      %ge3A_286 = vector.broadcast %ge3A_285 : i32 to vector<16xi32>
      %ge3A_287 = arith.cmpi sge, %sub3A_284, %ge3A_286 : vector<16xi32>
      %lt3A_288 = arith.constant 25600 : i32
      %lt3A_289 = vector.broadcast %lt3A_288 : i32 to vector<16xi32>
      %lt3A_290 = arith.cmpi slt, %sub3A_284, %lt3A_289 : vector<16xi32>
      %and3A_291 = arith.andi %ge3A_287, %lt3A_290 : vector<16xi1>
      %broadcast_in_dim3A_292 = vector.broadcast %add3A_1 : i32 to vector<16xi32>
      %select_n3A_293 = arith.select %and3A_291, %sub3A_284, %broadcast_in_dim3A_292 : vector<16xi1>, vector<16xi32>
      %swap3A_294 = arith.constant 32 : index
      %swap3A_295 = tpu.vector_load %arg12[%swap3A_294] {strides = array<i32>} : memref<128xi32, #tpu.memory_space<vmem>>, vector<16xi32>,
      %swap3A_296 = vector.shape_cast %swap3A_295 : vector<16xi32> to vector<16xi32>
      %swap3A_297 = vector.shape_cast %select_n3A_293 : vector<16xi32> to vector<16xi32>
      tpu.vector_store %arg12[%swap3A_294], %swap3A_297 {strides = array<i32>} : memref<128xi32, #tpu.memory_space<vmem>>, vector<16xi32>,
      %get3A_298 = arith.constant 48 : index
      %get3A_299 = tpu.vector_load %arg10[%get3A_298] {strides = array<i32>} : memref<128xi32, #tpu.memory_space<vmem>>, vector<16xi32>,
      %get3A_300 = vector.shape_cast %get3A_299 : vector<16xi32> to vector<16xi32>
      %sub3A_301 = vector.broadcast %mul3A_0 : i32 to vector<16xi32>
      %sub3A_302 = arith.subi %get3A_300, %sub3A_301 : vector<16xi32>
      %ge3A_303 = arith.constant 0 : i32
      %ge3A_304 = vector.broadcast %ge3A_303 : i32 to vector<16xi32>
      %ge3A_305 = arith.cmpi sge, %sub3A_302, %ge3A_304 : vector<16xi32>
      %lt3A_306 = arith.constant 25600 : i32
      %lt3A_307 = vector.broadcast %lt3A_306 : i32 to vector<16xi32>
      %lt3A_308 = arith.cmpi slt, %sub3A_302, %lt3A_307 : vector<16xi32>
      %and3A_309 = arith.andi %ge3A_305, %lt3A_308 : vector<16xi1>
      %broadcast_in_dim3A_310 = vector.broadcast %add3A_1 : i32 to vector<16xi32>
      %select_n3A_311 = arith.select %and3A_309, %sub3A_302, %broadcast_in_dim3A_310 : vector<16xi1>, vector<16xi32>
      %swap3A_312 = arith.constant 48 : index
      %swap3A_313 = tpu.vector_load %arg12[%swap3A_312] {strides = array<i32>} : memref<128xi32, #tpu.memory_space<vmem>>, vector<16xi32>,
      %swap3A_314 = vector.shape_cast %swap3A_313 : vector<16xi32> to vector<16xi32>
      %swap3A_315 = vector.shape_cast %select_n3A_311 : vector<16xi32> to vector<16xi32>
      tpu.vector_store %arg12[%swap3A_312], %swap3A_315 {strides = array<i32>} : memref<128xi32, #tpu.memory_space<vmem>>, vector<16xi32>,
      %get3A_316 = arith.constant 64 : index
      %get3A_317 = tpu.vector_load %arg10[%get3A_316] {strides = array<i32>} : memref<128xi32, #tpu.memory_space<vmem>>, vector<16xi32>,
      %get3A_318 = vector.shape_cast %get3A_317 : vector<16xi32> to vector<16xi32>
      %sub3A_319 = vector.broadcast %mul3A_0 : i32 to vector<16xi32>
      %sub3A_320 = arith.subi %get3A_318, %sub3A_319 : vector<16xi32>
      %ge3A_321 = arith.constant 0 : i32
      %ge3A_322 = vector.broadcast %ge3A_321 : i32 to vector<16xi32>
      %ge3A_323 = arith.cmpi sge, %sub3A_320, %ge3A_322 : vector<16xi32>
      %lt3A_324 = arith.constant 25600 : i32
      %lt3A_325 = vector.broadcast %lt3A_324 : i32 to vector<16xi32>
      %lt3A_326 = arith.cmpi slt, %sub3A_320, %lt3A_325 : vector<16xi32>
      %and3A_327 = arith.andi %ge3A_323, %lt3A_326 : vector<16xi1>
      %broadcast_in_dim3A_328 = vector.broadcast %add3A_1 : i32 to vector<16xi32>
      %select_n3A_329 = arith.select %and3A_327, %sub3A_320, %broadcast_in_dim3A_328 : vector<16xi1>, vector<16xi32>
      %swap3A_330 = arith.constant 64 : index
      %swap3A_331 = tpu.vector_load %arg12[%swap3A_330] {strides = array<i32>} : memref<128xi32, #tpu.memory_space<vmem>>, vector<16xi32>,
      %swap3A_332 = vector.shape_cast %swap3A_331 : vector<16xi32> to vector<16xi32>
      %swap3A_333 = vector.shape_cast %select_n3A_329 : vector<16xi32> to vector<16xi32>
      tpu.vector_store %arg12[%swap3A_330], %swap3A_333 {strides = array<i32>} : memref<128xi32, #tpu.memory_space<vmem>>, vector<16xi32>,
      %get3A_334 = arith.constant 80 : index
      %get3A_335 = tpu.vector_load %arg10[%get3A_334] {strides = array<i32>} : memref<128xi32, #tpu.memory_space<vmem>>, vector<16xi32>,
      %get3A_336 = vector.shape_cast %get3A_335 : vector<16xi32> to vector<16xi32>
      %sub3A_337 = vector.broadcast %mul3A_0 : i32 to vector<16xi32>
      %sub3A_338 = arith.subi %get3A_336, %sub3A_337 : vector<16xi32>
      %ge3A_339 = arith.constant 0 : i32
      %ge3A_340 = vector.broadcast %ge3A_339 : i32 to vector<16xi32>
      %ge3A_341 = arith.cmpi sge, %sub3A_338, %ge3A_340 : vector<16xi32>
      %lt3A_342 = arith.constant 25600 : i32
      %lt3A_343 = vector.broadcast %lt3A_342 : i32 to vector<16xi32>
      %lt3A_344 = arith.cmpi slt, %sub3A_338, %lt3A_343 : vector<16xi32>
      %and3A_345 = arith.andi %ge3A_341, %lt3A_344 : vector<16xi1>
      %broadcast_in_dim3A_346 = vector.broadcast %add3A_1 : i32 to vector<16xi32>
      %select_n3A_347 = arith.select %and3A_345, %sub3A_338, %broadcast_in_dim3A_346 : vector<16xi1>, vector<16xi32>
      %swap3A_348 = arith.constant 80 : index
      %swap3A_349 = tpu.vector_load %arg12[%swap3A_348] {strides = array<i32>} : memref<128xi32, #tpu.memory_space<vmem>>, vector<16xi32>,
      %swap3A_350 = vector.shape_cast %swap3A_349 : vector<16xi32> to vector<16xi32>
      %swap3A_351 = vector.shape_cast %select_n3A_347 : vector<16xi32> to vector<16xi32>
      tpu.vector_store %arg12[%swap3A_348], %swap3A_351 {strides = array<i32>} : memref<128xi32, #tpu.memory_space<vmem>>, vector<16xi32>,
      %get3A_352 = arith.constant 96 : index
      %get3A_353 = tpu.vector_load %arg10[%get3A_352] {strides = array<i32>} : memref<128xi32, #tpu.memory_space<vmem>>, vector<16xi32>,
      %get3A_354 = vector.shape_cast %get3A_353 : vector<16xi32> to vector<16xi32>
      %sub3A_355 = vector.broadcast %mul3A_0 : i32 to vector<16xi32>
      %sub3A_356 = arith.subi %get3A_354, %sub3A_355 : vector<16xi32>
      %ge3A_357 = arith.constant 0 : i32
      %ge3A_358 = vector.broadcast %ge3A_357 : i32 to vector<16xi32>
      %ge3A_359 = arith.cmpi sge, %sub3A_356, %ge3A_358 : vector<16xi32>
      %lt3A_360 = arith.constant 25600 : i32
      %lt3A_361 = vector.broadcast %lt3A_360 : i32 to vector<16xi32>
      %lt3A_362 = arith.cmpi slt, %sub3A_356, %lt3A_361 : vector<16xi32>
      %and3A_363 = arith.andi %ge3A_359, %lt3A_362 : vector<16xi1>
      %broadcast_in_dim3A_364 = vector.broadcast %add3A_1 : i32 to vector<16xi32>
      %select_n3A_365 = arith.select %and3A_363, %sub3A_356, %broadcast_in_dim3A_364 : vector<16xi1>, vector<16xi32>
      %swap3A_366 = arith.constant 96 : index
      %swap3A_367 = tpu.vector_load %arg12[%swap3A_366] {strides = array<i32>} : memref<128xi32, #tpu.memory_space<vmem>>, vector<16xi32>,
      %swap3A_368 = vector.shape_cast %swap3A_367 : vector<16xi32> to vector<16xi32>
      %swap3A_369 = vector.shape_cast %select_n3A_365 : vector<16xi32> to vector<16xi32>
      tpu.vector_store %arg12[%swap3A_366], %swap3A_369 {strides = array<i32>} : memref<128xi32, #tpu.memory_space<vmem>>, vector<16xi32>,
      %get3A_370 = arith.constant 112 : index
      %get3A_371 = tpu.vector_load %arg10[%get3A_370] {strides = array<i32>} : memref<128xi32, #tpu.memory_space<vmem>>, vector<16xi32>,
      %get3A_372 = vector.shape_cast %get3A_371 : vector<16xi32> to vector<16xi32>
      %sub3A_373 = vector.broadcast %mul3A_0 : i32 to vector<16xi32>
      %sub3A_374 = arith.subi %get3A_372, %sub3A_373 : vector<16xi32>
      %ge3A_375 = arith.constant 0 : i32
      %ge3A_376 = vector.broadcast %ge3A_375 : i32 to vector<16xi32>
      %ge3A_377 = arith.cmpi sge, %sub3A_374, %ge3A_376 : vector<16xi32>
      %lt3A_378 = arith.constant 25600 : i32
      %lt3A_379 = vector.broadcast %lt3A_378 : i32 to vector<16xi32>
      %lt3A_380 = arith.cmpi slt, %sub3A_374, %lt3A_379 : vector<16xi32>
      %and3A_381 = arith.andi %ge3A_377, %lt3A_380 : vector<16xi1>
      %broadcast_in_dim3A_382 = vector.broadcast %add3A_1 : i32 to vector<16xi32>
      %select_n3A_383 = arith.select %and3A_381, %sub3A_374, %broadcast_in_dim3A_382 : vector<16xi1>, vector<16xi32>
      %swap3A_384 = arith.constant 112 : index
      %swap3A_385 = tpu.vector_load %arg12[%swap3A_384] {strides = array<i32>} : memref<128xi32, #tpu.memory_space<vmem>>, vector<16xi32>,
      %swap3A_386 = vector.shape_cast %swap3A_385 : vector<16xi32> to vector<16xi32>
      %swap3A_387 = vector.shape_cast %select_n3A_383 : vector<16xi32> to vector<16xi32>
      tpu.vector_store %arg12[%swap3A_384], %swap3A_387 {strides = array<i32>} : memref<128xi32, #tpu.memory_space<vmem>>, vector<16xi32>,
      %add3A_388 = arith.constant 2 : i32
      %add3A_389 = arith.addi %mul3A_87, %add3A_388 : i32
      %lt3A_390 = arith.constant 392 : i32
      %lt3A_391 = arith.cmpi slt, %add3A_389, %lt3A_390 : i32
      %convert_element_type3A_392 = arith.extui %lt3A_391 : i1 to i32
      %cond3A_393 = arith.constant 0 : i32
      %cond3A_394 = arith.cmpi ne, %convert_element_type3A_392, %cond3A_393 : i32
      scf.if %cond3A_394 {
        %dma_wait3A_405 = arith.constant 0 : i32
        %dma_wait3A_406 = tpu.memref_slice %arg3[%dma_wait3A_405] : memref<802816xi32, #tpu.memory_space<hbm>> -> memref<128xi32, #tpu.memory_space<hbm>>
        %dma_wait3A_407 = arith.constant 0 : i32
        %dma_wait3A_408 = tpu.memref_slice %arg3[%dma_wait3A_407] : memref<802816xi32, #tpu.memory_space<hbm>> -> memref<128xi32, #tpu.memory_space<hbm>>
        tpu.wait_dma2 semaphore(%arg16 : memref<!tpu.dma_semaphore, #tpu.memory_space<semaphore_mem>>) src(%dma_wait3A_408 : memref<128xi32, #tpu.memory_space<hbm>>) dst(%arg7 : memref<128xi32, #tpu.memory_space<vmem>>)
        %dma_wait3A_409 = arith.constant 0 : i32
        %dma_wait3A_410 = tpu.memref_slice %arg3[%dma_wait3A_409] : memref<802816xi32, #tpu.memory_space<hbm>> -> memref<128xi32, #tpu.memory_space<hbm>>
        %dma_wait3A_411 = arith.constant 0 : i32
        %dma_wait3A_412 = tpu.memref_slice %arg3[%dma_wait3A_411] : memref<802816xi32, #tpu.memory_space<hbm>> -> memref<128xi32, #tpu.memory_space<hbm>>
        tpu.wait_dma2 semaphore(%arg16 : memref<!tpu.dma_semaphore, #tpu.memory_space<semaphore_mem>>) src(%dma_wait3A_412 : memref<128xi32, #tpu.memory_space<hbm>>) dst(%arg9 : memref<128xi32, #tpu.memory_space<vmem>>)
        %dma_start3A_413 = arith.constant 0 : i32
        %dma_start3A_414 = arith.constant 0 : i32
        %dma_start3A_415 = tpu.memref_slice %arg2[%dma_start3A_413, %dma_start3A_414] : memref<50000x64xf32, #tpu.memory_space<hbm>> -> memref<50000x64xf32, #tpu.memory_space<hbm>>
        tpu.enqueue_indirect_dma source(%dma_start3A_415 : memref<50000x64xf32, #tpu.memory_space<hbm>>) target(%arg13 : memref<128x64xf32, #tpu.memory_space<vmem>>) offsets(%arg7 : memref<128xi32, #tpu.memory_space<vmem>>) semaphore(%arg18 : memref<!tpu.dma_semaphore, #tpu.memory_space<semaphore_mem>>)
      } else {
      }
      %dma_wait3A_395 = arith.constant 0 : i32
      %dma_wait3A_396 = arith.constant 0 : i32
      %dma_wait3A_397 = tpu.memref_slice %arg2[%dma_wait3A_395, %dma_wait3A_396] : memref<50000x64xf32, #tpu.memory_space<hbm>> -> memref<50000x64xf32, #tpu.memory_space<hbm>>
      tpu.wait_indirect_dma semaphore(%arg19 : memref<!tpu.dma_semaphore, #tpu.memory_space<semaphore_mem>>) src(%dma_wait3A_397 : memref<50000x64xf32, #tpu.memory_space<hbm>>) dst(%arg14 : memref<128x64xf32, #tpu.memory_space<vmem>>)
      %add3A_398 = arith.constant 3 : i32
      %add3A_399 = arith.addi %mul3A_87, %add3A_398 : i32
      %lt3A_400 = arith.constant 392 : i32
      %lt3A_401 = arith.cmpi slt, %add3A_399, %lt3A_400 : i32
      %convert_element_type3A_402 = arith.extui %lt3A_401 : i1 to i32
      %cond3A_403 = arith.constant 0 : i32
      %cond3A_404 = arith.cmpi ne, %convert_element_type3A_402, %cond3A_403 : i32
      scf.if %cond3A_404 {
        %add3A_405 = arith.constant 3 : i32
        %add3A_406 = arith.addi %mul3A_87, %add3A_405 : i32
        %mul3A_407 = arith.constant 16 : i32
        %mul3A_408 = arith.muli %add3A_406, %mul3A_407 : i32
        %add3A_409 = arith.addi %arg1, %mul3A_408 : i32
        %mul3A_410 = arith.constant 128 : i32
        %mul3A_411 = arith.muli %add3A_409, %mul3A_410 : i32
        %dma_start3A_412 = tpu.memref_slice %arg3[%mul3A_411] : memref<802816xi32, #tpu.memory_space<hbm>> -> memref<128xi32, #tpu.memory_space<hbm>>
        %dma_start3A_413 = tpu.memref_slice %arg3[%mul3A_411] : memref<802816xi32, #tpu.memory_space<hbm>> -> memref<128xi32, #tpu.memory_space<hbm>>
        tpu.enqueue_dma source(%dma_start3A_413 : memref<128xi32, #tpu.memory_space<hbm>>) target(%arg8 : memref<128xi32, #tpu.memory_space<vmem>>) target_semaphore(%arg17 : memref<!tpu.dma_semaphore, #tpu.memory_space<semaphore_mem>>)
        %dma_start3A_414 = tpu.memref_slice %arg4[%mul3A_411] : memref<802816xi32, #tpu.memory_space<hbm>> -> memref<128xi32, #tpu.memory_space<hbm>>
        %dma_start3A_415 = tpu.memref_slice %arg4[%mul3A_411] : memref<802816xi32, #tpu.memory_space<hbm>> -> memref<128xi32, #tpu.memory_space<hbm>>
        tpu.enqueue_dma source(%dma_start3A_415 : memref<128xi32, #tpu.memory_space<hbm>>) target(%arg10 : memref<128xi32, #tpu.memory_space<vmem>>) target_semaphore(%arg17 : memref<!tpu.dma_semaphore, #tpu.memory_space<semaphore_mem>>)
      } else {
      }
      "tpu.region"() ({
        %run_scoped3A = tpu.sem_alloc : memref<!tpu.dma_semaphore, #tpu.memory_space<semaphore_mem>>
        %dma_start3A_405 = arith.constant 0 : i32
        %dma_start3A_406 = arith.constant 0 : i32
        %dma_start3A_407 = tpu.memref_slice %arg6[%dma_start3A_405, %dma_start3A_406] : memref<25616x64xf32, #tpu.memory_space<vmem_shared>> -> memref<25616x64xf32, #tpu.memory_space<vmem_shared>>
        tpu.enqueue_indirect_dma source(%arg14 : memref<128x64xf32, #tpu.memory_space<vmem>>) target(%dma_start3A_407 : memref<25616x64xf32, #tpu.memory_space<vmem_shared>>) offsets(%arg12 : memref<128xi32, #tpu.memory_space<vmem>>) semaphore(%run_scoped3A : memref<!tpu.dma_semaphore, #tpu.memory_space<semaphore_mem>>) {add = true}
        %dma_wait3A_408 = arith.constant 0 : i32
        %dma_wait3A_409 = arith.constant 0 : i32
        %dma_wait3A_410 = tpu.memref_slice %arg6[%dma_wait3A_408, %dma_wait3A_409] : memref<25616x64xf32, #tpu.memory_space<vmem_shared>> -> memref<25616x64xf32, #tpu.memory_space<vmem_shared>>
        tpu.wait_indirect_dma semaphore(%run_scoped3A : memref<!tpu.dma_semaphore, #tpu.memory_space<semaphore_mem>>) src(%arg14 : memref<128x64xf32, #tpu.memory_space<vmem>>) dst(%dma_wait3A_410 : memref<25616x64xf32, #tpu.memory_space<vmem_shared>>)
        tpu.yield
      }) : () -> ()
    }
    %scan3A_76 = arith.constant 196 : i32
    %barrier3A_77 = arith.constant 0 : index
    tpu.barrier barrier_id(%barrier3A_77)
    %mul3A_78 = arith.constant 1600 : i32
    %mul3A_79 = arith.muli %arg1, %mul3A_78 : i32
    %add3A_80 = arith.addi %mul3A_0, %mul3A_79 : i32
    "tpu.region"() ({
      %run_scoped3A = tpu.sem_alloc : memref<!tpu.dma_semaphore, #tpu.memory_space<semaphore_mem>>
      %dma_start3A_81 = arith.constant 0 : i32
      %dma_start3A_82 = tpu.memref_slice %arg5[%add3A_80, %dma_start3A_81] : memref<51200x64xf32, #tpu.memory_space<hbm>> -> memref<1600x64xf32, #tpu.memory_space<hbm>>
      %dma_start3A_83 = arith.constant 0 : i32
      %dma_start3A_84 = tpu.memref_slice %arg6[%mul3A_79, %dma_start3A_83] : memref<25616x64xf32, #tpu.memory_space<vmem_shared>> -> memref<1600x64xf32, #tpu.memory_space<vmem_shared>>
      tpu.enqueue_dma source(%dma_start3A_84 : memref<1600x64xf32, #tpu.memory_space<vmem_shared>>) target(%dma_start3A_82 : memref<1600x64xf32, #tpu.memory_space<hbm>>) target_semaphore(%run_scoped3A : memref<!tpu.dma_semaphore, #tpu.memory_space<semaphore_mem>>)
      %dma_wait3A_85 = arith.constant 0 : i32
      %dma_wait3A_86 = tpu.memref_slice %arg5[%add3A_80, %dma_wait3A_85] : memref<51200x64xf32, #tpu.memory_space<hbm>> -> memref<1600x64xf32, #tpu.memory_space<hbm>>
      %dma_wait3A_87 = arith.constant 0 : i32
      %dma_wait3A_88 = tpu.memref_slice %arg6[%mul3A_79, %dma_wait3A_87] : memref<25616x64xf32, #tpu.memory_space<vmem_shared>> -> memref<1600x64xf32, #tpu.memory_space<vmem_shared>>
      tpu.wait_dma2 semaphore(%run_scoped3A : memref<!tpu.dma_semaphore, #tpu.memory_space<semaphore_mem>>) src(%dma_wait3A_88 : memref<1600x64xf32, #tpu.memory_space<vmem_shared>>) dst(%dma_wait3A_86 : memref<1600x64xf32, #tpu.memory_space<hbm>>)
      tpu.yield
    }) : () -> ()
    return
  }
}

module attributes {stable_mosaic.version = 14 : i64} {
  func.func @body(%arg0: i32, %arg1: memref<2x2048xf32, #tpu.memory_space<vmem>>, %arg2: memref<2048x2xf32, #tpu.memory_space<vmem>>, %arg3: memref<2x64xf32, #tpu.memory_space<vmem>>, %arg4: memref<2048x1xf32, #tpu.memory_space<vmem>>, %arg5: memref<2048x64xf32, #tpu.memory_space<vmem>>) attributes {dimension_semantics = [#tpu.dimension_semantics<arbitrary>], iteration_bounds = array<i64: 25>, scalar_prefetch = 0 : i64, scratch_operands = 0 : i64, tpu.core_type = #tpu.core_type<tc>, window_params = [{transform_indices = @transform_0, window_bounds = array<i64: 2, 2048>}, {transform_indices = @transform_1, window_bounds = array<i64: 2048, 2>}, {pipeline_mode = #tpu.pipeline_mode<synchronous>, transform_indices = @transform_2, window_bounds = array<i64: 2, 64>}, {transform_indices = @transform_3, window_bounds = array<i64: 2048, 1>}, {transform_indices = @transform_4, window_bounds = array<i64: 2048, 64>}]} {
    %get3A = arith.constant 0 : index
    %get3A_0 = arith.constant 0 : index
    %get3A_1 = vector.load %arg1[%get3A, %get3A_0] : memref<2x2048xf32, #tpu.memory_space<vmem>>, vector<1x2048xf32>
    %get3A_2 = vector.shape_cast %get3A_1 : vector<1x2048xf32> to vector<2048xf32>
    %get3A_3 = arith.constant 1 : index
    %get3A_4 = arith.constant 0 : index
    %get3A_5 = vector.load %arg1[%get3A_3, %get3A_4] : memref<2x2048xf32, #tpu.memory_space<vmem>>, vector<1x2048xf32>
    %get3A_6 = vector.shape_cast %get3A_5 : vector<1x2048xf32> to vector<2048xf32>
    %add3A = arith.addf %get3A_2, %get3A_6 : vector<2048xf32>
    %add3A_7 = arith.constant 1.000000e+00 : f32
    %add3A_8 = vector.broadcast %add3A_7 : f32 to vector<2048xf32>
    %add3A_9 = arith.addf %add3A, %add3A_8 : vector<2048xf32>
    %rsqrt3A = math.rsqrt %add3A_9 : vector<2048xf32>
    %broadcast_in_dim3A = vector.shape_cast %rsqrt3A : vector<2048xf32> to vector<2048x1xf32>
    %swap3A = arith.constant 0 : index
    %swap3A_10 = arith.constant 0 : index
    %swap3A_11 = vector.load %arg4[%swap3A, %swap3A_10] : memref<2048x1xf32, #tpu.memory_space<vmem>>, vector<2048x1xf32>
    tpu.vector_store %arg4[%swap3A, %swap3A_10], %broadcast_in_dim3A {strides = array<i32>} : memref<2048x1xf32, #tpu.memory_space<vmem>>, vector<2048x1xf32>,
    %get3A_12 = arith.constant 0 : index
    %get3A_13 = arith.constant 0 : index
    %get3A_14 = vector.load %arg2[%get3A_12, %get3A_13] : memref<2048x2xf32, #tpu.memory_space<vmem>>, vector<2048x2xf32>
    %get3A_15 = arith.constant 0 : index
    %get3A_16 = arith.constant 0 : index
    %get3A_17 = vector.load %arg3[%get3A_15, %get3A_16] : memref<2x64xf32, #tpu.memory_space<vmem>>, vector<2x64xf32>
    %dot_general3A = arith.constant dense<0.000000e+00> : vector<2048x64xf32>
    %dot_general3A_18 = tpu.matmul %get3A_14, %get3A_17, %dot_general3A {dimension_numbers = #tpu.dot_dimension_numbers<[1], [0], [0], [1], [0, 0, 1, 1], [], []>, transpose_lhs_hint = false} : vector<2048x2xf32>, vector<2x64xf32>, vector<2048x64xf32> -> vector<2048x64xf32>
    %broadcast_in_dim3A_19 = vector.shape_cast %rsqrt3A : vector<2048xf32> to vector<2048x1xf32>
    %mul3A = vector.broadcast %broadcast_in_dim3A_19 : vector<2048x1xf32> to vector<2048x64xf32>
    %mul3A_20 = arith.mulf %dot_general3A_18, %mul3A : vector<2048x64xf32>
    %swap3A_21 = arith.constant 0 : index
    %swap3A_22 = arith.constant 0 : index
    %swap3A_23 = vector.load %arg5[%swap3A_21, %swap3A_22] : memref<2048x64xf32, #tpu.memory_space<vmem>>, vector<2048x64xf32>
    tpu.vector_store %arg5[%swap3A_21, %swap3A_22], %mul3A_20 {strides = array<i32>} : memref<2048x64xf32, #tpu.memory_space<vmem>>, vector<2048x64xf32>,
    return
  }
  func.func @transform_0(%arg0: i32) -> (i32, i32) {
    %c0_i32 = arith.constant 0 : i32
    %c0_i32_0 = arith.constant 0 : i32
    return %c0_i32, %arg0 : i32, i32
  }
  func.func @transform_1(%arg0: i32) -> (i32, i32) {
    %c0_i32 = arith.constant 0 : i32
    %c0_i32_0 = arith.constant 0 : i32
    return %arg0, %c0_i32 : i32, i32
  }
  func.func @transform_2(%arg0: i32) -> (i32, i32) {
    %c0_i32 = arith.constant 0 : i32
    %c0_i32_0 = arith.constant 0 : i32
    %c0_i32_1 = arith.constant 0 : i32
    return %c0_i32, %c0_i32_0 : i32, i32
  }
  func.func @transform_3(%arg0: i32) -> (i32, i32) {
    %c0_i32 = arith.constant 0 : i32
    %c0_i32_0 = arith.constant 0 : i32
    return %arg0, %c0_i32 : i32, i32
  }
  func.func @transform_4(%arg0: i32) -> (i32, i32) {
    %c0_i32 = arith.constant 0 : i32
    %c0_i32_0 = arith.constant 0 : i32
    return %arg0, %c0_i32 : i32, i32
  }
}

module attributes {stable_mosaic.version = 14 : i64} {
  func.func @body(%arg0: i32, %arg1: memref<2048x64xf32, #tpu.memory_space<vmem>>, %arg2: memref<2048x64xf32, #tpu.memory_space<vmem>>, %arg3: memref<2048x1xf32, #tpu.memory_space<vmem>>, %arg4: memref<1x64xf32, #tpu.memory_space<vmem>>, %arg5: memref<64x64xf32, #tpu.memory_space<vmem>>, %arg6: memref<2048x64xf32, #tpu.memory_space<vmem>>) attributes {dimension_semantics = [#tpu.dimension_semantics<arbitrary>], iteration_bounds = array<i64: 25>, scalar_prefetch = 0 : i64, scratch_operands = 0 : i64, tpu.core_type = #tpu.core_type<tc>, window_params = [{transform_indices = @transform_0, window_bounds = array<i64: 2048, 64>}, {transform_indices = @transform_1, window_bounds = array<i64: 2048, 64>}, {transform_indices = @transform_2, window_bounds = array<i64: 2048, 1>}, {pipeline_mode = #tpu.pipeline_mode<synchronous>, transform_indices = @transform_3, window_bounds = array<i64: 1, 64>}, {pipeline_mode = #tpu.pipeline_mode<synchronous>, transform_indices = @transform_4, window_bounds = array<i64: 64, 64>}, {transform_indices = @transform_5, window_bounds = array<i64: 2048, 64>}]} {
    %get3A = arith.constant 0 : index
    %get3A_0 = arith.constant 0 : index
    %get3A_1 = vector.load %arg3[%get3A, %get3A_0] : memref<2048x1xf32, #tpu.memory_space<vmem>>, vector<2048x1xf32>
    %get3A_2 = arith.constant 0 : index
    %get3A_3 = arith.constant 0 : index
    %get3A_4 = vector.load %arg1[%get3A_2, %get3A_3] : memref<2048x64xf32, #tpu.memory_space<vmem>>, vector<2048x64xf32>
    %get3A_5 = arith.constant 0 : index
    %get3A_6 = arith.constant 0 : index
    %get3A_7 = vector.load %arg2[%get3A_5, %get3A_6] : memref<2048x64xf32, #tpu.memory_space<vmem>>, vector<2048x64xf32>
    %add3A = arith.addf %get3A_4, %get3A_7 : vector<2048x64xf32>
    %mul3A = vector.broadcast %get3A_1 : vector<2048x1xf32> to vector<2048x64xf32>
    %mul3A_8 = arith.mulf %mul3A, %add3A : vector<2048x64xf32>
    %get3A_9 = arith.constant 0 : index
    %get3A_10 = arith.constant 0 : index
    %get3A_11 = vector.load %arg4[%get3A_9, %get3A_10] : memref<1x64xf32, #tpu.memory_space<vmem>>, vector<1x64xf32>
    %add3A_12 = vector.broadcast %get3A_11 : vector<1x64xf32> to vector<2048x64xf32>
    %add3A_13 = arith.addf %mul3A_8, %add3A_12 : vector<2048x64xf32>
    %max3A = arith.constant 0.000000e+00 : f32
    %max3A_14 = vector.broadcast %max3A : f32 to vector<2048x64xf32>
    %max3A_15 = arith.maximumf %add3A_13, %max3A_14 : vector<2048x64xf32>
    %get3A_16 = arith.constant 0 : index
    %get3A_17 = arith.constant 0 : index
    %get3A_18 = vector.load %arg5[%get3A_16, %get3A_17] : memref<64x64xf32, #tpu.memory_space<vmem>>, vector<64x64xf32>
    %dot_general3A = arith.constant dense<0.000000e+00> : vector<2048x64xf32>
    %dot_general3A_19 = tpu.matmul %max3A_15, %get3A_18, %dot_general3A {dimension_numbers = #tpu.dot_dimension_numbers<[1], [0], [0], [1], [0, 0, 1, 1], [], []>, transpose_lhs_hint = false} : vector<2048x64xf32>, vector<64x64xf32>, vector<2048x64xf32> -> vector<2048x64xf32>
    %get3A_20 = arith.constant 0 : index
    %get3A_21 = arith.constant 0 : index
    %get3A_22 = vector.load %arg3[%get3A_20, %get3A_21] : memref<2048x1xf32, #tpu.memory_space<vmem>>, vector<2048x1xf32>
    %mul3A_23 = vector.broadcast %get3A_22 : vector<2048x1xf32> to vector<2048x64xf32>
    %mul3A_24 = arith.mulf %dot_general3A_19, %mul3A_23 : vector<2048x64xf32>
    %swap3A = arith.constant 0 : index
    %swap3A_25 = arith.constant 0 : index
    %swap3A_26 = vector.load %arg6[%swap3A, %swap3A_25] : memref<2048x64xf32, #tpu.memory_space<vmem>>, vector<2048x64xf32>
    tpu.vector_store %arg6[%swap3A, %swap3A_25], %mul3A_24 {strides = array<i32>} : memref<2048x64xf32, #tpu.memory_space<vmem>>, vector<2048x64xf32>,
    return
  }
  func.func @transform_0(%arg0: i32) -> (i32, i32) {
    %c0_i32 = arith.constant 0 : i32
    %c0_i32_0 = arith.constant 0 : i32
    return %arg0, %c0_i32 : i32, i32
  }
  func.func @transform_1(%arg0: i32) -> (i32, i32) {
    %c0_i32 = arith.constant 0 : i32
    %c0_i32_0 = arith.constant 0 : i32
    return %arg0, %c0_i32 : i32, i32
  }
  func.func @transform_2(%arg0: i32) -> (i32, i32) {
    %c0_i32 = arith.constant 0 : i32
    %c0_i32_0 = arith.constant 0 : i32
    return %arg0, %c0_i32 : i32, i32
  }
  func.func @transform_3(%arg0: i32) -> (i32, i32) {
    %c0_i32 = arith.constant 0 : i32
    %c0_i32_0 = arith.constant 0 : i32
    %c0_i32_1 = arith.constant 0 : i32
    return %c0_i32, %c0_i32_0 : i32, i32
  }
  func.func @transform_4(%arg0: i32) -> (i32, i32) {
    %c0_i32 = arith.constant 0 : i32
    %c0_i32_0 = arith.constant 0 : i32
    %c0_i32_1 = arith.constant 0 : i32
    return %c0_i32, %c0_i32_0 : i32, i32
  }
  func.func @transform_5(%arg0: i32) -> (i32, i32) {
    %c0_i32 = arith.constant 0 : i32
    %c0_i32_0 = arith.constant 0 : i32
    return %arg0, %c0_i32 : i32, i32
  }
}

module attributes {stable_mosaic.version = 14 : i64} {
  func.func @body(%arg0: i32, %arg1: memref<2048x64xf32, #tpu.memory_space<vmem>>, %arg2: memref<2048x64xf32, #tpu.memory_space<vmem>>, %arg3: memref<2048x1xf32, #tpu.memory_space<vmem>>, %arg4: memref<1x64xf32, #tpu.memory_space<vmem>>, %arg5: memref<64x32xf32, #tpu.memory_space<vmem>>, %arg6: memref<1x32xf32, #tpu.memory_space<vmem>>, %arg7: memref<32x2xf32, #tpu.memory_space<vmem>>, %arg8: memref<1x2xf32, #tpu.memory_space<vmem>>, %arg9: memref<2048x2xf32, #tpu.memory_space<vmem>>) attributes {dimension_semantics = [#tpu.dimension_semantics<arbitrary>], iteration_bounds = array<i64: 25>, scalar_prefetch = 0 : i64, scratch_operands = 0 : i64, tpu.core_type = #tpu.core_type<tc>, window_params = [{transform_indices = @transform_0, window_bounds = array<i64: 2048, 64>}, {transform_indices = @transform_1, window_bounds = array<i64: 2048, 64>}, {transform_indices = @transform_2, window_bounds = array<i64: 2048, 1>}, {pipeline_mode = #tpu.pipeline_mode<synchronous>, transform_indices = @transform_3, window_bounds = array<i64: 1, 64>}, {pipeline_mode = #tpu.pipeline_mode<synchronous>, transform_indices = @transform_4, window_bounds = array<i64: 64, 32>}, {pipeline_mode = #tpu.pipeline_mode<synchronous>, transform_indices = @transform_5, window_bounds = array<i64: 1, 32>}, {pipeline_mode = #tpu.pipeline_mode<synchronous>, transform_indices = @transform_6, window_bounds = array<i64: 32, 2>}, {pipeline_mode = #tpu.pipeline_mode<synchronous>, transform_indices = @transform_7, window_bounds = array<i64: 1, 2>}, {transform_indices = @transform_8, window_bounds = array<i64: 2048, 2>}]} {
    %get3A = arith.constant 0 : index
    %get3A_0 = arith.constant 0 : index
    %get3A_1 = vector.load %arg3[%get3A, %get3A_0] : memref<2048x1xf32, #tpu.memory_space<vmem>>, vector<2048x1xf32>
    %get3A_2 = arith.constant 0 : index
    %get3A_3 = arith.constant 0 : index
    %get3A_4 = vector.load %arg1[%get3A_2, %get3A_3] : memref<2048x64xf32, #tpu.memory_space<vmem>>, vector<2048x64xf32>
    %get3A_5 = arith.constant 0 : index
    %get3A_6 = arith.constant 0 : index
    %get3A_7 = vector.load %arg2[%get3A_5, %get3A_6] : memref<2048x64xf32, #tpu.memory_space<vmem>>, vector<2048x64xf32>
    %add3A = arith.addf %get3A_4, %get3A_7 : vector<2048x64xf32>
    %mul3A = vector.broadcast %get3A_1 : vector<2048x1xf32> to vector<2048x64xf32>
    %mul3A_8 = arith.mulf %mul3A, %add3A : vector<2048x64xf32>
    %get3A_9 = arith.constant 0 : index
    %get3A_10 = arith.constant 0 : index
    %get3A_11 = vector.load %arg4[%get3A_9, %get3A_10] : memref<1x64xf32, #tpu.memory_space<vmem>>, vector<1x64xf32>
    %add3A_12 = vector.broadcast %get3A_11 : vector<1x64xf32> to vector<2048x64xf32>
    %add3A_13 = arith.addf %mul3A_8, %add3A_12 : vector<2048x64xf32>
    %max3A = arith.constant 0.000000e+00 : f32
    %max3A_14 = vector.broadcast %max3A : f32 to vector<2048x64xf32>
    %max3A_15 = arith.maximumf %add3A_13, %max3A_14 : vector<2048x64xf32>
    %get3A_16 = arith.constant 0 : index
    %get3A_17 = arith.constant 0 : index
    %get3A_18 = vector.load %arg5[%get3A_16, %get3A_17] : memref<64x32xf32, #tpu.memory_space<vmem>>, vector<64x32xf32>
    %dot_general3A = arith.constant dense<0.000000e+00> : vector<2048x32xf32>
    %dot_general3A_19 = tpu.matmul %max3A_15, %get3A_18, %dot_general3A {dimension_numbers = #tpu.dot_dimension_numbers<[1], [0], [0], [1], [0, 0, 1, 1], [], []>, transpose_lhs_hint = false} : vector<2048x64xf32>, vector<64x32xf32>, vector<2048x32xf32> -> vector<2048x32xf32>
    %get3A_20 = arith.constant 0 : index
    %get3A_21 = arith.constant 0 : index
    %get3A_22 = vector.load %arg6[%get3A_20, %get3A_21] : memref<1x32xf32, #tpu.memory_space<vmem>>, vector<1x32xf32>
    %add3A_23 = vector.broadcast %get3A_22 : vector<1x32xf32> to vector<2048x32xf32>
    %add3A_24 = arith.addf %dot_general3A_19, %add3A_23 : vector<2048x32xf32>
    %max3A_25 = arith.constant 0.000000e+00 : f32
    %max3A_26 = vector.broadcast %max3A_25 : f32 to vector<2048x32xf32>
    %max3A_27 = arith.maximumf %add3A_24, %max3A_26 : vector<2048x32xf32>
    %get3A_28 = arith.constant 0 : index
    %get3A_29 = arith.constant 0 : index
    %get3A_30 = vector.load %arg7[%get3A_28, %get3A_29] : memref<32x2xf32, #tpu.memory_space<vmem>>, vector<32x2xf32>
    %dot_general3A_31 = arith.constant dense<0.000000e+00> : vector<2048x2xf32>
    %dot_general3A_32 = tpu.matmul %max3A_27, %get3A_30, %dot_general3A_31 {dimension_numbers = #tpu.dot_dimension_numbers<[1], [0], [0], [1], [0, 0, 1, 1], [], []>, transpose_lhs_hint = false} : vector<2048x32xf32>, vector<32x2xf32>, vector<2048x2xf32> -> vector<2048x2xf32>
    %get3A_33 = arith.constant 0 : index
    %get3A_34 = arith.constant 0 : index
    %get3A_35 = vector.load %arg8[%get3A_33, %get3A_34] : memref<1x2xf32, #tpu.memory_space<vmem>>, vector<1x2xf32>
    %add3A_36 = vector.broadcast %get3A_35 : vector<1x2xf32> to vector<2048x2xf32>
    %add3A_37 = arith.addf %dot_general3A_32, %add3A_36 : vector<2048x2xf32>
    %swap3A = arith.constant 0 : index
    %swap3A_38 = arith.constant 0 : index
    %swap3A_39 = vector.load %arg9[%swap3A, %swap3A_38] : memref<2048x2xf32, #tpu.memory_space<vmem>>, vector<2048x2xf32>
    tpu.vector_store %arg9[%swap3A, %swap3A_38], %add3A_37 {strides = array<i32>} : memref<2048x2xf32, #tpu.memory_space<vmem>>, vector<2048x2xf32>,
    return
  }
  func.func @transform_0(%arg0: i32) -> (i32, i32) {
    %c0_i32 = arith.constant 0 : i32
    %c0_i32_0 = arith.constant 0 : i32
    return %arg0, %c0_i32 : i32, i32
  }
  func.func @transform_1(%arg0: i32) -> (i32, i32) {
    %c0_i32 = arith.constant 0 : i32
    %c0_i32_0 = arith.constant 0 : i32
    return %arg0, %c0_i32 : i32, i32
  }
  func.func @transform_2(%arg0: i32) -> (i32, i32) {
    %c0_i32 = arith.constant 0 : i32
    %c0_i32_0 = arith.constant 0 : i32
    return %arg0, %c0_i32 : i32, i32
  }
  func.func @transform_3(%arg0: i32) -> (i32, i32) {
    %c0_i32 = arith.constant 0 : i32
    %c0_i32_0 = arith.constant 0 : i32
    %c0_i32_1 = arith.constant 0 : i32
    return %c0_i32, %c0_i32_0 : i32, i32
  }
  func.func @transform_4(%arg0: i32) -> (i32, i32) {
    %c0_i32 = arith.constant 0 : i32
    %c0_i32_0 = arith.constant 0 : i32
    %c0_i32_1 = arith.constant 0 : i32
    return %c0_i32, %c0_i32_0 : i32, i32
  }
  func.func @transform_5(%arg0: i32) -> (i32, i32) {
    %c0_i32 = arith.constant 0 : i32
    %c0_i32_0 = arith.constant 0 : i32
    %c0_i32_1 = arith.constant 0 : i32
    return %c0_i32, %c0_i32_0 : i32, i32
  }
  func.func @transform_6(%arg0: i32) -> (i32, i32) {
    %c0_i32 = arith.constant 0 : i32
    %c0_i32_0 = arith.constant 0 : i32
    %c0_i32_1 = arith.constant 0 : i32
    return %c0_i32, %c0_i32_0 : i32, i32
  }
  func.func @transform_7(%arg0: i32) -> (i32, i32) {
    %c0_i32 = arith.constant 0 : i32
    %c0_i32_0 = arith.constant 0 : i32
    %c0_i32_1 = arith.constant 0 : i32
    return %c0_i32, %c0_i32_0 : i32, i32
  }
  func.func @transform_8(%arg0: i32) -> (i32, i32) {
    %c0_i32 = arith.constant 0 : i32
    %c0_i32_0 = arith.constant 0 : i32
    return %arg0, %c0_i32 : i32, i32
  }
}

</mosaic_0001>

<sc_bundles>
// kernel: kernel.10.cloned.1.call-start
scs
__scs_entry_jumppad:
0x0: {  	(pc) =	sbr.rel $0x88, $3  }
0x1: {  	(tag) =	ssettag $0x0;
	lr =	simm.s32 $0x1  }
0x2: {  	[smem:$0x3F95] =	sst lr;
	_ =	strace $0xD0000000  }
0x3: {  	_ = 	snop  }
0x4: {  	_ = 	snop  }
0x5: {  	_ = 	snop  }
0x6: {  	_ = 	snop  }
0x7: {  	_ = 	snop  }
__scs_overlays_trampoline_lowered:
0x8: {  	[smem:$0x3FA4] =	sst s0  }
0x9: {  	[smem:$0x3FA5] =	sst s1  }
0xa: {  	[smem:$0x3FA6] =	sst s2  }
0xb: {  	[smem:$0x3FA7] =	sst s3  }
0xc: {  	[smem:$0x3FA8] =	sst s4  }
0xd: {  	[smem:$0x3FA9] =	sst s5  }
0xe: {  	[smem:$0x3FAA] =	sst s6  }
0xf: {  	[smem:$0x3FAB] =	sst s7  }
0x10: {  	[smem:$0x3FAC] =	sst s8  }
0x11: {  	[smem:$0x3FAD] =	sst s9;
	s0 =	simm.s32 @!p0 $0x0  }
0x12: {  	s1 =	sld [smem:$0x3F93];
	s0 =	simm.s32 @p0 $0x1  }
0x13: {  	[smem:$0x3FAE] =	sst s0;
	s0 =	simm.s32 @!p1 $0x0  }
0x14: {  	s2 =	sld [smem:$0x3F92];
	s0 =	simm.s32 @p1 $0x1  }
0x15: {  	[smem:$0x3FAF] =	sst s0;
	s0 =	simm.s32 @!p2 $0x0  }
0x16: {  	s3 =	sld [smem:$0x3FDB];
	s0 =	simm.s32 @p2 $0x1  }
0x17: {  	s4 =	simm.s32 $0x1BF5;
	[smem:$0x3FB1] =	sst s0  }
0x18: {  	s0 =	sld [smem:$0x3F94];
	_ =	swait.ge [sflag:s4], $0x0  }
0x19: {  	s7 =	sld [smem:$0x3F95]  }
0x1a: {  	s8 =	sadd.s32 $0xFFFFE003, lr  }
0x1b: {  	s9 =	sadd.s32 $0xFFFFFEF7, lr;
	s5 =	simm.s32 $0xFFFFFFFF;
	p2 =	slt.u32 s8, $0xFFFFF086  }
0x1c: {  	p1 =	slt.u32 s9, $0xF7A;
	s5 =	simm.s32 @!p2 $0x0  }
0x1d: {  	s5 =	simm.s32 @p1 $0x1;
	p0 =	seq.s32 s7, s2  }
0x1e: {  	s7 =	smul.u32 @!p0 $0xF7A, s2;
	p2 =	seq.s32 @!p0 s5, $0x0  }
0x1f: {  	s9 =	smul.u32 $0xF7A, s1;
	s8 =	simm.s32 @!p0 $0x1BF5;
	p2 =	por !p2, p0  }
0x20: {  	[sflag:s8] =	ssyncset.s32 @!p0 $0xFFFFF086;
	s6 =	sadd.s32 @!p0 s3, s7;
	s7 =	simm.s32 @!p0 $0x108  }
0x21: {  	s3 =	sadd.s32 s3, s9;
	s6 =	sadd.s32 @!p0 $0x88, s6;
	s7 =	simm.s32 @p2 $0x1082  }
0x22: {  	[simem:s7], [sflag:s8] =	dma.local @!p0 [hbm:s6], $0xF7A  }
0x23: {  	s9 =	sor.u32 $0xD0000000, s2;
	s6 =	simm.s32 $0x108;
	_ =	swait.ge @!p0 [sflag:s8], $0x0  }
0x24: {  	s3 =	sadd.s32 $0x88, s3;
	s6 =	simm.s32 @!p1 $0x1082;
	[sflag:s4] =	ssyncset.s32 $0xFFFFF086  }
0x25: {  	[simem:s6], [sflag:s4] =	dma.local [hbm:s3], $0xF7A  }
0x26: {  	[smem:$0x3F95] =	sst s1;
	(tag) =	ssettag s2;
	_ =	strace s9  }
0x27: {  	s1 =	sld [smem:$0x3FA5]  }
0x28: {  	s2 =	sld [smem:$0x3FA6]  }
0x29: {  	s4 =	sld [smem:$0x3FA8]  }
0x2a: {  	p0 =	seq.s32 s5, $0x0;
	s5 =	sld [smem:$0x3FA9]  }
0x2b: {  	s6 =	sld [smem:$0x3FAA]  }
0x2c: {  	s7 =	sld [smem:$0x3FAB]  }
0x2d: {  	s3 =	simm.s32 $0x108;
	s8 =	sld [smem:$0x3FAC]  }
0x2e: {  	s3 =	simm.s32 @!p0 $0x1082;
	s9 =	sld [smem:$0x3FAD]  }
0x2f: {  	lr =	sadd.s32 s0, s3;
	s0 =	sld [smem:$0x3FA4]  }
0x30: {  	s3 =	sld [smem:$0x3FA7]  }
0x31: {  	[smem:$0x3FB0] =	sst s10  }
0x32: {  	s10 =	sld [smem:$0x3FAE];
	_ =	sdelay $0x3  }
0x33: {  	p0 =	seq.s32 s10, $0x1;
	s10 =	sld [smem:$0x3FB0];
	_ =	sdelay $0x3  }
0x34: {  	[smem:$0x3FB0] =	sst s10  }
0x35: {  	s10 =	sld [smem:$0x3FAF];
	_ =	sdelay $0x3  }
0x36: {  	p1 =	seq.s32 s10, $0x1;
	s10 =	sld [smem:$0x3FB0];
	_ =	sdelay $0x3  }
0x37: {  	[smem:$0x3FB0] =	sst s10  }
0x38: {  	s10 =	sld [smem:$0x3FB1]  }
0x39: {  	_ = 	snop;
	(pc) =	sbr.ind lr, $3  }
0x3a: {  	_ = 	snop  }
0x3b: {  	_ = 	snop  }
0x3c: {  	p2 =	seq.s32 s10, $0x1;
	s10 =	sld [smem:$0x3FB0]  }
0x3d: {  	_ =	shalt  }
0x3e: {  	_ =	shalt  }
0x3f: {  	_ =	shalt  }
0x40: {  	_ =	shalt  }
0x41: {  	_ =	shalt  }
0x42: {  	_ =	shalt  }
0x43: {  	_ =	shalt  }
0x44: {  	_ =	shalt  }
0x45: {  	_ =	shalt  }
0x46: {  	_ =	shalt  }
0x47: {  	_ =	shalt  }
0x48: {  	_ =	shalt  }
0x49: {  	_ =	shalt  }
0x4a: {  	_ =	shalt  }
0x4b: {  	_ =	shalt  }
0x4c: {  	_ =	shalt  }
0x4d: {  	_ =	shalt  }
0x4e: {  	_ =	shalt  }
0x4f: {  	_ =	shalt  }
0x50: {  	_ =	shalt  }
0x51: {  	_ =	shalt  }
0x52: {  	_ =	shalt  }
0x53: {  	_ =	shalt  }
0x54: {  	_ =	shalt  }
0x55: {  	_ =	shalt  }
0x56: {  	_ =	shalt  }
0x57: {  	_ =	shalt  }
0x58: {  	_ =	shalt  }
0x59: {  	_ =	shalt  }
0x5a: {  	_ =	shalt  }
0x5b: {  	_ =	shalt  }
0x5c: {  	_ =	shalt  }
0x5d: {  	_ =	shalt  }
0x5e: {  	_ =	shalt  }
0x5f: {  	_ =	shalt  }
0x60: {  	_ =	shalt  }
0x61: {  	_ =	shalt  }
0x62: {  	_ =	shalt  }
0x63: {  	_ =	shalt  }
0x64: {  	_ =	shalt  }
0x65: {  	_ =	shalt  }
0x66: {  	_ =	shalt  }
0x67: {  	_ =	shalt  }
0x68: {  	_ =	shalt  }
0x69: {  	_ =	shalt  }
0x6a: {  	_ =	shalt  }
0x6b: {  	_ =	shalt  }
0x6c: {  	_ =	shalt  }
0x6d: {  	_ =	shalt  }
0x6e: {  	_ =	shalt  }
0x6f: {  	_ =	shalt  }
0x70: {  	_ =	shalt  }
0x71: {  	_ =	shalt  }
0x72: {  	_ =	shalt  }
0x73: {  	_ =	shalt  }
0x74: {  	_ =	shalt  }
0x75: {  	_ =	shalt  }
0x76: {  	_ =	shalt  }
0x77: {  	_ =	shalt  }
0x78: {  	_ =	shalt  }
0x79: {  	_ =	shalt  }
0x7a: {  	_ =	shalt  }
0x7b: {  	_ =	shalt  }
0x7c: {  	_ =	shalt  }
0x7d: {  	_ =	shalt  }
0x7e: {  	_ =	shalt  }
0x7f: {  	_ =	shalt  }
0x80: {  	_ =	shalt  }
0x81: {  	_ =	shalt  }
0x82: {  	_ =	shalt  }
0x83: {  	_ =	shalt  }
0x84: {  	_ =	shalt  }
0x85: {  	_ =	shalt  }
0x86: {  	_ =	shalt  }
0x87: {  	_ =	shalt  }
.Lfunc_end0:
.L_simem_size_0:
called_computation_lowered:
.L_overlay_start_0:
0x88: {  	s2 =	sld [smem:$0x3FD9]  }
0x89: {  	s3 =	sld [smem:$0x3FFE];
	_ =	sdelay $0x1  }
0x8a: {  	s1 =	srdreg.scid  }
0x8b: {  	s0 =	sand.u32 $0x1, s1  }
0x8c: {  	s16 =	sshll.u32 s0, $0xA;
	s2 =	sadd.s32 s3, s2  }
0x8d: {  	s2 =	sadd.s32 s2, s16  }
0x8e: {  	[smem:$0x3FBC] =	sst s2  }
0x8f: {  	_ = 	snop  }
0x90: {  	(tm) =	ssettm $0x1  }
0x91: {  	s17 =	sld [smem:$0x3FFB];
	_ =	sdelay $0x3  }
0x92: {  	_ =	strace s17  }
0x93: {  	s2 =	sld [smem:$0x3FFC];
	_ =	sdelay $0x3  }
0x94: {  	_ =	strace s2  }
0x95: {  	s2 =	sld [smem:$0x3FFD];
	_ =	sdelay $0x3  }
0x96: {  	_ =	strace s2  }
0x97: {  	_ =	strace $0x8FFFFFFF  }
0x98: {  	s18 =	sld [smem:$0x3FDB];
	_ =	sdelay $0x1  }
0x99: {  	s19 =	simm.s32 $_scs_section_size  }
0x9a: {  	s4 =	simm.s32 $_size__tile_overlayer_lowered;
	s5 =	simm.s32 $_tile_overlayer_lowered  }
0x9b: {  	s22 =	simm.s32 $0x1BFF;
	s21 =	sshll.u32 s5, $0x1;
	s2 =	sadd.s32 s19, s18  }
0x9c: {  	s6 =	simm.s32 $0x0;
	s20 =	sshll.u32 s4, $0x1;
	s4 =	sadd.s32 s21, s2  }
0x9d: {  	[timem:s6], [sflag:s22] =	dma.local [hbm:s4], s20  }
0x9e: {  	_ =	swait.ge [sflag:s22], s20  }
0x9f: {  	s3 =	ssub.s32 $0x0, s20;
	[sflag:s22] =	ssyncset.done $0x0  }
0xa0: {  	[sflag:s22] =	ssyncadd.s32 s3;
	_ =	sdelay $0x1  }
0xa1: {  	s23 =	simm.s32 $0x1B8B  }
0xa2: {  	_ =	swait.ge [sflag:s23], $0x1  }
0xa3: {  	[sflag:s23] =	ssyncset.done $0x0  }
0xa4: {  	s25 =	simm.s32 $0x1B8E;
	s24 =	sld [smem:$0x3FFE];
	[sflag:s23] =	ssyncadd.s32 $0xFFFFFFFF  }
0xa5: {  	s26 =	simm.s32 $execute0_lowered;
	[smem:$0x3FD2] =	sst s25  }
0xa6: {  	s4 =	sshll.u32 s26, $0x1;
	_ =	strace $0x80000046;
	[dreg:$0x1] =	wrdreg $0xFFFFFFFF  }
0xa7: {  	s28 =	simm.s32 $_size_execute0_lowered;
	s2 =	sadd.s32 s2, s4;
	[dreg:$0x0] =	wrdreg $0x0  }
0xa8: {  	s4 =	sshll.u32 s28, $0x1;
	[dreg:$0x2] =	wrdreg s2  }
0xa9: {  	[dreg:$0x3] =	wrdreg s4  }
0xaa: {  	[dreg:$0x4] =	wrdreg $0xC0  }
0xab: {  	_ =	task [dreg:s6], $0x5FFFF  }
0xac: {  	[dreg:$0x1] =	wrdreg $0xFFFFFFFF  }
0xad: {  	[dreg:$0x0] =	wrdreg $0x60  }
0xae: {  	[dreg:$0x2] =	wrdreg s24  }
0xaf: {  	[dreg:$0x3] =	wrdreg $0x0  }
0xb0: {  	[dreg:$0x4] =	wrdreg $0x9  }
0xb1: {  	_ =	task.clear_ibuf [dreg:s6], $0x5FFFF;
	_ =	strace $0x90000046  }
0xb2: {  	s29 =	simm.s32 $0x9;
	_ =	strace $0x80000048  }
0xb3: {  	_ =	swait.ge [sflag:s29], $0x1  }
0xb4: {  	[sflag:s29] =	ssyncadd.s32 $0xFFFFFFFF  }
0xb5: {  	_ =	strace $0x90000048  }
0xb6: {  	_ =	sfence  }
0xb7: {  	s30 =	sld [smem:$0x0];
	_ =	sdelay $0x2  }
0xb8: {  	s31 =	sshll.u32 s1, $0xD;
	s1 =	sshrl.u32 s1, $0x2  }
0xb9: {  	s3 =	sand.u32 $0x4000, s31;
	s1 =	sadd.s32 s1, s30  }
0xba: {  	s0 =	sor.u32 s3, s0;
	s1 =	sshll.u32 s1, $0x11  }
0xbb: {  	s0 =	sor.u32 s1, s0  }
0xbc: {  	s0 =	sadd.s32 $0x8F2B, s0  }
0xbd: {  	[sflag:s0] =	ssyncadd.remote.s32 $0x1  }
0xbe: {  	_ =	sfence.sel $0xFFFF  }
0xbf: {  	[dreg:$0x0] =	wrdreg $0xFFFFFFFF;
	(pc) =	sbr.abs _section_cstart, $3  }
0xc0: {  	[dreg:$0x1] =	wrdreg $0xFFFFFFFF  }
0xc1: {  	_ =	task.clear_ibuf [dreg:s6], $0x2FFFF;
	_ =	strace $0x9FFFFFFF  }
0xc2: {  	(tm) =	ssettm $0x7FFFFFFF  }
0xc3: {  	_ =	shalt  }
tec
execute0_lowered:
.L_overlay_start_1:
0x0: {  	(tag) =	ssettag $0x1  }
0x1: {  	s4 =	rddreg [dreg:$0x0];
	s1 =	srdreg.scid  }
0x2: {  	s0 =	stileid.u32;
	s2 =	rddreg [dreg:$0x1]  }
0x3: {  	s3 =	simm.s32 $0x0;
	s14 =	simm.s32 $0x1;
	s15 =	simm.s32 $0x80  }
0x4: {  	s16 =	simm.s32 $0xC80;
	s17 =	simm.s32 $0x2;
	s20 =	simm.s32 $0x0  }
0x5: {  	s5 =	sand.u32 $0x1, s1;
	s6 =	smul.u32 $0xC80, s0;
	s1 =	rddreg [dreg:$0x2]  }
0x6: {  	[smem:$0x7FF] =	sst s3;
	s8 =	sadd.s32 $0x2000, s4;
	s11 =	sshll.u32 s0, $0x4  }
0x7: {  	s18 =	sshll.u32 s0, $0x6;
	s7 =	smul.u32 $0xC800, s5;
	_ =	strace $0x80000047  }
0x8: {  	s9 =	ssub.s32 $0x2, s5;
	s10 =	sshll.u32 s5, $0x8;
	s18 =	sor.u32 $0x1C03, s18  }
0x9: {  	s31 =	sshrl.u32 s9, $0x1;
	s12 =	sor.u32 s11, s10;
	s7 =	sadd.s32 s6, s7  }
0xa: {  	s5 =	sadd.s32 s6, s2;
	s10 =	sadd.s32 s10, s8;
	s30 =	sshrl.u32 s7, $0x3  }
0xb: {  	s9 =	ssub.s32 s9, s31;
	s19 =	sshrl.u32 s5, $0x3;
	s13 =	sadd.s32 s30, s4  }
0xc: {  	s4 =	sadd.s32 s8, s12;
	s8 =	smax.u32 s9, $0x1;
	s9 =	sadd.s32 s11, s10  }
0xd: {  	s10 =	simm.s32 $0xE00;
	s11 =	simm.s32 $0x3;
	s12 =	simm.s32 $0xD00  }
0xe: {  	v0 =	vimm.f32 $0.0e+00;
	v1 =	vimm.f32 $1.000000000e+00;
	s6 =	sadd.s32 $0x200, s4;
	s7 =	sadd.s32 $0x1A800, s13;
	s13 =	simm.s32 $0xD80  }
.LBB2_1:
0xf: {  	s21 =	simm.s32 $0x40;
	s22 =	simm.s32 $0x0  }
.LBB2_2:
0x10: {  	p0 =	sne.s32 s21, $0x31C0;
	[tilespmem:s22+$0xE00] =	vst v0;
	s22 =	smov.u32 s21;
	s21 =	sadd.s32 $0x40, s21  }
.Ltmp0:
0x11: {  	(pc) =	sbr.rel @p0 .LBB2_2-.Ltmp0, $2  }
0x12: {  	_ =	sdelay $0x2  }
0x13: {  	s22 =	sshra.s32 s22, $0x2  }
0x14: {  	[tilespmem:s22+$0xE00] =	vst v0  }
0x15: {  	[spmem:s5] =	stream.linear.scatter [tilespmem:s10], [sflag:$0x3], $0xC80, $0x38;
	[tilespmem:$0x1A80] =	vst v63  }
0x16: {  	_ =	swait.ge [sflag:s11], $0xC80  }
0x17: {  	[sflag:s11] =	ssyncset.done $0x0  }
0x18: {  	[sflag:s11] =	ssyncadd.s32 $0xFFFFF380  }
0x19: {  	[tilespmem:$0xC80] =	vst v1  }
0x1a: {  	[tilespmem:$0xC90] =	vst v1  }
0x1b: {  	[tilespmem:$0xCA0] =	vst v1  }
0x1c: {  	[tilespmem:$0xCB0] =	vst v1  }
0x1d: {  	[tilespmem:$0xCC0] =	vst v1  }
0x1e: {  	[tilespmem:$0xCD0] =	vst v1  }
0x1f: {  	[tilespmem:$0xCE0] =	vst v1  }
0x20: {  	[tilespmem:$0xCF0] =	vst v1  }
0x21: {  	[bflag:$0x0] =	sbarrier.arrive $0xFFFF  }
0x22: {  	[tilespmem:s12], [sflag:$0x1] =	stream.linear.gather [hbm4b:s4+s3], $0x80, $0x38;
	[tilespmem:$0x1A80] =	vst v63  }
0x23: {  	_ = 	snop  }
0x24: {  	[tilespmem:s13], [sflag:$0x2] =	stream.linear.gather [hbm4b:s6+s3], $0x80, $0x38;
	[tilespmem:$0x1A80] =	vst v63  }
0x25: {  	_ =	swait.ge [sflag:s14], $0x80  }
0x26: {  	[sflag:s14] =	ssyncset.done $0x0  }
0x27: {  	[sflag:s14] =	ssyncadd.s32 $0xFFFFFF80  }
0x28: {  	[spmem:s2] =	stream.indirect.scatter.add.f32 [tilespmem:s16], [sflag:$0x3], $0x1, s12, s15, $0xb8;
	[tilespmem:$0x1A80] =	vst v63  }
0x29: {  	_ =	swait.ge [sflag:s11], $0x80  }
0x2a: {  	s31 =	sadd.s32 $0xFFFE7C00, s9;
	[sflag:s11] =	ssyncset.done $0x0  }
0x2b: {  	s21 =	sadd.s32 $0x18800, s31;
	[sflag:s11] =	ssyncadd.s32 $0xFFFFFF80  }
0x2c: {  	[tilespmem:s12], [sflag:$0x1] =	stream.linear.gather [hbm4b:s21+s3], $0x80, $0x38;
	[tilespmem:$0x1A80] =	vst v63  }
0x2d: {  	_ =	swait.ge [sflag:s17], $0x80  }
0x2e: {  	[sflag:s17] =	ssyncset.done $0x0  }
0x2f: {  	[sflag:s17] =	ssyncadd.s32 $0xFFFFFF80  }
0x30: {  	[spmem:s2] =	stream.indirect.scatter.add.f32 [tilespmem:s16], [sflag:$0x3], $0x1, s13, s15, $0xb8;
	[tilespmem:$0x1A80] =	vst v63  }
0x31: {  	_ =	swait.ge [sflag:s11], $0x80  }
0x32: {  	[sflag:s11] =	ssyncset.done $0x0  }
0x33: {  	s22 =	sadd.s32 $0x18A00, s31;
	s21 =	simm.s32 $0xFFFE8000;
	[sflag:s11] =	ssyncadd.s32 $0xFFFFFF80  }
.LBB2_4:
0x34: {  	[tilespmem:s13], [sflag:$0x2] =	stream.linear.gather [hbm4b:s22+s3], $0x80, $0x38;
	[tilespmem:$0x1A80] =	vst v63  }
0x35: {  	s22 =	smov.u32 s21  }
0x36: {  	p0 =	sne.s32 s21, $0xFFFFFC00;
	s21 =	sadd.s32 $0x400, s21;
	_ =	swait.ge [sflag:s14], $0x80  }
0x37: {  	[sflag:s14] =	ssyncset.done $0x0  }
0x38: {  	[sflag:s14] =	ssyncadd.s32 $0xFFFFFF80  }
0x39: {  	[spmem:s2] =	stream.indirect.scatter.add.f32 [tilespmem:s16], [sflag:$0x3], $0x1, s12, s15, $0xb8;
	[tilespmem:$0x1A80] =	vst v63  }
0x3a: {  	_ =	swait.ge [sflag:s11], $0x80  }
0x3b: {  	s22 =	sadd.s32 s22, s9;
	[sflag:s11] =	ssyncset.done $0x0  }
0x3c: {  	s23 =	sadd.s32 $0x18800, s22;
	[sflag:s11] =	ssyncadd.s32 $0xFFFFFF80  }
0x3d: {  	[tilespmem:s12], [sflag:$0x1] =	stream.linear.gather [hbm4b:s23+s3], $0x80, $0x38;
	[tilespmem:$0x1A80] =	vst v63  }
0x3e: {  	_ =	swait.ge [sflag:s17], $0x80  }
0x3f: {  	[sflag:s17] =	ssyncset.done $0x0  }
.Ltmp1:
0x40: {  	[sflag:s17] =	ssyncadd.s32 $0xFFFFFF80;
	(pc) =	sbr.rel @p0 .LBB2_4-.Ltmp1, $4  }
0x41: {  	[spmem:s2] =	stream.indirect.scatter.add.f32 [tilespmem:s16], [sflag:$0x3], $0x1, s13, s15, $0xb8;
	[tilespmem:$0x1A80] =	vst v63  }
0x42: {  	_ =	swait.ge [sflag:s11], $0x80  }
0x43: {  	[sflag:s11] =	ssyncset.done $0x0  }
0x44: {  	s22 =	sadd.s32 $0x18A00, s22;
	[sflag:s11] =	ssyncadd.s32 $0xFFFFFF80  }
0x45: {  	[tilespmem:s13], [sflag:$0x2] =	stream.linear.gather [hbm4b:s22+s3], $0x80, $0x38;
	[tilespmem:$0x1A80] =	vst v63  }
0x46: {  	_ =	swait.ge [sflag:s14], $0x80  }
0x47: {  	[sflag:s14] =	ssyncset.done $0x0  }
0x48: {  	[sflag:s14] =	ssyncadd.s32 $0xFFFFFF80  }
0x49: {  	[spmem:s2] =	stream.indirect.scatter.add.f32 [tilespmem:s16], [sflag:$0x3], $0x1, s12, s15, $0xb8;
	[tilespmem:$0x1A80] =	vst v63  }
0x4a: {  	_ =	swait.ge [sflag:s11], $0x80  }
0x4b: {  	[sflag:s11] =	ssyncset.done $0x0  }
0x4c: {  	[sflag:s11] =	ssyncadd.s32 $0xFFFFFF80  }
0x4d: {  	_ =	swait.ge [sflag:s17], $0x80  }
0x4e: {  	[sflag:s17] =	ssyncset.done $0x0  }
0x4f: {  	[sflag:s17] =	ssyncadd.s32 $0xFFFFFF80  }
0x50: {  	[spmem:s2] =	stream.indirect.scatter.add.f32 [tilespmem:s16], [sflag:$0x3], $0x1, s13, s15, $0xb8;
	[tilespmem:$0x1A80] =	vst v63  }
0x51: {  	_ =	swait.ge [sflag:s11], $0x80  }
0x52: {  	s20 =	sadd.s32 $0x1, s20;
	[sflag:s11] =	ssyncset.done $0x0  }
0x53: {  	p0 =	sne.s32 s20, s8;
	[sflag:s11] =	ssyncadd.s32 $0xFFFFFF80  }
.Ltmp2:
0x54: {  	[bflag:$0x0] =	sbarrier.arrive $0xFFFF;
	(pc) =	sbr.rel @p0 .LBB2_1-.Ltmp2, $4  }
0x55: {  	[hbm:s7], [sflag:s18] =	dma.local [spmem:s19], $0x190  }
0x56: {  	_ =	swait.ge [sflag:s11], $0x190  }
0x57: {  	[sflag:s11] =	ssyncset.done $0x0  }
0x58: {  	[sflag:s11] =	ssyncadd.s32 $0xFFFFFE70  }
0x59: {  	_ =	sfence.sel $0x180000  }
0x5a: {  	[bflag:$0x0] =	sbarrier.arrive $0xFFFF  }
0x5b: {  	p0 =	sne.s32 s0, $0x0;
	_ =	strace $0x90000047  }
0x5c: {  	s0 =	sadd.s32 @!p0 $0x100000, s1;
	[bflag:$0x2] =	sbarrier.arrive $0xFFFF  }
0x5d: {  	[sflag:s0] =	ssyncadd.tile.s32 @!p0 $0x1;
	_ =	shalt  }
.Lfunc_end2:
_tile_overlayer_lowered:
.L_overlay_start_2:
0x5e: {  	(tag) =	ssettag $0x2  }
0x5f: {  	s0 =	rddreg [dreg:$0x0];
	s2 =	stileid.u32  }
0x60: {  	s1 =	rddreg [dreg:$0x1];
	p0 =	sne.s32 s2, $0x0  }
0x61: {  	s3 =	rddreg [dreg:$0x2];
	[bflag:$0x3] =	sbarrier.arrive $0xFFFF;
	s2 =	simm.s32 @!p0 $0x1C03  }
0x62: {  	[timem:s3], [sflag:s2] =	dma.local @!p0 [hbm:s0], s1  }
0x63: {  	s0 =	simm.s32 @!p0 $0x3  }
0x64: {  	_ =	swait.ge @!p0 [sflag:s0], s1  }
0x65: {  	s1 =	ssub.s32 @!p0 $0x0, s1;
	[sflag:s0] =	ssyncset.done @!p0 $0x0  }
0x66: {  	[sflag:s0] =	ssyncadd.s32 @!p0 s1  }
0x67: {  	[bflag:$0x3] =	sbarrier.arrive $0xFFFF  }
0x68: {  	_ =	shalt  }

// kernel: kernel.13.cloned.1.call-start
scs
__scs_entry_jumppad:
0x0: {  	(pc) =	sbr.rel $0x88, $3  }
0x1: {  	(tag) =	ssettag $0x0;
	lr =	simm.s32 $0x1  }
0x2: {  	[smem:$0x3F95] =	sst lr;
	_ =	strace $0xD0000000  }
0x3: {  	_ = 	snop  }
0x4: {  	_ = 	snop  }
0x5: {  	_ = 	snop  }
0x6: {  	_ = 	snop  }
0x7: {  	_ = 	snop  }
__scs_overlays_trampoline_lowered:
0x8: {  	[smem:$0x3FA4] =	sst s0  }
0x9: {  	[smem:$0x3FA5] =	sst s1  }
0xa: {  	[smem:$0x3FA6] =	sst s2  }
0xb: {  	[smem:$0x3FA7] =	sst s3  }
0xc: {  	[smem:$0x3FA8] =	sst s4  }
0xd: {  	[smem:$0x3FA9] =	sst s5  }
0xe: {  	[smem:$0x3FAA] =	sst s6  }
0xf: {  	[smem:$0x3FAB] =	sst s7  }
0x10: {  	[smem:$0x3FAC] =	sst s8  }
0x11: {  	[smem:$0x3FAD] =	sst s9;
	s0 =	simm.s32 @!p0 $0x0  }
0x12: {  	s1 =	sld [smem:$0x3F93];
	s0 =	simm.s32 @p0 $0x1  }
0x13: {  	[smem:$0x3FAE] =	sst s0;
	s0 =	simm.s32 @!p1 $0x0  }
0x14: {  	s2 =	sld [smem:$0x3F92];
	s0 =	simm.s32 @p1 $0x1  }
0x15: {  	[smem:$0x3FAF] =	sst s0;
	s0 =	simm.s32 @!p2 $0x0  }
0x16: {  	s3 =	sld [smem:$0x3FDB];
	s0 =	simm.s32 @p2 $0x1  }
0x17: {  	s4 =	simm.s32 $0x1BF5;
	[smem:$0x3FB1] =	sst s0  }
0x18: {  	s0 =	sld [smem:$0x3F94];
	_ =	swait.ge [sflag:s4], $0x0  }
0x19: {  	s7 =	sld [smem:$0x3F95]  }
0x1a: {  	s8 =	sadd.s32 $0xFFFFE003, lr  }
0x1b: {  	s9 =	sadd.s32 $0xFFFFFEF7, lr;
	s5 =	simm.s32 $0xFFFFFFFF;
	p2 =	slt.u32 s8, $0xFFFFF086  }
0x1c: {  	p1 =	slt.u32 s9, $0xF7A;
	s5 =	simm.s32 @!p2 $0x0  }
0x1d: {  	s5 =	simm.s32 @p1 $0x1;
	p0 =	seq.s32 s7, s2  }
0x1e: {  	s7 =	smul.u32 @!p0 $0xF7A, s2;
	p2 =	seq.s32 @!p0 s5, $0x0  }
0x1f: {  	s9 =	smul.u32 $0xF7A, s1;
	s8 =	simm.s32 @!p0 $0x1BF5;
	p2 =	por !p2, p0  }
0x20: {  	[sflag:s8] =	ssyncset.s32 @!p0 $0xFFFFF086;
	s6 =	sadd.s32 @!p0 s3, s7;
	s7 =	simm.s32 @!p0 $0x108  }
0x21: {  	s3 =	sadd.s32 s3, s9;
	s6 =	sadd.s32 @!p0 $0x88, s6;
	s7 =	simm.s32 @p2 $0x1082  }
0x22: {  	[simem:s7], [sflag:s8] =	dma.local @!p0 [hbm:s6], $0xF7A  }
0x23: {  	s9 =	sor.u32 $0xD0000000, s2;
	s6 =	simm.s32 $0x108;
	_ =	swait.ge @!p0 [sflag:s8], $0x0  }
0x24: {  	s3 =	sadd.s32 $0x88, s3;
	s6 =	simm.s32 @!p1 $0x1082;
	[sflag:s4] =	ssyncset.s32 $0xFFFFF086  }
0x25: {  	[simem:s6], [sflag:s4] =	dma.local [hbm:s3], $0xF7A  }
0x26: {  	[smem:$0x3F95] =	sst s1;
	(tag) =	ssettag s2;
	_ =	strace s9  }
0x27: {  	s1 =	sld [smem:$0x3FA5]  }
0x28: {  	s2 =	sld [smem:$0x3FA6]  }
0x29: {  	s4 =	sld [smem:$0x3FA8]  }
0x2a: {  	p0 =	seq.s32 s5, $0x0;
	s5 =	sld [smem:$0x3FA9]  }
0x2b: {  	s6 =	sld [smem:$0x3FAA]  }
0x2c: {  	s7 =	sld [smem:$0x3FAB]  }
0x2d: {  	s3 =	simm.s32 $0x108;
	s8 =	sld [smem:$0x3FAC]  }
0x2e: {  	s3 =	simm.s32 @!p0 $0x1082;
	s9 =	sld [smem:$0x3FAD]  }
0x2f: {  	lr =	sadd.s32 s0, s3;
	s0 =	sld [smem:$0x3FA4]  }
0x30: {  	s3 =	sld [smem:$0x3FA7]  }
0x31: {  	[smem:$0x3FB0] =	sst s10  }
0x32: {  	s10 =	sld [smem:$0x3FAE];
	_ =	sdelay $0x3  }
0x33: {  	p0 =	seq.s32 s10, $0x1;
	s10 =	sld [smem:$0x3FB0];
	_ =	sdelay $0x3  }
0x34: {  	[smem:$0x3FB0] =	sst s10  }
0x35: {  	s10 =	sld [smem:$0x3FAF];
	_ =	sdelay $0x3  }
0x36: {  	p1 =	seq.s32 s10, $0x1;
	s10 =	sld [smem:$0x3FB0];
	_ =	sdelay $0x3  }
0x37: {  	[smem:$0x3FB0] =	sst s10  }
0x38: {  	s10 =	sld [smem:$0x3FB1]  }
0x39: {  	_ = 	snop;
	(pc) =	sbr.ind lr, $3  }
0x3a: {  	_ = 	snop  }
0x3b: {  	_ = 	snop  }
0x3c: {  	p2 =	seq.s32 s10, $0x1;
	s10 =	sld [smem:$0x3FB0]  }
0x3d: {  	_ =	shalt  }
0x3e: {  	_ =	shalt  }
0x3f: {  	_ =	shalt  }
0x40: {  	_ =	shalt  }
0x41: {  	_ =	shalt  }
0x42: {  	_ =	shalt  }
0x43: {  	_ =	shalt  }
0x44: {  	_ =	shalt  }
0x45: {  	_ =	shalt  }
0x46: {  	_ =	shalt  }
0x47: {  	_ =	shalt  }
0x48: {  	_ =	shalt  }
0x49: {  	_ =	shalt  }
0x4a: {  	_ =	shalt  }
0x4b: {  	_ =	shalt  }
0x4c: {  	_ =	shalt  }
0x4d: {  	_ =	shalt  }
0x4e: {  	_ =	shalt  }
0x4f: {  	_ =	shalt  }
0x50: {  	_ =	shalt  }
0x51: {  	_ =	shalt  }
0x52: {  	_ =	shalt  }
0x53: {  	_ =	shalt  }
0x54: {  	_ =	shalt  }
0x55: {  	_ =	shalt  }
0x56: {  	_ =	shalt  }
0x57: {  	_ =	shalt  }
0x58: {  	_ =	shalt  }
0x59: {  	_ =	shalt  }
0x5a: {  	_ =	shalt  }
0x5b: {  	_ =	shalt  }
0x5c: {  	_ =	shalt  }
0x5d: {  	_ =	shalt  }
0x5e: {  	_ =	shalt  }
0x5f: {  	_ =	shalt  }
0x60: {  	_ =	shalt  }
0x61: {  	_ =	shalt  }
0x62: {  	_ =	shalt  }
0x63: {  	_ =	shalt  }
0x64: {  	_ =	shalt  }
0x65: {  	_ =	shalt  }
0x66: {  	_ =	shalt  }
0x67: {  	_ =	shalt  }
0x68: {  	_ =	shalt  }
0x69: {  	_ =	shalt  }
0x6a: {  	_ =	shalt  }
0x6b: {  	_ =	shalt  }
0x6c: {  	_ =	shalt  }
0x6d: {  	_ =	shalt  }
0x6e: {  	_ =	shalt  }
0x6f: {  	_ =	shalt  }
0x70: {  	_ =	shalt  }
0x71: {  	_ =	shalt  }
0x72: {  	_ =	shalt  }
0x73: {  	_ =	shalt  }
0x74: {  	_ =	shalt  }
0x75: {  	_ =	shalt  }
0x76: {  	_ =	shalt  }
0x77: {  	_ =	shalt  }
0x78: {  	_ =	shalt  }
0x79: {  	_ =	shalt  }
0x7a: {  	_ =	shalt  }
0x7b: {  	_ =	shalt  }
0x7c: {  	_ =	shalt  }
0x7d: {  	_ =	shalt  }
0x7e: {  	_ =	shalt  }
0x7f: {  	_ =	shalt  }
0x80: {  	_ =	shalt  }
0x81: {  	_ =	shalt  }
0x82: {  	_ =	shalt  }
0x83: {  	_ =	shalt  }
0x84: {  	_ =	shalt  }
0x85: {  	_ =	shalt  }
0x86: {  	_ =	shalt  }
0x87: {  	_ =	shalt  }
.Lfunc_end0:
.L_simem_size_0:
called_computation.1_lowered:
.L_overlay_start_0:
0x88: {  	s2 =	sld [smem:$0x3FD9]  }
0x89: {  	s3 =	sld [smem:$0x3FFE];
	_ =	sdelay $0x1  }
0x8a: {  	s1 =	srdreg.scid  }
0x8b: {  	s0 =	sand.u32 $0x1, s1  }
0x8c: {  	s16 =	sshll.u32 s0, $0xA;
	s2 =	sadd.s32 s3, s2  }
0x8d: {  	s2 =	sadd.s32 s2, s16  }
0x8e: {  	[smem:$0x3FBC] =	sst s2  }
0x8f: {  	_ = 	snop  }
0x90: {  	(tm) =	ssettm $0x1  }
0x91: {  	s17 =	sld [smem:$0x3FFB];
	_ =	sdelay $0x3  }
0x92: {  	_ =	strace s17  }
0x93: {  	s2 =	sld [smem:$0x3FFC];
	_ =	sdelay $0x3  }
0x94: {  	_ =	strace s2  }
0x95: {  	s2 =	sld [smem:$0x3FFD];
	_ =	sdelay $0x3  }
0x96: {  	_ =	strace s2  }
0x97: {  	_ =	strace $0x8FFFFFFF  }
0x98: {  	s18 =	sld [smem:$0x3FDB];
	_ =	sdelay $0x1  }
0x99: {  	s19 =	simm.s32 $_scs_section_size  }
0x9a: {  	s4 =	simm.s32 $_size__tile_overlayer_lowered;
	s5 =	simm.s32 $_tile_overlayer_lowered  }
0x9b: {  	s22 =	simm.s32 $0x1BFF;
	s21 =	sshll.u32 s5, $0x1;
	s2 =	sadd.s32 s19, s18  }
0x9c: {  	s6 =	simm.s32 $0x0;
	s20 =	sshll.u32 s4, $0x1;
	s4 =	sadd.s32 s21, s2  }
0x9d: {  	[timem:s6], [sflag:s22] =	dma.local [hbm:s4], s20  }
0x9e: {  	_ =	swait.ge [sflag:s22], s20  }
0x9f: {  	s3 =	ssub.s32 $0x0, s20;
	[sflag:s22] =	ssyncset.done $0x0  }
0xa0: {  	[sflag:s22] =	ssyncadd.s32 s3;
	_ =	sdelay $0x1  }
0xa1: {  	s23 =	simm.s32 $0x1B8B  }
0xa2: {  	_ =	swait.ge [sflag:s23], $0x1  }
0xa3: {  	[sflag:s23] =	ssyncset.done $0x0  }
0xa4: {  	s25 =	simm.s32 $0x1B8E;
	s24 =	sld [smem:$0x3FFE];
	[sflag:s23] =	ssyncadd.s32 $0xFFFFFFFF  }
0xa5: {  	s26 =	simm.s32 $execute0_lowered;
	[smem:$0x3FD2] =	sst s25  }
0xa6: {  	s4 =	sshll.u32 s26, $0x1;
	_ =	strace $0x80000049;
	[dreg:$0x1] =	wrdreg $0xFFFFFFFF  }
0xa7: {  	s28 =	simm.s32 $_size_execute0_lowered;
	s2 =	sadd.s32 s2, s4;
	[dreg:$0x0] =	wrdreg $0x0  }
0xa8: {  	s4 =	sshll.u32 s28, $0x1;
	[dreg:$0x2] =	wrdreg s2  }
0xa9: {  	[dreg:$0x3] =	wrdreg s4  }
0xaa: {  	[dreg:$0x4] =	wrdreg $0xC0  }
0xab: {  	_ =	task [dreg:s6], $0x5FFFF  }
0xac: {  	[dreg:$0x1] =	wrdreg $0xFFFFFFFF  }
0xad: {  	[dreg:$0x0] =	wrdreg $0x60  }
0xae: {  	[dreg:$0x2] =	wrdreg s24  }
0xaf: {  	[dreg:$0x3] =	wrdreg $0x0  }
0xb0: {  	[dreg:$0x4] =	wrdreg $0x9  }
0xb1: {  	_ =	task.clear_ibuf [dreg:s6], $0x5FFFF;
	_ =	strace $0x90000049  }
0xb2: {  	s29 =	simm.s32 $0x9;
	_ =	strace $0x8000004B  }
0xb3: {  	_ =	swait.ge [sflag:s29], $0x1  }
0xb4: {  	[sflag:s29] =	ssyncadd.s32 $0xFFFFFFFF  }
0xb5: {  	_ =	strace $0x9000004B  }
0xb6: {  	_ =	sfence  }
0xb7: {  	s30 =	sld [smem:$0x0];
	_ =	sdelay $0x2  }
0xb8: {  	s31 =	sshll.u32 s1, $0xD;
	s1 =	sshrl.u32 s1, $0x2  }
0xb9: {  	s3 =	sand.u32 $0x4000, s31;
	s1 =	sadd.s32 s1, s30  }
0xba: {  	s0 =	sor.u32 s3, s0;
	s1 =	sshll.u32 s1, $0x11  }
0xbb: {  	s0 =	sor.u32 s1, s0  }
0xbc: {  	s0 =	sadd.s32 $0x8F2B, s0  }
0xbd: {  	[sflag:s0] =	ssyncadd.remote.s32 $0x1  }
0xbe: {  	_ =	sfence.sel $0xFFFF  }
0xbf: {  	[dreg:$0x0] =	wrdreg $0xFFFFFFFF;
	(pc) =	sbr.abs _section_cstart, $3  }
0xc0: {  	[dreg:$0x1] =	wrdreg $0xFFFFFFFF  }
0xc1: {  	_ =	task.clear_ibuf [dreg:s6], $0x2FFFF;
	_ =	strace $0x9FFFFFFF  }
0xc2: {  	(tm) =	ssettm $0x7FFFFFFF  }
0xc3: {  	_ =	shalt  }
tec
execute0_lowered:
.L_overlay_start_1:
0x0: {  	(tag) =	ssettag $0x1  }
0x1: {  	s0 =	rddreg [dreg:$0x0]  }
0x2: {  	s1 =	rddreg [dreg:$0x1]  }
0x3: {  	s3 =	simm.s32 $0x0;
	s2 =	srdreg.scid;
	s11 =	stileid.u32  }
0x4: {  	s26 =	simm.s32 $0x19240;
	s28 =	simm.s32 $0x1;
	s29 =	simm.s32 $0x80  }
0x5: {  	s30 =	simm.s32 $0x19340;
	s31 =	simm.s32 $0x2;
	[smem:$0x7FF] =	sst s3  }
0x6: {  	s2 =	sand.u32 $0x1, s2;
	s5 =	smul.u32 $0x640, s11;
	s4 =	sadd.s32 $0x1A800, s0  }
0x7: {  	s7 =	sadd.s32 $0xE1000, s0;
	s8 =	smul.u32 $0x64000, s11;
	s9 =	sadd.s32 $0x2000, s0  }
0x8: {  	s16 =	sshll.u32 s11, $0x4;
	s6 =	smul.u32 $0x6400, s2;
	_ =	strace $0x8000004A  }
0x9: {  	s2 =	ssub.s32 $0x2, s2;
	s18 =	sor.u32 $0x100, s16;
	s15 =	sadd.s32 s7, s16  }
0xa: {  	s16 =	sadd.s32 s9, s16;
	[dreg:$0x3] =	wrdreg s26;
	s5 =	sadd.s32 s5, s6  }
0xb: {  	s26 =	simm.s32 $0x192C0;
	s8 =	sshrl.u32 s8, $0x2;
	s5 =	sshll.u32 s5, $0x3  }
0xc: {  	s10 =	sshrl.u32 s2, $0x1;
	s0 =	sadd.s32 s5, s0;
	s5 =	sadd.s32 s8, s1  }
0xd: {  	s17 =	sadd.s32 s7, s18;
	s18 =	sadd.s32 s9, s18;
	s20 =	sadd.s32 $0x2800, s5  }
0xe: {  	s2 =	ssub.s32 s2, s10;
	s21 =	sadd.s32 $0x5000, s5;
	[dreg:$0x4] =	wrdreg s20  }
0xf: {  	s8 =	sor.u32 $0x6400, s11;
	s22 =	sadd.s32 $0x7800, s5;
	[dreg:$0x5] =	wrdreg s21  }
0x10: {  	s23 =	sadd.s32 $0xA000, s5;
	s24 =	sadd.s32 $0xC800, s5;
	[dreg:$0x6] =	wrdreg s22  }
0x11: {  	s25 =	sadd.s32 $0xF000, s5;
	s12 =	sadd.s32 $0x11800, s5;
	[dreg:$0x7] =	wrdreg s23  }
0x12: {  	s13 =	sadd.s32 $0x14000, s5;
	s14 =	sadd.s32 $0x16800, s5;
	[dreg:$0x8] =	wrdreg s24  }
0x13: {  	s19 =	sadd.s32 $0x7C400, s0;
	s0 =	simm.s32 $0x1B340;
	[dreg:$0x9] =	wrdreg s25  }
0x14: {  	s20 =	smax.u32 s2, $0x1;
	s21 =	simm.s32 $0x1D340;
	s22 =	simm.s32 $0x5  }
0x15: {  	v2 =	vimm.f32 $0.0e+00;
	v0 =	vmov s6;
	v1 =	vmov s8;
	s23 =	simm.s32 $0x19040;
	s25 =	simm.s32 $0x190C0;
	s24 =	simm.s32 $0x3  }
.LBB2_1:
0x16: {  	s6 =	simm.s32 $0x100;
	s2 =	simm.s32 $0x0  }
.LBB2_2:
0x17: {  	p0 =	sne.s32 s6, $0x9F00;
	[tilespmem:s2+$0x1D370] =	vst v2;
	s7 =	smov.u32 s6;
	s6 =	sadd.s32 $0x100, s6  }
.Ltmp0:
0x18: {  	[tilespmem:s2+$0x1D360] =	vst v2;
	(pc) =	sbr.rel @p0 .LBB2_2-.Ltmp0, $3  }
0x19: {  	[tilespmem:s2+$0x1D340] =	vst v2  }
0x1a: {  	[tilespmem:s2+$0x1D350] =	vst v2;
	_ =	sdelay $0x1  }
0x1b: {  	s2 =	sshra.s32 s7, $0x2  }
0x1c: {  	[tilespmem:s2+$0x1D370] =	vst v2  }
0x1d: {  	[tilespmem:s2+$0x1D360] =	vst v2  }
0x1e: {  	[tilespmem:s2+$0x1D340] =	vst v2  }
0x1f: {  	[tilespmem:s2+$0x1D350] =	vst v2  }
0x20: {  	[spmem:s5] =	stream.linear.scatter [tilespmem:s21], [sflag:$0x5], $0x2800, $0x38;
	[tilespmem:$0x1FB40] =	vst v63  }
0x21: {  	_ =	swait.ge [sflag:s22], $0x2800  }
0x22: {  	[sflag:s22] =	ssyncset.done $0x0  }
0x23: {  	s9 =	rddreg [dreg:$0x4];
	[sflag:s22] =	ssyncadd.s32 $0xFFFFD800  }
0x24: {  	[spmem:s9] =	stream.linear.scatter [tilespmem:s21], [sflag:$0x5], $0x2800, $0x38;
	[tilespmem:$0x1FB40] =	vst v63  }
0x25: {  	_ =	swait.ge [sflag:s22], $0x2800  }
0x26: {  	[sflag:s22] =	ssyncset.done $0x0  }
0x27: {  	s10 =	rddreg [dreg:$0x5];
	[sflag:s22] =	ssyncadd.s32 $0xFFFFD800  }
0x28: {  	[spmem:s10] =	stream.linear.scatter [tilespmem:s21], [sflag:$0x5], $0x2800, $0x38;
	[tilespmem:$0x1FB40] =	vst v63  }
0x29: {  	_ =	swait.ge [sflag:s22], $0x2800  }
0x2a: {  	[sflag:s22] =	ssyncset.done $0x0  }
0x2b: {  	s11 =	rddreg [dreg:$0x6];
	[sflag:s22] =	ssyncadd.s32 $0xFFFFD800  }
0x2c: {  	[spmem:s11] =	stream.linear.scatter [tilespmem:s21], [sflag:$0x5], $0x2800, $0x38;
	[tilespmem:$0x1FB40] =	vst v63  }
0x2d: {  	_ =	swait.ge [sflag:s22], $0x2800  }
0x2e: {  	[sflag:s22] =	ssyncset.done $0x0  }
0x2f: {  	s6 =	rddreg [dreg:$0x7];
	[sflag:s22] =	ssyncadd.s32 $0xFFFFD800  }
0x30: {  	[spmem:s6] =	stream.linear.scatter [tilespmem:s21], [sflag:$0x5], $0x2800, $0x38;
	[tilespmem:$0x1FB40] =	vst v63  }
0x31: {  	_ =	swait.ge [sflag:s22], $0x2800  }
0x32: {  	[sflag:s22] =	ssyncset.done $0x0  }
0x33: {  	s7 =	rddreg [dreg:$0x8];
	[sflag:s22] =	ssyncadd.s32 $0xFFFFD800  }
0x34: {  	[spmem:s7] =	stream.linear.scatter [tilespmem:s21], [sflag:$0x5], $0x2800, $0x38;
	[tilespmem:$0x1FB40] =	vst v63  }
0x35: {  	_ =	swait.ge [sflag:s22], $0x2800  }
0x36: {  	[sflag:s22] =	ssyncset.done $0x0  }
0x37: {  	s8 =	rddreg [dreg:$0x9];
	[sflag:s22] =	ssyncadd.s32 $0xFFFFD800  }
0x38: {  	[spmem:s8] =	stream.linear.scatter [tilespmem:s21], [sflag:$0x5], $0x2800, $0x38;
	[tilespmem:$0x1FB40] =	vst v63  }
0x39: {  	_ =	swait.ge [sflag:s22], $0x2800  }
0x3a: {  	[sflag:s22] =	ssyncset.done $0x0  }
0x3b: {  	[sflag:s22] =	ssyncadd.s32 $0xFFFFD800  }
0x3c: {  	[spmem:s12] =	stream.linear.scatter [tilespmem:s21], [sflag:$0x5], $0x2800, $0x38;
	[tilespmem:$0x1FB40] =	vst v63  }
0x3d: {  	_ =	swait.ge [sflag:s22], $0x2800  }
0x3e: {  	[sflag:s22] =	ssyncset.done $0x0  }
0x3f: {  	[sflag:s22] =	ssyncadd.s32 $0xFFFFD800  }
0x40: {  	[spmem:s13] =	stream.linear.scatter [tilespmem:s21], [sflag:$0x5], $0x2800, $0x38;
	[tilespmem:$0x1FB40] =	vst v63  }
0x41: {  	_ =	swait.ge [sflag:s22], $0x2800  }
0x42: {  	[sflag:s22] =	ssyncset.done $0x0  }
0x43: {  	[sflag:s22] =	ssyncadd.s32 $0xFFFFD800  }
0x44: {  	[spmem:s14] =	stream.linear.scatter [tilespmem:s21], [sflag:$0x5], $0x2800, $0x38;
	[tilespmem:$0x1FB40] =	vst v63  }
0x45: {  	_ =	swait.ge [sflag:s22], $0x2800  }
0x46: {  	[sflag:s22] =	ssyncset.done $0x0  }
0x47: {  	[sflag:s22] =	ssyncadd.s32 $0xFFFFD800  }
0x48: {  	s9 =	simm.s32 $0x0;
	[bflag:$0x0] =	sbarrier.arrive $0xFFFF  }
0x49: {  	[tilespmem:s23], [sflag:$0x1] =	stream.linear.gather [hbm4b:s15+s9], $0x80, $0x38;
	[tilespmem:$0x1FB40] =	vst v63  }
0x4a: {  	s6 =	simm.s32 $0x19140  }
0x4b: {  	[tilespmem:s6], [sflag:$0x1] =	stream.linear.gather [hbm4b:s16+s9], $0x80, $0x38;
	[tilespmem:$0x1FB40] =	vst v63  }
0x4c: {  	_ = 	snop  }
0x4d: {  	[tilespmem:s25], [sflag:$0x2] =	stream.linear.gather [hbm4b:s17+s9], $0x80, $0x38;
	[tilespmem:$0x1FB40] =	vst v63  }
0x4e: {  	s10 =	simm.s32 $0x191C0  }
0x4f: {  	[tilespmem:s10], [sflag:$0x2] =	stream.linear.gather [hbm4b:s18+s9], $0x80, $0x38;
	[tilespmem:$0x1FB40] =	vst v63  }
0x50: {  	_ =	swait.ge [sflag:s28], $0x80  }
0x51: {  	[sflag:s28] =	ssyncset.done $0x0  }
0x52: {  	[sflag:s28] =	ssyncadd.s32 $0xFFFFFF80  }
0x53: {  	_ =	swait.ge [sflag:s28], $0x80  }
0x54: {  	[sflag:s28] =	ssyncset.done $0x0  }
0x55: {  	[sflag:s28] =	ssyncadd.s32 $0xFFFFFF80  }
0x56: {  	[tilespmem:s30], [sflag:$0x3] =	stream.indirect.gather [hbm4b:s4+s29], $0x40, s23, s29, $0xb8;
	[tilespmem:$0x1FB40] =	vst v63  }
0x57: {  	v3 =	vld [tilespmem:$0x191B0]  }
0x58: {  	v4 =	vld [tilespmem:$0x19190]  }
0x59: {  	v5 =	vld [tilespmem:$0x19180]  }
0x5a: {  	v6 =	vld [tilespmem:$0x191A0]  }
0x5b: {  	v8 =	vld [tilespmem:$0x19150]  }
0x5c: {  	v10 =	vld [tilespmem:$0x19140];
	v3 =	vsub.s32 v3, v0  }
0x5d: {  	v7 =	vld [tilespmem:$0x19170];
	v4 =	vsub.s32 v4, v0;
	vm0 =	vlt.u32 v3, $0x6400  }
0x5e: {  	v9 =	vld [tilespmem:$0x19160];
	v5 =	vsub.s32 v5, v0;
	vm14 =	vlt.u32 v4, $0x6400;
	v3 =	vsel vm0, v3, v1  }
0x5f: {  	v6 =	vsub.s32 v6, v0;
	vm1 =	vlt.u32 v5, $0x6400;
	v4 =	vsel vm14, v4, v1;
	[tilespmem:$0x192B0] =	vst v3  }
0x60: {  	v48 =	vsub.s32 v8, v0;
	vm15 =	vlt.u32 v6, $0x6400;
	v5 =	vsel vm1, v5, v1;
	[tilespmem:$0x19290] =	vst v4  }
0x61: {  	v50 =	vsub.s32 v10, v0;
	vm5 =	vlt.u32 v48, $0x6400;
	v47 =	vsel vm15, v6, v1;
	[tilespmem:$0x19280] =	vst v5  }
0x62: {  	vm7 =	vlt.u32 v50, $0x6400;
	v6 =	vsel vm5, v48, v1;
	v3 =	vsub.s32 v7, v0;
	[tilespmem:$0x192A0] =	vst v47  }
0x63: {  	v49 =	vsub.s32 v9, v0;
	[tilespmem:$0x19250] =	vst v6;
	v4 =	vsel vm7, v50, v1;
	vm4 =	vlt.u32 v3, $0x6400  }
0x64: {  	vm6 =	vlt.u32 v49, $0x6400;
	[tilespmem:$0x19240] =	vst v4;
	v3 =	vsel vm4, v3, v1  }
0x65: {  	[tilespmem:$0x19270] =	vst v3;
	v3 =	vsel vm6, v49, v1  }
0x66: {  	[tilespmem:$0x19260] =	vst v3  }
0x67: {  	_ =	swait.ge [sflag:s31], $0x80  }
0x68: {  	[sflag:s31] =	ssyncset.done $0x0  }
0x69: {  	[sflag:s31] =	ssyncadd.s32 $0xFFFFFF80  }
0x6a: {  	_ =	swait.ge [sflag:s31], $0x80  }
0x6b: {  	[sflag:s31] =	ssyncset.done $0x0  }
0x6c: {  	p0 =	por $0x0, $0x0;
	[sflag:s31] =	ssyncadd.s32 $0xFFFFFF80  }
0x6d: {  	[tilespmem:s0], [sflag:$0x4] =	stream.indirect.gather [hbm4b:s4+s29], $0x40, s25, s29, $0xb8;
	[tilespmem:$0x1FB40] =	vst v63  }
0x6e: {  	s2 =	sadd.s32 @!p0 $0x0, s15;
	_ =	swait.ge [sflag:s24], $0x2000  }
0x6f: {  	s2 =	sadd.s32 @!p0 $0x200, s2;
	[sflag:s24] =	ssyncset.done $0x0  }
0x70: {  	s7 =	simm.s32 @!p0 $0x19040;
	s6 =	simm.s32 @!p0 $0x0;
	[sflag:s24] =	ssyncadd.s32 $0xFFFFE000  }
0x71: {  	[tilespmem:s7], [sflag:$0x1] =	stream.linear.gather @!p0 [hbm4b:s2+s6], $0x80, $0x38;
	[tilespmem:$0x1FB40] =	vst v63  }
0x72: {  	s2 =	sadd.s32 @!p0 $0x0, s16  }
0x73: {  	s8 =	simm.s32 @!p0 $0x19140;
	s2 =	sadd.s32 @!p0 $0x200, s2  }
0x74: {  	[tilespmem:s8], [sflag:$0x1] =	stream.linear.gather @!p0 [hbm4b:s2+s6], $0x80, $0x38;
	[tilespmem:$0x1FB40] =	vst v63  }
0x75: {  	s11 =	rddreg [dreg:$0x3]  }
0x76: {  	[spmem:s1] =	stream.indirect.scatter.add.f32 [tilespmem:s30], [sflag:$0x5], $0x40, s11, s29, $0xb8;
	[tilespmem:$0x1FB40] =	vst v63  }
0x77: {  	_ =	swait.ge [sflag:s22], $0x2000  }
0x78: {  	[sflag:s22] =	ssyncset.done $0x0  }
0x79: {  	[sflag:s22] =	ssyncadd.s32 $0xFFFFE000  }
0x7a: {  	v3 =	vld [tilespmem:$0x191D0]  }
0x7b: {  	v57 =	vld [tilespmem:$0x191C0]  }
0x7c: {  	v51 =	vld [tilespmem:$0x191E0]  }
0x7d: {  	v55 =	vld [tilespmem:$0x19210]  }
0x7e: {  	v52 =	vld [tilespmem:$0x191F0]  }
0x7f: {  	v53 =	vld [tilespmem:$0x19200];
	v3 =	vsub.s32 v3, v0  }
0x80: {  	v54 =	vld [tilespmem:$0x19220];
	v62 =	vsub.s32 v57, v0;
	vm8 =	vlt.u32 v3, $0x6400  }
0x81: {  	v56 =	vld [tilespmem:$0x19230];
	v4 =	vsub.s32 v51, v0;
	vm15 =	vlt.u32 v62, $0x6400;
	v3 =	vsel vm8, v3, v1  }
0x82: {  	v60 =	vsub.s32 v55, v0;
	vm9 =	vlt.u32 v4, $0x6400;
	v63 =	vsel vm15, v62, v1;
	[tilespmem:$0x192D0] =	vst v3  }
0x83: {  	v5 =	vsub.s32 v52, v0;
	vm13 =	vlt.u32 v60, $0x6400;
	v3 =	vsel vm9, v4, v1;
	[tilespmem:$0x192C0] =	vst v63  }
0x84: {  	v58 =	vsub.s32 v53, v0;
	vm10 =	vlt.u32 v5, $0x6400;
	v4 =	vsel vm13, v60, v1;
	[tilespmem:$0x192E0] =	vst v3  }
0x85: {  	v59 =	vsub.s32 v54, v0;
	vm11 =	vlt.u32 v58, $0x6400;
	v3 =	vsel vm10, v5, v1;
	[tilespmem:$0x19310] =	vst v4  }
0x86: {  	v61 =	vsub.s32 v56, v0;
	vm12 =	vlt.u32 v59, $0x6400;
	[tilespmem:$0x192F0] =	vst v3;
	v3 =	vsel vm11, v58, v1  }
0x87: {  	vm14 =	vlt.u32 v61, $0x6400;
	[tilespmem:$0x19300] =	vst v3;
	v3 =	vsel vm12, v59, v1  }
0x88: {  	p1 =	por $0x1, $0x1;
	[tilespmem:$0x19320] =	vst v3;
	v3 =	vsel vm14, v61, v1  }
0x89: {  	s6 =	simm.s32 @p1 $0x1;
	[tilespmem:$0x19330] =	vst v3  }
0x8a: {  	_ =	swait.ge @p1 [sflag:s6], $0x80  }
0x8b: {  	[sflag:s6] =	ssyncset.done @p1 $0x0  }
0x8c: {  	[sflag:s6] =	ssyncadd.s32 @p1 $0xFFFFFF80  }
0x8d: {  	_ =	swait.ge @p1 [sflag:s6], $0x80  }
0x8e: {  	s9 =	simm.s32 @p1 $0x4;
	s7 =	simm.s32 @p1 $0x19340;
	[sflag:s6] =	ssyncset.done @p1 $0x0  }
0x8f: {  	s8 =	simm.s32 @p1 $0x19040;
	[sflag:s6] =	ssyncadd.s32 @p1 $0xFFFFFF80;
	s6 =	simm.s32 @p1 $0x80  }
0x90: {  	[tilespmem:s7], [sflag:$0x3] =	stream.indirect.gather @p1 [hbm4b:s4+s6], $0x40, s8, s6, $0xb8;
	[tilespmem:$0x1FB40] =	vst v63  }
0x91: {  	s2 =	simm.s32 $0x200;
	s6 =	sadd.s32 @p1 $0x0, s15;
	s7 =	sadd.s32 @p1 $0x0, s16  }
0x92: {  	s8 =	sadd.s32 @p1 $0x300, s6;
	s7 =	sadd.s32 @p1 $0x300, s7;
	_ =	swait.ge @p1 [sflag:s9], $0x2000  }
.LBB2_4:
0x93: {  	[sflag:s9] =	ssyncset.done @p1 $0x0  }
0x94: {  	s10 =	simm.s32 @p1 $0x190C0;
	[sflag:s9] =	ssyncadd.s32 @p1 $0xFFFFE000;
	s9 =	simm.s32 @p1 $0x0  }
0x95: {  	[tilespmem:s10], [sflag:$0x2] =	stream.linear.gather @p1 [hbm4b:s8+s9], $0x80, $0x38;
	[tilespmem:$0x1FB40] =	vst v63  }
0x96: {  	s8 =	simm.s32 @p1 $0x191C0;
	s10 =	simm.s32 @!p1 $0x4  }
0x97: {  	[tilespmem:s8], [sflag:$0x2] =	stream.linear.gather @p1 [hbm4b:s7+s9], $0x80, $0x38;
	[tilespmem:$0x1FB40] =	vst v63  }
0x98: {  	_ =	swait.ge @!p1 [sflag:s10], $0x2000  }
0x99: {  	[sflag:s10] =	ssyncset.done @!p1 $0x0  }
0x9a: {  	[sflag:s10] =	ssyncadd.s32 @!p1 $0xFFFFE000  }
0x9b: {  	[spmem:s1] =	stream.indirect.scatter.add.f32 [tilespmem:s0], [sflag:$0x5], $0x40, s26, s29, $0xb8;
	[tilespmem:$0x1FB40] =	vst v63  }
0x9c: {  	_ =	swait.ge [sflag:s22], $0x2000  }
0x9d: {  	[sflag:s22] =	ssyncset.done $0x0  }
0x9e: {  	[sflag:s22] =	ssyncadd.s32 $0xFFFFE000  }
0x9f: {  	v3 =	vld [tilespmem:$0x191B0]  }
0xa0: {  	v5 =	vld [tilespmem:$0x19190]  }
0xa1: {  	v6 =	vld [tilespmem:$0x19180]  }
0xa2: {  	v4 =	vld [tilespmem:$0x191A0]  }
0xa3: {  	v7 =	vld [tilespmem:$0x19170]  }
0xa4: {  	v9 =	vld [tilespmem:$0x19150];
	v3 =	vsub.s32 v3, v0  }
0xa5: {  	v10 =	vld [tilespmem:$0x19140];
	v5 =	vsub.s32 v5, v0;
	vm0 =	vlt.u32 v3, $0x6400  }
0xa6: {  	v8 =	vld [tilespmem:$0x19160];
	v6 =	vsub.s32 v6, v0;
	vm15 =	vlt.u32 v5, $0x6400;
	v3 =	vsel vm0, v3, v1  }
0xa7: {  	v4 =	vsub.s32 v4, v0;
	vm4 =	vlt.u32 v6, $0x6400;
	v5 =	vsel vm15, v5, v1;
	[tilespmem:$0x192B0] =	vst v3  }
0xa8: {  	v7 =	vsub.s32 v7, v0;
	vm1 =	vlt.u32 v4, $0x6400;
	v6 =	vsel vm4, v6, v1;
	[tilespmem:$0x19290] =	vst v5  }
0xa9: {  	v46 =	vsub.s32 v9, v0;
	vm6 =	vlt.u32 v7, $0x6400;
	v4 =	vsel vm1, v4, v1;
	[tilespmem:$0x19280] =	vst v6  }
0xaa: {  	v48 =	vsub.s32 v10, v0;
	vm2 =	vlt.u32 v46, $0x6400;
	v47 =	vsel vm6, v7, v1;
	[tilespmem:$0x192A0] =	vst v4  }
0xab: {  	vm7 =	vlt.u32 v48, $0x6400;
	v3 =	vsub.s32 v8, v0;
	v5 =	vsel vm2, v46, v1;
	[tilespmem:$0x19270] =	vst v47  }
0xac: {  	v4 =	vsel vm7, v48, v1;
	vm5 =	vlt.u32 v3, $0x6400;
	[tilespmem:$0x19250] =	vst v5  }
0xad: {  	[tilespmem:$0x19240] =	vst v4;
	v3 =	vsel vm5, v3, v1  }
0xae: {  	[tilespmem:$0x19260] =	vst v3  }
0xaf: {  	_ =	swait.ge [sflag:s31], $0x80  }
0xb0: {  	[sflag:s31] =	ssyncset.done $0x0  }
0xb1: {  	[sflag:s31] =	ssyncadd.s32 $0xFFFFFF80  }
0xb2: {  	_ =	swait.ge [sflag:s31], $0x80  }
0xb3: {  	[sflag:s31] =	ssyncset.done $0x0  }
0xb4: {  	s6 =	smov.u32 s2;
	[sflag:s31] =	ssyncadd.s32 $0xFFFFFF80  }
0xb5: {  	[tilespmem:s0], [sflag:$0x4] =	stream.indirect.gather [hbm4b:s4+s29], $0x40, s25, s29, $0xb8;
	[tilespmem:$0x1FB40] =	vst v63  }
0xb6: {  	p1 =	seq.s32 s6, $0x18600;
	_ =	swait.ge [sflag:s24], $0x2000  }
0xb7: {  	s7 =	sadd.s32 @!p1 s6, s15;
	s8 =	simm.s32 @!p1 $0x0;
	[sflag:s24] =	ssyncset.done $0x0  }
0xb8: {  	s9 =	simm.s32 @!p1 $0x19040;
	s7 =	sadd.s32 @!p1 $0x200, s7;
	[sflag:s24] =	ssyncadd.s32 $0xFFFFE000  }
0xb9: {  	[tilespmem:s9], [sflag:$0x1] =	stream.linear.gather @!p1 [hbm4b:s7+s8], $0x80, $0x38;
	[tilespmem:$0x1FB40] =	vst v63  }
0xba: {  	s7 =	sadd.s32 @!p1 s6, s16  }
0xbb: {  	s10 =	simm.s32 @!p1 $0x19140;
	s7 =	sadd.s32 @!p1 $0x200, s7  }
0xbc: {  	[tilespmem:s10], [sflag:$0x1] =	stream.linear.gather @!p1 [hbm4b:s7+s8], $0x80, $0x38;
	[tilespmem:$0x1FB40] =	vst v63  }
0xbd: {  	s11 =	rddreg [dreg:$0x3]  }
0xbe: {  	[spmem:s1] =	stream.indirect.scatter.add.f32 [tilespmem:s30], [sflag:$0x5], $0x40, s11, s29, $0xb8;
	[tilespmem:$0x1FB40] =	vst v63  }
0xbf: {  	_ =	swait.ge [sflag:s22], $0x2000  }
0xc0: {  	[sflag:s22] =	ssyncset.done $0x0  }
0xc1: {  	[sflag:s22] =	ssyncadd.s32 $0xFFFFE000  }
0xc2: {  	v49 =	vld [tilespmem:$0x191D0]  }
0xc3: {  	v50 =	vld [tilespmem:$0x191E0]  }
0xc4: {  	v51 =	vld [tilespmem:$0x191F0]  }
0xc5: {  	v52 =	vld [tilespmem:$0x19200]  }
0xc6: {  	v3 =	vld [tilespmem:$0x19220]  }
0xc7: {  	v54 =	vld [tilespmem:$0x19210];
	v4 =	vsub.s32 v49, v0  }
0xc8: {  	v53 =	vld [tilespmem:$0x191C0];
	v5 =	vsub.s32 v50, v0;
	vm8 =	vlt.u32 v4, $0x6400  }
0xc9: {  	v55 =	vld [tilespmem:$0x19230];
	v6 =	vsub.s32 v51, v0;
	vm9 =	vlt.u32 v5, $0x6400;
	v4 =	vsel vm8, v4, v1  }
0xca: {  	v57 =	vsub.s32 v52, v0;
	vm10 =	vlt.u32 v6, $0x6400;
	v56 =	vsel vm9, v5, v1;
	[tilespmem:$0x192D0] =	vst v4  }
0xcb: {  	v3 =	vsub.s32 v3, v0;
	vm11 =	vlt.u32 v57, $0x6400;
	v58 =	vsel vm10, v6, v1;
	[tilespmem:$0x192E0] =	vst v56  }
0xcc: {  	v60 =	vsub.s32 v54, v0;
	vm12 =	vlt.u32 v3, $0x6400;
	v59 =	vsel vm11, v57, v1;
	[tilespmem:$0x192F0] =	vst v58  }
0xcd: {  	v62 =	vsub.s32 v53, v0;
	vm13 =	vlt.u32 v60, $0x6400;
	v3 =	vsel vm12, v3, v1;
	[tilespmem:$0x19300] =	vst v59  }
0xce: {  	v61 =	vsub.s32 v55, v0;
	vm15 =	vlt.u32 v62, $0x6400;
	v5 =	vsel vm13, v60, v1;
	[tilespmem:$0x19320] =	vst v3  }
0xcf: {  	vm14 =	vlt.u32 v61, $0x6400;
	v63 =	vsel vm15, v62, v1;
	[tilespmem:$0x19310] =	vst v5  }
0xd0: {  	p1 =	sne.s32 s6, $0x18600;
	v3 =	vsel vm14, v61, v1;
	[tilespmem:$0x192C0] =	vst v63  }
0xd1: {  	s10 =	simm.s32 @p1 $0x1;
	[tilespmem:$0x19330] =	vst v3  }
0xd2: {  	s2 =	sadd.s32 $0x200, s2;
	_ =	swait.ge @p1 [sflag:s10], $0x80  }
0xd3: {  	p0 =	sne.s32 s2, $0x18800;
	s7 =	sadd.s32 @p1 s6, s15;
	[sflag:s10] =	ssyncset.done @p1 $0x0  }
0xd4: {  	s6 =	sadd.s32 @p1 s6, s16;
	s9 =	simm.s32 @p1 $0x4;
	[sflag:s10] =	ssyncadd.s32 @p1 $0xFFFFFF80  }
.Ltmp1:
0xd5: {  	s8 =	sadd.s32 @p1 $0x300, s7;
	_ =	swait.ge @p1 [sflag:s10], $0x80;
	(pc) =	sbr.rel @p0 .LBB2_4-.Ltmp1, $4  }
0xd6: {  	s7 =	sadd.s32 @p1 $0x300, s6;
	s6 =	simm.s32 @p1 $0x19340;
	[sflag:s10] =	ssyncset.done @p1 $0x0  }
0xd7: {  	s11 =	simm.s32 @p1 $0x19040;
	[sflag:s10] =	ssyncadd.s32 @p1 $0xFFFFFF80;
	s10 =	simm.s32 @p1 $0x80  }
0xd8: {  	[tilespmem:s6], [sflag:$0x3] =	stream.indirect.gather @p1 [hbm4b:s4+s10], $0x40, s11, s10, $0xb8;
	[tilespmem:$0x1FB40] =	vst v63  }
0xd9: {  	_ =	swait.ge @p1 [sflag:s9], $0x2000  }
0xda: {  	[sflag:s9] =	ssyncset.done @p1 $0x0  }
0xdb: {  	s2 =	simm.s32 @p1 $0x0;
	s6 =	simm.s32 @p1 $0x190C0;
	[sflag:s9] =	ssyncadd.s32 @p1 $0xFFFFE000  }
0xdc: {  	[tilespmem:s6], [sflag:$0x2] =	stream.linear.gather @p1 [hbm4b:s8+s2], $0x80, $0x38;
	[tilespmem:$0x1FB40] =	vst v63  }
0xdd: {  	s6 =	simm.s32 @p1 $0x191C0;
	s8 =	simm.s32 @!p1 $0x4  }
0xde: {  	[tilespmem:s6], [sflag:$0x2] =	stream.linear.gather @p1 [hbm4b:s7+s2], $0x80, $0x38;
	[tilespmem:$0x1FB40] =	vst v63  }
0xdf: {  	_ =	swait.ge @!p1 [sflag:s8], $0x2000  }
0xe0: {  	[sflag:s8] =	ssyncset.done @!p1 $0x0  }
0xe1: {  	[sflag:s8] =	ssyncadd.s32 @!p1 $0xFFFFE000  }
0xe2: {  	[spmem:s1] =	stream.indirect.scatter.add.f32 [tilespmem:s0], [sflag:$0x5], $0x40, s26, s29, $0xb8;
	[tilespmem:$0x1FB40] =	vst v63  }
0xe3: {  	s10 =	stileid.u32;
	_ =	swait.ge [sflag:s22], $0x2000  }
0xe4: {  	s11 =	sshrl.u32 s5, $0x3;
	s3 =	sadd.s32 $0x1, s3;
	[sflag:s22] =	ssyncset.done $0x0  }
0xe5: {  	p0 =	sne.s32 s3, s20;
	s2 =	sshll.u32 s10, $0x6;
	[sflag:s22] =	ssyncadd.s32 $0xFFFFE000  }
.Ltmp2:
0xe6: {  	s2 =	sor.u32 $0x1C05, s2;
	[bflag:$0x0] =	sbarrier.arrive $0xFFFF;
	(pc) =	sbr.rel @p0 .LBB2_1-.Ltmp2, $4  }
0xe7: {  	[hbm:s19], [sflag:s2] =	dma.local [spmem:s11], $0x3200  }
0xe8: {  	_ =	swait.ge [sflag:s22], $0x3200  }
0xe9: {  	[sflag:s22] =	ssyncset.done $0x0  }
0xea: {  	[sflag:s22] =	ssyncadd.s32 $0xFFFFCE00  }
0xeb: {  	_ =	sfence.sel $0x180000  }
0xec: {  	[bflag:$0x0] =	sbarrier.arrive $0xFFFF  }
0xed: {  	_ =	strace $0x9000004A  }
0xee: {  	s0 =	stileid.u32;
	[bflag:$0x2] =	sbarrier.arrive $0xFFFF  }
0xef: {  	p0 =	sne.s32 s0, $0x0;
	s0 =	rddreg [dreg:$0x2]  }
0xf0: {  	s0 =	sadd.s32 @!p0 $0x100000, s0  }
0xf1: {  	[sflag:s0] =	ssyncadd.tile.s32 @!p0 $0x1;
	_ =	shalt  }
.Lfunc_end2:
_tile_overlayer_lowered:
.L_overlay_start_2:
0xf2: {  	(tag) =	ssettag $0x2  }
0xf3: {  	s0 =	rddreg [dreg:$0x0];
	s2 =	stileid.u32  }
0xf4: {  	s1 =	rddreg [dreg:$0x1];
	p0 =	sne.s32 s2, $0x0  }
0xf5: {  	s3 =	rddreg [dreg:$0x2];
	[bflag:$0x3] =	sbarrier.arrive $0xFFFF;
	s2 =	simm.s32 @!p0 $0x1C05  }
0xf6: {  	[timem:s3], [sflag:s2] =	dma.local @!p0 [hbm:s0], s1  }
0xf7: {  	s0 =	simm.s32 @!p0 $0x5  }
0xf8: {  	_ =	swait.ge @!p0 [sflag:s0], s1  }
0xf9: {  	s1 =	ssub.s32 @!p0 $0x0, s1;
	[sflag:s0] =	ssyncset.done @!p0 $0x0  }
0xfa: {  	[sflag:s0] =	ssyncadd.s32 @!p0 s1  }
0xfb: {  	[bflag:$0x3] =	sbarrier.arrive $0xFFFF  }
0xfc: {  	_ =	shalt  }

// kernel: kernel.16.cloned.1.call-start
scs
__scs_entry_jumppad:
0x0: {  	(pc) =	sbr.rel $0x88, $3  }
0x1: {  	(tag) =	ssettag $0x0;
	lr =	simm.s32 $0x1  }
0x2: {  	[smem:$0x3F95] =	sst lr;
	_ =	strace $0xD0000000  }
0x3: {  	_ = 	snop  }
0x4: {  	_ = 	snop  }
0x5: {  	_ = 	snop  }
0x6: {  	_ = 	snop  }
0x7: {  	_ = 	snop  }
__scs_overlays_trampoline_lowered:
0x8: {  	[smem:$0x3FA4] =	sst s0  }
0x9: {  	[smem:$0x3FA5] =	sst s1  }
0xa: {  	[smem:$0x3FA6] =	sst s2  }
0xb: {  	[smem:$0x3FA7] =	sst s3  }
0xc: {  	[smem:$0x3FA8] =	sst s4  }
0xd: {  	[smem:$0x3FA9] =	sst s5  }
0xe: {  	[smem:$0x3FAA] =	sst s6  }
0xf: {  	[smem:$0x3FAB] =	sst s7  }
0x10: {  	[smem:$0x3FAC] =	sst s8  }
0x11: {  	[smem:$0x3FAD] =	sst s9;
	s0 =	simm.s32 @!p0 $0x0  }
0x12: {  	s1 =	sld [smem:$0x3F93];
	s0 =	simm.s32 @p0 $0x1  }
0x13: {  	[smem:$0x3FAE] =	sst s0;
	s0 =	simm.s32 @!p1 $0x0  }
0x14: {  	s2 =	sld [smem:$0x3F92];
	s0 =	simm.s32 @p1 $0x1  }
0x15: {  	[smem:$0x3FAF] =	sst s0;
	s0 =	simm.s32 @!p2 $0x0  }
0x16: {  	s3 =	sld [smem:$0x3FDB];
	s0 =	simm.s32 @p2 $0x1  }
0x17: {  	s4 =	simm.s32 $0x1BF5;
	[smem:$0x3FB1] =	sst s0  }
0x18: {  	s0 =	sld [smem:$0x3F94];
	_ =	swait.ge [sflag:s4], $0x0  }
0x19: {  	s7 =	sld [smem:$0x3F95]  }
0x1a: {  	s8 =	sadd.s32 $0xFFFFE003, lr  }
0x1b: {  	s9 =	sadd.s32 $0xFFFFFEF7, lr;
	s5 =	simm.s32 $0xFFFFFFFF;
	p2 =	slt.u32 s8, $0xFFFFF086  }
0x1c: {  	p1 =	slt.u32 s9, $0xF7A;
	s5 =	simm.s32 @!p2 $0x0  }
0x1d: {  	s5 =	simm.s32 @p1 $0x1;
	p0 =	seq.s32 s7, s2  }
0x1e: {  	s7 =	smul.u32 @!p0 $0xF7A, s2;
	p2 =	seq.s32 @!p0 s5, $0x0  }
0x1f: {  	s9 =	smul.u32 $0xF7A, s1;
	s8 =	simm.s32 @!p0 $0x1BF5;
	p2 =	por !p2, p0  }
0x20: {  	[sflag:s8] =	ssyncset.s32 @!p0 $0xFFFFF086;
	s6 =	sadd.s32 @!p0 s3, s7;
	s7 =	simm.s32 @!p0 $0x108  }
0x21: {  	s3 =	sadd.s32 s3, s9;
	s6 =	sadd.s32 @!p0 $0x88, s6;
	s7 =	simm.s32 @p2 $0x1082  }
0x22: {  	[simem:s7], [sflag:s8] =	dma.local @!p0 [hbm:s6], $0xF7A  }
0x23: {  	s9 =	sor.u32 $0xD0000000, s2;
	s6 =	simm.s32 $0x108;
	_ =	swait.ge @!p0 [sflag:s8], $0x0  }
0x24: {  	s3 =	sadd.s32 $0x88, s3;
	s6 =	simm.s32 @!p1 $0x1082;
	[sflag:s4] =	ssyncset.s32 $0xFFFFF086  }
0x25: {  	[simem:s6], [sflag:s4] =	dma.local [hbm:s3], $0xF7A  }
0x26: {  	[smem:$0x3F95] =	sst s1;
	(tag) =	ssettag s2;
	_ =	strace s9  }
0x27: {  	s1 =	sld [smem:$0x3FA5]  }
0x28: {  	s2 =	sld [smem:$0x3FA6]  }
0x29: {  	s4 =	sld [smem:$0x3FA8]  }
0x2a: {  	p0 =	seq.s32 s5, $0x0;
	s5 =	sld [smem:$0x3FA9]  }
0x2b: {  	s6 =	sld [smem:$0x3FAA]  }
0x2c: {  	s7 =	sld [smem:$0x3FAB]  }
0x2d: {  	s3 =	simm.s32 $0x108;
	s8 =	sld [smem:$0x3FAC]  }
0x2e: {  	s3 =	simm.s32 @!p0 $0x1082;
	s9 =	sld [smem:$0x3FAD]  }
0x2f: {  	lr =	sadd.s32 s0, s3;
	s0 =	sld [smem:$0x3FA4]  }
0x30: {  	s3 =	sld [smem:$0x3FA7]  }
0x31: {  	[smem:$0x3FB0] =	sst s10  }
0x32: {  	s10 =	sld [smem:$0x3FAE];
	_ =	sdelay $0x3  }
0x33: {  	p0 =	seq.s32 s10, $0x1;
	s10 =	sld [smem:$0x3FB0];
	_ =	sdelay $0x3  }
0x34: {  	[smem:$0x3FB0] =	sst s10  }
0x35: {  	s10 =	sld [smem:$0x3FAF];
	_ =	sdelay $0x3  }
0x36: {  	p1 =	seq.s32 s10, $0x1;
	s10 =	sld [smem:$0x3FB0];
	_ =	sdelay $0x3  }
0x37: {  	[smem:$0x3FB0] =	sst s10  }
0x38: {  	s10 =	sld [smem:$0x3FB1]  }
0x39: {  	_ = 	snop;
	(pc) =	sbr.ind lr, $3  }
0x3a: {  	_ = 	snop  }
0x3b: {  	_ = 	snop  }
0x3c: {  	p2 =	seq.s32 s10, $0x1;
	s10 =	sld [smem:$0x3FB0]  }
0x3d: {  	_ =	shalt  }
0x3e: {  	_ =	shalt  }
0x3f: {  	_ =	shalt  }
0x40: {  	_ =	shalt  }
0x41: {  	_ =	shalt  }
0x42: {  	_ =	shalt  }
0x43: {  	_ =	shalt  }
0x44: {  	_ =	shalt  }
0x45: {  	_ =	shalt  }
0x46: {  	_ =	shalt  }
0x47: {  	_ =	shalt  }
0x48: {  	_ =	shalt  }
0x49: {  	_ =	shalt  }
0x4a: {  	_ =	shalt  }
0x4b: {  	_ =	shalt  }
0x4c: {  	_ =	shalt  }
0x4d: {  	_ =	shalt  }
0x4e: {  	_ =	shalt  }
0x4f: {  	_ =	shalt  }
0x50: {  	_ =	shalt  }
0x51: {  	_ =	shalt  }
0x52: {  	_ =	shalt  }
0x53: {  	_ =	shalt  }
0x54: {  	_ =	shalt  }
0x55: {  	_ =	shalt  }
0x56: {  	_ =	shalt  }
0x57: {  	_ =	shalt  }
0x58: {  	_ =	shalt  }
0x59: {  	_ =	shalt  }
0x5a: {  	_ =	shalt  }
0x5b: {  	_ =	shalt  }
0x5c: {  	_ =	shalt  }
0x5d: {  	_ =	shalt  }
0x5e: {  	_ =	shalt  }
0x5f: {  	_ =	shalt  }
0x60: {  	_ =	shalt  }
0x61: {  	_ =	shalt  }
0x62: {  	_ =	shalt  }
0x63: {  	_ =	shalt  }
0x64: {  	_ =	shalt  }
0x65: {  	_ =	shalt  }
0x66: {  	_ =	shalt  }
0x67: {  	_ =	shalt  }
0x68: {  	_ =	shalt  }
0x69: {  	_ =	shalt  }
0x6a: {  	_ =	shalt  }
0x6b: {  	_ =	shalt  }
0x6c: {  	_ =	shalt  }
0x6d: {  	_ =	shalt  }
0x6e: {  	_ =	shalt  }
0x6f: {  	_ =	shalt  }
0x70: {  	_ =	shalt  }
0x71: {  	_ =	shalt  }
0x72: {  	_ =	shalt  }
0x73: {  	_ =	shalt  }
0x74: {  	_ =	shalt  }
0x75: {  	_ =	shalt  }
0x76: {  	_ =	shalt  }
0x77: {  	_ =	shalt  }
0x78: {  	_ =	shalt  }
0x79: {  	_ =	shalt  }
0x7a: {  	_ =	shalt  }
0x7b: {  	_ =	shalt  }
0x7c: {  	_ =	shalt  }
0x7d: {  	_ =	shalt  }
0x7e: {  	_ =	shalt  }
0x7f: {  	_ =	shalt  }
0x80: {  	_ =	shalt  }
0x81: {  	_ =	shalt  }
0x82: {  	_ =	shalt  }
0x83: {  	_ =	shalt  }
0x84: {  	_ =	shalt  }
0x85: {  	_ =	shalt  }
0x86: {  	_ =	shalt  }
0x87: {  	_ =	shalt  }
.Lfunc_end0:
.L_simem_size_0:
called_computation.2_lowered:
.L_overlay_start_0:
0x88: {  	s2 =	sld [smem:$0x3FD9]  }
0x89: {  	s3 =	sld [smem:$0x3FFE];
	_ =	sdelay $0x1  }
0x8a: {  	s1 =	srdreg.scid  }
0x8b: {  	s0 =	sand.u32 $0x1, s1  }
0x8c: {  	s16 =	sshll.u32 s0, $0xA;
	s2 =	sadd.s32 s3, s2  }
0x8d: {  	s2 =	sadd.s32 s2, s16  }
0x8e: {  	[smem:$0x3FBC] =	sst s2  }
0x8f: {  	_ = 	snop  }
0x90: {  	(tm) =	ssettm $0x1  }
0x91: {  	s17 =	sld [smem:$0x3FFB];
	_ =	sdelay $0x3  }
0x92: {  	_ =	strace s17  }
0x93: {  	s2 =	sld [smem:$0x3FFC];
	_ =	sdelay $0x3  }
0x94: {  	_ =	strace s2  }
0x95: {  	s2 =	sld [smem:$0x3FFD];
	_ =	sdelay $0x3  }
0x96: {  	_ =	strace s2  }
0x97: {  	_ =	strace $0x8FFFFFFF  }
0x98: {  	s18 =	sld [smem:$0x3FDB];
	_ =	sdelay $0x1  }
0x99: {  	s19 =	simm.s32 $_scs_section_size  }
0x9a: {  	s4 =	simm.s32 $_size__tile_overlayer_lowered;
	s5 =	simm.s32 $_tile_overlayer_lowered  }
0x9b: {  	s22 =	simm.s32 $0x1BFF;
	s21 =	sshll.u32 s5, $0x1;
	s2 =	sadd.s32 s19, s18  }
0x9c: {  	s6 =	simm.s32 $0x0;
	s20 =	sshll.u32 s4, $0x1;
	s4 =	sadd.s32 s21, s2  }
0x9d: {  	[timem:s6], [sflag:s22] =	dma.local [hbm:s4], s20  }
0x9e: {  	_ =	swait.ge [sflag:s22], s20  }
0x9f: {  	s3 =	ssub.s32 $0x0, s20;
	[sflag:s22] =	ssyncset.done $0x0  }
0xa0: {  	[sflag:s22] =	ssyncadd.s32 s3;
	_ =	sdelay $0x1  }
0xa1: {  	s23 =	simm.s32 $0x1B8B  }
0xa2: {  	_ =	swait.ge [sflag:s23], $0x1  }
0xa3: {  	[sflag:s23] =	ssyncset.done $0x0  }
0xa4: {  	s25 =	simm.s32 $0x1B8E;
	s24 =	sld [smem:$0x3FFE];
	[sflag:s23] =	ssyncadd.s32 $0xFFFFFFFF  }
0xa5: {  	s26 =	simm.s32 $execute0_lowered;
	[smem:$0x3FD2] =	sst s25  }
0xa6: {  	s4 =	sshll.u32 s26, $0x1;
	_ =	strace $0x8000004C;
	[dreg:$0x1] =	wrdreg $0xFFFFFFFF  }
0xa7: {  	s28 =	simm.s32 $_size_execute0_lowered;
	s2 =	sadd.s32 s2, s4;
	[dreg:$0x0] =	wrdreg $0x0  }
0xa8: {  	s4 =	sshll.u32 s28, $0x1;
	[dreg:$0x2] =	wrdreg s2  }
0xa9: {  	[dreg:$0x3] =	wrdreg s4  }
0xaa: {  	[dreg:$0x4] =	wrdreg $0xC0  }
0xab: {  	_ =	task [dreg:s6], $0x5FFFF  }
0xac: {  	[dreg:$0x1] =	wrdreg $0xFFFFFFFF  }
0xad: {  	[dreg:$0x0] =	wrdreg $0x60  }
0xae: {  	[dreg:$0x2] =	wrdreg s24  }
0xaf: {  	[dreg:$0x3] =	wrdreg $0x0  }
0xb0: {  	[dreg:$0x4] =	wrdreg $0x9  }
0xb1: {  	_ =	task.clear_ibuf [dreg:s6], $0x5FFFF;
	_ =	strace $0x9000004C  }
0xb2: {  	s29 =	simm.s32 $0x9;
	_ =	strace $0x8000004E  }
0xb3: {  	_ =	swait.ge [sflag:s29], $0x1  }
0xb4: {  	[sflag:s29] =	ssyncadd.s32 $0xFFFFFFFF  }
0xb5: {  	_ =	strace $0x9000004E  }
0xb6: {  	_ =	sfence  }
0xb7: {  	s30 =	sld [smem:$0x0];
	_ =	sdelay $0x2  }
0xb8: {  	s31 =	sshll.u32 s1, $0xD;
	s1 =	sshrl.u32 s1, $0x2  }
0xb9: {  	s3 =	sand.u32 $0x4000, s31;
	s1 =	sadd.s32 s1, s30  }
0xba: {  	s0 =	sor.u32 s3, s0;
	s1 =	sshll.u32 s1, $0x11  }
0xbb: {  	s0 =	sor.u32 s1, s0  }
0xbc: {  	s0 =	sadd.s32 $0x8F2B, s0  }
0xbd: {  	[sflag:s0] =	ssyncadd.remote.s32 $0x1  }
0xbe: {  	_ =	sfence.sel $0xFFFF  }
0xbf: {  	[dreg:$0x0] =	wrdreg $0xFFFFFFFF;
	(pc) =	sbr.abs _section_cstart, $3  }
0xc0: {  	[dreg:$0x1] =	wrdreg $0xFFFFFFFF  }
0xc1: {  	_ =	task.clear_ibuf [dreg:s6], $0x2FFFF;
	_ =	strace $0x9FFFFFFF  }
0xc2: {  	(tm) =	ssettm $0x7FFFFFFF  }
0xc3: {  	_ =	shalt  }
tec
execute0_lowered:
.L_overlay_start_1:
0x0: {  	(tag) =	ssettag $0x1  }
0x1: {  	s0 =	rddreg [dreg:$0x0]  }
0x2: {  	s1 =	rddreg [dreg:$0x1]  }
0x3: {  	s3 =	simm.s32 $0x0;
	s2 =	srdreg.scid;
	s11 =	stileid.u32  }
0x4: {  	s26 =	simm.s32 $0x19240;
	s28 =	simm.s32 $0x1;
	s29 =	simm.s32 $0x80  }
0x5: {  	s30 =	simm.s32 $0x19340;
	s31 =	simm.s32 $0x2;
	[smem:$0x7FF] =	sst s3  }
0x6: {  	s2 =	sand.u32 $0x1, s2;
	s5 =	smul.u32 $0x640, s11;
	s4 =	sadd.s32 $0xF9800, s0  }
0x7: {  	s7 =	sadd.s32 $0xE1000, s0;
	s8 =	smul.u32 $0x64000, s11;
	s9 =	sadd.s32 $0x2000, s0  }
0x8: {  	s16 =	sshll.u32 s11, $0x4;
	s6 =	smul.u32 $0x6400, s2;
	_ =	strace $0x8000004D  }
0x9: {  	s2 =	ssub.s32 $0x2, s2;
	s18 =	sor.u32 $0x100, s16;
	s15 =	sadd.s32 s7, s16  }
0xa: {  	s16 =	sadd.s32 s9, s16;
	[dreg:$0x3] =	wrdreg s26;
	s5 =	sadd.s32 s5, s6  }
0xb: {  	s26 =	simm.s32 $0x192C0;
	s8 =	sshrl.u32 s8, $0x2;
	s5 =	sshll.u32 s5, $0x3  }
0xc: {  	s10 =	sshrl.u32 s2, $0x1;
	s0 =	sadd.s32 s5, s0;
	s5 =	sadd.s32 s8, s1  }
0xd: {  	s17 =	sadd.s32 s7, s18;
	s18 =	sadd.s32 s9, s18;
	s20 =	sadd.s32 $0x2800, s5  }
0xe: {  	s2 =	ssub.s32 s2, s10;
	s21 =	sadd.s32 $0x5000, s5;
	[dreg:$0x4] =	wrdreg s20  }
0xf: {  	s8 =	sor.u32 $0x6400, s11;
	s22 =	sadd.s32 $0x7800, s5;
	[dreg:$0x5] =	wrdreg s21  }
0x10: {  	s23 =	sadd.s32 $0xA000, s5;
	s24 =	sadd.s32 $0xC800, s5;
	[dreg:$0x6] =	wrdreg s22  }
0x11: {  	s25 =	sadd.s32 $0xF000, s5;
	s12 =	sadd.s32 $0x11800, s5;
	[dreg:$0x7] =	wrdreg s23  }
0x12: {  	s13 =	sadd.s32 $0x14000, s5;
	s14 =	sadd.s32 $0x16800, s5;
	[dreg:$0x8] =	wrdreg s24  }
0x13: {  	s19 =	sadd.s32 $0x1A800, s0;
	s0 =	simm.s32 $0x1B340;
	[dreg:$0x9] =	wrdreg s25  }
0x14: {  	s20 =	smax.u32 s2, $0x1;
	s21 =	simm.s32 $0x1D340;
	s22 =	simm.s32 $0x5  }
0x15: {  	v2 =	vimm.f32 $0.0e+00;
	v0 =	vmov s6;
	v1 =	vmov s8;
	s23 =	simm.s32 $0x19040;
	s25 =	simm.s32 $0x190C0;
	s24 =	simm.s32 $0x3  }
.LBB2_1:
0x16: {  	s6 =	simm.s32 $0x100;
	s2 =	simm.s32 $0x0  }
.LBB2_2:
0x17: {  	p0 =	sne.s32 s6, $0x9F00;
	[tilespmem:s2+$0x1D370] =	vst v2;
	s7 =	smov.u32 s6;
	s6 =	sadd.s32 $0x100, s6  }
.Ltmp0:
0x18: {  	[tilespmem:s2+$0x1D360] =	vst v2;
	(pc) =	sbr.rel @p0 .LBB2_2-.Ltmp0, $3  }
0x19: {  	[tilespmem:s2+$0x1D340] =	vst v2  }
0x1a: {  	[tilespmem:s2+$0x1D350] =	vst v2;
	_ =	sdelay $0x1  }
0x1b: {  	s2 =	sshra.s32 s7, $0x2  }
0x1c: {  	[tilespmem:s2+$0x1D370] =	vst v2  }
0x1d: {  	[tilespmem:s2+$0x1D360] =	vst v2  }
0x1e: {  	[tilespmem:s2+$0x1D340] =	vst v2  }
0x1f: {  	[tilespmem:s2+$0x1D350] =	vst v2  }
0x20: {  	[spmem:s5] =	stream.linear.scatter [tilespmem:s21], [sflag:$0x5], $0x2800, $0x38;
	[tilespmem:$0x1FB40] =	vst v63  }
0x21: {  	_ =	swait.ge [sflag:s22], $0x2800  }
0x22: {  	[sflag:s22] =	ssyncset.done $0x0  }
0x23: {  	s9 =	rddreg [dreg:$0x4];
	[sflag:s22] =	ssyncadd.s32 $0xFFFFD800  }
0x24: {  	[spmem:s9] =	stream.linear.scatter [tilespmem:s21], [sflag:$0x5], $0x2800, $0x38;
	[tilespmem:$0x1FB40] =	vst v63  }
0x25: {  	_ =	swait.ge [sflag:s22], $0x2800  }
0x26: {  	[sflag:s22] =	ssyncset.done $0x0  }
0x27: {  	s10 =	rddreg [dreg:$0x5];
	[sflag:s22] =	ssyncadd.s32 $0xFFFFD800  }
0x28: {  	[spmem:s10] =	stream.linear.scatter [tilespmem:s21], [sflag:$0x5], $0x2800, $0x38;
	[tilespmem:$0x1FB40] =	vst v63  }
0x29: {  	_ =	swait.ge [sflag:s22], $0x2800  }
0x2a: {  	[sflag:s22] =	ssyncset.done $0x0  }
0x2b: {  	s11 =	rddreg [dreg:$0x6];
	[sflag:s22] =	ssyncadd.s32 $0xFFFFD800  }
0x2c: {  	[spmem:s11] =	stream.linear.scatter [tilespmem:s21], [sflag:$0x5], $0x2800, $0x38;
	[tilespmem:$0x1FB40] =	vst v63  }
0x2d: {  	_ =	swait.ge [sflag:s22], $0x2800  }
0x2e: {  	[sflag:s22] =	ssyncset.done $0x0  }
0x2f: {  	s6 =	rddreg [dreg:$0x7];
	[sflag:s22] =	ssyncadd.s32 $0xFFFFD800  }
0x30: {  	[spmem:s6] =	stream.linear.scatter [tilespmem:s21], [sflag:$0x5], $0x2800, $0x38;
	[tilespmem:$0x1FB40] =	vst v63  }
0x31: {  	_ =	swait.ge [sflag:s22], $0x2800  }
0x32: {  	[sflag:s22] =	ssyncset.done $0x0  }
0x33: {  	s7 =	rddreg [dreg:$0x8];
	[sflag:s22] =	ssyncadd.s32 $0xFFFFD800  }
0x34: {  	[spmem:s7] =	stream.linear.scatter [tilespmem:s21], [sflag:$0x5], $0x2800, $0x38;
	[tilespmem:$0x1FB40] =	vst v63  }
0x35: {  	_ =	swait.ge [sflag:s22], $0x2800  }
0x36: {  	[sflag:s22] =	ssyncset.done $0x0  }
0x37: {  	s8 =	rddreg [dreg:$0x9];
	[sflag:s22] =	ssyncadd.s32 $0xFFFFD800  }
0x38: {  	[spmem:s8] =	stream.linear.scatter [tilespmem:s21], [sflag:$0x5], $0x2800, $0x38;
	[tilespmem:$0x1FB40] =	vst v63  }
0x39: {  	_ =	swait.ge [sflag:s22], $0x2800  }
0x3a: {  	[sflag:s22] =	ssyncset.done $0x0  }
0x3b: {  	[sflag:s22] =	ssyncadd.s32 $0xFFFFD800  }
0x3c: {  	[spmem:s12] =	stream.linear.scatter [tilespmem:s21], [sflag:$0x5], $0x2800, $0x38;
	[tilespmem:$0x1FB40] =	vst v63  }
0x3d: {  	_ =	swait.ge [sflag:s22], $0x2800  }
0x3e: {  	[sflag:s22] =	ssyncset.done $0x0  }
0x3f: {  	[sflag:s22] =	ssyncadd.s32 $0xFFFFD800  }
0x40: {  	[spmem:s13] =	stream.linear.scatter [tilespmem:s21], [sflag:$0x5], $0x2800, $0x38;
	[tilespmem:$0x1FB40] =	vst v63  }
0x41: {  	_ =	swait.ge [sflag:s22], $0x2800  }
0x42: {  	[sflag:s22] =	ssyncset.done $0x0  }
0x43: {  	[sflag:s22] =	ssyncadd.s32 $0xFFFFD800  }
0x44: {  	[spmem:s14] =	stream.linear.scatter [tilespmem:s21], [sflag:$0x5], $0x2800, $0x38;
	[tilespmem:$0x1FB40] =	vst v63  }
0x45: {  	_ =	swait.ge [sflag:s22], $0x2800  }
0x46: {  	[sflag:s22] =	ssyncset.done $0x0  }
0x47: {  	[sflag:s22] =	ssyncadd.s32 $0xFFFFD800  }
0x48: {  	s9 =	simm.s32 $0x0;
	[bflag:$0x0] =	sbarrier.arrive $0xFFFF  }
0x49: {  	[tilespmem:s23], [sflag:$0x1] =	stream.linear.gather [hbm4b:s15+s9], $0x80, $0x38;
	[tilespmem:$0x1FB40] =	vst v63  }
0x4a: {  	s6 =	simm.s32 $0x19140  }
0x4b: {  	[tilespmem:s6], [sflag:$0x1] =	stream.linear.gather [hbm4b:s16+s9], $0x80, $0x38;
	[tilespmem:$0x1FB40] =	vst v63  }
0x4c: {  	_ = 	snop  }
0x4d: {  	[tilespmem:s25], [sflag:$0x2] =	stream.linear.gather [hbm4b:s17+s9], $0x80, $0x38;
	[tilespmem:$0x1FB40] =	vst v63  }
0x4e: {  	s10 =	simm.s32 $0x191C0  }
0x4f: {  	[tilespmem:s10], [sflag:$0x2] =	stream.linear.gather [hbm4b:s18+s9], $0x80, $0x38;
	[tilespmem:$0x1FB40] =	vst v63  }
0x50: {  	_ =	swait.ge [sflag:s28], $0x80  }
0x51: {  	[sflag:s28] =	ssyncset.done $0x0  }
0x52: {  	[sflag:s28] =	ssyncadd.s32 $0xFFFFFF80  }
0x53: {  	_ =	swait.ge [sflag:s28], $0x80  }
0x54: {  	[sflag:s28] =	ssyncset.done $0x0  }
0x55: {  	[sflag:s28] =	ssyncadd.s32 $0xFFFFFF80  }
0x56: {  	[tilespmem:s30], [sflag:$0x3] =	stream.indirect.gather [hbm4b:s4+s29], $0x40, s23, s29, $0xb8;
	[tilespmem:$0x1FB40] =	vst v63  }
0x57: {  	v3 =	vld [tilespmem:$0x191B0]  }
0x58: {  	v4 =	vld [tilespmem:$0x19190]  }
0x59: {  	v5 =	vld [tilespmem:$0x19180]  }
0x5a: {  	v6 =	vld [tilespmem:$0x191A0]  }
0x5b: {  	v8 =	vld [tilespmem:$0x19150]  }
0x5c: {  	v10 =	vld [tilespmem:$0x19140];
	v3 =	vsub.s32 v3, v0  }
0x5d: {  	v7 =	vld [tilespmem:$0x19170];
	v4 =	vsub.s32 v4, v0;
	vm0 =	vlt.u32 v3, $0x6400  }
0x5e: {  	v9 =	vld [tilespmem:$0x19160];
	v5 =	vsub.s32 v5, v0;
	vm14 =	vlt.u32 v4, $0x6400;
	v3 =	vsel vm0, v3, v1  }
0x5f: {  	v6 =	vsub.s32 v6, v0;
	vm1 =	vlt.u32 v5, $0x6400;
	v4 =	vsel vm14, v4, v1;
	[tilespmem:$0x192B0] =	vst v3  }
0x60: {  	v48 =	vsub.s32 v8, v0;
	vm15 =	vlt.u32 v6, $0x6400;
	v5 =	vsel vm1, v5, v1;
	[tilespmem:$0x19290] =	vst v4  }
0x61: {  	v50 =	vsub.s32 v10, v0;
	vm5 =	vlt.u32 v48, $0x6400;
	v47 =	vsel vm15, v6, v1;
	[tilespmem:$0x19280] =	vst v5  }
0x62: {  	vm7 =	vlt.u32 v50, $0x6400;
	v6 =	vsel vm5, v48, v1;
	v3 =	vsub.s32 v7, v0;
	[tilespmem:$0x192A0] =	vst v47  }
0x63: {  	v49 =	vsub.s32 v9, v0;
	[tilespmem:$0x19250] =	vst v6;
	v4 =	vsel vm7, v50, v1;
	vm4 =	vlt.u32 v3, $0x6400  }
0x64: {  	vm6 =	vlt.u32 v49, $0x6400;
	[tilespmem:$0x19240] =	vst v4;
	v3 =	vsel vm4, v3, v1  }
0x65: {  	[tilespmem:$0x19270] =	vst v3;
	v3 =	vsel vm6, v49, v1  }
0x66: {  	[tilespmem:$0x19260] =	vst v3  }
0x67: {  	_ =	swait.ge [sflag:s31], $0x80  }
0x68: {  	[sflag:s31] =	ssyncset.done $0x0  }
0x69: {  	[sflag:s31] =	ssyncadd.s32 $0xFFFFFF80  }
0x6a: {  	_ =	swait.ge [sflag:s31], $0x80  }
0x6b: {  	[sflag:s31] =	ssyncset.done $0x0  }
0x6c: {  	p0 =	por $0x0, $0x0;
	[sflag:s31] =	ssyncadd.s32 $0xFFFFFF80  }
0x6d: {  	[tilespmem:s0], [sflag:$0x4] =	stream.indirect.gather [hbm4b:s4+s29], $0x40, s25, s29, $0xb8;
	[tilespmem:$0x1FB40] =	vst v63  }
0x6e: {  	s2 =	sadd.s32 @!p0 $0x0, s15;
	_ =	swait.ge [sflag:s24], $0x2000  }
0x6f: {  	s2 =	sadd.s32 @!p0 $0x200, s2;
	[sflag:s24] =	ssyncset.done $0x0  }
0x70: {  	s7 =	simm.s32 @!p0 $0x19040;
	s6 =	simm.s32 @!p0 $0x0;
	[sflag:s24] =	ssyncadd.s32 $0xFFFFE000  }
0x71: {  	[tilespmem:s7], [sflag:$0x1] =	stream.linear.gather @!p0 [hbm4b:s2+s6], $0x80, $0x38;
	[tilespmem:$0x1FB40] =	vst v63  }
0x72: {  	s2 =	sadd.s32 @!p0 $0x0, s16  }
0x73: {  	s8 =	simm.s32 @!p0 $0x19140;
	s2 =	sadd.s32 @!p0 $0x200, s2  }
0x74: {  	[tilespmem:s8], [sflag:$0x1] =	stream.linear.gather @!p0 [hbm4b:s2+s6], $0x80, $0x38;
	[tilespmem:$0x1FB40] =	vst v63  }
0x75: {  	s11 =	rddreg [dreg:$0x3]  }
0x76: {  	[spmem:s1] =	stream.indirect.scatter.add.f32 [tilespmem:s30], [sflag:$0x5], $0x40, s11, s29, $0xb8;
	[tilespmem:$0x1FB40] =	vst v63  }
0x77: {  	_ =	swait.ge [sflag:s22], $0x2000  }
0x78: {  	[sflag:s22] =	ssyncset.done $0x0  }
0x79: {  	[sflag:s22] =	ssyncadd.s32 $0xFFFFE000  }
0x7a: {  	v3 =	vld [tilespmem:$0x191D0]  }
0x7b: {  	v57 =	vld [tilespmem:$0x191C0]  }
0x7c: {  	v51 =	vld [tilespmem:$0x191E0]  }
0x7d: {  	v55 =	vld [tilespmem:$0x19210]  }
0x7e: {  	v52 =	vld [tilespmem:$0x191F0]  }
0x7f: {  	v53 =	vld [tilespmem:$0x19200];
	v3 =	vsub.s32 v3, v0  }
0x80: {  	v54 =	vld [tilespmem:$0x19220];
	v62 =	vsub.s32 v57, v0;
	vm8 =	vlt.u32 v3, $0x6400  }
0x81: {  	v56 =	vld [tilespmem:$0x19230];
	v4 =	vsub.s32 v51, v0;
	vm15 =	vlt.u32 v62, $0x6400;
	v3 =	vsel vm8, v3, v1  }
0x82: {  	v60 =	vsub.s32 v55, v0;
	vm9 =	vlt.u32 v4, $0x6400;
	v63 =	vsel vm15, v62, v1;
	[tilespmem:$0x192D0] =	vst v3  }
0x83: {  	v5 =	vsub.s32 v52, v0;
	vm13 =	vlt.u32 v60, $0x6400;
	v3 =	vsel vm9, v4, v1;
	[tilespmem:$0x192C0] =	vst v63  }
0x84: {  	v58 =	vsub.s32 v53, v0;
	vm10 =	vlt.u32 v5, $0x6400;
	v4 =	vsel vm13, v60, v1;
	[tilespmem:$0x192E0] =	vst v3  }
0x85: {  	v59 =	vsub.s32 v54, v0;
	vm11 =	vlt.u32 v58, $0x6400;
	v3 =	vsel vm10, v5, v1;
	[tilespmem:$0x19310] =	vst v4  }
0x86: {  	v61 =	vsub.s32 v56, v0;
	vm12 =	vlt.u32 v59, $0x6400;
	[tilespmem:$0x192F0] =	vst v3;
	v3 =	vsel vm11, v58, v1  }
0x87: {  	vm14 =	vlt.u32 v61, $0x6400;
	[tilespmem:$0x19300] =	vst v3;
	v3 =	vsel vm12, v59, v1  }
0x88: {  	p1 =	por $0x1, $0x1;
	[tilespmem:$0x19320] =	vst v3;
	v3 =	vsel vm14, v61, v1  }
0x89: {  	s6 =	simm.s32 @p1 $0x1;
	[tilespmem:$0x19330] =	vst v3  }
0x8a: {  	_ =	swait.ge @p1 [sflag:s6], $0x80  }
0x8b: {  	[sflag:s6] =	ssyncset.done @p1 $0x0  }
0x8c: {  	[sflag:s6] =	ssyncadd.s32 @p1 $0xFFFFFF80  }
0x8d: {  	_ =	swait.ge @p1 [sflag:s6], $0x80  }
0x8e: {  	s9 =	simm.s32 @p1 $0x4;
	s7 =	simm.s32 @p1 $0x19340;
	[sflag:s6] =	ssyncset.done @p1 $0x0  }
0x8f: {  	s8 =	simm.s32 @p1 $0x19040;
	[sflag:s6] =	ssyncadd.s32 @p1 $0xFFFFFF80;
	s6 =	simm.s32 @p1 $0x80  }
0x90: {  	[tilespmem:s7], [sflag:$0x3] =	stream.indirect.gather @p1 [hbm4b:s4+s6], $0x40, s8, s6, $0xb8;
	[tilespmem:$0x1FB40] =	vst v63  }
0x91: {  	s2 =	simm.s32 $0x200;
	s6 =	sadd.s32 @p1 $0x0, s15;
	s7 =	sadd.s32 @p1 $0x0, s16  }
0x92: {  	s8 =	sadd.s32 @p1 $0x300, s6;
	s7 =	sadd.s32 @p1 $0x300, s7;
	_ =	swait.ge @p1 [sflag:s9], $0x2000  }
.LBB2_4:
0x93: {  	[sflag:s9] =	ssyncset.done @p1 $0x0  }
0x94: {  	s10 =	simm.s32 @p1 $0x190C0;
	[sflag:s9] =	ssyncadd.s32 @p1 $0xFFFFE000;
	s9 =	simm.s32 @p1 $0x0  }
0x95: {  	[tilespmem:s10], [sflag:$0x2] =	stream.linear.gather @p1 [hbm4b:s8+s9], $0x80, $0x38;
	[tilespmem:$0x1FB40] =	vst v63  }
0x96: {  	s8 =	simm.s32 @p1 $0x191C0;
	s10 =	simm.s32 @!p1 $0x4  }
0x97: {  	[tilespmem:s8], [sflag:$0x2] =	stream.linear.gather @p1 [hbm4b:s7+s9], $0x80, $0x38;
	[tilespmem:$0x1FB40] =	vst v63  }
0x98: {  	_ =	swait.ge @!p1 [sflag:s10], $0x2000  }
0x99: {  	[sflag:s10] =	ssyncset.done @!p1 $0x0  }
0x9a: {  	[sflag:s10] =	ssyncadd.s32 @!p1 $0xFFFFE000  }
0x9b: {  	[spmem:s1] =	stream.indirect.scatter.add.f32 [tilespmem:s0], [sflag:$0x5], $0x40, s26, s29, $0xb8;
	[tilespmem:$0x1FB40] =	vst v63  }
0x9c: {  	_ =	swait.ge [sflag:s22], $0x2000  }
0x9d: {  	[sflag:s22] =	ssyncset.done $0x0  }
0x9e: {  	[sflag:s22] =	ssyncadd.s32 $0xFFFFE000  }
0x9f: {  	v3 =	vld [tilespmem:$0x191B0]  }
0xa0: {  	v5 =	vld [tilespmem:$0x19190]  }
0xa1: {  	v6 =	vld [tilespmem:$0x19180]  }
0xa2: {  	v4 =	vld [tilespmem:$0x191A0]  }
0xa3: {  	v7 =	vld [tilespmem:$0x19170]  }
0xa4: {  	v9 =	vld [tilespmem:$0x19150];
	v3 =	vsub.s32 v3, v0  }
0xa5: {  	v10 =	vld [tilespmem:$0x19140];
	v5 =	vsub.s32 v5, v0;
	vm0 =	vlt.u32 v3, $0x6400  }
0xa6: {  	v8 =	vld [tilespmem:$0x19160];
	v6 =	vsub.s32 v6, v0;
	vm15 =	vlt.u32 v5, $0x6400;
	v3 =	vsel vm0, v3, v1  }
0xa7: {  	v4 =	vsub.s32 v4, v0;
	vm4 =	vlt.u32 v6, $0x6400;
	v5 =	vsel vm15, v5, v1;
	[tilespmem:$0x192B0] =	vst v3  }
0xa8: {  	v7 =	vsub.s32 v7, v0;
	vm1 =	vlt.u32 v4, $0x6400;
	v6 =	vsel vm4, v6, v1;
	[tilespmem:$0x19290] =	vst v5  }
0xa9: {  	v46 =	vsub.s32 v9, v0;
	vm6 =	vlt.u32 v7, $0x6400;
	v4 =	vsel vm1, v4, v1;
	[tilespmem:$0x19280] =	vst v6  }
0xaa: {  	v48 =	vsub.s32 v10, v0;
	vm2 =	vlt.u32 v46, $0x6400;
	v47 =	vsel vm6, v7, v1;
	[tilespmem:$0x192A0] =	vst v4  }
0xab: {  	vm7 =	vlt.u32 v48, $0x6400;
	v3 =	vsub.s32 v8, v0;
	v5 =	vsel vm2, v46, v1;
	[tilespmem:$0x19270] =	vst v47  }
0xac: {  	v4 =	vsel vm7, v48, v1;
	vm5 =	vlt.u32 v3, $0x6400;
	[tilespmem:$0x19250] =	vst v5  }
0xad: {  	[tilespmem:$0x19240] =	vst v4;
	v3 =	vsel vm5, v3, v1  }
0xae: {  	[tilespmem:$0x19260] =	vst v3  }
0xaf: {  	_ =	swait.ge [sflag:s31], $0x80  }
0xb0: {  	[sflag:s31] =	ssyncset.done $0x0  }
0xb1: {  	[sflag:s31] =	ssyncadd.s32 $0xFFFFFF80  }
0xb2: {  	_ =	swait.ge [sflag:s31], $0x80  }
0xb3: {  	[sflag:s31] =	ssyncset.done $0x0  }
0xb4: {  	s6 =	smov.u32 s2;
	[sflag:s31] =	ssyncadd.s32 $0xFFFFFF80  }
0xb5: {  	[tilespmem:s0], [sflag:$0x4] =	stream.indirect.gather [hbm4b:s4+s29], $0x40, s25, s29, $0xb8;
	[tilespmem:$0x1FB40] =	vst v63  }
0xb6: {  	p1 =	seq.s32 s6, $0x18600;
	_ =	swait.ge [sflag:s24], $0x2000  }
0xb7: {  	s7 =	sadd.s32 @!p1 s6, s15;
	s8 =	simm.s32 @!p1 $0x0;
	[sflag:s24] =	ssyncset.done $0x0  }
0xb8: {  	s9 =	simm.s32 @!p1 $0x19040;
	s7 =	sadd.s32 @!p1 $0x200, s7;
	[sflag:s24] =	ssyncadd.s32 $0xFFFFE000  }
0xb9: {  	[tilespmem:s9], [sflag:$0x1] =	stream.linear.gather @!p1 [hbm4b:s7+s8], $0x80, $0x38;
	[tilespmem:$0x1FB40] =	vst v63  }
0xba: {  	s7 =	sadd.s32 @!p1 s6, s16  }
0xbb: {  	s10 =	simm.s32 @!p1 $0x19140;
	s7 =	sadd.s32 @!p1 $0x200, s7  }
0xbc: {  	[tilespmem:s10], [sflag:$0x1] =	stream.linear.gather @!p1 [hbm4b:s7+s8], $0x80, $0x38;
	[tilespmem:$0x1FB40] =	vst v63  }
0xbd: {  	s11 =	rddreg [dreg:$0x3]  }
0xbe: {  	[spmem:s1] =	stream.indirect.scatter.add.f32 [tilespmem:s30], [sflag:$0x5], $0x40, s11, s29, $0xb8;
	[tilespmem:$0x1FB40] =	vst v63  }
0xbf: {  	_ =	swait.ge [sflag:s22], $0x2000  }
0xc0: {  	[sflag:s22] =	ssyncset.done $0x0  }
0xc1: {  	[sflag:s22] =	ssyncadd.s32 $0xFFFFE000  }
0xc2: {  	v49 =	vld [tilespmem:$0x191D0]  }
0xc3: {  	v50 =	vld [tilespmem:$0x191E0]  }
0xc4: {  	v51 =	vld [tilespmem:$0x191F0]  }
0xc5: {  	v52 =	vld [tilespmem:$0x19200]  }
0xc6: {  	v3 =	vld [tilespmem:$0x19220]  }
0xc7: {  	v54 =	vld [tilespmem:$0x19210];
	v4 =	vsub.s32 v49, v0  }
0xc8: {  	v53 =	vld [tilespmem:$0x191C0];
	v5 =	vsub.s32 v50, v0;
	vm8 =	vlt.u32 v4, $0x6400  }
0xc9: {  	v55 =	vld [tilespmem:$0x19230];
	v6 =	vsub.s32 v51, v0;
	vm9 =	vlt.u32 v5, $0x6400;
	v4 =	vsel vm8, v4, v1  }
0xca: {  	v57 =	vsub.s32 v52, v0;
	vm10 =	vlt.u32 v6, $0x6400;
	v56 =	vsel vm9, v5, v1;
	[tilespmem:$0x192D0] =	vst v4  }
0xcb: {  	v3 =	vsub.s32 v3, v0;
	vm11 =	vlt.u32 v57, $0x6400;
	v58 =	vsel vm10, v6, v1;
	[tilespmem:$0x192E0] =	vst v56  }
0xcc: {  	v60 =	vsub.s32 v54, v0;
	vm12 =	vlt.u32 v3, $0x6400;
	v59 =	vsel vm11, v57, v1;
	[tilespmem:$0x192F0] =	vst v58  }
0xcd: {  	v62 =	vsub.s32 v53, v0;
	vm13 =	vlt.u32 v60, $0x6400;
	v3 =	vsel vm12, v3, v1;
	[tilespmem:$0x19300] =	vst v59  }
0xce: {  	v61 =	vsub.s32 v55, v0;
	vm15 =	vlt.u32 v62, $0x6400;
	v5 =	vsel vm13, v60, v1;
	[tilespmem:$0x19320] =	vst v3  }
0xcf: {  	vm14 =	vlt.u32 v61, $0x6400;
	v63 =	vsel vm15, v62, v1;
	[tilespmem:$0x19310] =	vst v5  }
0xd0: {  	p1 =	sne.s32 s6, $0x18600;
	v3 =	vsel vm14, v61, v1;
	[tilespmem:$0x192C0] =	vst v63  }
0xd1: {  	s10 =	simm.s32 @p1 $0x1;
	[tilespmem:$0x19330] =	vst v3  }
0xd2: {  	s2 =	sadd.s32 $0x200, s2;
	_ =	swait.ge @p1 [sflag:s10], $0x80  }
0xd3: {  	p0 =	sne.s32 s2, $0x18800;
	s7 =	sadd.s32 @p1 s6, s15;
	[sflag:s10] =	ssyncset.done @p1 $0x0  }
0xd4: {  	s6 =	sadd.s32 @p1 s6, s16;
	s9 =	simm.s32 @p1 $0x4;
	[sflag:s10] =	ssyncadd.s32 @p1 $0xFFFFFF80  }
.Ltmp1:
0xd5: {  	s8 =	sadd.s32 @p1 $0x300, s7;
	_ =	swait.ge @p1 [sflag:s10], $0x80;
	(pc) =	sbr.rel @p0 .LBB2_4-.Ltmp1, $4  }
0xd6: {  	s7 =	sadd.s32 @p1 $0x300, s6;
	s6 =	simm.s32 @p1 $0x19340;
	[sflag:s10] =	ssyncset.done @p1 $0x0  }
0xd7: {  	s11 =	simm.s32 @p1 $0x19040;
	[sflag:s10] =	ssyncadd.s32 @p1 $0xFFFFFF80;
	s10 =	simm.s32 @p1 $0x80  }
0xd8: {  	[tilespmem:s6], [sflag:$0x3] =	stream.indirect.gather @p1 [hbm4b:s4+s10], $0x40, s11, s10, $0xb8;
	[tilespmem:$0x1FB40] =	vst v63  }
0xd9: {  	_ =	swait.ge @p1 [sflag:s9], $0x2000  }
0xda: {  	[sflag:s9] =	ssyncset.done @p1 $0x0  }
0xdb: {  	s2 =	simm.s32 @p1 $0x0;
	s6 =	simm.s32 @p1 $0x190C0;
	[sflag:s9] =	ssyncadd.s32 @p1 $0xFFFFE000  }
0xdc: {  	[tilespmem:s6], [sflag:$0x2] =	stream.linear.gather @p1 [hbm4b:s8+s2], $0x80, $0x38;
	[tilespmem:$0x1FB40] =	vst v63  }
0xdd: {  	s6 =	simm.s32 @p1 $0x191C0;
	s8 =	simm.s32 @!p1 $0x4  }
0xde: {  	[tilespmem:s6], [sflag:$0x2] =	stream.linear.gather @p1 [hbm4b:s7+s2], $0x80, $0x38;
	[tilespmem:$0x1FB40] =	vst v63  }
0xdf: {  	_ =	swait.ge @!p1 [sflag:s8], $0x2000  }
0xe0: {  	[sflag:s8] =	ssyncset.done @!p1 $0x0  }
0xe1: {  	[sflag:s8] =	ssyncadd.s32 @!p1 $0xFFFFE000  }
0xe2: {  	[spmem:s1] =	stream.indirect.scatter.add.f32 [tilespmem:s0], [sflag:$0x5], $0x40, s26, s29, $0xb8;
	[tilespmem:$0x1FB40] =	vst v63  }
0xe3: {  	s10 =	stileid.u32;
	_ =	swait.ge [sflag:s22], $0x2000  }
0xe4: {  	s11 =	sshrl.u32 s5, $0x3;
	s3 =	sadd.s32 $0x1, s3;
	[sflag:s22] =	ssyncset.done $0x0  }
0xe5: {  	p0 =	sne.s32 s3, s20;
	s2 =	sshll.u32 s10, $0x6;
	[sflag:s22] =	ssyncadd.s32 $0xFFFFE000  }
.Ltmp2:
0xe6: {  	s2 =	sor.u32 $0x1C05, s2;
	[bflag:$0x0] =	sbarrier.arrive $0xFFFF;
	(pc) =	sbr.rel @p0 .LBB2_1-.Ltmp2, $4  }
0xe7: {  	[hbm:s19], [sflag:s2] =	dma.local [spmem:s11], $0x3200  }
0xe8: {  	_ =	swait.ge [sflag:s22], $0x3200  }
0xe9: {  	[sflag:s22] =	ssyncset.done $0x0  }
0xea: {  	[sflag:s22] =	ssyncadd.s32 $0xFFFFCE00  }
0xeb: {  	_ =	sfence.sel $0x180000  }
0xec: {  	[bflag:$0x0] =	sbarrier.arrive $0xFFFF  }
0xed: {  	_ =	strace $0x9000004D  }
0xee: {  	s0 =	stileid.u32;
	[bflag:$0x2] =	sbarrier.arrive $0xFFFF  }
0xef: {  	p0 =	sne.s32 s0, $0x0;
	s0 =	rddreg [dreg:$0x2]  }
0xf0: {  	s0 =	sadd.s32 @!p0 $0x100000, s0  }
0xf1: {  	[sflag:s0] =	ssyncadd.tile.s32 @!p0 $0x1;
	_ =	shalt  }
.Lfunc_end2:
_tile_overlayer_lowered:
.L_overlay_start_2:
0xf2: {  	(tag) =	ssettag $0x2  }
0xf3: {  	s0 =	rddreg [dreg:$0x0];
	s2 =	stileid.u32  }
0xf4: {  	s1 =	rddreg [dreg:$0x1];
	p0 =	sne.s32 s2, $0x0  }
0xf5: {  	s3 =	rddreg [dreg:$0x2];
	[bflag:$0x3] =	sbarrier.arrive $0xFFFF;
	s2 =	simm.s32 @!p0 $0x1C05  }
0xf6: {  	[timem:s3], [sflag:s2] =	dma.local @!p0 [hbm:s0], s1  }
0xf7: {  	s0 =	simm.s32 @!p0 $0x5  }
0xf8: {  	_ =	swait.ge @!p0 [sflag:s0], s1  }
0xf9: {  	s1 =	ssub.s32 @!p0 $0x0, s1;
	[sflag:s0] =	ssyncset.done @!p0 $0x0  }
0xfa: {  	[sflag:s0] =	ssyncadd.s32 @!p0 s1  }
0xfb: {  	[bflag:$0x3] =	sbarrier.arrive $0xFFFF  }
0xfc: {  	_ =	shalt  }

// kernel: kernel.19.cloned.1.call-start
scs
__scs_entry_jumppad:
0x0: {  	(pc) =	sbr.rel $0x88, $3  }
0x1: {  	(tag) =	ssettag $0x0;
	lr =	simm.s32 $0x1  }
0x2: {  	[smem:$0x3F95] =	sst lr;
	_ =	strace $0xD0000000  }
0x3: {  	_ = 	snop  }
0x4: {  	_ = 	snop  }
0x5: {  	_ = 	snop  }
0x6: {  	_ = 	snop  }
0x7: {  	_ = 	snop  }
__scs_overlays_trampoline_lowered:
0x8: {  	[smem:$0x3FA4] =	sst s0  }
0x9: {  	[smem:$0x3FA5] =	sst s1  }
0xa: {  	[smem:$0x3FA6] =	sst s2  }
0xb: {  	[smem:$0x3FA7] =	sst s3  }
0xc: {  	[smem:$0x3FA8] =	sst s4  }
0xd: {  	[smem:$0x3FA9] =	sst s5  }
0xe: {  	[smem:$0x3FAA] =	sst s6  }
0xf: {  	[smem:$0x3FAB] =	sst s7  }
0x10: {  	[smem:$0x3FAC] =	sst s8  }
0x11: {  	[smem:$0x3FAD] =	sst s9;
	s0 =	simm.s32 @!p0 $0x0  }
0x12: {  	s1 =	sld [smem:$0x3F93];
	s0 =	simm.s32 @p0 $0x1  }
0x13: {  	[smem:$0x3FAE] =	sst s0;
	s0 =	simm.s32 @!p1 $0x0  }
0x14: {  	s2 =	sld [smem:$0x3F92];
	s0 =	simm.s32 @p1 $0x1  }
0x15: {  	[smem:$0x3FAF] =	sst s0;
	s0 =	simm.s32 @!p2 $0x0  }
0x16: {  	s3 =	sld [smem:$0x3FDB];
	s0 =	simm.s32 @p2 $0x1  }
0x17: {  	s4 =	simm.s32 $0x1BF5;
	[smem:$0x3FB1] =	sst s0  }
0x18: {  	s0 =	sld [smem:$0x3F94];
	_ =	swait.ge [sflag:s4], $0x0  }
0x19: {  	s7 =	sld [smem:$0x3F95]  }
0x1a: {  	s8 =	sadd.s32 $0xFFFFE003, lr  }
0x1b: {  	s9 =	sadd.s32 $0xFFFFFEF7, lr;
	s5 =	simm.s32 $0xFFFFFFFF;
	p2 =	slt.u32 s8, $0xFFFFF086  }
0x1c: {  	p1 =	slt.u32 s9, $0xF7A;
	s5 =	simm.s32 @!p2 $0x0  }
0x1d: {  	s5 =	simm.s32 @p1 $0x1;
	p0 =	seq.s32 s7, s2  }
0x1e: {  	s7 =	smul.u32 @!p0 $0xF7A, s2;
	p2 =	seq.s32 @!p0 s5, $0x0  }
0x1f: {  	s9 =	smul.u32 $0xF7A, s1;
	s8 =	simm.s32 @!p0 $0x1BF5;
	p2 =	por !p2, p0  }
0x20: {  	[sflag:s8] =	ssyncset.s32 @!p0 $0xFFFFF086;
	s6 =	sadd.s32 @!p0 s3, s7;
	s7 =	simm.s32 @!p0 $0x108  }
0x21: {  	s3 =	sadd.s32 s3, s9;
	s6 =	sadd.s32 @!p0 $0x88, s6;
	s7 =	simm.s32 @p2 $0x1082  }
0x22: {  	[simem:s7], [sflag:s8] =	dma.local @!p0 [hbm:s6], $0xF7A  }
0x23: {  	s9 =	sor.u32 $0xD0000000, s2;
	s6 =	simm.s32 $0x108;
	_ =	swait.ge @!p0 [sflag:s8], $0x0  }
0x24: {  	s3 =	sadd.s32 $0x88, s3;
	s6 =	simm.s32 @!p1 $0x1082;
	[sflag:s4] =	ssyncset.s32 $0xFFFFF086  }
0x25: {  	[simem:s6], [sflag:s4] =	dma.local [hbm:s3], $0xF7A  }
0x26: {  	[smem:$0x3F95] =	sst s1;
	(tag) =	ssettag s2;
	_ =	strace s9  }
0x27: {  	s1 =	sld [smem:$0x3FA5]  }
0x28: {  	s2 =	sld [smem:$0x3FA6]  }
0x29: {  	s4 =	sld [smem:$0x3FA8]  }
0x2a: {  	p0 =	seq.s32 s5, $0x0;
	s5 =	sld [smem:$0x3FA9]  }
0x2b: {  	s6 =	sld [smem:$0x3FAA]  }
0x2c: {  	s7 =	sld [smem:$0x3FAB]  }
0x2d: {  	s3 =	simm.s32 $0x108;
	s8 =	sld [smem:$0x3FAC]  }
0x2e: {  	s3 =	simm.s32 @!p0 $0x1082;
	s9 =	sld [smem:$0x3FAD]  }
0x2f: {  	lr =	sadd.s32 s0, s3;
	s0 =	sld [smem:$0x3FA4]  }
0x30: {  	s3 =	sld [smem:$0x3FA7]  }
0x31: {  	[smem:$0x3FB0] =	sst s10  }
0x32: {  	s10 =	sld [smem:$0x3FAE];
	_ =	sdelay $0x3  }
0x33: {  	p0 =	seq.s32 s10, $0x1;
	s10 =	sld [smem:$0x3FB0];
	_ =	sdelay $0x3  }
0x34: {  	[smem:$0x3FB0] =	sst s10  }
0x35: {  	s10 =	sld [smem:$0x3FAF];
	_ =	sdelay $0x3  }
0x36: {  	p1 =	seq.s32 s10, $0x1;
	s10 =	sld [smem:$0x3FB0];
	_ =	sdelay $0x3  }
0x37: {  	[smem:$0x3FB0] =	sst s10  }
0x38: {  	s10 =	sld [smem:$0x3FB1]  }
0x39: {  	_ = 	snop;
	(pc) =	sbr.ind lr, $3  }
0x3a: {  	_ = 	snop  }
0x3b: {  	_ = 	snop  }
0x3c: {  	p2 =	seq.s32 s10, $0x1;
	s10 =	sld [smem:$0x3FB0]  }
0x3d: {  	_ =	shalt  }
0x3e: {  	_ =	shalt  }
0x3f: {  	_ =	shalt  }
0x40: {  	_ =	shalt  }
0x41: {  	_ =	shalt  }
0x42: {  	_ =	shalt  }
0x43: {  	_ =	shalt  }
0x44: {  	_ =	shalt  }
0x45: {  	_ =	shalt  }
0x46: {  	_ =	shalt  }
0x47: {  	_ =	shalt  }
0x48: {  	_ =	shalt  }
0x49: {  	_ =	shalt  }
0x4a: {  	_ =	shalt  }
0x4b: {  	_ =	shalt  }
0x4c: {  	_ =	shalt  }
0x4d: {  	_ =	shalt  }
0x4e: {  	_ =	shalt  }
0x4f: {  	_ =	shalt  }
0x50: {  	_ =	shalt  }
0x51: {  	_ =	shalt  }
0x52: {  	_ =	shalt  }
0x53: {  	_ =	shalt  }
0x54: {  	_ =	shalt  }
0x55: {  	_ =	shalt  }
0x56: {  	_ =	shalt  }
0x57: {  	_ =	shalt  }
0x58: {  	_ =	shalt  }
0x59: {  	_ =	shalt  }
0x5a: {  	_ =	shalt  }
0x5b: {  	_ =	shalt  }
0x5c: {  	_ =	shalt  }
0x5d: {  	_ =	shalt  }
0x5e: {  	_ =	shalt  }
0x5f: {  	_ =	shalt  }
0x60: {  	_ =	shalt  }
0x61: {  	_ =	shalt  }
0x62: {  	_ =	shalt  }
0x63: {  	_ =	shalt  }
0x64: {  	_ =	shalt  }
0x65: {  	_ =	shalt  }
0x66: {  	_ =	shalt  }
0x67: {  	_ =	shalt  }
0x68: {  	_ =	shalt  }
0x69: {  	_ =	shalt  }
0x6a: {  	_ =	shalt  }
0x6b: {  	_ =	shalt  }
0x6c: {  	_ =	shalt  }
0x6d: {  	_ =	shalt  }
0x6e: {  	_ =	shalt  }
0x6f: {  	_ =	shalt  }
0x70: {  	_ =	shalt  }
0x71: {  	_ =	shalt  }
0x72: {  	_ =	shalt  }
0x73: {  	_ =	shalt  }
0x74: {  	_ =	shalt  }
0x75: {  	_ =	shalt  }
0x76: {  	_ =	shalt  }
0x77: {  	_ =	shalt  }
0x78: {  	_ =	shalt  }
0x79: {  	_ =	shalt  }
0x7a: {  	_ =	shalt  }
0x7b: {  	_ =	shalt  }
0x7c: {  	_ =	shalt  }
0x7d: {  	_ =	shalt  }
0x7e: {  	_ =	shalt  }
0x7f: {  	_ =	shalt  }
0x80: {  	_ =	shalt  }
0x81: {  	_ =	shalt  }
0x82: {  	_ =	shalt  }
0x83: {  	_ =	shalt  }
0x84: {  	_ =	shalt  }
0x85: {  	_ =	shalt  }
0x86: {  	_ =	shalt  }
0x87: {  	_ =	shalt  }
.Lfunc_end0:
.L_simem_size_0:
called_computation.3_lowered:
.L_overlay_start_0:
0x88: {  	s2 =	sld [smem:$0x3FD9]  }
0x89: {  	s3 =	sld [smem:$0x3FFE];
	_ =	sdelay $0x1  }
0x8a: {  	s1 =	srdreg.scid  }
0x8b: {  	s0 =	sand.u32 $0x1, s1  }
0x8c: {  	s16 =	sshll.u32 s0, $0xA;
	s2 =	sadd.s32 s3, s2  }
0x8d: {  	s2 =	sadd.s32 s2, s16  }
0x8e: {  	[smem:$0x3FBC] =	sst s2  }
0x8f: {  	_ = 	snop  }
0x90: {  	(tm) =	ssettm $0x1  }
0x91: {  	s17 =	sld [smem:$0x3FFB];
	_ =	sdelay $0x3  }
0x92: {  	_ =	strace s17  }
0x93: {  	s2 =	sld [smem:$0x3FFC];
	_ =	sdelay $0x3  }
0x94: {  	_ =	strace s2  }
0x95: {  	s2 =	sld [smem:$0x3FFD];
	_ =	sdelay $0x3  }
0x96: {  	_ =	strace s2  }
0x97: {  	_ =	strace $0x8FFFFFFF  }
0x98: {  	s18 =	sld [smem:$0x3FDB];
	_ =	sdelay $0x1  }
0x99: {  	s19 =	simm.s32 $_scs_section_size  }
0x9a: {  	s4 =	simm.s32 $_size__tile_overlayer_lowered;
	s5 =	simm.s32 $_tile_overlayer_lowered  }
0x9b: {  	s22 =	simm.s32 $0x1BFF;
	s21 =	sshll.u32 s5, $0x1;
	s2 =	sadd.s32 s19, s18  }
0x9c: {  	s6 =	simm.s32 $0x0;
	s20 =	sshll.u32 s4, $0x1;
	s4 =	sadd.s32 s21, s2  }
0x9d: {  	[timem:s6], [sflag:s22] =	dma.local [hbm:s4], s20  }
0x9e: {  	_ =	swait.ge [sflag:s22], s20  }
0x9f: {  	s3 =	ssub.s32 $0x0, s20;
	[sflag:s22] =	ssyncset.done $0x0  }
0xa0: {  	[sflag:s22] =	ssyncadd.s32 s3;
	_ =	sdelay $0x1  }
0xa1: {  	s23 =	simm.s32 $0x1B8B  }
0xa2: {  	_ =	swait.ge [sflag:s23], $0x1  }
0xa3: {  	[sflag:s23] =	ssyncset.done $0x0  }
0xa4: {  	s25 =	simm.s32 $0x1B8E;
	s24 =	sld [smem:$0x3FFE];
	[sflag:s23] =	ssyncadd.s32 $0xFFFFFFFF  }
0xa5: {  	s26 =	simm.s32 $execute0_lowered;
	[smem:$0x3FD2] =	sst s25  }
0xa6: {  	s4 =	sshll.u32 s26, $0x1;
	_ =	strace $0x8000004F;
	[dreg:$0x1] =	wrdreg $0xFFFFFFFF  }
0xa7: {  	s28 =	simm.s32 $_size_execute0_lowered;
	s2 =	sadd.s32 s2, s4;
	[dreg:$0x0] =	wrdreg $0x0  }
0xa8: {  	s4 =	sshll.u32 s28, $0x1;
	[dreg:$0x2] =	wrdreg s2  }
0xa9: {  	[dreg:$0x3] =	wrdreg s4  }
0xaa: {  	[dreg:$0x4] =	wrdreg $0xC0  }
0xab: {  	_ =	task [dreg:s6], $0x5FFFF  }
0xac: {  	[dreg:$0x1] =	wrdreg $0xFFFFFFFF  }
0xad: {  	[dreg:$0x0] =	wrdreg $0x60  }
0xae: {  	[dreg:$0x2] =	wrdreg s24  }
0xaf: {  	[dreg:$0x3] =	wrdreg $0x0  }
0xb0: {  	[dreg:$0x4] =	wrdreg $0x9  }
0xb1: {  	_ =	task.clear_ibuf [dreg:s6], $0x5FFFF;
	_ =	strace $0x9000004F  }
0xb2: {  	s29 =	simm.s32 $0x9;
	_ =	strace $0x80000051  }
0xb3: {  	_ =	swait.ge [sflag:s29], $0x1  }
0xb4: {  	[sflag:s29] =	ssyncadd.s32 $0xFFFFFFFF  }
0xb5: {  	_ =	strace $0x90000051  }
0xb6: {  	_ =	sfence  }
0xb7: {  	s30 =	sld [smem:$0x0];
	_ =	sdelay $0x2  }
0xb8: {  	s31 =	sshll.u32 s1, $0xD;
	s1 =	sshrl.u32 s1, $0x2  }
0xb9: {  	s3 =	sand.u32 $0x4000, s31;
	s1 =	sadd.s32 s1, s30  }
0xba: {  	s0 =	sor.u32 s3, s0;
	s1 =	sshll.u32 s1, $0x11  }
0xbb: {  	s0 =	sor.u32 s1, s0  }
0xbc: {  	s0 =	sadd.s32 $0x8F2B, s0  }
0xbd: {  	[sflag:s0] =	ssyncadd.remote.s32 $0x1  }
0xbe: {  	_ =	sfence.sel $0xFFFF  }
0xbf: {  	[dreg:$0x0] =	wrdreg $0xFFFFFFFF;
	(pc) =	sbr.abs _section_cstart, $3  }
0xc0: {  	[dreg:$0x1] =	wrdreg $0xFFFFFFFF  }
0xc1: {  	_ =	task.clear_ibuf [dreg:s6], $0x2FFFF;
	_ =	strace $0x9FFFFFFF  }
0xc2: {  	(tm) =	ssettm $0x7FFFFFFF  }
0xc3: {  	_ =	shalt  }
tec
execute0_lowered:
.L_overlay_start_1:
0x0: {  	(tag) =	ssettag $0x1  }
0x1: {  	s0 =	rddreg [dreg:$0x0]  }
0x2: {  	s1 =	rddreg [dreg:$0x1]  }
0x3: {  	s3 =	simm.s32 $0x0;
	s2 =	srdreg.scid;
	s11 =	stileid.u32  }
0x4: {  	s26 =	simm.s32 $0x19240;
	s28 =	simm.s32 $0x1;
	s29 =	simm.s32 $0x80  }
0x5: {  	s30 =	simm.s32 $0x19340;
	s31 =	simm.s32 $0x2;
	[smem:$0x7FF] =	sst s3  }
0x6: {  	s2 =	sand.u32 $0x1, s2;
	s5 =	smul.u32 $0x640, s11;
	s4 =	sadd.s32 $0xF9800, s0  }
0x7: {  	s7 =	sadd.s32 $0xE1000, s0;
	s8 =	smul.u32 $0x64000, s11;
	s9 =	sadd.s32 $0x2000, s0  }
0x8: {  	s16 =	sshll.u32 s11, $0x4;
	s6 =	smul.u32 $0x6400, s2;
	_ =	strace $0x80000050  }
0x9: {  	s2 =	ssub.s32 $0x2, s2;
	s18 =	sor.u32 $0x100, s16;
	s15 =	sadd.s32 s7, s16  }
0xa: {  	s16 =	sadd.s32 s9, s16;
	[dreg:$0x3] =	wrdreg s26;
	s5 =	sadd.s32 s5, s6  }
0xb: {  	s26 =	simm.s32 $0x192C0;
	s8 =	sshrl.u32 s8, $0x2;
	s5 =	sshll.u32 s5, $0x3  }
0xc: {  	s10 =	sshrl.u32 s2, $0x1;
	s0 =	sadd.s32 s5, s0;
	s5 =	sadd.s32 s8, s1  }
0xd: {  	s17 =	sadd.s32 s7, s18;
	s18 =	sadd.s32 s9, s18;
	s20 =	sadd.s32 $0x2800, s5  }
0xe: {  	s2 =	ssub.s32 s2, s10;
	s21 =	sadd.s32 $0x5000, s5;
	[dreg:$0x4] =	wrdreg s20  }
0xf: {  	s8 =	sor.u32 $0x6400, s11;
	s22 =	sadd.s32 $0x7800, s5;
	[dreg:$0x5] =	wrdreg s21  }
0x10: {  	s23 =	sadd.s32 $0xA000, s5;
	s24 =	sadd.s32 $0xC800, s5;
	[dreg:$0x6] =	wrdreg s22  }
0x11: {  	s25 =	sadd.s32 $0xF000, s5;
	s12 =	sadd.s32 $0x11800, s5;
	[dreg:$0x7] =	wrdreg s23  }
0x12: {  	s13 =	sadd.s32 $0x14000, s5;
	s14 =	sadd.s32 $0x16800, s5;
	[dreg:$0x8] =	wrdreg s24  }
0x13: {  	s19 =	sadd.s32 $0x280400, s0;
	s0 =	simm.s32 $0x1B340;
	[dreg:$0x9] =	wrdreg s25  }
0x14: {  	s20 =	smax.u32 s2, $0x1;
	s21 =	simm.s32 $0x1D340;
	s22 =	simm.s32 $0x5  }
0x15: {  	v2 =	vimm.f32 $0.0e+00;
	v0 =	vmov s6;
	v1 =	vmov s8;
	s23 =	simm.s32 $0x19040;
	s25 =	simm.s32 $0x190C0;
	s24 =	simm.s32 $0x3  }
.LBB2_1:
0x16: {  	s6 =	simm.s32 $0x100;
	s2 =	simm.s32 $0x0  }
.LBB2_2:
0x17: {  	p0 =	sne.s32 s6, $0x9F00;
	[tilespmem:s2+$0x1D370] =	vst v2;
	s7 =	smov.u32 s6;
	s6 =	sadd.s32 $0x100, s6  }
.Ltmp0:
0x18: {  	[tilespmem:s2+$0x1D360] =	vst v2;
	(pc) =	sbr.rel @p0 .LBB2_2-.Ltmp0, $3  }
0x19: {  	[tilespmem:s2+$0x1D340] =	vst v2  }
0x1a: {  	[tilespmem:s2+$0x1D350] =	vst v2;
	_ =	sdelay $0x1  }
0x1b: {  	s2 =	sshra.s32 s7, $0x2  }
0x1c: {  	[tilespmem:s2+$0x1D370] =	vst v2  }
0x1d: {  	[tilespmem:s2+$0x1D360] =	vst v2  }
0x1e: {  	[tilespmem:s2+$0x1D340] =	vst v2  }
0x1f: {  	[tilespmem:s2+$0x1D350] =	vst v2  }
0x20: {  	[spmem:s5] =	stream.linear.scatter [tilespmem:s21], [sflag:$0x5], $0x2800, $0x38;
	[tilespmem:$0x1FB40] =	vst v63  }
0x21: {  	_ =	swait.ge [sflag:s22], $0x2800  }
0x22: {  	[sflag:s22] =	ssyncset.done $0x0  }
0x23: {  	s9 =	rddreg [dreg:$0x4];
	[sflag:s22] =	ssyncadd.s32 $0xFFFFD800  }
0x24: {  	[spmem:s9] =	stream.linear.scatter [tilespmem:s21], [sflag:$0x5], $0x2800, $0x38;
	[tilespmem:$0x1FB40] =	vst v63  }
0x25: {  	_ =	swait.ge [sflag:s22], $0x2800  }
0x26: {  	[sflag:s22] =	ssyncset.done $0x0  }
0x27: {  	s10 =	rddreg [dreg:$0x5];
	[sflag:s22] =	ssyncadd.s32 $0xFFFFD800  }
0x28: {  	[spmem:s10] =	stream.linear.scatter [tilespmem:s21], [sflag:$0x5], $0x2800, $0x38;
	[tilespmem:$0x1FB40] =	vst v63  }
0x29: {  	_ =	swait.ge [sflag:s22], $0x2800  }
0x2a: {  	[sflag:s22] =	ssyncset.done $0x0  }
0x2b: {  	s11 =	rddreg [dreg:$0x6];
	[sflag:s22] =	ssyncadd.s32 $0xFFFFD800  }
0x2c: {  	[spmem:s11] =	stream.linear.scatter [tilespmem:s21], [sflag:$0x5], $0x2800, $0x38;
	[tilespmem:$0x1FB40] =	vst v63  }
0x2d: {  	_ =	swait.ge [sflag:s22], $0x2800  }
0x2e: {  	[sflag:s22] =	ssyncset.done $0x0  }
0x2f: {  	s6 =	rddreg [dreg:$0x7];
	[sflag:s22] =	ssyncadd.s32 $0xFFFFD800  }
0x30: {  	[spmem:s6] =	stream.linear.scatter [tilespmem:s21], [sflag:$0x5], $0x2800, $0x38;
	[tilespmem:$0x1FB40] =	vst v63  }
0x31: {  	_ =	swait.ge [sflag:s22], $0x2800  }
0x32: {  	[sflag:s22] =	ssyncset.done $0x0  }
0x33: {  	s7 =	rddreg [dreg:$0x8];
	[sflag:s22] =	ssyncadd.s32 $0xFFFFD800  }
0x34: {  	[spmem:s7] =	stream.linear.scatter [tilespmem:s21], [sflag:$0x5], $0x2800, $0x38;
	[tilespmem:$0x1FB40] =	vst v63  }
0x35: {  	_ =	swait.ge [sflag:s22], $0x2800  }
0x36: {  	[sflag:s22] =	ssyncset.done $0x0  }
0x37: {  	s8 =	rddreg [dreg:$0x9];
	[sflag:s22] =	ssyncadd.s32 $0xFFFFD800  }
0x38: {  	[spmem:s8] =	stream.linear.scatter [tilespmem:s21], [sflag:$0x5], $0x2800, $0x38;
	[tilespmem:$0x1FB40] =	vst v63  }
0x39: {  	_ =	swait.ge [sflag:s22], $0x2800  }
0x3a: {  	[sflag:s22] =	ssyncset.done $0x0  }
0x3b: {  	[sflag:s22] =	ssyncadd.s32 $0xFFFFD800  }
0x3c: {  	[spmem:s12] =	stream.linear.scatter [tilespmem:s21], [sflag:$0x5], $0x2800, $0x38;
	[tilespmem:$0x1FB40] =	vst v63  }
0x3d: {  	_ =	swait.ge [sflag:s22], $0x2800  }
0x3e: {  	[sflag:s22] =	ssyncset.done $0x0  }
0x3f: {  	[sflag:s22] =	ssyncadd.s32 $0xFFFFD800  }
0x40: {  	[spmem:s13] =	stream.linear.scatter [tilespmem:s21], [sflag:$0x5], $0x2800, $0x38;
	[tilespmem:$0x1FB40] =	vst v63  }
0x41: {  	_ =	swait.ge [sflag:s22], $0x2800  }
0x42: {  	[sflag:s22] =	ssyncset.done $0x0  }
0x43: {  	[sflag:s22] =	ssyncadd.s32 $0xFFFFD800  }
0x44: {  	[spmem:s14] =	stream.linear.scatter [tilespmem:s21], [sflag:$0x5], $0x2800, $0x38;
	[tilespmem:$0x1FB40] =	vst v63  }
0x45: {  	_ =	swait.ge [sflag:s22], $0x2800  }
0x46: {  	[sflag:s22] =	ssyncset.done $0x0  }
0x47: {  	[sflag:s22] =	ssyncadd.s32 $0xFFFFD800  }
0x48: {  	s9 =	simm.s32 $0x0;
	[bflag:$0x0] =	sbarrier.arrive $0xFFFF  }
0x49: {  	[tilespmem:s23], [sflag:$0x1] =	stream.linear.gather [hbm4b:s15+s9], $0x80, $0x38;
	[tilespmem:$0x1FB40] =	vst v63  }
0x4a: {  	s6 =	simm.s32 $0x19140  }
0x4b: {  	[tilespmem:s6], [sflag:$0x1] =	stream.linear.gather [hbm4b:s16+s9], $0x80, $0x38;
	[tilespmem:$0x1FB40] =	vst v63  }
0x4c: {  	_ = 	snop  }
0x4d: {  	[tilespmem:s25], [sflag:$0x2] =	stream.linear.gather [hbm4b:s17+s9], $0x80, $0x38;
	[tilespmem:$0x1FB40] =	vst v63  }
0x4e: {  	s10 =	simm.s32 $0x191C0  }
0x4f: {  	[tilespmem:s10], [sflag:$0x2] =	stream.linear.gather [hbm4b:s18+s9], $0x80, $0x38;
	[tilespmem:$0x1FB40] =	vst v63  }
0x50: {  	_ =	swait.ge [sflag:s28], $0x80  }
0x51: {  	[sflag:s28] =	ssyncset.done $0x0  }
0x52: {  	[sflag:s28] =	ssyncadd.s32 $0xFFFFFF80  }
0x53: {  	_ =	swait.ge [sflag:s28], $0x80  }
0x54: {  	[sflag:s28] =	ssyncset.done $0x0  }
0x55: {  	[sflag:s28] =	ssyncadd.s32 $0xFFFFFF80  }
0x56: {  	[tilespmem:s30], [sflag:$0x3] =	stream.indirect.gather [hbm4b:s4+s29], $0x40, s23, s29, $0xb8;
	[tilespmem:$0x1FB40] =	vst v63  }
0x57: {  	v3 =	vld [tilespmem:$0x191B0]  }
0x58: {  	v4 =	vld [tilespmem:$0x19190]  }
0x59: {  	v5 =	vld [tilespmem:$0x19180]  }
0x5a: {  	v6 =	vld [tilespmem:$0x191A0]  }
0x5b: {  	v8 =	vld [tilespmem:$0x19150]  }
0x5c: {  	v10 =	vld [tilespmem:$0x19140];
	v3 =	vsub.s32 v3, v0  }
0x5d: {  	v7 =	vld [tilespmem:$0x19170];
	v4 =	vsub.s32 v4, v0;
	vm0 =	vlt.u32 v3, $0x6400  }
0x5e: {  	v9 =	vld [tilespmem:$0x19160];
	v5 =	vsub.s32 v5, v0;
	vm14 =	vlt.u32 v4, $0x6400;
	v3 =	vsel vm0, v3, v1  }
0x5f: {  	v6 =	vsub.s32 v6, v0;
	vm1 =	vlt.u32 v5, $0x6400;
	v4 =	vsel vm14, v4, v1;
	[tilespmem:$0x192B0] =	vst v3  }
0x60: {  	v48 =	vsub.s32 v8, v0;
	vm15 =	vlt.u32 v6, $0x6400;
	v5 =	vsel vm1, v5, v1;
	[tilespmem:$0x19290] =	vst v4  }
0x61: {  	v50 =	vsub.s32 v10, v0;
	vm5 =	vlt.u32 v48, $0x6400;
	v47 =	vsel vm15, v6, v1;
	[tilespmem:$0x19280] =	vst v5  }
0x62: {  	vm7 =	vlt.u32 v50, $0x6400;
	v6 =	vsel vm5, v48, v1;
	v3 =	vsub.s32 v7, v0;
	[tilespmem:$0x192A0] =	vst v47  }
0x63: {  	v49 =	vsub.s32 v9, v0;
	[tilespmem:$0x19250] =	vst v6;
	v4 =	vsel vm7, v50, v1;
	vm4 =	vlt.u32 v3, $0x6400  }
0x64: {  	vm6 =	vlt.u32 v49, $0x6400;
	[tilespmem:$0x19240] =	vst v4;
	v3 =	vsel vm4, v3, v1  }
0x65: {  	[tilespmem:$0x19270] =	vst v3;
	v3 =	vsel vm6, v49, v1  }
0x66: {  	[tilespmem:$0x19260] =	vst v3  }
0x67: {  	_ =	swait.ge [sflag:s31], $0x80  }
0x68: {  	[sflag:s31] =	ssyncset.done $0x0  }
0x69: {  	[sflag:s31] =	ssyncadd.s32 $0xFFFFFF80  }
0x6a: {  	_ =	swait.ge [sflag:s31], $0x80  }
0x6b: {  	[sflag:s31] =	ssyncset.done $0x0  }
0x6c: {  	p0 =	por $0x0, $0x0;
	[sflag:s31] =	ssyncadd.s32 $0xFFFFFF80  }
0x6d: {  	[tilespmem:s0], [sflag:$0x4] =	stream.indirect.gather [hbm4b:s4+s29], $0x40, s25, s29, $0xb8;
	[tilespmem:$0x1FB40] =	vst v63  }
0x6e: {  	s2 =	sadd.s32 @!p0 $0x0, s15;
	_ =	swait.ge [sflag:s24], $0x2000  }
0x6f: {  	s2 =	sadd.s32 @!p0 $0x200, s2;
	[sflag:s24] =	ssyncset.done $0x0  }
0x70: {  	s7 =	simm.s32 @!p0 $0x19040;
	s6 =	simm.s32 @!p0 $0x0;
	[sflag:s24] =	ssyncadd.s32 $0xFFFFE000  }
0x71: {  	[tilespmem:s7], [sflag:$0x1] =	stream.linear.gather @!p0 [hbm4b:s2+s6], $0x80, $0x38;
	[tilespmem:$0x1FB40] =	vst v63  }
0x72: {  	s2 =	sadd.s32 @!p0 $0x0, s16  }
0x73: {  	s8 =	simm.s32 @!p0 $0x19140;
	s2 =	sadd.s32 @!p0 $0x200, s2  }
0x74: {  	[tilespmem:s8], [sflag:$0x1] =	stream.linear.gather @!p0 [hbm4b:s2+s6], $0x80, $0x38;
	[tilespmem:$0x1FB40] =	vst v63  }
0x75: {  	s11 =	rddreg [dreg:$0x3]  }
0x76: {  	[spmem:s1] =	stream.indirect.scatter.add.f32 [tilespmem:s30], [sflag:$0x5], $0x40, s11, s29, $0xb8;
	[tilespmem:$0x1FB40] =	vst v63  }
0x77: {  	_ =	swait.ge [sflag:s22], $0x2000  }
0x78: {  	[sflag:s22] =	ssyncset.done $0x0  }
0x79: {  	[sflag:s22] =	ssyncadd.s32 $0xFFFFE000  }
0x7a: {  	v3 =	vld [tilespmem:$0x191D0]  }
0x7b: {  	v57 =	vld [tilespmem:$0x191C0]  }
0x7c: {  	v51 =	vld [tilespmem:$0x191E0]  }
0x7d: {  	v55 =	vld [tilespmem:$0x19210]  }
0x7e: {  	v52 =	vld [tilespmem:$0x191F0]  }
0x7f: {  	v53 =	vld [tilespmem:$0x19200];
	v3 =	vsub.s32 v3, v0  }
0x80: {  	v54 =	vld [tilespmem:$0x19220];
	v62 =	vsub.s32 v57, v0;
	vm8 =	vlt.u32 v3, $0x6400  }
0x81: {  	v56 =	vld [tilespmem:$0x19230];
	v4 =	vsub.s32 v51, v0;
	vm15 =	vlt.u32 v62, $0x6400;
	v3 =	vsel vm8, v3, v1  }
0x82: {  	v60 =	vsub.s32 v55, v0;
	vm9 =	vlt.u32 v4, $0x6400;
	v63 =	vsel vm15, v62, v1;
	[tilespmem:$0x192D0] =	vst v3  }
0x83: {  	v5 =	vsub.s32 v52, v0;
	vm13 =	vlt.u32 v60, $0x6400;
	v3 =	vsel vm9, v4, v1;
	[tilespmem:$0x192C0] =	vst v63  }
0x84: {  	v58 =	vsub.s32 v53, v0;
	vm10 =	vlt.u32 v5, $0x6400;
	v4 =	vsel vm13, v60, v1;
	[tilespmem:$0x192E0] =	vst v3  }
0x85: {  	v59 =	vsub.s32 v54, v0;
	vm11 =	vlt.u32 v58, $0x6400;
	v3 =	vsel vm10, v5, v1;
	[tilespmem:$0x19310] =	vst v4  }
0x86: {  	v61 =	vsub.s32 v56, v0;
	vm12 =	vlt.u32 v59, $0x6400;
	[tilespmem:$0x192F0] =	vst v3;
	v3 =	vsel vm11, v58, v1  }
0x87: {  	vm14 =	vlt.u32 v61, $0x6400;
	[tilespmem:$0x19300] =	vst v3;
	v3 =	vsel vm12, v59, v1  }
0x88: {  	p1 =	por $0x1, $0x1;
	[tilespmem:$0x19320] =	vst v3;
	v3 =	vsel vm14, v61, v1  }
0x89: {  	s6 =	simm.s32 @p1 $0x1;
	[tilespmem:$0x19330] =	vst v3  }
0x8a: {  	_ =	swait.ge @p1 [sflag:s6], $0x80  }
0x8b: {  	[sflag:s6] =	ssyncset.done @p1 $0x0  }
0x8c: {  	[sflag:s6] =	ssyncadd.s32 @p1 $0xFFFFFF80  }
0x8d: {  	_ =	swait.ge @p1 [sflag:s6], $0x80  }
0x8e: {  	s9 =	simm.s32 @p1 $0x4;
	s7 =	simm.s32 @p1 $0x19340;
	[sflag:s6] =	ssyncset.done @p1 $0x0  }
0x8f: {  	s8 =	simm.s32 @p1 $0x19040;
	[sflag:s6] =	ssyncadd.s32 @p1 $0xFFFFFF80;
	s6 =	simm.s32 @p1 $0x80  }
0x90: {  	[tilespmem:s7], [sflag:$0x3] =	stream.indirect.gather @p1 [hbm4b:s4+s6], $0x40, s8, s6, $0xb8;
	[tilespmem:$0x1FB40] =	vst v63  }
0x91: {  	s2 =	simm.s32 $0x200;
	s6 =	sadd.s32 @p1 $0x0, s15;
	s7 =	sadd.s32 @p1 $0x0, s16  }
0x92: {  	s8 =	sadd.s32 @p1 $0x300, s6;
	s7 =	sadd.s32 @p1 $0x300, s7;
	_ =	swait.ge @p1 [sflag:s9], $0x2000  }
.LBB2_4:
0x93: {  	[sflag:s9] =	ssyncset.done @p1 $0x0  }
0x94: {  	s10 =	simm.s32 @p1 $0x190C0;
	[sflag:s9] =	ssyncadd.s32 @p1 $0xFFFFE000;
	s9 =	simm.s32 @p1 $0x0  }
0x95: {  	[tilespmem:s10], [sflag:$0x2] =	stream.linear.gather @p1 [hbm4b:s8+s9], $0x80, $0x38;
	[tilespmem:$0x1FB40] =	vst v63  }
0x96: {  	s8 =	simm.s32 @p1 $0x191C0;
	s10 =	simm.s32 @!p1 $0x4  }
0x97: {  	[tilespmem:s8], [sflag:$0x2] =	stream.linear.gather @p1 [hbm4b:s7+s9], $0x80, $0x38;
	[tilespmem:$0x1FB40] =	vst v63  }
0x98: {  	_ =	swait.ge @!p1 [sflag:s10], $0x2000  }
0x99: {  	[sflag:s10] =	ssyncset.done @!p1 $0x0  }
0x9a: {  	[sflag:s10] =	ssyncadd.s32 @!p1 $0xFFFFE000  }
0x9b: {  	[spmem:s1] =	stream.indirect.scatter.add.f32 [tilespmem:s0], [sflag:$0x5], $0x40, s26, s29, $0xb8;
	[tilespmem:$0x1FB40] =	vst v63  }
0x9c: {  	_ =	swait.ge [sflag:s22], $0x2000  }
0x9d: {  	[sflag:s22] =	ssyncset.done $0x0  }
0x9e: {  	[sflag:s22] =	ssyncadd.s32 $0xFFFFE000  }
0x9f: {  	v3 =	vld [tilespmem:$0x191B0]  }
0xa0: {  	v5 =	vld [tilespmem:$0x19190]  }
0xa1: {  	v6 =	vld [tilespmem:$0x19180]  }
0xa2: {  	v4 =	vld [tilespmem:$0x191A0]  }
0xa3: {  	v7 =	vld [tilespmem:$0x19170]  }
0xa4: {  	v9 =	vld [tilespmem:$0x19150];
	v3 =	vsub.s32 v3, v0  }
0xa5: {  	v10 =	vld [tilespmem:$0x19140];
	v5 =	vsub.s32 v5, v0;
	vm0 =	vlt.u32 v3, $0x6400  }
0xa6: {  	v8 =	vld [tilespmem:$0x19160];
	v6 =	vsub.s32 v6, v0;
	vm15 =	vlt.u32 v5, $0x6400;
	v3 =	vsel vm0, v3, v1  }
0xa7: {  	v4 =	vsub.s32 v4, v0;
	vm4 =	vlt.u32 v6, $0x6400;
	v5 =	vsel vm15, v5, v1;
	[tilespmem:$0x192B0] =	vst v3  }
0xa8: {  	v7 =	vsub.s32 v7, v0;
	vm1 =	vlt.u32 v4, $0x6400;
	v6 =	vsel vm4, v6, v1;
	[tilespmem:$0x19290] =	vst v5  }
0xa9: {  	v46 =	vsub.s32 v9, v0;
	vm6 =	vlt.u32 v7, $0x6400;
	v4 =	vsel vm1, v4, v1;
	[tilespmem:$0x19280] =	vst v6  }
0xaa: {  	v48 =	vsub.s32 v10, v0;
	vm2 =	vlt.u32 v46, $0x6400;
	v47 =	vsel vm6, v7, v1;
	[tilespmem:$0x192A0] =	vst v4  }
0xab: {  	vm7 =	vlt.u32 v48, $0x6400;
	v3 =	vsub.s32 v8, v0;
	v5 =	vsel vm2, v46, v1;
	[tilespmem:$0x19270] =	vst v47  }
0xac: {  	v4 =	vsel vm7, v48, v1;
	vm5 =	vlt.u32 v3, $0x6400;
	[tilespmem:$0x19250] =	vst v5  }
0xad: {  	[tilespmem:$0x19240] =	vst v4;
	v3 =	vsel vm5, v3, v1  }
0xae: {  	[tilespmem:$0x19260] =	vst v3  }
0xaf: {  	_ =	swait.ge [sflag:s31], $0x80  }
0xb0: {  	[sflag:s31] =	ssyncset.done $0x0  }
0xb1: {  	[sflag:s31] =	ssyncadd.s32 $0xFFFFFF80  }
0xb2: {  	_ =	swait.ge [sflag:s31], $0x80  }
0xb3: {  	[sflag:s31] =	ssyncset.done $0x0  }
0xb4: {  	s6 =	smov.u32 s2;
	[sflag:s31] =	ssyncadd.s32 $0xFFFFFF80  }
0xb5: {  	[tilespmem:s0], [sflag:$0x4] =	stream.indirect.gather [hbm4b:s4+s29], $0x40, s25, s29, $0xb8;
	[tilespmem:$0x1FB40] =	vst v63  }
0xb6: {  	p1 =	seq.s32 s6, $0x18600;
	_ =	swait.ge [sflag:s24], $0x2000  }
0xb7: {  	s7 =	sadd.s32 @!p1 s6, s15;
	s8 =	simm.s32 @!p1 $0x0;
	[sflag:s24] =	ssyncset.done $0x0  }
0xb8: {  	s9 =	simm.s32 @!p1 $0x19040;
	s7 =	sadd.s32 @!p1 $0x200, s7;
	[sflag:s24] =	ssyncadd.s32 $0xFFFFE000  }
0xb9: {  	[tilespmem:s9], [sflag:$0x1] =	stream.linear.gather @!p1 [hbm4b:s7+s8], $0x80, $0x38;
	[tilespmem:$0x1FB40] =	vst v63  }
0xba: {  	s7 =	sadd.s32 @!p1 s6, s16  }
0xbb: {  	s10 =	simm.s32 @!p1 $0x19140;
	s7 =	sadd.s32 @!p1 $0x200, s7  }
0xbc: {  	[tilespmem:s10], [sflag:$0x1] =	stream.linear.gather @!p1 [hbm4b:s7+s8], $0x80, $0x38;
	[tilespmem:$0x1FB40] =	vst v63  }
0xbd: {  	s11 =	rddreg [dreg:$0x3]  }
0xbe: {  	[spmem:s1] =	stream.indirect.scatter.add.f32 [tilespmem:s30], [sflag:$0x5], $0x40, s11, s29, $0xb8;
	[tilespmem:$0x1FB40] =	vst v63  }
0xbf: {  	_ =	swait.ge [sflag:s22], $0x2000  }
0xc0: {  	[sflag:s22] =	ssyncset.done $0x0  }
0xc1: {  	[sflag:s22] =	ssyncadd.s32 $0xFFFFE000  }
0xc2: {  	v49 =	vld [tilespmem:$0x191D0]  }
0xc3: {  	v50 =	vld [tilespmem:$0x191E0]  }
0xc4: {  	v51 =	vld [tilespmem:$0x191F0]  }
0xc5: {  	v52 =	vld [tilespmem:$0x19200]  }
0xc6: {  	v3 =	vld [tilespmem:$0x19220]  }
0xc7: {  	v54 =	vld [tilespmem:$0x19210];
	v4 =	vsub.s32 v49, v0  }
0xc8: {  	v53 =	vld [tilespmem:$0x191C0];
	v5 =	vsub.s32 v50, v0;
	vm8 =	vlt.u32 v4, $0x6400  }
0xc9: {  	v55 =	vld [tilespmem:$0x19230];
	v6 =	vsub.s32 v51, v0;
	vm9 =	vlt.u32 v5, $0x6400;
	v4 =	vsel vm8, v4, v1  }
0xca: {  	v57 =	vsub.s32 v52, v0;
	vm10 =	vlt.u32 v6, $0x6400;
	v56 =	vsel vm9, v5, v1;
	[tilespmem:$0x192D0] =	vst v4  }
0xcb: {  	v3 =	vsub.s32 v3, v0;
	vm11 =	vlt.u32 v57, $0x6400;
	v58 =	vsel vm10, v6, v1;
	[tilespmem:$0x192E0] =	vst v56  }
0xcc: {  	v60 =	vsub.s32 v54, v0;
	vm12 =	vlt.u32 v3, $0x6400;
	v59 =	vsel vm11, v57, v1;
	[tilespmem:$0x192F0] =	vst v58  }
0xcd: {  	v62 =	vsub.s32 v53, v0;
	vm13 =	vlt.u32 v60, $0x6400;
	v3 =	vsel vm12, v3, v1;
	[tilespmem:$0x19300] =	vst v59  }
0xce: {  	v61 =	vsub.s32 v55, v0;
	vm15 =	vlt.u32 v62, $0x6400;
	v5 =	vsel vm13, v60, v1;
	[tilespmem:$0x19320] =	vst v3  }
0xcf: {  	vm14 =	vlt.u32 v61, $0x6400;
	v63 =	vsel vm15, v62, v1;
	[tilespmem:$0x19310] =	vst v5  }
0xd0: {  	p1 =	sne.s32 s6, $0x18600;
	v3 =	vsel vm14, v61, v1;
	[tilespmem:$0x192C0] =	vst v63  }
0xd1: {  	s10 =	simm.s32 @p1 $0x1;
	[tilespmem:$0x19330] =	vst v3  }
0xd2: {  	s2 =	sadd.s32 $0x200, s2;
	_ =	swait.ge @p1 [sflag:s10], $0x80  }
0xd3: {  	p0 =	sne.s32 s2, $0x18800;
	s7 =	sadd.s32 @p1 s6, s15;
	[sflag:s10] =	ssyncset.done @p1 $0x0  }
0xd4: {  	s6 =	sadd.s32 @p1 s6, s16;
	s9 =	simm.s32 @p1 $0x4;
	[sflag:s10] =	ssyncadd.s32 @p1 $0xFFFFFF80  }
.Ltmp1:
0xd5: {  	s8 =	sadd.s32 @p1 $0x300, s7;
	_ =	swait.ge @p1 [sflag:s10], $0x80;
	(pc) =	sbr.rel @p0 .LBB2_4-.Ltmp1, $4  }
0xd6: {  	s7 =	sadd.s32 @p1 $0x300, s6;
	s6 =	simm.s32 @p1 $0x19340;
	[sflag:s10] =	ssyncset.done @p1 $0x0  }
0xd7: {  	s11 =	simm.s32 @p1 $0x19040;
	[sflag:s10] =	ssyncadd.s32 @p1 $0xFFFFFF80;
	s10 =	simm.s32 @p1 $0x80  }
0xd8: {  	[tilespmem:s6], [sflag:$0x3] =	stream.indirect.gather @p1 [hbm4b:s4+s10], $0x40, s11, s10, $0xb8;
	[tilespmem:$0x1FB40] =	vst v63  }
0xd9: {  	_ =	swait.ge @p1 [sflag:s9], $0x2000  }
0xda: {  	[sflag:s9] =	ssyncset.done @p1 $0x0  }
0xdb: {  	s2 =	simm.s32 @p1 $0x0;
	s6 =	simm.s32 @p1 $0x190C0;
	[sflag:s9] =	ssyncadd.s32 @p1 $0xFFFFE000  }
0xdc: {  	[tilespmem:s6], [sflag:$0x2] =	stream.linear.gather @p1 [hbm4b:s8+s2], $0x80, $0x38;
	[tilespmem:$0x1FB40] =	vst v63  }
0xdd: {  	s6 =	simm.s32 @p1 $0x191C0;
	s8 =	simm.s32 @!p1 $0x4  }
0xde: {  	[tilespmem:s6], [sflag:$0x2] =	stream.linear.gather @p1 [hbm4b:s7+s2], $0x80, $0x38;
	[tilespmem:$0x1FB40] =	vst v63  }
0xdf: {  	_ =	swait.ge @!p1 [sflag:s8], $0x2000  }
0xe0: {  	[sflag:s8] =	ssyncset.done @!p1 $0x0  }
0xe1: {  	[sflag:s8] =	ssyncadd.s32 @!p1 $0xFFFFE000  }
0xe2: {  	[spmem:s1] =	stream.indirect.scatter.add.f32 [tilespmem:s0], [sflag:$0x5], $0x40, s26, s29, $0xb8;
	[tilespmem:$0x1FB40] =	vst v63  }
0xe3: {  	s10 =	stileid.u32;
	_ =	swait.ge [sflag:s22], $0x2000  }
0xe4: {  	s11 =	sshrl.u32 s5, $0x3;
	s3 =	sadd.s32 $0x1, s3;
	[sflag:s22] =	ssyncset.done $0x0  }
0xe5: {  	p0 =	sne.s32 s3, s20;
	s2 =	sshll.u32 s10, $0x6;
	[sflag:s22] =	ssyncadd.s32 $0xFFFFE000  }
.Ltmp2:
0xe6: {  	s2 =	sor.u32 $0x1C05, s2;
	[bflag:$0x0] =	sbarrier.arrive $0xFFFF;
	(pc) =	sbr.rel @p0 .LBB2_1-.Ltmp2, $4  }
0xe7: {  	[hbm:s19], [sflag:s2] =	dma.local [spmem:s11], $0x3200  }
0xe8: {  	_ =	swait.ge [sflag:s22], $0x3200  }
0xe9: {  	[sflag:s22] =	ssyncset.done $0x0  }
0xea: {  	[sflag:s22] =	ssyncadd.s32 $0xFFFFCE00  }
0xeb: {  	_ =	sfence.sel $0x180000  }
0xec: {  	[bflag:$0x0] =	sbarrier.arrive $0xFFFF  }
0xed: {  	_ =	strace $0x90000050  }
0xee: {  	s0 =	stileid.u32;
	[bflag:$0x2] =	sbarrier.arrive $0xFFFF  }
0xef: {  	p0 =	sne.s32 s0, $0x0;
	s0 =	rddreg [dreg:$0x2]  }
0xf0: {  	s0 =	sadd.s32 @!p0 $0x100000, s0  }
0xf1: {  	[sflag:s0] =	ssyncadd.tile.s32 @!p0 $0x1;
	_ =	shalt  }
.Lfunc_end2:
_tile_overlayer_lowered:
.L_overlay_start_2:
0xf2: {  	(tag) =	ssettag $0x2  }
0xf3: {  	s0 =	rddreg [dreg:$0x0];
	s2 =	stileid.u32  }
0xf4: {  	s1 =	rddreg [dreg:$0x1];
	p0 =	sne.s32 s2, $0x0  }
0xf5: {  	s3 =	rddreg [dreg:$0x2];
	[bflag:$0x3] =	sbarrier.arrive $0xFFFF;
	s2 =	simm.s32 @!p0 $0x1C05  }
0xf6: {  	[timem:s3], [sflag:s2] =	dma.local @!p0 [hbm:s0], s1  }
0xf7: {  	s0 =	simm.s32 @!p0 $0x5  }
0xf8: {  	_ =	swait.ge @!p0 [sflag:s0], s1  }
0xf9: {  	s1 =	ssub.s32 @!p0 $0x0, s1;
	[sflag:s0] =	ssyncset.done @!p0 $0x0  }
0xfa: {  	[sflag:s0] =	ssyncadd.s32 @!p0 s1  }
0xfb: {  	[bflag:$0x3] =	sbarrier.arrive $0xFFFF  }
0xfc: {  	_ =	shalt  }

</sc_bundles>
